<compile_context>
chip_gen: v7x
topology: tpu7x:2x2x1
jax: 0.10.2.dev20260603
libtpu: 0.0.44.dev20260713+nightly
codegen_flags: <defaults>
</compile_context>

<pallas_src>
import functools

import jax
import jax.numpy as jnp
from jax import lax
from jax.experimental import pallas as pl
from jax.experimental.pallas import tpu as pltpu
from jax.experimental.pallas import tpu_sc as plsc

_N = 50000
_E = 800000
_H = 128
_NG = 16
_NCORE = 2
_NSUB = 16
_LANE = 128
_EPAD = 819200
_IDX_ROWS = _EPAD // _LANE
_ACC_ROWS = 50048
_BN = 2000
_NB = _N // _BN
_NEG = -3.0e38

_mesh = plsc.VectorSubcoreMesh(core_axis_name="c", subcore_axis_name="s",
                               num_cores=_NCORE, num_subcores=_NSUB)
_sc_params = pltpu.CompilerParams(use_tc_tiling_on_sc=False)


def _ln(z, g, b):
    mu = jnp.mean(z, axis=-1, keepdims=True)
    var = jnp.mean((z - mu) ** 2, axis=-1, keepdims=True)
    return (z - mu) / jnp.sqrt(var + 1e-5) * g + b



_G = 256


def _sc_edge_pipeline(tbl, srcb, dstb, acc, gat, gs, ss, rows):
    n = rows * _LANE
    pltpu.async_copy(tbl.at[srcb.at[pl.ds(0, _G)]], gat[0], gs[0])

    @pl.loop(0, n, step=2 * _G)
    def _body(j):
        @pl.when(j > 0)
        def _():
            pltpu.make_async_copy(gat[1], acc.at[dstb.at[pl.ds(j - _G, _G)]],
                                  ss[1]).wait()

        pltpu.async_copy(tbl.at[srcb.at[pl.ds(j + _G, _G)]], gat[1], gs[1])
        pltpu.make_async_copy(tbl.at[srcb.at[pl.ds(j, _G)]], gat[0],
                              gs[0]).wait()
        pltpu.async_copy(gat[0], acc.at[dstb.at[pl.ds(j, _G)]], ss[0],
                         add=True)
        pltpu.make_async_copy(tbl.at[srcb.at[pl.ds(j + _G, _G)]], gat[1],
                              gs[1]).wait()
        pltpu.make_async_copy(gat[0], acc.at[dstb.at[pl.ds(j, _G)]],
                              ss[0]).wait()

        @pl.when(j + 2 * _G < n)
        def _():
            pltpu.async_copy(tbl.at[srcb.at[pl.ds(j + 2 * _G, _G)]], gat[0],
                             gs[0])

        pltpu.async_copy(gat[1], acc.at[dstb.at[pl.ds(j + _G, _G)]], ss[1],
                         add=True)

    pltpu.make_async_copy(gat[1], acc.at[dstb.at[pl.ds(n - _G, _G)]],
                          ss[1]).wait()


def _sc_agg_layer0(xpad, src2d, dst2d, zer16):
    rows_per_sub = _IDX_ROWS // (_NCORE * _NSUB)

    @functools.partial(
        pl.kernel,
        out_type=jax.ShapeDtypeStruct((_NCORE, _ACC_ROWS, 16), jnp.float32),
        mesh=_mesh,
        compiler_params=_sc_params,
        scratch_types=[
            pltpu.VMEM((rows_per_sub * _LANE,), jnp.int32),
            pltpu.VMEM((rows_per_sub * _LANE,), jnp.int32),
            pltpu.VMEM((_G, 16), jnp.float32),
            pltpu.VMEM((_G, 16), jnp.float32),
            pltpu.VMEM((1, 16), jnp.float32),
            pltpu.VMEM((1, 16), jnp.float32),
            pltpu.VMEM_SHARED((_ACC_ROWS, 16), jnp.float32),
            pltpu.SemaphoreType.DMA,
            pltpu.SemaphoreType.DMA,
            pltpu.SemaphoreType.DMA,
            pltpu.SemaphoreType.DMA,
            pltpu.SemaphoreType.DMA,
            pltpu.SemaphoreType.DMA,
            pltpu.SemaphoreType.DMA,
            pltpu.SemaphoreType.DMA,
        ],
    )
    def k(x_hbm, src_hbm, dst_hbm, z_hbm, out_hbm, srcb, dstb, g0, g1, g2,
          g3, acc, gs0, gs1, gs2, gs3, ss0, ss1, ss2, ss3):
        gat = (g0, g1, g2, g3)
        gs = (gs0, gs1, gs2, gs3)
        ss = (ss0, ss1, ss2, ss3)
        cid = lax.axis_index("c")
        sid = lax.axis_index("s")
        zr = _ACC_ROWS // _NSUB
        row0 = (cid * _NSUB + sid) * rows_per_sub
        pltpu.sync_copy(src_hbm.at[pl.ds(row0 * _LANE, rows_per_sub * _LANE)],
                        srcb)
        pltpu.sync_copy(dst_hbm.at[pl.ds(row0 * _LANE, rows_per_sub * _LANE)],
                        dstb)
        pltpu.sync_copy(z_hbm.at[pl.ds(sid * zr, zr)],
                        acc.at[pl.ds(sid * zr, zr)])
        plsc.subcore_barrier()
        _sc_edge_pipeline(x_hbm, srcb, dstb, acc, gat, gs, ss, rows_per_sub)
        plsc.subcore_barrier()
        pltpu.sync_copy(acc.at[pl.ds(sid * zr, zr)],
                        out_hbm.at[cid].at[pl.ds(sid * zr, zr)])

    return k(xpad, src2d, dst2d, zer16)


def _sc_agg_h(hc, src2d, dst2d, zer32):
    rows_per_sub = _IDX_ROWS // _NSUB

    @functools.partial(
        pl.kernel,
        out_type=jax.ShapeDtypeStruct((4, _ACC_ROWS, 32), jnp.float32),
        mesh=_mesh,
        compiler_params=_sc_params,
        scratch_types=[
            pltpu.VMEM((40 * _LANE,), jnp.int32),
            pltpu.VMEM((40 * _LANE,), jnp.int32),
            pltpu.VMEM((_G, 32), jnp.float32),
            pltpu.VMEM((_G, 32), jnp.float32),
            pltpu.VMEM((1, 32), jnp.float32),
            pltpu.VMEM((1, 32), jnp.float32),
            pltpu.VMEM_SHARED((_ACC_ROWS, 32), jnp.float32),
            pltpu.SemaphoreType.DMA,
            pltpu.SemaphoreType.DMA,
            pltpu.SemaphoreType.DMA,
            pltpu.SemaphoreType.DMA,
            pltpu.SemaphoreType.DMA,
            pltpu.SemaphoreType.DMA,
            pltpu.SemaphoreType.DMA,
            pltpu.SemaphoreType.DMA,
        ],
    )
    def k(hc_hbm, src_hbm, dst_hbm, z_hbm, out_hbm, srcb, dstb, g0, g1, g2,
          g3, acc, gs0, gs1, gs2, gs3, ss0, ss1, ss2, ss3):
        gat = (g0, g1, g2, g3)
        gs = (gs0, gs1, gs2, gs3)
        ss = (ss0, ss1, ss2, ss3)
        cid = lax.axis_index("c")
        sid = lax.axis_index("s")
        zr = _ACC_ROWS // _NSUB
        row0 = sid * rows_per_sub
        for ci in range(2):
            chunk = cid * 2 + ci
            pltpu.sync_copy(z_hbm.at[pl.ds(sid * zr, zr)],
                            acc.at[pl.ds(sid * zr, zr)])
            plsc.subcore_barrier()

            @pl.loop(0, rows_per_sub, step=40)
            def _blk(r0):
                pltpu.sync_copy(
                    src_hbm.at[pl.ds((row0 + r0) * _LANE, 40 * _LANE)], srcb)
                pltpu.sync_copy(
                    dst_hbm.at[pl.ds((row0 + r0) * _LANE, 40 * _LANE)], dstb)
                _sc_edge_pipeline(hc_hbm.at[chunk], srcb, dstb, acc, gat, gs,
                                  ss, 40)

            plsc.subcore_barrier()
            pltpu.sync_copy(acc.at[pl.ds(sid * zr, zr)],
                            out_hbm.at[chunk].at[pl.ds(sid * zr, zr)])
            plsc.subcore_barrier()

    return k(hc, src2d, dst2d, zer32)



def _full(shape):
    return pl.BlockSpec(shape, lambda i: tuple(0 for _ in shape))


def _write_hc(hc_ref, h):
    for c in range(4):
        hc_ref[c] = h[:, 32 * c:32 * (c + 1)]


def _tc_layer0(xpad, aggp, wa, ba, lg, lb, wb, bb, ng, nb, wres, eps):
    def body(x_ref, ag_ref, wa_ref, ba_ref, lg_ref, lb_ref, wb_ref, bb_ref,
             ng_ref, nb_ref, wr_ref, ep_ref, h_ref, hc_ref):
        x = x_ref[...]
        agg = ag_ref[0] + ag_ref[1]
        z = (1.0 + ep_ref[0, 0]) * x + agg
        z = jnp.dot(z, wa_ref[...], preferred_element_type=jnp.float32) + ba_ref[...]
        z = jnp.maximum(_ln(z, lg_ref[...], lb_ref[...]), 0.0)
        z = jnp.dot(z, wb_ref[...], preferred_element_type=jnp.float32) + bb_ref[...]
        h = jnp.maximum(_ln(z, ng_ref[...], nb_ref[...]), 0.0)
        h = h + jnp.dot(x, wr_ref[...], preferred_element_type=jnp.float32)
        h_ref[...] = h
        _write_hc(hc_ref, h)

    return pl.pallas_call(
        body, grid=(_NB,),
        in_specs=[
            pl.BlockSpec((_BN, 16), lambda i: (i, 0)),
            pl.BlockSpec((2, _BN, 16), lambda i: (0, i, 0)),
            _full((16, 128)), _full((1, 128)), _full((1, 128)),
            _full((1, 128)), _full((128, 128)), _full((1, 128)),
            _full((1, 128)), _full((1, 128)), _full((16, 128)),
            _full((1, 1)),
        ],
        out_specs=[
            pl.BlockSpec((_BN, 128), lambda i: (i, 0)),
            pl.BlockSpec((4, _BN, 32), lambda i: (0, i, 0)),
        ],
        out_shape=[
            jax.ShapeDtypeStruct((_N, 128), jnp.float32),
            jax.ShapeDtypeStruct((4, _N, 32), jnp.float32),
        ],
    )(xpad, aggp, wa, ba, lg, lb, wb, bb, ng, nb, wres, eps)


def _tc_layer(h, agg4, wa, ba, lg, lb, wb, bb, ng, nb, eps, last, attn=None):

    def body(h_ref, ag_ref, wa_ref, ba_ref, lg_ref, lb_ref, wb_ref, bb_ref,
             ng_ref, nb_ref, ep_ref, *rest):
        hin = h_ref[...]
        agg = jnp.concatenate([ag_ref[0], ag_ref[1], ag_ref[2], ag_ref[3]],
                              axis=1)
        z = (1.0 + ep_ref[0, 0]) * hin + agg
        z = jnp.dot(z, wa_ref[...], preferred_element_type=jnp.float32) + ba_ref[...]
        z = jnp.maximum(_ln(z, lg_ref[...], lb_ref[...]), 0.0)
        z = jnp.dot(z, wb_ref[...], preferred_element_type=jnp.float32) + bb_ref[...]
        hn = jnp.maximum(_ln(z, ng_ref[...], nb_ref[...]), 0.0) + hin
        if not last:
            h_ref_o, hc_ref = rest
            h_ref_o[...] = hn
            _write_hc(hc_ref, hn)
            return
        (b_ref, w1_ref, b1_ref, w2_ref, b2_ref, h_ref_o, a_ref, m_ref,
         macc) = rest
        h_ref_o[...] = hn
        i = pl.program_id(0)

        @pl.when(i == 0)
        def _():
            macc[...] = jnp.full((8, _NG), _NEG, jnp.float32)

        t = jnp.tanh(jnp.dot(hn, w1_ref[...],
                             preferred_element_type=jnp.float32) + b1_ref[...])
        a = jnp.dot(t, w2_ref[...], preferred_element_type=jnp.float32) + b2_ref[...]
        a_ref[...] = a
        ids = lax.broadcasted_iota(jnp.int32, (_BN, _NG), 1)
        onehot = b_ref[...] == ids
        cur = jnp.max(jnp.where(onehot, a, _NEG), axis=0, keepdims=True)
        macc[...] = jnp.maximum(macc[...], cur)

        @pl.when(i == _NB - 1)
        def _():
            m_ref[...] = macc[0:1, :]

    in_specs = [
        pl.BlockSpec((_BN, 128), lambda i: (i, 0)),
        pl.BlockSpec((4, _BN, 32), lambda i: (0, i, 0)),
        _full((128, 128)), _full((1, 128)), _full((1, 128)),
        _full((1, 128)), _full((128, 128)), _full((1, 128)),
        _full((1, 128)), _full((1, 128)), _full((1, 1)),
    ]
    args = [h, agg4, wa, ba, lg, lb, wb, bb, ng, nb, eps]
    if not last:
        out_specs = [pl.BlockSpec((_BN, 128), lambda i: (i, 0)),
                     pl.BlockSpec((4, _BN, 32), lambda i: (0, i, 0))]
        out_shape = [jax.ShapeDtypeStruct((_N, 128), jnp.float32),
                     jax.ShapeDtypeStruct((4, _N, 32), jnp.float32)]
        scratch = []
    else:
        batch2, wg1, bg1, wg2, bg2 = attn
        in_specs += [pl.BlockSpec((_BN, 1), lambda i: (i, 0)),
                     _full((128, 64)), _full((1, 64)), _full((64, 1)),
                     _full((1, 1))]
        args += [batch2, wg1, bg1, wg2, bg2]
        out_specs = [pl.BlockSpec((_BN, 128), lambda i: (i, 0)),
                     pl.BlockSpec((_BN, 1), lambda i: (i, 0)),
                     _full((1, _NG))]
        out_shape = [jax.ShapeDtypeStruct((_N, 128), jnp.float32),
                     jax.ShapeDtypeStruct((_N, 1), jnp.float32),
                     jax.ShapeDtypeStruct((1, _NG), jnp.float32)]
        scratch = [pltpu.VMEM((8, _NG), jnp.float32)]

    return pl.pallas_call(
        body, grid=(_NB,), in_specs=in_specs,
        out_specs=out_specs, out_shape=out_shape, scratch_shapes=scratch,
    )(*args)


def _tc_pool_final(h, a, batch2, m, wc, bc, wfb, bf, wft, fg, fb, wl, bl):

    def body(h_ref, a_ref, b_ref, m_ref, wc_ref, bc_ref, wfb_ref, bf_ref,
             wft_ref, fg_ref, fb_ref, wl_ref, bl_ref, o_ref, nacc, dacc,
             gacc):
        ph = pl.program_id(0)
        i = pl.program_id(1)
        ids = lax.broadcasted_iota(jnp.int32, (_BN, _NG), 1)
        onehot = b_ref[...] == ids
        onehotf = onehot.astype(jnp.float32)

        @pl.when(ph == 0)
        def _():
            @pl.when(i == 0)
            def _():
                nacc[...] = jnp.zeros((_NG, 128), jnp.float32)
                dacc[...] = jnp.zeros((_NG, 1), jnp.float32)

            mb = jnp.sum(jnp.where(onehot, m_ref[...], 0.0), axis=1,
                         keepdims=True)
            e = jnp.exp(a_ref[...] - mb)
            he = h_ref[...] * e
            nacc[...] += lax.dot_general(onehotf, he,
                                         (((0,), (0,)), ((), ())),
                                         preferred_element_type=jnp.float32)
            dacc[...] += lax.dot_general(onehotf, e,
                                         (((0,), (0,)), ((), ())),
                                         preferred_element_type=jnp.float32)

            @pl.when(i == _NB - 1)
            def _():
                dv = dacc[...]
                ge = nacc[...] * jnp.where(dv > 0.0, 1.0 / dv, 0.0)
                ctx = jnp.dot(ge, wc_ref[...],
                              preferred_element_type=jnp.float32) + bc_ref[...]
                gacc[...] = jnp.dot(ctx, wfb_ref[...],
                                    preferred_element_type=jnp.float32) + bf_ref[...]

        @pl.when(ph == 1)
        def _():
            f = jnp.dot(h_ref[...], wft_ref[...],
                        preferred_element_type=jnp.float32)
            f = f + jnp.dot(onehotf, gacc[...],
                            preferred_element_type=jnp.float32)
            f = jnp.maximum(_ln(f, fg_ref[...], fb_ref[...]), 0.0)
            o_ref[...] = jnp.dot(f, wl_ref[...],
                                 preferred_element_type=jnp.float32) + bl_ref[...]

    return pl.pallas_call(
        body, grid=(2, _NB),
        in_specs=[
            pl.BlockSpec((_BN, 128), lambda ph, i: (i, 0)),
            pl.BlockSpec((_BN, 1), lambda ph, i: (i, 0)),
            pl.BlockSpec((_BN, 1), lambda ph, i: (i, 0)),
            pl.BlockSpec((1, _NG), lambda ph, i: (0, 0)),
            pl.BlockSpec((128, 128), lambda ph, i: (0, 0)),
            pl.BlockSpec((1, 128), lambda ph, i: (0, 0)),
            pl.BlockSpec((128, 128), lambda ph, i: (0, 0)),
            pl.BlockSpec((1, 128), lambda ph, i: (0, 0)),
            pl.BlockSpec((128, 128), lambda ph, i: (0, 0)),
            pl.BlockSpec((1, 128), lambda ph, i: (0, 0)),
            pl.BlockSpec((1, 128), lambda ph, i: (0, 0)),
            pl.BlockSpec((128, 1), lambda ph, i: (0, 0)),
            pl.BlockSpec((1, 1), lambda ph, i: (0, 0)),
        ],
        out_specs=pl.BlockSpec((_BN, 1), lambda ph, i: (i, 0)),
        out_shape=jax.ShapeDtypeStruct((_N, 1), jnp.float32),
        scratch_shapes=[pltpu.VMEM((_NG, 128), jnp.float32),
                        pltpu.VMEM((_NG, 1), jnp.float32),
                        pltpu.VMEM((_NG, 128), jnp.float32)],
    )(h, a, batch2, m, wc, bc, wfb, bf, wft, fg, fb, wl, bl)



def kernel(x, edge_index, batch, params):
    p = params
    f32 = jnp.float32
    src = edge_index[0]
    dst = edge_index[1]
    pad_e = _EPAD - _E
    src2d = jnp.concatenate([src, jnp.zeros((pad_e,), jnp.int32)])
    dst2d = jnp.concatenate([dst, jnp.full((pad_e,), _N, jnp.int32)])
    xpad = jnp.pad(x, ((0, 0), (0, 9)))
    zer16 = jnp.zeros((_ACC_ROWS, 16), f32)
    zer32 = jnp.zeros((_ACC_ROWS, 32), f32)
    batch2 = batch.reshape(_N, 1)

    row = lambda v: v.reshape(1, -1).astype(f32)
    wa0 = jnp.pad(p['Wa0'], ((0, 9), (0, 0)))
    wres = jnp.pad(p['Wres'], ((0, 9), (0, 0)))

    aggp = _sc_agg_layer0(xpad, src2d, dst2d, zer16)
    h, hc = _tc_layer0(xpad, aggp, wa0, row(p['ba0']), row(p['lga0']),
                       row(p['lba0']), p['Wb0'], row(p['bb0']), row(p['ng0']),
                       row(p['nb0']), wres, p['eps0'].reshape(1, 1))
    attn = (batch2, p['Wg1'], row(p['bg1']), p['Wg2'], p['bg2'].reshape(1, 1))
    for i in (1, 2):
        agg4 = _sc_agg_h(hc, src2d, dst2d, zer32)
        outs = _tc_layer(h, agg4, p[f'Wa{i}'], row(p[f'ba{i}']),
                         row(p[f'lga{i}']), row(p[f'lba{i}']), p[f'Wb{i}'],
                         row(p[f'bb{i}']), row(p[f'ng{i}']), row(p[f'nb{i}']),
                         p[f'eps{i}'].reshape(1, 1), last=(i == 2),
                         attn=attn if i == 2 else None)
        if i == 2:
            h, a, m = outs
        else:
            h, hc = outs

    out2 = _tc_pool_final(h, a, batch2, m, p['Wc'], row(p['bc']),
                          p['Wf'][128:], row(p['bf']), p['Wf'][:128],
                          row(p['fg']), row(p['fb']), p['Wl'],
                          p['bl'].reshape(1, 1))
    return out2[:, 0]

# --- scband reference (transcript-rebuilt; emitter-appended) ---
"""Pipeline reference for scband-knapsack-gnn-35656818491964 (READ-ONLY COPY).

The authoritative reference and input builder live on the scoring server;
editing this copy changes nothing except your own understanding.
"""

import jax, jax.numpy as jnp
import numpy as np

N = 50000
E = 800000
IN = 7
H = 128
NG = 16
L = 3


def _layer_norm(x, g, b, eps=1e-5):
    mu = jnp.mean(x, axis=-1, keepdims=True)
    var = jnp.mean((x - mu) ** 2, axis=-1, keepdims=True)
    return (x - mu) / jnp.sqrt(var + eps) * g + b


def setup_inputs(seed: int = 0) -> dict:
    key = jax.random.key(seed)
    ks = jax.random.split(key, 64)
    x = jax.random.normal(ks[0], (N, IN), dtype=jnp.float32)
    edge_index = jax.random.randint(ks[1], (2, E), 0, N, dtype=jnp.int32)
    batch = jnp.sort(jax.random.randint(ks[2], (N,), 0, NG, dtype=jnp.int32))
    params = {}
    ki = 3
    for i in range(L):
        in_d = IN if i == 0 else H
        params[f'Wa{i}'] = jax.random.normal(ks[ki], (in_d, H), dtype=jnp.float32) * 0.05; ki += 1
        params[f'ba{i}'] = jnp.zeros((H,), dtype=jnp.float32)
        params[f'lga{i}'] = jnp.ones((H,), dtype=jnp.float32)
        params[f'lba{i}'] = jnp.zeros((H,), dtype=jnp.float32)
        params[f'Wb{i}'] = jax.random.normal(ks[ki], (H, H), dtype=jnp.float32) * 0.05; ki += 1
        params[f'bb{i}'] = jnp.zeros((H,), dtype=jnp.float32)
        params[f'eps{i}'] = jnp.zeros((), dtype=jnp.float32)
        params[f'ng{i}'] = jnp.ones((H,), dtype=jnp.float32)
        params[f'nb{i}'] = jnp.zeros((H,), dtype=jnp.float32)
    params['Wres'] = jax.random.normal(ks[ki], (IN, H), dtype=jnp.float32) * 0.05; ki += 1
    params['Wg1'] = jax.random.normal(ks[ki], (H, H // 2), dtype=jnp.float32) * 0.05; ki += 1
    params['bg1'] = jnp.zeros((H // 2,), dtype=jnp.float32)
    params['Wg2'] = jax.random.normal(ks[ki], (H // 2, 1), dtype=jnp.float32) * 0.05; ki += 1
    params['bg2'] = jnp.zeros((1,), dtype=jnp.float32)
    params['Wc'] = jax.random.normal(ks[ki], (H, H), dtype=jnp.float32) * 0.05; ki += 1
    params['bc'] = jnp.zeros((H,), dtype=jnp.float32)
    params['Wf'] = jax.random.normal(ks[ki], (2 * H, H), dtype=jnp.float32) * 0.05; ki += 1
    params['bf'] = jnp.zeros((H,), dtype=jnp.float32)
    params['fg'] = jnp.ones((H,), dtype=jnp.float32)
    params['fb'] = jnp.zeros((H,), dtype=jnp.float32)
    params['Wl'] = jax.random.normal(ks[ki], (H, 1), dtype=jnp.float32) * 0.05; ki += 1
    params['bl'] = jnp.zeros((1,), dtype=jnp.float32)
    return {'x': x, 'edge_index': edge_index, 'batch': batch, 'params': params}


def reference(x, edge_index, batch, params):
    src = edge_index[0]
    dst = edge_index[1]
    h = x
    for i in range(L):
        h_in = h
        # GINConv: sum-aggregate neighbor messages into dst nodes (scatter-add)
        agg = jax.ops.segment_sum(h[src], dst, num_segments=N)
        z = (1.0 + params[f'eps{i}']) * h + agg
        # GIN MLP: Linear -> LayerNorm -> ReLU -> Linear
        z = z @ params[f'Wa{i}'] + params[f'ba{i}']
        z = _layer_norm(z, params[f'lga{i}'], params[f'lba{i}'])
        z = jax.nn.relu(z)
        z = z @ params[f'Wb{i}'] + params[f'bb{i}']
        # outer LayerNorm + ReLU (dropout p=0, eval)
        h = _layer_norm(z, params[f'ng{i}'], params[f'nb{i}'])
        h = jax.nn.relu(h)
        if i == 0:
            h = h + h_in @ params['Wres']
        else:
            h = h + h_in
    # GlobalContextInjection: attention-weighted pooling broadcast
    a = jnp.tanh(h @ params['Wg1'] + params['bg1']) @ params['Wg2'] + params['bg2']  # [N,1]
    m = jax.ops.segment_max(a, batch, num_segments=NG)
    e = jnp.exp(a - m[batch])
    d = jax.ops.segment_sum(e, batch, num_segments=NG)
    w = e / d[batch]
    graph_emb = jax.ops.segment_sum(h * w, batch, num_segments=NG)
    ctx = graph_emb @ params['Wc'] + params['bc']
    node_ctx = ctx[batch]
    f = jnp.concatenate([h, node_ctx], axis=1) @ params['Wf'] + params['bf']
    f = _layer_norm(f, params['fg'], params['fb'])
    f = jax.nn.relu(f)
    logits = (f @ params['Wl'] + params['bl'])[:, 0]
    return logits

if __name__ == "__main__":
    import jax
    _d = setup_inputs()
    print(jax.jit(kernel)(*tuple(_d.values())))

</pallas_src>

<mosaic_0001>
#map = affine_map<(d0, d1) -> (0, 0)>
#map1 = affine_map<(d0, d1) -> (0)>
#map2 = affine_map<(d0, d1) -> (0, 0, 0)>
module attributes {stable_mosaic.version = 14 : i64} {
  func.func @k(%arg0: i32, %arg1: i32, %arg2: memref<50000x16xf32, #tpu.memory_space<hbm>>, %arg3: memref<819200xi32, #tpu.memory_space<hbm>>, %arg4: memref<819200xi32, #tpu.memory_space<hbm>>, %arg5: memref<50048x16xf32, #tpu.memory_space<hbm>>, %arg6: memref<2x50048x16xf32, #tpu.memory_space<hbm>>, %arg7: memref<25600xi32, #tpu.memory_space<vmem>>, %arg8: memref<25600xi32, #tpu.memory_space<vmem>>, %arg9: memref<256x16xf32, #tpu.memory_space<vmem>>, %arg10: memref<256x16xf32, #tpu.memory_space<vmem>>, %arg11: memref<1x16xf32, #tpu.memory_space<vmem>>, %arg12: memref<1x16xf32, #tpu.memory_space<vmem>>, %arg13: memref<50048x16xf32, #tpu.memory_space<vmem_shared>>, %arg14: memref<!tpu.dma_semaphore, #tpu.memory_space<semaphore_mem>>, %arg15: memref<!tpu.dma_semaphore, #tpu.memory_space<semaphore_mem>>, %arg16: memref<!tpu.dma_semaphore, #tpu.memory_space<semaphore_mem>>, %arg17: memref<!tpu.dma_semaphore, #tpu.memory_space<semaphore_mem>>, %arg18: memref<!tpu.dma_semaphore, #tpu.memory_space<semaphore_mem>>, %arg19: memref<!tpu.dma_semaphore, #tpu.memory_space<semaphore_mem>>, %arg20: memref<!tpu.dma_semaphore, #tpu.memory_space<semaphore_mem>>, %arg21: memref<!tpu.dma_semaphore, #tpu.memory_space<semaphore_mem>>) attributes {dimension_semantics = [#tpu.dimension_semantics<core_parallel>, #tpu.dimension_semantics<subcore_parallel>], iteration_bounds = array<i64: 2, 16>, scalar_prefetch = 0 : i64, scratch_operands = 15 : i64, tpu.core_type = #tpu.core_type<sc_vector_subcore>, window_params = [{transform_indices = #map}, {transform_indices = #map1}, {transform_indices = #map1}, {transform_indices = #map}, {transform_indices = #map2}]} {
    %mul3A = arith.constant 16 : i32
    %mul3A_0 = arith.muli %arg0, %mul3A : i32
    %add3A = arith.addi %mul3A_0, %arg1 : i32
    %mul3A_1 = arith.constant 200 : i32
    %mul3A_2 = arith.muli %add3A, %mul3A_1 : i32
    %mul3A_3 = arith.constant 128 : i32
    %mul3A_4 = arith.muli %mul3A_2, %mul3A_3 : i32
    "tpu.region"() ({
      %run_scoped3A = tpu.sem_alloc : memref<!tpu.dma_semaphore, #tpu.memory_space<semaphore_mem>>
      %dma_start3A_28 = tpu.memref_slice %arg3[%mul3A_4] : memref<819200xi32, #tpu.memory_space<hbm>> -> memref<25600xi32, #tpu.memory_space<hbm>>
      %dma_start3A_29 = tpu.memref_slice %arg3[%mul3A_4] : memref<819200xi32, #tpu.memory_space<hbm>> -> memref<25600xi32, #tpu.memory_space<hbm>>
      tpu.enqueue_dma source(%dma_start3A_29 : memref<25600xi32, #tpu.memory_space<hbm>>) target(%arg7 : memref<25600xi32, #tpu.memory_space<vmem>>) target_semaphore(%run_scoped3A : memref<!tpu.dma_semaphore, #tpu.memory_space<semaphore_mem>>)
      %dma_wait3A_30 = tpu.memref_slice %arg3[%mul3A_4] : memref<819200xi32, #tpu.memory_space<hbm>> -> memref<25600xi32, #tpu.memory_space<hbm>>
      %dma_wait3A_31 = tpu.memref_slice %arg3[%mul3A_4] : memref<819200xi32, #tpu.memory_space<hbm>> -> memref<25600xi32, #tpu.memory_space<hbm>>
      tpu.wait_dma2 semaphore(%run_scoped3A : memref<!tpu.dma_semaphore, #tpu.memory_space<semaphore_mem>>) src(%dma_wait3A_31 : memref<25600xi32, #tpu.memory_space<hbm>>) dst(%arg7 : memref<25600xi32, #tpu.memory_space<vmem>>)
      tpu.yield
    }) : () -> ()
    %mul3A_5 = arith.constant 128 : i32
    %mul3A_6 = arith.muli %mul3A_2, %mul3A_5 : i32
    "tpu.region"() ({
      %run_scoped3A = tpu.sem_alloc : memref<!tpu.dma_semaphore, #tpu.memory_space<semaphore_mem>>
      %dma_start3A_28 = tpu.memref_slice %arg4[%mul3A_6] : memref<819200xi32, #tpu.memory_space<hbm>> -> memref<25600xi32, #tpu.memory_space<hbm>>
      %dma_start3A_29 = tpu.memref_slice %arg4[%mul3A_6] : memref<819200xi32, #tpu.memory_space<hbm>> -> memref<25600xi32, #tpu.memory_space<hbm>>
      tpu.enqueue_dma source(%dma_start3A_29 : memref<25600xi32, #tpu.memory_space<hbm>>) target(%arg8 : memref<25600xi32, #tpu.memory_space<vmem>>) target_semaphore(%run_scoped3A : memref<!tpu.dma_semaphore, #tpu.memory_space<semaphore_mem>>)
      %dma_wait3A_30 = tpu.memref_slice %arg4[%mul3A_6] : memref<819200xi32, #tpu.memory_space<hbm>> -> memref<25600xi32, #tpu.memory_space<hbm>>
      %dma_wait3A_31 = tpu.memref_slice %arg4[%mul3A_6] : memref<819200xi32, #tpu.memory_space<hbm>> -> memref<25600xi32, #tpu.memory_space<hbm>>
      tpu.wait_dma2 semaphore(%run_scoped3A : memref<!tpu.dma_semaphore, #tpu.memory_space<semaphore_mem>>) src(%dma_wait3A_31 : memref<25600xi32, #tpu.memory_space<hbm>>) dst(%arg8 : memref<25600xi32, #tpu.memory_space<vmem>>)
      tpu.yield
    }) : () -> ()
    %mul3A_7 = arith.constant 3128 : i32
    %mul3A_8 = arith.muli %arg1, %mul3A_7 : i32
    %mul3A_9 = arith.constant 3128 : i32
    %mul3A_10 = arith.muli %arg1, %mul3A_9 : i32
    "tpu.region"() ({
      %run_scoped3A = tpu.sem_alloc : memref<!tpu.dma_semaphore, #tpu.memory_space<semaphore_mem>>
      %dma_start3A_28 = arith.constant 0 : i32
      %dma_start3A_29 = tpu.memref_slice %arg13[%mul3A_10, %dma_start3A_28] : memref<50048x16xf32, #tpu.memory_space<vmem_shared>> -> memref<3128x16xf32, #tpu.memory_space<vmem_shared>>
      %dma_start3A_30 = arith.constant 0 : i32
      %dma_start3A_31 = tpu.memref_slice %arg5[%mul3A_8, %dma_start3A_30] : memref<50048x16xf32, #tpu.memory_space<hbm>> -> memref<3128x16xf32, #tpu.memory_space<hbm>>
      tpu.enqueue_dma source(%dma_start3A_31 : memref<3128x16xf32, #tpu.memory_space<hbm>>) target(%dma_start3A_29 : memref<3128x16xf32, #tpu.memory_space<vmem_shared>>) target_semaphore(%run_scoped3A : memref<!tpu.dma_semaphore, #tpu.memory_space<semaphore_mem>>)
      %dma_wait3A_32 = arith.constant 0 : i32
      %dma_wait3A_33 = tpu.memref_slice %arg13[%mul3A_10, %dma_wait3A_32] : memref<50048x16xf32, #tpu.memory_space<vmem_shared>> -> memref<3128x16xf32, #tpu.memory_space<vmem_shared>>
      %dma_wait3A_34 = arith.constant 0 : i32
      %dma_wait3A_35 = tpu.memref_slice %arg5[%mul3A_8, %dma_wait3A_34] : memref<50048x16xf32, #tpu.memory_space<hbm>> -> memref<3128x16xf32, #tpu.memory_space<hbm>>
      tpu.wait_dma2 semaphore(%run_scoped3A : memref<!tpu.dma_semaphore, #tpu.memory_space<semaphore_mem>>) src(%dma_wait3A_35 : memref<3128x16xf32, #tpu.memory_space<hbm>>) dst(%dma_wait3A_33 : memref<3128x16xf32, #tpu.memory_space<vmem_shared>>)
      tpu.yield
    }) : () -> ()
    %barrier3A = arith.constant 0 : index
    tpu.barrier barrier_id(%barrier3A)
    %dma_start3A = arith.constant 0 : i32
    %dma_start3A_11 = tpu.memref_slice %arg7[%dma_start3A] : memref<25600xi32, #tpu.memory_space<vmem>> -> memref<256xi32, #tpu.memory_space<vmem>>
    %dma_start3A_12 = arith.constant 0 : i32
    %dma_start3A_13 = arith.constant 0 : i32
    %dma_start3A_14 = tpu.memref_slice %arg2[%dma_start3A_12, %dma_start3A_13] : memref<50000x16xf32, #tpu.memory_space<hbm>> -> memref<50000x16xf32, #tpu.memory_space<hbm>>
    tpu.enqueue_indirect_dma source(%dma_start3A_14 : memref<50000x16xf32, #tpu.memory_space<hbm>>) target(%arg9 : memref<256x16xf32, #tpu.memory_space<vmem>>) offsets(%dma_start3A_11 : memref<256xi32, #tpu.memory_space<vmem>>) semaphore(%arg14 : memref<!tpu.dma_semaphore, #tpu.memory_space<semaphore_mem>>)
    %scan3A = arith.constant 0 : i32
    %scan3A_15 = arith.constant 50 : i32
    %scan3A_16 = arith.addi %scan3A, %scan3A_15 : i32
    %scan3A_17 = arith.constant 1 : i32
    scf.for %scan3A_28 = %scan3A to %scan3A_16 step %scan3A_17  : i32 {
      %mul3A_29 = arith.constant 512 : i32
      %mul3A_30 = arith.muli %scan3A_28, %mul3A_29 : i32
      %add3A_31 = arith.constant 0 : i32
      %add3A_32 = arith.addi %add3A_31, %mul3A_30 : i32
      %gt3A = arith.constant 0 : i32
      %gt3A_33 = arith.cmpi sgt, %add3A_32, %gt3A : i32
      %convert_element_type3A = arith.extui %gt3A_33 : i1 to i32
      %cond3A = arith.constant 0 : i32
      %cond3A_34 = arith.cmpi ne, %convert_element_type3A, %cond3A : i32
      scf.if %cond3A_34 {
        %sub3A = arith.constant 256 : i32
        %sub3A_71 = arith.subi %add3A_32, %sub3A : i32
        %dma_wait3A_72 = tpu.memref_slice %arg8[%sub3A_71] : memref<25600xi32, #tpu.memory_space<vmem>> -> memref<256xi32, #tpu.memory_space<vmem>>
        %dma_wait3A_73 = arith.constant 0 : i32
        %dma_wait3A_74 = arith.constant 0 : i32
        %dma_wait3A_75 = tpu.memref_slice %arg13[%dma_wait3A_73, %dma_wait3A_74] : memref<50048x16xf32, #tpu.memory_space<vmem_shared>> -> memref<50048x16xf32, #tpu.memory_space<vmem_shared>>
        tpu.wait_indirect_dma semaphore(%arg19 : memref<!tpu.dma_semaphore, #tpu.memory_space<semaphore_mem>>) src(%arg10 : memref<256x16xf32, #tpu.memory_space<vmem>>) dst(%dma_wait3A_75 : memref<50048x16xf32, #tpu.memory_space<vmem_shared>>)
      } else {
      }
      %add3A_35 = arith.constant 256 : i32
      %add3A_36 = arith.addi %add3A_32, %add3A_35 : i32
      %dma_start3A_37 = tpu.memref_slice %arg7[%add3A_36] : memref<25600xi32, #tpu.memory_space<vmem>> -> memref<256xi32, #tpu.memory_space<vmem>>
      %dma_start3A_38 = arith.constant 0 : i32
      %dma_start3A_39 = arith.constant 0 : i32
      %dma_start3A_40 = tpu.memref_slice %arg2[%dma_start3A_38, %dma_start3A_39] : memref<50000x16xf32, #tpu.memory_space<hbm>> -> memref<50000x16xf32, #tpu.memory_space<hbm>>
      tpu.enqueue_indirect_dma source(%dma_start3A_40 : memref<50000x16xf32, #tpu.memory_space<hbm>>) target(%arg10 : memref<256x16xf32, #tpu.memory_space<vmem>>) offsets(%dma_start3A_37 : memref<256xi32, #tpu.memory_space<vmem>>) semaphore(%arg15 : memref<!tpu.dma_semaphore, #tpu.memory_space<semaphore_mem>>)
      %dma_wait3A_41 = tpu.memref_slice %arg7[%add3A_32] : memref<25600xi32, #tpu.memory_space<vmem>> -> memref<256xi32, #tpu.memory_space<vmem>>
      %dma_wait3A_42 = arith.constant 0 : i32
      %dma_wait3A_43 = arith.constant 0 : i32
      %dma_wait3A_44 = tpu.memref_slice %arg2[%dma_wait3A_42, %dma_wait3A_43] : memref<50000x16xf32, #tpu.memory_space<hbm>> -> memref<50000x16xf32, #tpu.memory_space<hbm>>
      tpu.wait_indirect_dma semaphore(%arg14 : memref<!tpu.dma_semaphore, #tpu.memory_space<semaphore_mem>>) src(%dma_wait3A_44 : memref<50000x16xf32, #tpu.memory_space<hbm>>) dst(%arg9 : memref<256x16xf32, #tpu.memory_space<vmem>>)
      %dma_start3A_45 = tpu.memref_slice %arg8[%add3A_32] : memref<25600xi32, #tpu.memory_space<vmem>> -> memref<256xi32, #tpu.memory_space<vmem>>
      %dma_start3A_46 = arith.constant 0 : i32
      %dma_start3A_47 = arith.constant 0 : i32
      %dma_start3A_48 = tpu.memref_slice %arg13[%dma_start3A_46, %dma_start3A_47] : memref<50048x16xf32, #tpu.memory_space<vmem_shared>> -> memref<50048x16xf32, #tpu.memory_space<vmem_shared>>
      tpu.enqueue_indirect_dma source(%arg9 : memref<256x16xf32, #tpu.memory_space<vmem>>) target(%dma_start3A_48 : memref<50048x16xf32, #tpu.memory_space<vmem_shared>>) offsets(%dma_start3A_45 : memref<256xi32, #tpu.memory_space<vmem>>) semaphore(%arg18 : memref<!tpu.dma_semaphore, #tpu.memory_space<semaphore_mem>>) {add = true}
      %add3A_49 = arith.constant 256 : i32
      %add3A_50 = arith.addi %add3A_32, %add3A_49 : i32
      %dma_wait3A_51 = tpu.memref_slice %arg7[%add3A_50] : memref<25600xi32, #tpu.memory_space<vmem>> -> memref<256xi32, #tpu.memory_space<vmem>>
      %dma_wait3A_52 = arith.constant 0 : i32
      %dma_wait3A_53 = arith.constant 0 : i32
      %dma_wait3A_54 = tpu.memref_slice %arg2[%dma_wait3A_52, %dma_wait3A_53] : memref<50000x16xf32, #tpu.memory_space<hbm>> -> memref<50000x16xf32, #tpu.memory_space<hbm>>
      tpu.wait_indirect_dma semaphore(%arg15 : memref<!tpu.dma_semaphore, #tpu.memory_space<semaphore_mem>>) src(%dma_wait3A_54 : memref<50000x16xf32, #tpu.memory_space<hbm>>) dst(%arg10 : memref<256x16xf32, #tpu.memory_space<vmem>>)
      %dma_wait3A_55 = tpu.memref_slice %arg8[%add3A_32] : memref<25600xi32, #tpu.memory_space<vmem>> -> memref<256xi32, #tpu.memory_space<vmem>>
      %dma_wait3A_56 = arith.constant 0 : i32
      %dma_wait3A_57 = arith.constant 0 : i32
      %dma_wait3A_58 = tpu.memref_slice %arg13[%dma_wait3A_56, %dma_wait3A_57] : memref<50048x16xf32, #tpu.memory_space<vmem_shared>> -> memref<50048x16xf32, #tpu.memory_space<vmem_shared>>
      tpu.wait_indirect_dma semaphore(%arg18 : memref<!tpu.dma_semaphore, #tpu.memory_space<semaphore_mem>>) src(%arg9 : memref<256x16xf32, #tpu.memory_space<vmem>>) dst(%dma_wait3A_58 : memref<50048x16xf32, #tpu.memory_space<vmem_shared>>)
      %add3A_59 = arith.constant 512 : i32
      %add3A_60 = arith.addi %add3A_32, %add3A_59 : i32
      %lt3A = arith.constant 25600 : i32
      %lt3A_61 = arith.cmpi slt, %add3A_60, %lt3A : i32
      %convert_element_type3A_62 = arith.extui %lt3A_61 : i1 to i32
      %cond3A_63 = arith.constant 0 : i32
      %cond3A_64 = arith.cmpi ne, %convert_element_type3A_62, %cond3A_63 : i32
      scf.if %cond3A_64 {
        %add3A_71 = arith.constant 512 : i32
        %add3A_72 = arith.addi %add3A_32, %add3A_71 : i32
        %dma_start3A_73 = tpu.memref_slice %arg7[%add3A_72] : memref<25600xi32, #tpu.memory_space<vmem>> -> memref<256xi32, #tpu.memory_space<vmem>>
        %dma_start3A_74 = arith.constant 0 : i32
        %dma_start3A_75 = arith.constant 0 : i32
        %dma_start3A_76 = tpu.memref_slice %arg2[%dma_start3A_74, %dma_start3A_75] : memref<50000x16xf32, #tpu.memory_space<hbm>> -> memref<50000x16xf32, #tpu.memory_space<hbm>>
        tpu.enqueue_indirect_dma source(%dma_start3A_76 : memref<50000x16xf32, #tpu.memory_space<hbm>>) target(%arg9 : memref<256x16xf32, #tpu.memory_space<vmem>>) offsets(%dma_start3A_73 : memref<256xi32, #tpu.memory_space<vmem>>) semaphore(%arg14 : memref<!tpu.dma_semaphore, #tpu.memory_space<semaphore_mem>>)
      } else {
      }
      %add3A_65 = arith.constant 256 : i32
      %add3A_66 = arith.addi %add3A_32, %add3A_65 : i32
      %dma_start3A_67 = tpu.memref_slice %arg8[%add3A_66] : memref<25600xi32, #tpu.memory_space<vmem>> -> memref<256xi32, #tpu.memory_space<vmem>>
      %dma_start3A_68 = arith.constant 0 : i32
      %dma_start3A_69 = arith.constant 0 : i32
      %dma_start3A_70 = tpu.memref_slice %arg13[%dma_start3A_68, %dma_start3A_69] : memref<50048x16xf32, #tpu.memory_space<vmem_shared>> -> memref<50048x16xf32, #tpu.memory_space<vmem_shared>>
      tpu.enqueue_indirect_dma source(%arg10 : memref<256x16xf32, #tpu.memory_space<vmem>>) target(%dma_start3A_70 : memref<50048x16xf32, #tpu.memory_space<vmem_shared>>) offsets(%dma_start3A_67 : memref<256xi32, #tpu.memory_space<vmem>>) semaphore(%arg19 : memref<!tpu.dma_semaphore, #tpu.memory_space<semaphore_mem>>) {add = true}
    }
    %scan3A_18 = arith.constant 50 : i32
    %dma_wait3A = arith.constant 25344 : i32
    %dma_wait3A_19 = tpu.memref_slice %arg8[%dma_wait3A] : memref<25600xi32, #tpu.memory_space<vmem>> -> memref<256xi32, #tpu.memory_space<vmem>>
    %dma_wait3A_20 = arith.constant 0 : i32
    %dma_wait3A_21 = arith.constant 0 : i32
    %dma_wait3A_22 = tpu.memref_slice %arg13[%dma_wait3A_20, %dma_wait3A_21] : memref<50048x16xf32, #tpu.memory_space<vmem_shared>> -> memref<50048x16xf32, #tpu.memory_space<vmem_shared>>
    tpu.wait_indirect_dma semaphore(%arg19 : memref<!tpu.dma_semaphore, #tpu.memory_space<semaphore_mem>>) src(%arg10 : memref<256x16xf32, #tpu.memory_space<vmem>>) dst(%dma_wait3A_22 : memref<50048x16xf32, #tpu.memory_space<vmem_shared>>)
    %barrier3A_23 = arith.constant 0 : index
    tpu.barrier barrier_id(%barrier3A_23)
    %mul3A_24 = arith.constant 3128 : i32
    %mul3A_25 = arith.muli %arg1, %mul3A_24 : i32
    %mul3A_26 = arith.constant 3128 : i32
    %mul3A_27 = arith.muli %arg1, %mul3A_26 : i32
    "tpu.region"() ({
      %run_scoped3A = tpu.sem_alloc : memref<!tpu.dma_semaphore, #tpu.memory_space<semaphore_mem>>
      %dma_start3A_28 = arith.constant 0 : i32
      %dma_start3A_29 = arith.constant 0 : i32
      %dma_start3A_30 = tpu.memref_slice %arg6[%arg0, %dma_start3A_28, %dma_start3A_29] : memref<2x50048x16xf32, #tpu.memory_space<hbm>> -> memref<1x50048x16xf32, #tpu.memory_space<hbm>>
      %dma_start3A_31 = tpu.memref_squeeze %dma_start3A_30 : memref<1x50048x16xf32, #tpu.memory_space<hbm>> -> memref<50048x16xf32, #tpu.memory_space<hbm>>
      %dma_start3A_32 = arith.constant 0 : i32
      %dma_start3A_33 = tpu.memref_slice %dma_start3A_31[%mul3A_27, %dma_start3A_32] : memref<50048x16xf32, #tpu.memory_space<hbm>> -> memref<3128x16xf32, #tpu.memory_space<hbm>>
      %dma_start3A_34 = arith.constant 0 : i32
      %dma_start3A_35 = tpu.memref_slice %arg13[%mul3A_25, %dma_start3A_34] : memref<50048x16xf32, #tpu.memory_space<vmem_shared>> -> memref<3128x16xf32, #tpu.memory_space<vmem_shared>>
      tpu.enqueue_dma source(%dma_start3A_35 : memref<3128x16xf32, #tpu.memory_space<vmem_shared>>) target(%dma_start3A_33 : memref<3128x16xf32, #tpu.memory_space<hbm>>) target_semaphore(%run_scoped3A : memref<!tpu.dma_semaphore, #tpu.memory_space<semaphore_mem>>)
      %dma_wait3A_36 = arith.constant 0 : i32
      %dma_wait3A_37 = arith.constant 0 : i32
      %dma_wait3A_38 = tpu.memref_slice %arg6[%arg0, %dma_wait3A_36, %dma_wait3A_37] : memref<2x50048x16xf32, #tpu.memory_space<hbm>> -> memref<1x50048x16xf32, #tpu.memory_space<hbm>>
      %dma_wait3A_39 = tpu.memref_squeeze %dma_wait3A_38 : memref<1x50048x16xf32, #tpu.memory_space<hbm>> -> memref<50048x16xf32, #tpu.memory_space<hbm>>
      %dma_wait3A_40 = arith.constant 0 : i32
      %dma_wait3A_41 = tpu.memref_slice %dma_wait3A_39[%mul3A_27, %dma_wait3A_40] : memref<50048x16xf32, #tpu.memory_space<hbm>> -> memref<3128x16xf32, #tpu.memory_space<hbm>>
      %dma_wait3A_42 = arith.constant 0 : i32
      %dma_wait3A_43 = tpu.memref_slice %arg13[%mul3A_25, %dma_wait3A_42] : memref<50048x16xf32, #tpu.memory_space<vmem_shared>> -> memref<3128x16xf32, #tpu.memory_space<vmem_shared>>
      tpu.wait_dma2 semaphore(%run_scoped3A : memref<!tpu.dma_semaphore, #tpu.memory_space<semaphore_mem>>) src(%dma_wait3A_43 : memref<3128x16xf32, #tpu.memory_space<vmem_shared>>) dst(%dma_wait3A_41 : memref<3128x16xf32, #tpu.memory_space<hbm>>)
      tpu.yield
    }) : () -> ()
    return
  }
}

#map = affine_map<(d0, d1) -> (0, 0, 0)>
#map1 = affine_map<(d0, d1) -> (0)>
#map2 = affine_map<(d0, d1) -> (0, 0)>
module attributes {stable_mosaic.version = 14 : i64} {
  func.func @k(%arg0: i32, %arg1: i32, %arg2: memref<4x50000x32xf32, #tpu.memory_space<hbm>>, %arg3: memref<819200xi32, #tpu.memory_space<hbm>>, %arg4: memref<819200xi32, #tpu.memory_space<hbm>>, %arg5: memref<50048x32xf32, #tpu.memory_space<hbm>>, %arg6: memref<4x50048x32xf32, #tpu.memory_space<hbm>>, %arg7: memref<5120xi32, #tpu.memory_space<vmem>>, %arg8: memref<5120xi32, #tpu.memory_space<vmem>>, %arg9: memref<256x32xf32, #tpu.memory_space<vmem>>, %arg10: memref<256x32xf32, #tpu.memory_space<vmem>>, %arg11: memref<1x32xf32, #tpu.memory_space<vmem>>, %arg12: memref<1x32xf32, #tpu.memory_space<vmem>>, %arg13: memref<50048x32xf32, #tpu.memory_space<vmem_shared>>, %arg14: memref<!tpu.dma_semaphore, #tpu.memory_space<semaphore_mem>>, %arg15: memref<!tpu.dma_semaphore, #tpu.memory_space<semaphore_mem>>, %arg16: memref<!tpu.dma_semaphore, #tpu.memory_space<semaphore_mem>>, %arg17: memref<!tpu.dma_semaphore, #tpu.memory_space<semaphore_mem>>, %arg18: memref<!tpu.dma_semaphore, #tpu.memory_space<semaphore_mem>>, %arg19: memref<!tpu.dma_semaphore, #tpu.memory_space<semaphore_mem>>, %arg20: memref<!tpu.dma_semaphore, #tpu.memory_space<semaphore_mem>>, %arg21: memref<!tpu.dma_semaphore, #tpu.memory_space<semaphore_mem>>) attributes {dimension_semantics = [#tpu.dimension_semantics<core_parallel>, #tpu.dimension_semantics<subcore_parallel>], iteration_bounds = array<i64: 2, 16>, scalar_prefetch = 0 : i64, scratch_operands = 15 : i64, tpu.core_type = #tpu.core_type<sc_vector_subcore>, window_params = [{transform_indices = #map}, {transform_indices = #map1}, {transform_indices = #map1}, {transform_indices = #map2}, {transform_indices = #map}]} {
    %mul3A = arith.constant 400 : i32
    %mul3A_0 = arith.muli %arg1, %mul3A : i32
    %mul3A_1 = arith.constant 2 : i32
    %mul3A_2 = arith.muli %arg0, %mul3A_1 : i32
    %add3A = arith.constant 0 : i32
    %add3A_3 = arith.addi %mul3A_2, %add3A : i32
    %mul3A_4 = arith.constant 3128 : i32
    %mul3A_5 = arith.muli %arg1, %mul3A_4 : i32
    %mul3A_6 = arith.constant 3128 : i32
    %mul3A_7 = arith.muli %arg1, %mul3A_6 : i32
    "tpu.region"() ({
      %run_scoped3A = tpu.sem_alloc : memref<!tpu.dma_semaphore, #tpu.memory_space<semaphore_mem>>
      %dma_start3A = arith.constant 0 : i32
      %dma_start3A_38 = tpu.memref_slice %arg13[%mul3A_7, %dma_start3A] : memref<50048x32xf32, #tpu.memory_space<vmem_shared>> -> memref<3128x32xf32, #tpu.memory_space<vmem_shared>>
      %dma_start3A_39 = arith.constant 0 : i32
      %dma_start3A_40 = tpu.memref_slice %arg5[%mul3A_5, %dma_start3A_39] : memref<50048x32xf32, #tpu.memory_space<hbm>> -> memref<3128x32xf32, #tpu.memory_space<hbm>>
      tpu.enqueue_dma source(%dma_start3A_40 : memref<3128x32xf32, #tpu.memory_space<hbm>>) target(%dma_start3A_38 : memref<3128x32xf32, #tpu.memory_space<vmem_shared>>) target_semaphore(%run_scoped3A : memref<!tpu.dma_semaphore, #tpu.memory_space<semaphore_mem>>)
      %dma_wait3A = arith.constant 0 : i32
      %dma_wait3A_41 = tpu.memref_slice %arg13[%mul3A_7, %dma_wait3A] : memref<50048x32xf32, #tpu.memory_space<vmem_shared>> -> memref<3128x32xf32, #tpu.memory_space<vmem_shared>>
      %dma_wait3A_42 = arith.constant 0 : i32
      %dma_wait3A_43 = tpu.memref_slice %arg5[%mul3A_5, %dma_wait3A_42] : memref<50048x32xf32, #tpu.memory_space<hbm>> -> memref<3128x32xf32, #tpu.memory_space<hbm>>
      tpu.wait_dma2 semaphore(%run_scoped3A : memref<!tpu.dma_semaphore, #tpu.memory_space<semaphore_mem>>) src(%dma_wait3A_43 : memref<3128x32xf32, #tpu.memory_space<hbm>>) dst(%dma_wait3A_41 : memref<3128x32xf32, #tpu.memory_space<vmem_shared>>)
      tpu.yield
    }) : () -> ()
    %barrier3A = arith.constant 0 : index
    tpu.barrier barrier_id(%barrier3A)
    %scan3A = arith.constant 0 : i32
    %scan3A_8 = arith.constant 10 : i32
    %scan3A_9 = arith.addi %scan3A, %scan3A_8 : i32
    %scan3A_10 = arith.constant 1 : i32
    scf.for %scan3A_38 = %scan3A to %scan3A_9 step %scan3A_10  : i32 {
      %mul3A_39 = arith.constant 40 : i32
      %mul3A_40 = arith.muli %scan3A_38, %mul3A_39 : i32
      %add3A_41 = arith.constant 0 : i32
      %add3A_42 = arith.addi %add3A_41, %mul3A_40 : i32
      %add3A_43 = arith.addi %mul3A_0, %add3A_42 : i32
      %mul3A_44 = arith.constant 128 : i32
      %mul3A_45 = arith.muli %add3A_43, %mul3A_44 : i32
      "tpu.region"() ({
        %run_scoped3A = tpu.sem_alloc : memref<!tpu.dma_semaphore, #tpu.memory_space<semaphore_mem>>
        %dma_start3A_66 = tpu.memref_slice %arg3[%mul3A_45] : memref<819200xi32, #tpu.memory_space<hbm>> -> memref<5120xi32, #tpu.memory_space<hbm>>
        %dma_start3A_67 = tpu.memref_slice %arg3[%mul3A_45] : memref<819200xi32, #tpu.memory_space<hbm>> -> memref<5120xi32, #tpu.memory_space<hbm>>
        tpu.enqueue_dma source(%dma_start3A_67 : memref<5120xi32, #tpu.memory_space<hbm>>) target(%arg7 : memref<5120xi32, #tpu.memory_space<vmem>>) target_semaphore(%run_scoped3A : memref<!tpu.dma_semaphore, #tpu.memory_space<semaphore_mem>>)
        %dma_wait3A_68 = tpu.memref_slice %arg3[%mul3A_45] : memref<819200xi32, #tpu.memory_space<hbm>> -> memref<5120xi32, #tpu.memory_space<hbm>>
        %dma_wait3A_69 = tpu.memref_slice %arg3[%mul3A_45] : memref<819200xi32, #tpu.memory_space<hbm>> -> memref<5120xi32, #tpu.memory_space<hbm>>
        tpu.wait_dma2 semaphore(%run_scoped3A : memref<!tpu.dma_semaphore, #tpu.memory_space<semaphore_mem>>) src(%dma_wait3A_69 : memref<5120xi32, #tpu.memory_space<hbm>>) dst(%arg7 : memref<5120xi32, #tpu.memory_space<vmem>>)
        tpu.yield
      }) : () -> ()
      %add3A_46 = arith.addi %mul3A_0, %add3A_42 : i32
      %mul3A_47 = arith.constant 128 : i32
      %mul3A_48 = arith.muli %add3A_46, %mul3A_47 : i32
      "tpu.region"() ({
        %run_scoped3A = tpu.sem_alloc : memref<!tpu.dma_semaphore, #tpu.memory_space<semaphore_mem>>
        %dma_start3A_66 = tpu.memref_slice %arg4[%mul3A_48] : memref<819200xi32, #tpu.memory_space<hbm>> -> memref<5120xi32, #tpu.memory_space<hbm>>
        %dma_start3A_67 = tpu.memref_slice %arg4[%mul3A_48] : memref<819200xi32, #tpu.memory_space<hbm>> -> memref<5120xi32, #tpu.memory_space<hbm>>
        tpu.enqueue_dma source(%dma_start3A_67 : memref<5120xi32, #tpu.memory_space<hbm>>) target(%arg8 : memref<5120xi32, #tpu.memory_space<vmem>>) target_semaphore(%run_scoped3A : memref<!tpu.dma_semaphore, #tpu.memory_space<semaphore_mem>>)
        %dma_wait3A_68 = tpu.memref_slice %arg4[%mul3A_48] : memref<819200xi32, #tpu.memory_space<hbm>> -> memref<5120xi32, #tpu.memory_space<hbm>>
        %dma_wait3A_69 = tpu.memref_slice %arg4[%mul3A_48] : memref<819200xi32, #tpu.memory_space<hbm>> -> memref<5120xi32, #tpu.memory_space<hbm>>
        tpu.wait_dma2 semaphore(%run_scoped3A : memref<!tpu.dma_semaphore, #tpu.memory_space<semaphore_mem>>) src(%dma_wait3A_69 : memref<5120xi32, #tpu.memory_space<hbm>>) dst(%arg8 : memref<5120xi32, #tpu.memory_space<vmem>>)
        tpu.yield
      }) : () -> ()
      %dma_start3A = arith.constant 0 : i32
      %dma_start3A_49 = tpu.memref_slice %arg7[%dma_start3A] : memref<5120xi32, #tpu.memory_space<vmem>> -> memref<256xi32, #tpu.memory_space<vmem>>
      %dma_start3A_50 = arith.constant 0 : i32
      %dma_start3A_51 = arith.constant 0 : i32
      %dma_start3A_52 = tpu.memref_slice %arg2[%add3A_3, %dma_start3A_50, %dma_start3A_51] : memref<4x50000x32xf32, #tpu.memory_space<hbm>> -> memref<1x50000x32xf32, #tpu.memory_space<hbm>>
      %dma_start3A_53 = tpu.memref_squeeze %dma_start3A_52 : memref<1x50000x32xf32, #tpu.memory_space<hbm>> -> memref<50000x32xf32, #tpu.memory_space<hbm>>
      %dma_start3A_54 = arith.constant 0 : i32
      %dma_start3A_55 = arith.constant 0 : i32
      %dma_start3A_56 = tpu.memref_slice %dma_start3A_53[%dma_start3A_54, %dma_start3A_55] : memref<50000x32xf32, #tpu.memory_space<hbm>> -> memref<50000x32xf32, #tpu.memory_space<hbm>>
      tpu.enqueue_indirect_dma source(%dma_start3A_56 : memref<50000x32xf32, #tpu.memory_space<hbm>>) target(%arg9 : memref<256x32xf32, #tpu.memory_space<vmem>>) offsets(%dma_start3A_49 : memref<256xi32, #tpu.memory_space<vmem>>) semaphore(%arg14 : memref<!tpu.dma_semaphore, #tpu.memory_space<semaphore_mem>>)
      %scan3A_57 = arith.constant 0 : i32
      %scan3A_58 = arith.constant 10 : i32
      %scan3A_59 = arith.addi %scan3A_57, %scan3A_58 : i32
      %scan3A_60 = arith.constant 1 : i32
      scf.for %scan3A_66 = %scan3A_57 to %scan3A_59 step %scan3A_60  : i32 {
        %mul3A_67 = arith.constant 512 : i32
        %mul3A_68 = arith.muli %scan3A_66, %mul3A_67 : i32
        %add3A_69 = arith.constant 0 : i32
        %add3A_70 = arith.addi %add3A_69, %mul3A_68 : i32
        %gt3A = arith.constant 0 : i32
        %gt3A_71 = arith.cmpi sgt, %add3A_70, %gt3A : i32
        %convert_element_type3A = arith.extui %gt3A_71 : i1 to i32
        %cond3A = arith.constant 0 : i32
        %cond3A_72 = arith.cmpi ne, %convert_element_type3A, %cond3A : i32
        scf.if %cond3A_72 {
          %sub3A = arith.constant 256 : i32
          %sub3A_121 = arith.subi %add3A_70, %sub3A : i32
          %dma_wait3A_122 = tpu.memref_slice %arg8[%sub3A_121] : memref<5120xi32, #tpu.memory_space<vmem>> -> memref<256xi32, #tpu.memory_space<vmem>>
          %dma_wait3A_123 = arith.constant 0 : i32
          %dma_wait3A_124 = arith.constant 0 : i32
          %dma_wait3A_125 = tpu.memref_slice %arg13[%dma_wait3A_123, %dma_wait3A_124] : memref<50048x32xf32, #tpu.memory_space<vmem_shared>> -> memref<50048x32xf32, #tpu.memory_space<vmem_shared>>
          tpu.wait_indirect_dma semaphore(%arg19 : memref<!tpu.dma_semaphore, #tpu.memory_space<semaphore_mem>>) src(%arg10 : memref<256x32xf32, #tpu.memory_space<vmem>>) dst(%dma_wait3A_125 : memref<50048x32xf32, #tpu.memory_space<vmem_shared>>)
        } else {
        }
        %add3A_73 = arith.constant 256 : i32
        %add3A_74 = arith.addi %add3A_70, %add3A_73 : i32
        %dma_start3A_75 = tpu.memref_slice %arg7[%add3A_74] : memref<5120xi32, #tpu.memory_space<vmem>> -> memref<256xi32, #tpu.memory_space<vmem>>
        %dma_start3A_76 = arith.constant 0 : i32
        %dma_start3A_77 = arith.constant 0 : i32
        %dma_start3A_78 = tpu.memref_slice %arg2[%add3A_3, %dma_start3A_76, %dma_start3A_77] : memref<4x50000x32xf32, #tpu.memory_space<hbm>> -> memref<1x50000x32xf32, #tpu.memory_space<hbm>>
        %dma_start3A_79 = tpu.memref_squeeze %dma_start3A_78 : memref<1x50000x32xf32, #tpu.memory_space<hbm>> -> memref<50000x32xf32, #tpu.memory_space<hbm>>
        %dma_start3A_80 = arith.constant 0 : i32
        %dma_start3A_81 = arith.constant 0 : i32
        %dma_start3A_82 = tpu.memref_slice %dma_start3A_79[%dma_start3A_80, %dma_start3A_81] : memref<50000x32xf32, #tpu.memory_space<hbm>> -> memref<50000x32xf32, #tpu.memory_space<hbm>>
        tpu.enqueue_indirect_dma source(%dma_start3A_82 : memref<50000x32xf32, #tpu.memory_space<hbm>>) target(%arg10 : memref<256x32xf32, #tpu.memory_space<vmem>>) offsets(%dma_start3A_75 : memref<256xi32, #tpu.memory_space<vmem>>) semaphore(%arg15 : memref<!tpu.dma_semaphore, #tpu.memory_space<semaphore_mem>>)
        %dma_wait3A_83 = tpu.memref_slice %arg7[%add3A_70] : memref<5120xi32, #tpu.memory_space<vmem>> -> memref<256xi32, #tpu.memory_space<vmem>>
        %dma_wait3A_84 = arith.constant 0 : i32
        %dma_wait3A_85 = arith.constant 0 : i32
        %dma_wait3A_86 = tpu.memref_slice %arg2[%add3A_3, %dma_wait3A_84, %dma_wait3A_85] : memref<4x50000x32xf32, #tpu.memory_space<hbm>> -> memref<1x50000x32xf32, #tpu.memory_space<hbm>>
        %dma_wait3A_87 = tpu.memref_squeeze %dma_wait3A_86 : memref<1x50000x32xf32, #tpu.memory_space<hbm>> -> memref<50000x32xf32, #tpu.memory_space<hbm>>
        %dma_wait3A_88 = arith.constant 0 : i32
        %dma_wait3A_89 = arith.constant 0 : i32
        %dma_wait3A_90 = tpu.memref_slice %dma_wait3A_87[%dma_wait3A_88, %dma_wait3A_89] : memref<50000x32xf32, #tpu.memory_space<hbm>> -> memref<50000x32xf32, #tpu.memory_space<hbm>>
        tpu.wait_indirect_dma semaphore(%arg14 : memref<!tpu.dma_semaphore, #tpu.memory_space<semaphore_mem>>) src(%dma_wait3A_90 : memref<50000x32xf32, #tpu.memory_space<hbm>>) dst(%arg9 : memref<256x32xf32, #tpu.memory_space<vmem>>)
        %dma_start3A_91 = tpu.memref_slice %arg8[%add3A_70] : memref<5120xi32, #tpu.memory_space<vmem>> -> memref<256xi32, #tpu.memory_space<vmem>>
        %dma_start3A_92 = arith.constant 0 : i32
        %dma_start3A_93 = arith.constant 0 : i32
        %dma_start3A_94 = tpu.memref_slice %arg13[%dma_start3A_92, %dma_start3A_93] : memref<50048x32xf32, #tpu.memory_space<vmem_shared>> -> memref<50048x32xf32, #tpu.memory_space<vmem_shared>>
        tpu.enqueue_indirect_dma source(%arg9 : memref<256x32xf32, #tpu.memory_space<vmem>>) target(%dma_start3A_94 : memref<50048x32xf32, #tpu.memory_space<vmem_shared>>) offsets(%dma_start3A_91 : memref<256xi32, #tpu.memory_space<vmem>>) semaphore(%arg18 : memref<!tpu.dma_semaphore, #tpu.memory_space<semaphore_mem>>) {add = true}
        %add3A_95 = arith.constant 256 : i32
        %add3A_96 = arith.addi %add3A_70, %add3A_95 : i32
        %dma_wait3A_97 = tpu.memref_slice %arg7[%add3A_96] : memref<5120xi32, #tpu.memory_space<vmem>> -> memref<256xi32, #tpu.memory_space<vmem>>
        %dma_wait3A_98 = arith.constant 0 : i32
        %dma_wait3A_99 = arith.constant 0 : i32
        %dma_wait3A_100 = tpu.memref_slice %arg2[%add3A_3, %dma_wait3A_98, %dma_wait3A_99] : memref<4x50000x32xf32, #tpu.memory_space<hbm>> -> memref<1x50000x32xf32, #tpu.memory_space<hbm>>
        %dma_wait3A_101 = tpu.memref_squeeze %dma_wait3A_100 : memref<1x50000x32xf32, #tpu.memory_space<hbm>> -> memref<50000x32xf32, #tpu.memory_space<hbm>>
        %dma_wait3A_102 = arith.constant 0 : i32
        %dma_wait3A_103 = arith.constant 0 : i32
        %dma_wait3A_104 = tpu.memref_slice %dma_wait3A_101[%dma_wait3A_102, %dma_wait3A_103] : memref<50000x32xf32, #tpu.memory_space<hbm>> -> memref<50000x32xf32, #tpu.memory_space<hbm>>
        tpu.wait_indirect_dma semaphore(%arg15 : memref<!tpu.dma_semaphore, #tpu.memory_space<semaphore_mem>>) src(%dma_wait3A_104 : memref<50000x32xf32, #tpu.memory_space<hbm>>) dst(%arg10 : memref<256x32xf32, #tpu.memory_space<vmem>>)
        %dma_wait3A_105 = tpu.memref_slice %arg8[%add3A_70] : memref<5120xi32, #tpu.memory_space<vmem>> -> memref<256xi32, #tpu.memory_space<vmem>>
        %dma_wait3A_106 = arith.constant 0 : i32
        %dma_wait3A_107 = arith.constant 0 : i32
        %dma_wait3A_108 = tpu.memref_slice %arg13[%dma_wait3A_106, %dma_wait3A_107] : memref<50048x32xf32, #tpu.memory_space<vmem_shared>> -> memref<50048x32xf32, #tpu.memory_space<vmem_shared>>
        tpu.wait_indirect_dma semaphore(%arg18 : memref<!tpu.dma_semaphore, #tpu.memory_space<semaphore_mem>>) src(%arg9 : memref<256x32xf32, #tpu.memory_space<vmem>>) dst(%dma_wait3A_108 : memref<50048x32xf32, #tpu.memory_space<vmem_shared>>)
        %add3A_109 = arith.constant 512 : i32
        %add3A_110 = arith.addi %add3A_70, %add3A_109 : i32
        %lt3A = arith.constant 5120 : i32
        %lt3A_111 = arith.cmpi slt, %add3A_110, %lt3A : i32
        %convert_element_type3A_112 = arith.extui %lt3A_111 : i1 to i32
        %cond3A_113 = arith.constant 0 : i32
        %cond3A_114 = arith.cmpi ne, %convert_element_type3A_112, %cond3A_113 : i32
        scf.if %cond3A_114 {
          %add3A_121 = arith.constant 512 : i32
          %add3A_122 = arith.addi %add3A_70, %add3A_121 : i32
          %dma_start3A_123 = tpu.memref_slice %arg7[%add3A_122] : memref<5120xi32, #tpu.memory_space<vmem>> -> memref<256xi32, #tpu.memory_space<vmem>>
          %dma_start3A_124 = arith.constant 0 : i32
          %dma_start3A_125 = arith.constant 0 : i32
          %dma_start3A_126 = tpu.memref_slice %arg2[%add3A_3, %dma_start3A_124, %dma_start3A_125] : memref<4x50000x32xf32, #tpu.memory_space<hbm>> -> memref<1x50000x32xf32, #tpu.memory_space<hbm>>
          %dma_start3A_127 = tpu.memref_squeeze %dma_start3A_126 : memref<1x50000x32xf32, #tpu.memory_space<hbm>> -> memref<50000x32xf32, #tpu.memory_space<hbm>>
          %dma_start3A_128 = arith.constant 0 : i32
          %dma_start3A_129 = arith.constant 0 : i32
          %dma_start3A_130 = tpu.memref_slice %dma_start3A_127[%dma_start3A_128, %dma_start3A_129] : memref<50000x32xf32, #tpu.memory_space<hbm>> -> memref<50000x32xf32, #tpu.memory_space<hbm>>
          tpu.enqueue_indirect_dma source(%dma_start3A_130 : memref<50000x32xf32, #tpu.memory_space<hbm>>) target(%arg9 : memref<256x32xf32, #tpu.memory_space<vmem>>) offsets(%dma_start3A_123 : memref<256xi32, #tpu.memory_space<vmem>>) semaphore(%arg14 : memref<!tpu.dma_semaphore, #tpu.memory_space<semaphore_mem>>)
        } else {
        }
        %add3A_115 = arith.constant 256 : i32
        %add3A_116 = arith.addi %add3A_70, %add3A_115 : i32
        %dma_start3A_117 = tpu.memref_slice %arg8[%add3A_116] : memref<5120xi32, #tpu.memory_space<vmem>> -> memref<256xi32, #tpu.memory_space<vmem>>
        %dma_start3A_118 = arith.constant 0 : i32
        %dma_start3A_119 = arith.constant 0 : i32
        %dma_start3A_120 = tpu.memref_slice %arg13[%dma_start3A_118, %dma_start3A_119] : memref<50048x32xf32, #tpu.memory_space<vmem_shared>> -> memref<50048x32xf32, #tpu.memory_space<vmem_shared>>
        tpu.enqueue_indirect_dma source(%arg10 : memref<256x32xf32, #tpu.memory_space<vmem>>) target(%dma_start3A_120 : memref<50048x32xf32, #tpu.memory_space<vmem_shared>>) offsets(%dma_start3A_117 : memref<256xi32, #tpu.memory_space<vmem>>) semaphore(%arg19 : memref<!tpu.dma_semaphore, #tpu.memory_space<semaphore_mem>>) {add = true}
      }
      %scan3A_61 = arith.constant 10 : i32
      %dma_wait3A = arith.constant 4864 : i32
      %dma_wait3A_62 = tpu.memref_slice %arg8[%dma_wait3A] : memref<5120xi32, #tpu.memory_space<vmem>> -> memref<256xi32, #tpu.memory_space<vmem>>
      %dma_wait3A_63 = arith.constant 0 : i32
      %dma_wait3A_64 = arith.constant 0 : i32
      %dma_wait3A_65 = tpu.memref_slice %arg13[%dma_wait3A_63, %dma_wait3A_64] : memref<50048x32xf32, #tpu.memory_space<vmem_shared>> -> memref<50048x32xf32, #tpu.memory_space<vmem_shared>>
      tpu.wait_indirect_dma semaphore(%arg19 : memref<!tpu.dma_semaphore, #tpu.memory_space<semaphore_mem>>) src(%arg10 : memref<256x32xf32, #tpu.memory_space<vmem>>) dst(%dma_wait3A_65 : memref<50048x32xf32, #tpu.memory_space<vmem_shared>>)
    }
    %scan3A_11 = arith.constant 10 : i32
    %barrier3A_12 = arith.constant 0 : index
    tpu.barrier barrier_id(%barrier3A_12)
    %mul3A_13 = arith.constant 3128 : i32
    %mul3A_14 = arith.muli %arg1, %mul3A_13 : i32
    %mul3A_15 = arith.constant 3128 : i32
    %mul3A_16 = arith.muli %arg1, %mul3A_15 : i32
    "tpu.region"() ({
      %run_scoped3A = tpu.sem_alloc : memref<!tpu.dma_semaphore, #tpu.memory_space<semaphore_mem>>
      %dma_start3A = arith.constant 0 : i32
      %dma_start3A_38 = arith.constant 0 : i32
      %dma_start3A_39 = tpu.memref_slice %arg6[%add3A_3, %dma_start3A, %dma_start3A_38] : memref<4x50048x32xf32, #tpu.memory_space<hbm>> -> memref<1x50048x32xf32, #tpu.memory_space<hbm>>
      %dma_start3A_40 = tpu.memref_squeeze %dma_start3A_39 : memref<1x50048x32xf32, #tpu.memory_space<hbm>> -> memref<50048x32xf32, #tpu.memory_space<hbm>>
      %dma_start3A_41 = arith.constant 0 : i32
      %dma_start3A_42 = tpu.memref_slice %dma_start3A_40[%mul3A_16, %dma_start3A_41] : memref<50048x32xf32, #tpu.memory_space<hbm>> -> memref<3128x32xf32, #tpu.memory_space<hbm>>
      %dma_start3A_43 = arith.constant 0 : i32
      %dma_start3A_44 = tpu.memref_slice %arg13[%mul3A_14, %dma_start3A_43] : memref<50048x32xf32, #tpu.memory_space<vmem_shared>> -> memref<3128x32xf32, #tpu.memory_space<vmem_shared>>
      tpu.enqueue_dma source(%dma_start3A_44 : memref<3128x32xf32, #tpu.memory_space<vmem_shared>>) target(%dma_start3A_42 : memref<3128x32xf32, #tpu.memory_space<hbm>>) target_semaphore(%run_scoped3A : memref<!tpu.dma_semaphore, #tpu.memory_space<semaphore_mem>>)
      %dma_wait3A = arith.constant 0 : i32
      %dma_wait3A_45 = arith.constant 0 : i32
      %dma_wait3A_46 = tpu.memref_slice %arg6[%add3A_3, %dma_wait3A, %dma_wait3A_45] : memref<4x50048x32xf32, #tpu.memory_space<hbm>> -> memref<1x50048x32xf32, #tpu.memory_space<hbm>>
      %dma_wait3A_47 = tpu.memref_squeeze %dma_wait3A_46 : memref<1x50048x32xf32, #tpu.memory_space<hbm>> -> memref<50048x32xf32, #tpu.memory_space<hbm>>
      %dma_wait3A_48 = arith.constant 0 : i32
      %dma_wait3A_49 = tpu.memref_slice %dma_wait3A_47[%mul3A_16, %dma_wait3A_48] : memref<50048x32xf32, #tpu.memory_space<hbm>> -> memref<3128x32xf32, #tpu.memory_space<hbm>>
      %dma_wait3A_50 = arith.constant 0 : i32
      %dma_wait3A_51 = tpu.memref_slice %arg13[%mul3A_14, %dma_wait3A_50] : memref<50048x32xf32, #tpu.memory_space<vmem_shared>> -> memref<3128x32xf32, #tpu.memory_space<vmem_shared>>
      tpu.wait_dma2 semaphore(%run_scoped3A : memref<!tpu.dma_semaphore, #tpu.memory_space<semaphore_mem>>) src(%dma_wait3A_51 : memref<3128x32xf32, #tpu.memory_space<vmem_shared>>) dst(%dma_wait3A_49 : memref<3128x32xf32, #tpu.memory_space<hbm>>)
      tpu.yield
    }) : () -> ()
    %barrier3A_17 = arith.constant 0 : index
    tpu.barrier barrier_id(%barrier3A_17)
    %mul3A_18 = arith.constant 2 : i32
    %mul3A_19 = arith.muli %arg0, %mul3A_18 : i32
    %add3A_20 = arith.constant 1 : i32
    %add3A_21 = arith.addi %mul3A_19, %add3A_20 : i32
    %mul3A_22 = arith.constant 3128 : i32
    %mul3A_23 = arith.muli %arg1, %mul3A_22 : i32
    %mul3A_24 = arith.constant 3128 : i32
    %mul3A_25 = arith.muli %arg1, %mul3A_24 : i32
    "tpu.region"() ({
      %run_scoped3A = tpu.sem_alloc : memref<!tpu.dma_semaphore, #tpu.memory_space<semaphore_mem>>
      %dma_start3A = arith.constant 0 : i32
      %dma_start3A_38 = tpu.memref_slice %arg13[%mul3A_25, %dma_start3A] : memref<50048x32xf32, #tpu.memory_space<vmem_shared>> -> memref<3128x32xf32, #tpu.memory_space<vmem_shared>>
      %dma_start3A_39 = arith.constant 0 : i32
      %dma_start3A_40 = tpu.memref_slice %arg5[%mul3A_23, %dma_start3A_39] : memref<50048x32xf32, #tpu.memory_space<hbm>> -> memref<3128x32xf32, #tpu.memory_space<hbm>>
      tpu.enqueue_dma source(%dma_start3A_40 : memref<3128x32xf32, #tpu.memory_space<hbm>>) target(%dma_start3A_38 : memref<3128x32xf32, #tpu.memory_space<vmem_shared>>) target_semaphore(%run_scoped3A : memref<!tpu.dma_semaphore, #tpu.memory_space<semaphore_mem>>)
      %dma_wait3A = arith.constant 0 : i32
      %dma_wait3A_41 = tpu.memref_slice %arg13[%mul3A_25, %dma_wait3A] : memref<50048x32xf32, #tpu.memory_space<vmem_shared>> -> memref<3128x32xf32, #tpu.memory_space<vmem_shared>>
      %dma_wait3A_42 = arith.constant 0 : i32
      %dma_wait3A_43 = tpu.memref_slice %arg5[%mul3A_23, %dma_wait3A_42] : memref<50048x32xf32, #tpu.memory_space<hbm>> -> memref<3128x32xf32, #tpu.memory_space<hbm>>
      tpu.wait_dma2 semaphore(%run_scoped3A : memref<!tpu.dma_semaphore, #tpu.memory_space<semaphore_mem>>) src(%dma_wait3A_43 : memref<3128x32xf32, #tpu.memory_space<hbm>>) dst(%dma_wait3A_41 : memref<3128x32xf32, #tpu.memory_space<vmem_shared>>)
      tpu.yield
    }) : () -> ()
    %barrier3A_26 = arith.constant 0 : index
    tpu.barrier barrier_id(%barrier3A_26)
    %scan3A_27 = arith.constant 0 : i32
    %scan3A_28 = arith.constant 10 : i32
    %scan3A_29 = arith.addi %scan3A_27, %scan3A_28 : i32
    %scan3A_30 = arith.constant 1 : i32
    scf.for %scan3A_38 = %scan3A_27 to %scan3A_29 step %scan3A_30  : i32 {
      %mul3A_39 = arith.constant 40 : i32
      %mul3A_40 = arith.muli %scan3A_38, %mul3A_39 : i32
      %add3A_41 = arith.constant 0 : i32
      %add3A_42 = arith.addi %add3A_41, %mul3A_40 : i32
      %add3A_43 = arith.addi %mul3A_0, %add3A_42 : i32
      %mul3A_44 = arith.constant 128 : i32
      %mul3A_45 = arith.muli %add3A_43, %mul3A_44 : i32
      "tpu.region"() ({
        %run_scoped3A = tpu.sem_alloc : memref<!tpu.dma_semaphore, #tpu.memory_space<semaphore_mem>>
        %dma_start3A_66 = tpu.memref_slice %arg3[%mul3A_45] : memref<819200xi32, #tpu.memory_space<hbm>> -> memref<5120xi32, #tpu.memory_space<hbm>>
        %dma_start3A_67 = tpu.memref_slice %arg3[%mul3A_45] : memref<819200xi32, #tpu.memory_space<hbm>> -> memref<5120xi32, #tpu.memory_space<hbm>>
        tpu.enqueue_dma source(%dma_start3A_67 : memref<5120xi32, #tpu.memory_space<hbm>>) target(%arg7 : memref<5120xi32, #tpu.memory_space<vmem>>) target_semaphore(%run_scoped3A : memref<!tpu.dma_semaphore, #tpu.memory_space<semaphore_mem>>)
        %dma_wait3A_68 = tpu.memref_slice %arg3[%mul3A_45] : memref<819200xi32, #tpu.memory_space<hbm>> -> memref<5120xi32, #tpu.memory_space<hbm>>
        %dma_wait3A_69 = tpu.memref_slice %arg3[%mul3A_45] : memref<819200xi32, #tpu.memory_space<hbm>> -> memref<5120xi32, #tpu.memory_space<hbm>>
        tpu.wait_dma2 semaphore(%run_scoped3A : memref<!tpu.dma_semaphore, #tpu.memory_space<semaphore_mem>>) src(%dma_wait3A_69 : memref<5120xi32, #tpu.memory_space<hbm>>) dst(%arg7 : memref<5120xi32, #tpu.memory_space<vmem>>)
        tpu.yield
      }) : () -> ()
      %add3A_46 = arith.addi %mul3A_0, %add3A_42 : i32
      %mul3A_47 = arith.constant 128 : i32
      %mul3A_48 = arith.muli %add3A_46, %mul3A_47 : i32
      "tpu.region"() ({
        %run_scoped3A = tpu.sem_alloc : memref<!tpu.dma_semaphore, #tpu.memory_space<semaphore_mem>>
        %dma_start3A_66 = tpu.memref_slice %arg4[%mul3A_48] : memref<819200xi32, #tpu.memory_space<hbm>> -> memref<5120xi32, #tpu.memory_space<hbm>>
        %dma_start3A_67 = tpu.memref_slice %arg4[%mul3A_48] : memref<819200xi32, #tpu.memory_space<hbm>> -> memref<5120xi32, #tpu.memory_space<hbm>>
        tpu.enqueue_dma source(%dma_start3A_67 : memref<5120xi32, #tpu.memory_space<hbm>>) target(%arg8 : memref<5120xi32, #tpu.memory_space<vmem>>) target_semaphore(%run_scoped3A : memref<!tpu.dma_semaphore, #tpu.memory_space<semaphore_mem>>)
        %dma_wait3A_68 = tpu.memref_slice %arg4[%mul3A_48] : memref<819200xi32, #tpu.memory_space<hbm>> -> memref<5120xi32, #tpu.memory_space<hbm>>
        %dma_wait3A_69 = tpu.memref_slice %arg4[%mul3A_48] : memref<819200xi32, #tpu.memory_space<hbm>> -> memref<5120xi32, #tpu.memory_space<hbm>>
        tpu.wait_dma2 semaphore(%run_scoped3A : memref<!tpu.dma_semaphore, #tpu.memory_space<semaphore_mem>>) src(%dma_wait3A_69 : memref<5120xi32, #tpu.memory_space<hbm>>) dst(%arg8 : memref<5120xi32, #tpu.memory_space<vmem>>)
        tpu.yield
      }) : () -> ()
      %dma_start3A = arith.constant 0 : i32
      %dma_start3A_49 = tpu.memref_slice %arg7[%dma_start3A] : memref<5120xi32, #tpu.memory_space<vmem>> -> memref<256xi32, #tpu.memory_space<vmem>>
      %dma_start3A_50 = arith.constant 0 : i32
      %dma_start3A_51 = arith.constant 0 : i32
      %dma_start3A_52 = tpu.memref_slice %arg2[%add3A_21, %dma_start3A_50, %dma_start3A_51] : memref<4x50000x32xf32, #tpu.memory_space<hbm>> -> memref<1x50000x32xf32, #tpu.memory_space<hbm>>
      %dma_start3A_53 = tpu.memref_squeeze %dma_start3A_52 : memref<1x50000x32xf32, #tpu.memory_space<hbm>> -> memref<50000x32xf32, #tpu.memory_space<hbm>>
      %dma_start3A_54 = arith.constant 0 : i32
      %dma_start3A_55 = arith.constant 0 : i32
      %dma_start3A_56 = tpu.memref_slice %dma_start3A_53[%dma_start3A_54, %dma_start3A_55] : memref<50000x32xf32, #tpu.memory_space<hbm>> -> memref<50000x32xf32, #tpu.memory_space<hbm>>
      tpu.enqueue_indirect_dma source(%dma_start3A_56 : memref<50000x32xf32, #tpu.memory_space<hbm>>) target(%arg9 : memref<256x32xf32, #tpu.memory_space<vmem>>) offsets(%dma_start3A_49 : memref<256xi32, #tpu.memory_space<vmem>>) semaphore(%arg14 : memref<!tpu.dma_semaphore, #tpu.memory_space<semaphore_mem>>)
      %scan3A_57 = arith.constant 0 : i32
      %scan3A_58 = arith.constant 10 : i32
      %scan3A_59 = arith.addi %scan3A_57, %scan3A_58 : i32
      %scan3A_60 = arith.constant 1 : i32
      scf.for %scan3A_66 = %scan3A_57 to %scan3A_59 step %scan3A_60  : i32 {
        %mul3A_67 = arith.constant 512 : i32
        %mul3A_68 = arith.muli %scan3A_66, %mul3A_67 : i32
        %add3A_69 = arith.constant 0 : i32
        %add3A_70 = arith.addi %add3A_69, %mul3A_68 : i32
        %gt3A = arith.constant 0 : i32
        %gt3A_71 = arith.cmpi sgt, %add3A_70, %gt3A : i32
        %convert_element_type3A = arith.extui %gt3A_71 : i1 to i32
        %cond3A = arith.constant 0 : i32
        %cond3A_72 = arith.cmpi ne, %convert_element_type3A, %cond3A : i32
        scf.if %cond3A_72 {
          %sub3A = arith.constant 256 : i32
          %sub3A_121 = arith.subi %add3A_70, %sub3A : i32
          %dma_wait3A_122 = tpu.memref_slice %arg8[%sub3A_121] : memref<5120xi32, #tpu.memory_space<vmem>> -> memref<256xi32, #tpu.memory_space<vmem>>
          %dma_wait3A_123 = arith.constant 0 : i32
          %dma_wait3A_124 = arith.constant 0 : i32
          %dma_wait3A_125 = tpu.memref_slice %arg13[%dma_wait3A_123, %dma_wait3A_124] : memref<50048x32xf32, #tpu.memory_space<vmem_shared>> -> memref<50048x32xf32, #tpu.memory_space<vmem_shared>>
          tpu.wait_indirect_dma semaphore(%arg19 : memref<!tpu.dma_semaphore, #tpu.memory_space<semaphore_mem>>) src(%arg10 : memref<256x32xf32, #tpu.memory_space<vmem>>) dst(%dma_wait3A_125 : memref<50048x32xf32, #tpu.memory_space<vmem_shared>>)
        } else {
        }
        %add3A_73 = arith.constant 256 : i32
        %add3A_74 = arith.addi %add3A_70, %add3A_73 : i32
        %dma_start3A_75 = tpu.memref_slice %arg7[%add3A_74] : memref<5120xi32, #tpu.memory_space<vmem>> -> memref<256xi32, #tpu.memory_space<vmem>>
        %dma_start3A_76 = arith.constant 0 : i32
        %dma_start3A_77 = arith.constant 0 : i32
        %dma_start3A_78 = tpu.memref_slice %arg2[%add3A_21, %dma_start3A_76, %dma_start3A_77] : memref<4x50000x32xf32, #tpu.memory_space<hbm>> -> memref<1x50000x32xf32, #tpu.memory_space<hbm>>
        %dma_start3A_79 = tpu.memref_squeeze %dma_start3A_78 : memref<1x50000x32xf32, #tpu.memory_space<hbm>> -> memref<50000x32xf32, #tpu.memory_space<hbm>>
        %dma_start3A_80 = arith.constant 0 : i32
        %dma_start3A_81 = arith.constant 0 : i32
        %dma_start3A_82 = tpu.memref_slice %dma_start3A_79[%dma_start3A_80, %dma_start3A_81] : memref<50000x32xf32, #tpu.memory_space<hbm>> -> memref<50000x32xf32, #tpu.memory_space<hbm>>
        tpu.enqueue_indirect_dma source(%dma_start3A_82 : memref<50000x32xf32, #tpu.memory_space<hbm>>) target(%arg10 : memref<256x32xf32, #tpu.memory_space<vmem>>) offsets(%dma_start3A_75 : memref<256xi32, #tpu.memory_space<vmem>>) semaphore(%arg15 : memref<!tpu.dma_semaphore, #tpu.memory_space<semaphore_mem>>)
        %dma_wait3A_83 = tpu.memref_slice %arg7[%add3A_70] : memref<5120xi32, #tpu.memory_space<vmem>> -> memref<256xi32, #tpu.memory_space<vmem>>
        %dma_wait3A_84 = arith.constant 0 : i32
        %dma_wait3A_85 = arith.constant 0 : i32
        %dma_wait3A_86 = tpu.memref_slice %arg2[%add3A_21, %dma_wait3A_84, %dma_wait3A_85] : memref<4x50000x32xf32, #tpu.memory_space<hbm>> -> memref<1x50000x32xf32, #tpu.memory_space<hbm>>
        %dma_wait3A_87 = tpu.memref_squeeze %dma_wait3A_86 : memref<1x50000x32xf32, #tpu.memory_space<hbm>> -> memref<50000x32xf32, #tpu.memory_space<hbm>>
        %dma_wait3A_88 = arith.constant 0 : i32
        %dma_wait3A_89 = arith.constant 0 : i32
        %dma_wait3A_90 = tpu.memref_slice %dma_wait3A_87[%dma_wait3A_88, %dma_wait3A_89] : memref<50000x32xf32, #tpu.memory_space<hbm>> -> memref<50000x32xf32, #tpu.memory_space<hbm>>
        tpu.wait_indirect_dma semaphore(%arg14 : memref<!tpu.dma_semaphore, #tpu.memory_space<semaphore_mem>>) src(%dma_wait3A_90 : memref<50000x32xf32, #tpu.memory_space<hbm>>) dst(%arg9 : memref<256x32xf32, #tpu.memory_space<vmem>>)
        %dma_start3A_91 = tpu.memref_slice %arg8[%add3A_70] : memref<5120xi32, #tpu.memory_space<vmem>> -> memref<256xi32, #tpu.memory_space<vmem>>
        %dma_start3A_92 = arith.constant 0 : i32
        %dma_start3A_93 = arith.constant 0 : i32
        %dma_start3A_94 = tpu.memref_slice %arg13[%dma_start3A_92, %dma_start3A_93] : memref<50048x32xf32, #tpu.memory_space<vmem_shared>> -> memref<50048x32xf32, #tpu.memory_space<vmem_shared>>
        tpu.enqueue_indirect_dma source(%arg9 : memref<256x32xf32, #tpu.memory_space<vmem>>) target(%dma_start3A_94 : memref<50048x32xf32, #tpu.memory_space<vmem_shared>>) offsets(%dma_start3A_91 : memref<256xi32, #tpu.memory_space<vmem>>) semaphore(%arg18 : memref<!tpu.dma_semaphore, #tpu.memory_space<semaphore_mem>>) {add = true}
        %add3A_95 = arith.constant 256 : i32
        %add3A_96 = arith.addi %add3A_70, %add3A_95 : i32
        %dma_wait3A_97 = tpu.memref_slice %arg7[%add3A_96] : memref<5120xi32, #tpu.memory_space<vmem>> -> memref<256xi32, #tpu.memory_space<vmem>>
        %dma_wait3A_98 = arith.constant 0 : i32
        %dma_wait3A_99 = arith.constant 0 : i32
        %dma_wait3A_100 = tpu.memref_slice %arg2[%add3A_21, %dma_wait3A_98, %dma_wait3A_99] : memref<4x50000x32xf32, #tpu.memory_space<hbm>> -> memref<1x50000x32xf32, #tpu.memory_space<hbm>>
        %dma_wait3A_101 = tpu.memref_squeeze %dma_wait3A_100 : memref<1x50000x32xf32, #tpu.memory_space<hbm>> -> memref<50000x32xf32, #tpu.memory_space<hbm>>
        %dma_wait3A_102 = arith.constant 0 : i32
        %dma_wait3A_103 = arith.constant 0 : i32
        %dma_wait3A_104 = tpu.memref_slice %dma_wait3A_101[%dma_wait3A_102, %dma_wait3A_103] : memref<50000x32xf32, #tpu.memory_space<hbm>> -> memref<50000x32xf32, #tpu.memory_space<hbm>>
        tpu.wait_indirect_dma semaphore(%arg15 : memref<!tpu.dma_semaphore, #tpu.memory_space<semaphore_mem>>) src(%dma_wait3A_104 : memref<50000x32xf32, #tpu.memory_space<hbm>>) dst(%arg10 : memref<256x32xf32, #tpu.memory_space<vmem>>)
        %dma_wait3A_105 = tpu.memref_slice %arg8[%add3A_70] : memref<5120xi32, #tpu.memory_space<vmem>> -> memref<256xi32, #tpu.memory_space<vmem>>
        %dma_wait3A_106 = arith.constant 0 : i32
        %dma_wait3A_107 = arith.constant 0 : i32
        %dma_wait3A_108 = tpu.memref_slice %arg13[%dma_wait3A_106, %dma_wait3A_107] : memref<50048x32xf32, #tpu.memory_space<vmem_shared>> -> memref<50048x32xf32, #tpu.memory_space<vmem_shared>>
        tpu.wait_indirect_dma semaphore(%arg18 : memref<!tpu.dma_semaphore, #tpu.memory_space<semaphore_mem>>) src(%arg9 : memref<256x32xf32, #tpu.memory_space<vmem>>) dst(%dma_wait3A_108 : memref<50048x32xf32, #tpu.memory_space<vmem_shared>>)
        %add3A_109 = arith.constant 512 : i32
        %add3A_110 = arith.addi %add3A_70, %add3A_109 : i32
        %lt3A = arith.constant 5120 : i32
        %lt3A_111 = arith.cmpi slt, %add3A_110, %lt3A : i32
        %convert_element_type3A_112 = arith.extui %lt3A_111 : i1 to i32
        %cond3A_113 = arith.constant 0 : i32
        %cond3A_114 = arith.cmpi ne, %convert_element_type3A_112, %cond3A_113 : i32
        scf.if %cond3A_114 {
          %add3A_121 = arith.constant 512 : i32
          %add3A_122 = arith.addi %add3A_70, %add3A_121 : i32
          %dma_start3A_123 = tpu.memref_slice %arg7[%add3A_122] : memref<5120xi32, #tpu.memory_space<vmem>> -> memref<256xi32, #tpu.memory_space<vmem>>
          %dma_start3A_124 = arith.constant 0 : i32
          %dma_start3A_125 = arith.constant 0 : i32
          %dma_start3A_126 = tpu.memref_slice %arg2[%add3A_21, %dma_start3A_124, %dma_start3A_125] : memref<4x50000x32xf32, #tpu.memory_space<hbm>> -> memref<1x50000x32xf32, #tpu.memory_space<hbm>>
          %dma_start3A_127 = tpu.memref_squeeze %dma_start3A_126 : memref<1x50000x32xf32, #tpu.memory_space<hbm>> -> memref<50000x32xf32, #tpu.memory_space<hbm>>
          %dma_start3A_128 = arith.constant 0 : i32
          %dma_start3A_129 = arith.constant 0 : i32
          %dma_start3A_130 = tpu.memref_slice %dma_start3A_127[%dma_start3A_128, %dma_start3A_129] : memref<50000x32xf32, #tpu.memory_space<hbm>> -> memref<50000x32xf32, #tpu.memory_space<hbm>>
          tpu.enqueue_indirect_dma source(%dma_start3A_130 : memref<50000x32xf32, #tpu.memory_space<hbm>>) target(%arg9 : memref<256x32xf32, #tpu.memory_space<vmem>>) offsets(%dma_start3A_123 : memref<256xi32, #tpu.memory_space<vmem>>) semaphore(%arg14 : memref<!tpu.dma_semaphore, #tpu.memory_space<semaphore_mem>>)
        } else {
        }
        %add3A_115 = arith.constant 256 : i32
        %add3A_116 = arith.addi %add3A_70, %add3A_115 : i32
        %dma_start3A_117 = tpu.memref_slice %arg8[%add3A_116] : memref<5120xi32, #tpu.memory_space<vmem>> -> memref<256xi32, #tpu.memory_space<vmem>>
        %dma_start3A_118 = arith.constant 0 : i32
        %dma_start3A_119 = arith.constant 0 : i32
        %dma_start3A_120 = tpu.memref_slice %arg13[%dma_start3A_118, %dma_start3A_119] : memref<50048x32xf32, #tpu.memory_space<vmem_shared>> -> memref<50048x32xf32, #tpu.memory_space<vmem_shared>>
        tpu.enqueue_indirect_dma source(%arg10 : memref<256x32xf32, #tpu.memory_space<vmem>>) target(%dma_start3A_120 : memref<50048x32xf32, #tpu.memory_space<vmem_shared>>) offsets(%dma_start3A_117 : memref<256xi32, #tpu.memory_space<vmem>>) semaphore(%arg19 : memref<!tpu.dma_semaphore, #tpu.memory_space<semaphore_mem>>) {add = true}
      }
      %scan3A_61 = arith.constant 10 : i32
      %dma_wait3A = arith.constant 4864 : i32
      %dma_wait3A_62 = tpu.memref_slice %arg8[%dma_wait3A] : memref<5120xi32, #tpu.memory_space<vmem>> -> memref<256xi32, #tpu.memory_space<vmem>>
      %dma_wait3A_63 = arith.constant 0 : i32
      %dma_wait3A_64 = arith.constant 0 : i32
      %dma_wait3A_65 = tpu.memref_slice %arg13[%dma_wait3A_63, %dma_wait3A_64] : memref<50048x32xf32, #tpu.memory_space<vmem_shared>> -> memref<50048x32xf32, #tpu.memory_space<vmem_shared>>
      tpu.wait_indirect_dma semaphore(%arg19 : memref<!tpu.dma_semaphore, #tpu.memory_space<semaphore_mem>>) src(%arg10 : memref<256x32xf32, #tpu.memory_space<vmem>>) dst(%dma_wait3A_65 : memref<50048x32xf32, #tpu.memory_space<vmem_shared>>)
    }
    %scan3A_31 = arith.constant 10 : i32
    %barrier3A_32 = arith.constant 0 : index
    tpu.barrier barrier_id(%barrier3A_32)
    %mul3A_33 = arith.constant 3128 : i32
    %mul3A_34 = arith.muli %arg1, %mul3A_33 : i32
    %mul3A_35 = arith.constant 3128 : i32
    %mul3A_36 = arith.muli %arg1, %mul3A_35 : i32
    "tpu.region"() ({
      %run_scoped3A = tpu.sem_alloc : memref<!tpu.dma_semaphore, #tpu.memory_space<semaphore_mem>>
      %dma_start3A = arith.constant 0 : i32
      %dma_start3A_38 = arith.constant 0 : i32
      %dma_start3A_39 = tpu.memref_slice %arg6[%add3A_21, %dma_start3A, %dma_start3A_38] : memref<4x50048x32xf32, #tpu.memory_space<hbm>> -> memref<1x50048x32xf32, #tpu.memory_space<hbm>>
      %dma_start3A_40 = tpu.memref_squeeze %dma_start3A_39 : memref<1x50048x32xf32, #tpu.memory_space<hbm>> -> memref<50048x32xf32, #tpu.memory_space<hbm>>
      %dma_start3A_41 = arith.constant 0 : i32
      %dma_start3A_42 = tpu.memref_slice %dma_start3A_40[%mul3A_36, %dma_start3A_41] : memref<50048x32xf32, #tpu.memory_space<hbm>> -> memref<3128x32xf32, #tpu.memory_space<hbm>>
      %dma_start3A_43 = arith.constant 0 : i32
      %dma_start3A_44 = tpu.memref_slice %arg13[%mul3A_34, %dma_start3A_43] : memref<50048x32xf32, #tpu.memory_space<vmem_shared>> -> memref<3128x32xf32, #tpu.memory_space<vmem_shared>>
      tpu.enqueue_dma source(%dma_start3A_44 : memref<3128x32xf32, #tpu.memory_space<vmem_shared>>) target(%dma_start3A_42 : memref<3128x32xf32, #tpu.memory_space<hbm>>) target_semaphore(%run_scoped3A : memref<!tpu.dma_semaphore, #tpu.memory_space<semaphore_mem>>)
      %dma_wait3A = arith.constant 0 : i32
      %dma_wait3A_45 = arith.constant 0 : i32
      %dma_wait3A_46 = tpu.memref_slice %arg6[%add3A_21, %dma_wait3A, %dma_wait3A_45] : memref<4x50048x32xf32, #tpu.memory_space<hbm>> -> memref<1x50048x32xf32, #tpu.memory_space<hbm>>
      %dma_wait3A_47 = tpu.memref_squeeze %dma_wait3A_46 : memref<1x50048x32xf32, #tpu.memory_space<hbm>> -> memref<50048x32xf32, #tpu.memory_space<hbm>>
      %dma_wait3A_48 = arith.constant 0 : i32
      %dma_wait3A_49 = tpu.memref_slice %dma_wait3A_47[%mul3A_36, %dma_wait3A_48] : memref<50048x32xf32, #tpu.memory_space<hbm>> -> memref<3128x32xf32, #tpu.memory_space<hbm>>
      %dma_wait3A_50 = arith.constant 0 : i32
      %dma_wait3A_51 = tpu.memref_slice %arg13[%mul3A_34, %dma_wait3A_50] : memref<50048x32xf32, #tpu.memory_space<vmem_shared>> -> memref<3128x32xf32, #tpu.memory_space<vmem_shared>>
      tpu.wait_dma2 semaphore(%run_scoped3A : memref<!tpu.dma_semaphore, #tpu.memory_space<semaphore_mem>>) src(%dma_wait3A_51 : memref<3128x32xf32, #tpu.memory_space<vmem_shared>>) dst(%dma_wait3A_49 : memref<3128x32xf32, #tpu.memory_space<hbm>>)
      tpu.yield
    }) : () -> ()
    %barrier3A_37 = arith.constant 0 : index
    tpu.barrier barrier_id(%barrier3A_37)
    return
  }
}

#map = affine_map<(d0, d1) -> (0, 0, 0)>
#map1 = affine_map<(d0, d1) -> (0)>
#map2 = affine_map<(d0, d1) -> (0, 0)>
module attributes {stable_mosaic.version = 14 : i64} {
  func.func @k(%arg0: i32, %arg1: i32, %arg2: memref<4x50000x32xf32, #tpu.memory_space<hbm>>, %arg3: memref<819200xi32, #tpu.memory_space<hbm>>, %arg4: memref<819200xi32, #tpu.memory_space<hbm>>, %arg5: memref<50048x32xf32, #tpu.memory_space<hbm>>, %arg6: memref<4x50048x32xf32, #tpu.memory_space<hbm>>, %arg7: memref<5120xi32, #tpu.memory_space<vmem>>, %arg8: memref<5120xi32, #tpu.memory_space<vmem>>, %arg9: memref<256x32xf32, #tpu.memory_space<vmem>>, %arg10: memref<256x32xf32, #tpu.memory_space<vmem>>, %arg11: memref<1x32xf32, #tpu.memory_space<vmem>>, %arg12: memref<1x32xf32, #tpu.memory_space<vmem>>, %arg13: memref<50048x32xf32, #tpu.memory_space<vmem_shared>>, %arg14: memref<!tpu.dma_semaphore, #tpu.memory_space<semaphore_mem>>, %arg15: memref<!tpu.dma_semaphore, #tpu.memory_space<semaphore_mem>>, %arg16: memref<!tpu.dma_semaphore, #tpu.memory_space<semaphore_mem>>, %arg17: memref<!tpu.dma_semaphore, #tpu.memory_space<semaphore_mem>>, %arg18: memref<!tpu.dma_semaphore, #tpu.memory_space<semaphore_mem>>, %arg19: memref<!tpu.dma_semaphore, #tpu.memory_space<semaphore_mem>>, %arg20: memref<!tpu.dma_semaphore, #tpu.memory_space<semaphore_mem>>, %arg21: memref<!tpu.dma_semaphore, #tpu.memory_space<semaphore_mem>>) attributes {dimension_semantics = [#tpu.dimension_semantics<core_parallel>, #tpu.dimension_semantics<subcore_parallel>], iteration_bounds = array<i64: 2, 16>, scalar_prefetch = 0 : i64, scratch_operands = 15 : i64, tpu.core_type = #tpu.core_type<sc_vector_subcore>, window_params = [{transform_indices = #map}, {transform_indices = #map1}, {transform_indices = #map1}, {transform_indices = #map2}, {transform_indices = #map}]} {
    %mul3A = arith.constant 400 : i32
    %mul3A_0 = arith.muli %arg1, %mul3A : i32
    %mul3A_1 = arith.constant 2 : i32
    %mul3A_2 = arith.muli %arg0, %mul3A_1 : i32
    %add3A = arith.constant 0 : i32
    %add3A_3 = arith.addi %mul3A_2, %add3A : i32
    %mul3A_4 = arith.constant 3128 : i32
    %mul3A_5 = arith.muli %arg1, %mul3A_4 : i32
    %mul3A_6 = arith.constant 3128 : i32
    %mul3A_7 = arith.muli %arg1, %mul3A_6 : i32
    "tpu.region"() ({
      %run_scoped3A = tpu.sem_alloc : memref<!tpu.dma_semaphore, #tpu.memory_space<semaphore_mem>>
      %dma_start3A = arith.constant 0 : i32
      %dma_start3A_38 = tpu.memref_slice %arg13[%mul3A_7, %dma_start3A] : memref<50048x32xf32, #tpu.memory_space<vmem_shared>> -> memref<3128x32xf32, #tpu.memory_space<vmem_shared>>
      %dma_start3A_39 = arith.constant 0 : i32
      %dma_start3A_40 = tpu.memref_slice %arg5[%mul3A_5, %dma_start3A_39] : memref<50048x32xf32, #tpu.memory_space<hbm>> -> memref<3128x32xf32, #tpu.memory_space<hbm>>
      tpu.enqueue_dma source(%dma_start3A_40 : memref<3128x32xf32, #tpu.memory_space<hbm>>) target(%dma_start3A_38 : memref<3128x32xf32, #tpu.memory_space<vmem_shared>>) target_semaphore(%run_scoped3A : memref<!tpu.dma_semaphore, #tpu.memory_space<semaphore_mem>>)
      %dma_wait3A = arith.constant 0 : i32
      %dma_wait3A_41 = tpu.memref_slice %arg13[%mul3A_7, %dma_wait3A] : memref<50048x32xf32, #tpu.memory_space<vmem_shared>> -> memref<3128x32xf32, #tpu.memory_space<vmem_shared>>
      %dma_wait3A_42 = arith.constant 0 : i32
      %dma_wait3A_43 = tpu.memref_slice %arg5[%mul3A_5, %dma_wait3A_42] : memref<50048x32xf32, #tpu.memory_space<hbm>> -> memref<3128x32xf32, #tpu.memory_space<hbm>>
      tpu.wait_dma2 semaphore(%run_scoped3A : memref<!tpu.dma_semaphore, #tpu.memory_space<semaphore_mem>>) src(%dma_wait3A_43 : memref<3128x32xf32, #tpu.memory_space<hbm>>) dst(%dma_wait3A_41 : memref<3128x32xf32, #tpu.memory_space<vmem_shared>>)
      tpu.yield
    }) : () -> ()
    %barrier3A = arith.constant 0 : index
    tpu.barrier barrier_id(%barrier3A)
    %scan3A = arith.constant 0 : i32
    %scan3A_8 = arith.constant 10 : i32
    %scan3A_9 = arith.addi %scan3A, %scan3A_8 : i32
    %scan3A_10 = arith.constant 1 : i32
    scf.for %scan3A_38 = %scan3A to %scan3A_9 step %scan3A_10  : i32 {
      %mul3A_39 = arith.constant 40 : i32
      %mul3A_40 = arith.muli %scan3A_38, %mul3A_39 : i32
      %add3A_41 = arith.constant 0 : i32
      %add3A_42 = arith.addi %add3A_41, %mul3A_40 : i32
      %add3A_43 = arith.addi %mul3A_0, %add3A_42 : i32
      %mul3A_44 = arith.constant 128 : i32
      %mul3A_45 = arith.muli %add3A_43, %mul3A_44 : i32
      "tpu.region"() ({
        %run_scoped3A = tpu.sem_alloc : memref<!tpu.dma_semaphore, #tpu.memory_space<semaphore_mem>>
        %dma_start3A_66 = tpu.memref_slice %arg3[%mul3A_45] : memref<819200xi32, #tpu.memory_space<hbm>> -> memref<5120xi32, #tpu.memory_space<hbm>>
        %dma_start3A_67 = tpu.memref_slice %arg3[%mul3A_45] : memref<819200xi32, #tpu.memory_space<hbm>> -> memref<5120xi32, #tpu.memory_space<hbm>>
        tpu.enqueue_dma source(%dma_start3A_67 : memref<5120xi32, #tpu.memory_space<hbm>>) target(%arg7 : memref<5120xi32, #tpu.memory_space<vmem>>) target_semaphore(%run_scoped3A : memref<!tpu.dma_semaphore, #tpu.memory_space<semaphore_mem>>)
        %dma_wait3A_68 = tpu.memref_slice %arg3[%mul3A_45] : memref<819200xi32, #tpu.memory_space<hbm>> -> memref<5120xi32, #tpu.memory_space<hbm>>
        %dma_wait3A_69 = tpu.memref_slice %arg3[%mul3A_45] : memref<819200xi32, #tpu.memory_space<hbm>> -> memref<5120xi32, #tpu.memory_space<hbm>>
        tpu.wait_dma2 semaphore(%run_scoped3A : memref<!tpu.dma_semaphore, #tpu.memory_space<semaphore_mem>>) src(%dma_wait3A_69 : memref<5120xi32, #tpu.memory_space<hbm>>) dst(%arg7 : memref<5120xi32, #tpu.memory_space<vmem>>)
        tpu.yield
      }) : () -> ()
      %add3A_46 = arith.addi %mul3A_0, %add3A_42 : i32
      %mul3A_47 = arith.constant 128 : i32
      %mul3A_48 = arith.muli %add3A_46, %mul3A_47 : i32
      "tpu.region"() ({
        %run_scoped3A = tpu.sem_alloc : memref<!tpu.dma_semaphore, #tpu.memory_space<semaphore_mem>>
        %dma_start3A_66 = tpu.memref_slice %arg4[%mul3A_48] : memref<819200xi32, #tpu.memory_space<hbm>> -> memref<5120xi32, #tpu.memory_space<hbm>>
        %dma_start3A_67 = tpu.memref_slice %arg4[%mul3A_48] : memref<819200xi32, #tpu.memory_space<hbm>> -> memref<5120xi32, #tpu.memory_space<hbm>>
        tpu.enqueue_dma source(%dma_start3A_67 : memref<5120xi32, #tpu.memory_space<hbm>>) target(%arg8 : memref<5120xi32, #tpu.memory_space<vmem>>) target_semaphore(%run_scoped3A : memref<!tpu.dma_semaphore, #tpu.memory_space<semaphore_mem>>)
        %dma_wait3A_68 = tpu.memref_slice %arg4[%mul3A_48] : memref<819200xi32, #tpu.memory_space<hbm>> -> memref<5120xi32, #tpu.memory_space<hbm>>
        %dma_wait3A_69 = tpu.memref_slice %arg4[%mul3A_48] : memref<819200xi32, #tpu.memory_space<hbm>> -> memref<5120xi32, #tpu.memory_space<hbm>>
        tpu.wait_dma2 semaphore(%run_scoped3A : memref<!tpu.dma_semaphore, #tpu.memory_space<semaphore_mem>>) src(%dma_wait3A_69 : memref<5120xi32, #tpu.memory_space<hbm>>) dst(%arg8 : memref<5120xi32, #tpu.memory_space<vmem>>)
        tpu.yield
      }) : () -> ()
      %dma_start3A = arith.constant 0 : i32
      %dma_start3A_49 = tpu.memref_slice %arg7[%dma_start3A] : memref<5120xi32, #tpu.memory_space<vmem>> -> memref<256xi32, #tpu.memory_space<vmem>>
      %dma_start3A_50 = arith.constant 0 : i32
      %dma_start3A_51 = arith.constant 0 : i32
      %dma_start3A_52 = tpu.memref_slice %arg2[%add3A_3, %dma_start3A_50, %dma_start3A_51] : memref<4x50000x32xf32, #tpu.memory_space<hbm>> -> memref<1x50000x32xf32, #tpu.memory_space<hbm>>
      %dma_start3A_53 = tpu.memref_squeeze %dma_start3A_52 : memref<1x50000x32xf32, #tpu.memory_space<hbm>> -> memref<50000x32xf32, #tpu.memory_space<hbm>>
      %dma_start3A_54 = arith.constant 0 : i32
      %dma_start3A_55 = arith.constant 0 : i32
      %dma_start3A_56 = tpu.memref_slice %dma_start3A_53[%dma_start3A_54, %dma_start3A_55] : memref<50000x32xf32, #tpu.memory_space<hbm>> -> memref<50000x32xf32, #tpu.memory_space<hbm>>
      tpu.enqueue_indirect_dma source(%dma_start3A_56 : memref<50000x32xf32, #tpu.memory_space<hbm>>) target(%arg9 : memref<256x32xf32, #tpu.memory_space<vmem>>) offsets(%dma_start3A_49 : memref<256xi32, #tpu.memory_space<vmem>>) semaphore(%arg14 : memref<!tpu.dma_semaphore, #tpu.memory_space<semaphore_mem>>)
      %scan3A_57 = arith.constant 0 : i32
      %scan3A_58 = arith.constant 10 : i32
      %scan3A_59 = arith.addi %scan3A_57, %scan3A_58 : i32
      %scan3A_60 = arith.constant 1 : i32
      scf.for %scan3A_66 = %scan3A_57 to %scan3A_59 step %scan3A_60  : i32 {
        %mul3A_67 = arith.constant 512 : i32
        %mul3A_68 = arith.muli %scan3A_66, %mul3A_67 : i32
        %add3A_69 = arith.constant 0 : i32
        %add3A_70 = arith.addi %add3A_69, %mul3A_68 : i32
        %gt3A = arith.constant 0 : i32
        %gt3A_71 = arith.cmpi sgt, %add3A_70, %gt3A : i32
        %convert_element_type3A = arith.extui %gt3A_71 : i1 to i32
        %cond3A = arith.constant 0 : i32
        %cond3A_72 = arith.cmpi ne, %convert_element_type3A, %cond3A : i32
        scf.if %cond3A_72 {
          %sub3A = arith.constant 256 : i32
          %sub3A_121 = arith.subi %add3A_70, %sub3A : i32
          %dma_wait3A_122 = tpu.memref_slice %arg8[%sub3A_121] : memref<5120xi32, #tpu.memory_space<vmem>> -> memref<256xi32, #tpu.memory_space<vmem>>
          %dma_wait3A_123 = arith.constant 0 : i32
          %dma_wait3A_124 = arith.constant 0 : i32
          %dma_wait3A_125 = tpu.memref_slice %arg13[%dma_wait3A_123, %dma_wait3A_124] : memref<50048x32xf32, #tpu.memory_space<vmem_shared>> -> memref<50048x32xf32, #tpu.memory_space<vmem_shared>>
          tpu.wait_indirect_dma semaphore(%arg19 : memref<!tpu.dma_semaphore, #tpu.memory_space<semaphore_mem>>) src(%arg10 : memref<256x32xf32, #tpu.memory_space<vmem>>) dst(%dma_wait3A_125 : memref<50048x32xf32, #tpu.memory_space<vmem_shared>>)
        } else {
        }
        %add3A_73 = arith.constant 256 : i32
        %add3A_74 = arith.addi %add3A_70, %add3A_73 : i32
        %dma_start3A_75 = tpu.memref_slice %arg7[%add3A_74] : memref<5120xi32, #tpu.memory_space<vmem>> -> memref<256xi32, #tpu.memory_space<vmem>>
        %dma_start3A_76 = arith.constant 0 : i32
        %dma_start3A_77 = arith.constant 0 : i32
        %dma_start3A_78 = tpu.memref_slice %arg2[%add3A_3, %dma_start3A_76, %dma_start3A_77] : memref<4x50000x32xf32, #tpu.memory_space<hbm>> -> memref<1x50000x32xf32, #tpu.memory_space<hbm>>
        %dma_start3A_79 = tpu.memref_squeeze %dma_start3A_78 : memref<1x50000x32xf32, #tpu.memory_space<hbm>> -> memref<50000x32xf32, #tpu.memory_space<hbm>>
        %dma_start3A_80 = arith.constant 0 : i32
        %dma_start3A_81 = arith.constant 0 : i32
        %dma_start3A_82 = tpu.memref_slice %dma_start3A_79[%dma_start3A_80, %dma_start3A_81] : memref<50000x32xf32, #tpu.memory_space<hbm>> -> memref<50000x32xf32, #tpu.memory_space<hbm>>
        tpu.enqueue_indirect_dma source(%dma_start3A_82 : memref<50000x32xf32, #tpu.memory_space<hbm>>) target(%arg10 : memref<256x32xf32, #tpu.memory_space<vmem>>) offsets(%dma_start3A_75 : memref<256xi32, #tpu.memory_space<vmem>>) semaphore(%arg15 : memref<!tpu.dma_semaphore, #tpu.memory_space<semaphore_mem>>)
        %dma_wait3A_83 = tpu.memref_slice %arg7[%add3A_70] : memref<5120xi32, #tpu.memory_space<vmem>> -> memref<256xi32, #tpu.memory_space<vmem>>
        %dma_wait3A_84 = arith.constant 0 : i32
        %dma_wait3A_85 = arith.constant 0 : i32
        %dma_wait3A_86 = tpu.memref_slice %arg2[%add3A_3, %dma_wait3A_84, %dma_wait3A_85] : memref<4x50000x32xf32, #tpu.memory_space<hbm>> -> memref<1x50000x32xf32, #tpu.memory_space<hbm>>
        %dma_wait3A_87 = tpu.memref_squeeze %dma_wait3A_86 : memref<1x50000x32xf32, #tpu.memory_space<hbm>> -> memref<50000x32xf32, #tpu.memory_space<hbm>>
        %dma_wait3A_88 = arith.constant 0 : i32
        %dma_wait3A_89 = arith.constant 0 : i32
        %dma_wait3A_90 = tpu.memref_slice %dma_wait3A_87[%dma_wait3A_88, %dma_wait3A_89] : memref<50000x32xf32, #tpu.memory_space<hbm>> -> memref<50000x32xf32, #tpu.memory_space<hbm>>
        tpu.wait_indirect_dma semaphore(%arg14 : memref<!tpu.dma_semaphore, #tpu.memory_space<semaphore_mem>>) src(%dma_wait3A_90 : memref<50000x32xf32, #tpu.memory_space<hbm>>) dst(%arg9 : memref<256x32xf32, #tpu.memory_space<vmem>>)
        %dma_start3A_91 = tpu.memref_slice %arg8[%add3A_70] : memref<5120xi32, #tpu.memory_space<vmem>> -> memref<256xi32, #tpu.memory_space<vmem>>
        %dma_start3A_92 = arith.constant 0 : i32
        %dma_start3A_93 = arith.constant 0 : i32
        %dma_start3A_94 = tpu.memref_slice %arg13[%dma_start3A_92, %dma_start3A_93] : memref<50048x32xf32, #tpu.memory_space<vmem_shared>> -> memref<50048x32xf32, #tpu.memory_space<vmem_shared>>
        tpu.enqueue_indirect_dma source(%arg9 : memref<256x32xf32, #tpu.memory_space<vmem>>) target(%dma_start3A_94 : memref<50048x32xf32, #tpu.memory_space<vmem_shared>>) offsets(%dma_start3A_91 : memref<256xi32, #tpu.memory_space<vmem>>) semaphore(%arg18 : memref<!tpu.dma_semaphore, #tpu.memory_space<semaphore_mem>>) {add = true}
        %add3A_95 = arith.constant 256 : i32
        %add3A_96 = arith.addi %add3A_70, %add3A_95 : i32
        %dma_wait3A_97 = tpu.memref_slice %arg7[%add3A_96] : memref<5120xi32, #tpu.memory_space<vmem>> -> memref<256xi32, #tpu.memory_space<vmem>>
        %dma_wait3A_98 = arith.constant 0 : i32
        %dma_wait3A_99 = arith.constant 0 : i32
        %dma_wait3A_100 = tpu.memref_slice %arg2[%add3A_3, %dma_wait3A_98, %dma_wait3A_99] : memref<4x50000x32xf32, #tpu.memory_space<hbm>> -> memref<1x50000x32xf32, #tpu.memory_space<hbm>>
        %dma_wait3A_101 = tpu.memref_squeeze %dma_wait3A_100 : memref<1x50000x32xf32, #tpu.memory_space<hbm>> -> memref<50000x32xf32, #tpu.memory_space<hbm>>
        %dma_wait3A_102 = arith.constant 0 : i32
        %dma_wait3A_103 = arith.constant 0 : i32
        %dma_wait3A_104 = tpu.memref_slice %dma_wait3A_101[%dma_wait3A_102, %dma_wait3A_103] : memref<50000x32xf32, #tpu.memory_space<hbm>> -> memref<50000x32xf32, #tpu.memory_space<hbm>>
        tpu.wait_indirect_dma semaphore(%arg15 : memref<!tpu.dma_semaphore, #tpu.memory_space<semaphore_mem>>) src(%dma_wait3A_104 : memref<50000x32xf32, #tpu.memory_space<hbm>>) dst(%arg10 : memref<256x32xf32, #tpu.memory_space<vmem>>)
        %dma_wait3A_105 = tpu.memref_slice %arg8[%add3A_70] : memref<5120xi32, #tpu.memory_space<vmem>> -> memref<256xi32, #tpu.memory_space<vmem>>
        %dma_wait3A_106 = arith.constant 0 : i32
        %dma_wait3A_107 = arith.constant 0 : i32
        %dma_wait3A_108 = tpu.memref_slice %arg13[%dma_wait3A_106, %dma_wait3A_107] : memref<50048x32xf32, #tpu.memory_space<vmem_shared>> -> memref<50048x32xf32, #tpu.memory_space<vmem_shared>>
        tpu.wait_indirect_dma semaphore(%arg18 : memref<!tpu.dma_semaphore, #tpu.memory_space<semaphore_mem>>) src(%arg9 : memref<256x32xf32, #tpu.memory_space<vmem>>) dst(%dma_wait3A_108 : memref<50048x32xf32, #tpu.memory_space<vmem_shared>>)
        %add3A_109 = arith.constant 512 : i32
        %add3A_110 = arith.addi %add3A_70, %add3A_109 : i32
        %lt3A = arith.constant 5120 : i32
        %lt3A_111 = arith.cmpi slt, %add3A_110, %lt3A : i32
        %convert_element_type3A_112 = arith.extui %lt3A_111 : i1 to i32
        %cond3A_113 = arith.constant 0 : i32
        %cond3A_114 = arith.cmpi ne, %convert_element_type3A_112, %cond3A_113 : i32
        scf.if %cond3A_114 {
          %add3A_121 = arith.constant 512 : i32
          %add3A_122 = arith.addi %add3A_70, %add3A_121 : i32
          %dma_start3A_123 = tpu.memref_slice %arg7[%add3A_122] : memref<5120xi32, #tpu.memory_space<vmem>> -> memref<256xi32, #tpu.memory_space<vmem>>
          %dma_start3A_124 = arith.constant 0 : i32
          %dma_start3A_125 = arith.constant 0 : i32
          %dma_start3A_126 = tpu.memref_slice %arg2[%add3A_3, %dma_start3A_124, %dma_start3A_125] : memref<4x50000x32xf32, #tpu.memory_space<hbm>> -> memref<1x50000x32xf32, #tpu.memory_space<hbm>>
          %dma_start3A_127 = tpu.memref_squeeze %dma_start3A_126 : memref<1x50000x32xf32, #tpu.memory_space<hbm>> -> memref<50000x32xf32, #tpu.memory_space<hbm>>
          %dma_start3A_128 = arith.constant 0 : i32
          %dma_start3A_129 = arith.constant 0 : i32
          %dma_start3A_130 = tpu.memref_slice %dma_start3A_127[%dma_start3A_128, %dma_start3A_129] : memref<50000x32xf32, #tpu.memory_space<hbm>> -> memref<50000x32xf32, #tpu.memory_space<hbm>>
          tpu.enqueue_indirect_dma source(%dma_start3A_130 : memref<50000x32xf32, #tpu.memory_space<hbm>>) target(%arg9 : memref<256x32xf32, #tpu.memory_space<vmem>>) offsets(%dma_start3A_123 : memref<256xi32, #tpu.memory_space<vmem>>) semaphore(%arg14 : memref<!tpu.dma_semaphore, #tpu.memory_space<semaphore_mem>>)
        } else {
        }
        %add3A_115 = arith.constant 256 : i32
        %add3A_116 = arith.addi %add3A_70, %add3A_115 : i32
        %dma_start3A_117 = tpu.memref_slice %arg8[%add3A_116] : memref<5120xi32, #tpu.memory_space<vmem>> -> memref<256xi32, #tpu.memory_space<vmem>>
        %dma_start3A_118 = arith.constant 0 : i32
        %dma_start3A_119 = arith.constant 0 : i32
        %dma_start3A_120 = tpu.memref_slice %arg13[%dma_start3A_118, %dma_start3A_119] : memref<50048x32xf32, #tpu.memory_space<vmem_shared>> -> memref<50048x32xf32, #tpu.memory_space<vmem_shared>>
        tpu.enqueue_indirect_dma source(%arg10 : memref<256x32xf32, #tpu.memory_space<vmem>>) target(%dma_start3A_120 : memref<50048x32xf32, #tpu.memory_space<vmem_shared>>) offsets(%dma_start3A_117 : memref<256xi32, #tpu.memory_space<vmem>>) semaphore(%arg19 : memref<!tpu.dma_semaphore, #tpu.memory_space<semaphore_mem>>) {add = true}
      }
      %scan3A_61 = arith.constant 10 : i32
      %dma_wait3A = arith.constant 4864 : i32
      %dma_wait3A_62 = tpu.memref_slice %arg8[%dma_wait3A] : memref<5120xi32, #tpu.memory_space<vmem>> -> memref<256xi32, #tpu.memory_space<vmem>>
      %dma_wait3A_63 = arith.constant 0 : i32
      %dma_wait3A_64 = arith.constant 0 : i32
      %dma_wait3A_65 = tpu.memref_slice %arg13[%dma_wait3A_63, %dma_wait3A_64] : memref<50048x32xf32, #tpu.memory_space<vmem_shared>> -> memref<50048x32xf32, #tpu.memory_space<vmem_shared>>
      tpu.wait_indirect_dma semaphore(%arg19 : memref<!tpu.dma_semaphore, #tpu.memory_space<semaphore_mem>>) src(%arg10 : memref<256x32xf32, #tpu.memory_space<vmem>>) dst(%dma_wait3A_65 : memref<50048x32xf32, #tpu.memory_space<vmem_shared>>)
    }
    %scan3A_11 = arith.constant 10 : i32
    %barrier3A_12 = arith.constant 0 : index
    tpu.barrier barrier_id(%barrier3A_12)
    %mul3A_13 = arith.constant 3128 : i32
    %mul3A_14 = arith.muli %arg1, %mul3A_13 : i32
    %mul3A_15 = arith.constant 3128 : i32
    %mul3A_16 = arith.muli %arg1, %mul3A_15 : i32
    "tpu.region"() ({
      %run_scoped3A = tpu.sem_alloc : memref<!tpu.dma_semaphore, #tpu.memory_space<semaphore_mem>>
      %dma_start3A = arith.constant 0 : i32
      %dma_start3A_38 = arith.constant 0 : i32
      %dma_start3A_39 = tpu.memref_slice %arg6[%add3A_3, %dma_start3A, %dma_start3A_38] : memref<4x50048x32xf32, #tpu.memory_space<hbm>> -> memref<1x50048x32xf32, #tpu.memory_space<hbm>>
      %dma_start3A_40 = tpu.memref_squeeze %dma_start3A_39 : memref<1x50048x32xf32, #tpu.memory_space<hbm>> -> memref<50048x32xf32, #tpu.memory_space<hbm>>
      %dma_start3A_41 = arith.constant 0 : i32
      %dma_start3A_42 = tpu.memref_slice %dma_start3A_40[%mul3A_16, %dma_start3A_41] : memref<50048x32xf32, #tpu.memory_space<hbm>> -> memref<3128x32xf32, #tpu.memory_space<hbm>>
      %dma_start3A_43 = arith.constant 0 : i32
      %dma_start3A_44 = tpu.memref_slice %arg13[%mul3A_14, %dma_start3A_43] : memref<50048x32xf32, #tpu.memory_space<vmem_shared>> -> memref<3128x32xf32, #tpu.memory_space<vmem_shared>>
      tpu.enqueue_dma source(%dma_start3A_44 : memref<3128x32xf32, #tpu.memory_space<vmem_shared>>) target(%dma_start3A_42 : memref<3128x32xf32, #tpu.memory_space<hbm>>) target_semaphore(%run_scoped3A : memref<!tpu.dma_semaphore, #tpu.memory_space<semaphore_mem>>)
      %dma_wait3A = arith.constant 0 : i32
      %dma_wait3A_45 = arith.constant 0 : i32
      %dma_wait3A_46 = tpu.memref_slice %arg6[%add3A_3, %dma_wait3A, %dma_wait3A_45] : memref<4x50048x32xf32, #tpu.memory_space<hbm>> -> memref<1x50048x32xf32, #tpu.memory_space<hbm>>
      %dma_wait3A_47 = tpu.memref_squeeze %dma_wait3A_46 : memref<1x50048x32xf32, #tpu.memory_space<hbm>> -> memref<50048x32xf32, #tpu.memory_space<hbm>>
      %dma_wait3A_48 = arith.constant 0 : i32
      %dma_wait3A_49 = tpu.memref_slice %dma_wait3A_47[%mul3A_16, %dma_wait3A_48] : memref<50048x32xf32, #tpu.memory_space<hbm>> -> memref<3128x32xf32, #tpu.memory_space<hbm>>
      %dma_wait3A_50 = arith.constant 0 : i32
      %dma_wait3A_51 = tpu.memref_slice %arg13[%mul3A_14, %dma_wait3A_50] : memref<50048x32xf32, #tpu.memory_space<vmem_shared>> -> memref<3128x32xf32, #tpu.memory_space<vmem_shared>>
      tpu.wait_dma2 semaphore(%run_scoped3A : memref<!tpu.dma_semaphore, #tpu.memory_space<semaphore_mem>>) src(%dma_wait3A_51 : memref<3128x32xf32, #tpu.memory_space<vmem_shared>>) dst(%dma_wait3A_49 : memref<3128x32xf32, #tpu.memory_space<hbm>>)
      tpu.yield
    }) : () -> ()
    %barrier3A_17 = arith.constant 0 : index
    tpu.barrier barrier_id(%barrier3A_17)
    %mul3A_18 = arith.constant 2 : i32
    %mul3A_19 = arith.muli %arg0, %mul3A_18 : i32
    %add3A_20 = arith.constant 1 : i32
    %add3A_21 = arith.addi %mul3A_19, %add3A_20 : i32
    %mul3A_22 = arith.constant 3128 : i32
    %mul3A_23 = arith.muli %arg1, %mul3A_22 : i32
    %mul3A_24 = arith.constant 3128 : i32
    %mul3A_25 = arith.muli %arg1, %mul3A_24 : i32
    "tpu.region"() ({
      %run_scoped3A = tpu.sem_alloc : memref<!tpu.dma_semaphore, #tpu.memory_space<semaphore_mem>>
      %dma_start3A = arith.constant 0 : i32
      %dma_start3A_38 = tpu.memref_slice %arg13[%mul3A_25, %dma_start3A] : memref<50048x32xf32, #tpu.memory_space<vmem_shared>> -> memref<3128x32xf32, #tpu.memory_space<vmem_shared>>
      %dma_start3A_39 = arith.constant 0 : i32
      %dma_start3A_40 = tpu.memref_slice %arg5[%mul3A_23, %dma_start3A_39] : memref<50048x32xf32, #tpu.memory_space<hbm>> -> memref<3128x32xf32, #tpu.memory_space<hbm>>
      tpu.enqueue_dma source(%dma_start3A_40 : memref<3128x32xf32, #tpu.memory_space<hbm>>) target(%dma_start3A_38 : memref<3128x32xf32, #tpu.memory_space<vmem_shared>>) target_semaphore(%run_scoped3A : memref<!tpu.dma_semaphore, #tpu.memory_space<semaphore_mem>>)
      %dma_wait3A = arith.constant 0 : i32
      %dma_wait3A_41 = tpu.memref_slice %arg13[%mul3A_25, %dma_wait3A] : memref<50048x32xf32, #tpu.memory_space<vmem_shared>> -> memref<3128x32xf32, #tpu.memory_space<vmem_shared>>
      %dma_wait3A_42 = arith.constant 0 : i32
      %dma_wait3A_43 = tpu.memref_slice %arg5[%mul3A_23, %dma_wait3A_42] : memref<50048x32xf32, #tpu.memory_space<hbm>> -> memref<3128x32xf32, #tpu.memory_space<hbm>>
      tpu.wait_dma2 semaphore(%run_scoped3A : memref<!tpu.dma_semaphore, #tpu.memory_space<semaphore_mem>>) src(%dma_wait3A_43 : memref<3128x32xf32, #tpu.memory_space<hbm>>) dst(%dma_wait3A_41 : memref<3128x32xf32, #tpu.memory_space<vmem_shared>>)
      tpu.yield
    }) : () -> ()
    %barrier3A_26 = arith.constant 0 : index
    tpu.barrier barrier_id(%barrier3A_26)
    %scan3A_27 = arith.constant 0 : i32
    %scan3A_28 = arith.constant 10 : i32
    %scan3A_29 = arith.addi %scan3A_27, %scan3A_28 : i32
    %scan3A_30 = arith.constant 1 : i32
    scf.for %scan3A_38 = %scan3A_27 to %scan3A_29 step %scan3A_30  : i32 {
      %mul3A_39 = arith.constant 40 : i32
      %mul3A_40 = arith.muli %scan3A_38, %mul3A_39 : i32
      %add3A_41 = arith.constant 0 : i32
      %add3A_42 = arith.addi %add3A_41, %mul3A_40 : i32
      %add3A_43 = arith.addi %mul3A_0, %add3A_42 : i32
      %mul3A_44 = arith.constant 128 : i32
      %mul3A_45 = arith.muli %add3A_43, %mul3A_44 : i32
      "tpu.region"() ({
        %run_scoped3A = tpu.sem_alloc : memref<!tpu.dma_semaphore, #tpu.memory_space<semaphore_mem>>
        %dma_start3A_66 = tpu.memref_slice %arg3[%mul3A_45] : memref<819200xi32, #tpu.memory_space<hbm>> -> memref<5120xi32, #tpu.memory_space<hbm>>
        %dma_start3A_67 = tpu.memref_slice %arg3[%mul3A_45] : memref<819200xi32, #tpu.memory_space<hbm>> -> memref<5120xi32, #tpu.memory_space<hbm>>
        tpu.enqueue_dma source(%dma_start3A_67 : memref<5120xi32, #tpu.memory_space<hbm>>) target(%arg7 : memref<5120xi32, #tpu.memory_space<vmem>>) target_semaphore(%run_scoped3A : memref<!tpu.dma_semaphore, #tpu.memory_space<semaphore_mem>>)
        %dma_wait3A_68 = tpu.memref_slice %arg3[%mul3A_45] : memref<819200xi32, #tpu.memory_space<hbm>> -> memref<5120xi32, #tpu.memory_space<hbm>>
        %dma_wait3A_69 = tpu.memref_slice %arg3[%mul3A_45] : memref<819200xi32, #tpu.memory_space<hbm>> -> memref<5120xi32, #tpu.memory_space<hbm>>
        tpu.wait_dma2 semaphore(%run_scoped3A : memref<!tpu.dma_semaphore, #tpu.memory_space<semaphore_mem>>) src(%dma_wait3A_69 : memref<5120xi32, #tpu.memory_space<hbm>>) dst(%arg7 : memref<5120xi32, #tpu.memory_space<vmem>>)
        tpu.yield
      }) : () -> ()
      %add3A_46 = arith.addi %mul3A_0, %add3A_42 : i32
      %mul3A_47 = arith.constant 128 : i32
      %mul3A_48 = arith.muli %add3A_46, %mul3A_47 : i32
      "tpu.region"() ({
        %run_scoped3A = tpu.sem_alloc : memref<!tpu.dma_semaphore, #tpu.memory_space<semaphore_mem>>
        %dma_start3A_66 = tpu.memref_slice %arg4[%mul3A_48] : memref<819200xi32, #tpu.memory_space<hbm>> -> memref<5120xi32, #tpu.memory_space<hbm>>
        %dma_start3A_67 = tpu.memref_slice %arg4[%mul3A_48] : memref<819200xi32, #tpu.memory_space<hbm>> -> memref<5120xi32, #tpu.memory_space<hbm>>
        tpu.enqueue_dma source(%dma_start3A_67 : memref<5120xi32, #tpu.memory_space<hbm>>) target(%arg8 : memref<5120xi32, #tpu.memory_space<vmem>>) target_semaphore(%run_scoped3A : memref<!tpu.dma_semaphore, #tpu.memory_space<semaphore_mem>>)
        %dma_wait3A_68 = tpu.memref_slice %arg4[%mul3A_48] : memref<819200xi32, #tpu.memory_space<hbm>> -> memref<5120xi32, #tpu.memory_space<hbm>>
        %dma_wait3A_69 = tpu.memref_slice %arg4[%mul3A_48] : memref<819200xi32, #tpu.memory_space<hbm>> -> memref<5120xi32, #tpu.memory_space<hbm>>
        tpu.wait_dma2 semaphore(%run_scoped3A : memref<!tpu.dma_semaphore, #tpu.memory_space<semaphore_mem>>) src(%dma_wait3A_69 : memref<5120xi32, #tpu.memory_space<hbm>>) dst(%arg8 : memref<5120xi32, #tpu.memory_space<vmem>>)
        tpu.yield
      }) : () -> ()
      %dma_start3A = arith.constant 0 : i32
      %dma_start3A_49 = tpu.memref_slice %arg7[%dma_start3A] : memref<5120xi32, #tpu.memory_space<vmem>> -> memref<256xi32, #tpu.memory_space<vmem>>
      %dma_start3A_50 = arith.constant 0 : i32
      %dma_start3A_51 = arith.constant 0 : i32
      %dma_start3A_52 = tpu.memref_slice %arg2[%add3A_21, %dma_start3A_50, %dma_start3A_51] : memref<4x50000x32xf32, #tpu.memory_space<hbm>> -> memref<1x50000x32xf32, #tpu.memory_space<hbm>>
      %dma_start3A_53 = tpu.memref_squeeze %dma_start3A_52 : memref<1x50000x32xf32, #tpu.memory_space<hbm>> -> memref<50000x32xf32, #tpu.memory_space<hbm>>
      %dma_start3A_54 = arith.constant 0 : i32
      %dma_start3A_55 = arith.constant 0 : i32
      %dma_start3A_56 = tpu.memref_slice %dma_start3A_53[%dma_start3A_54, %dma_start3A_55] : memref<50000x32xf32, #tpu.memory_space<hbm>> -> memref<50000x32xf32, #tpu.memory_space<hbm>>
      tpu.enqueue_indirect_dma source(%dma_start3A_56 : memref<50000x32xf32, #tpu.memory_space<hbm>>) target(%arg9 : memref<256x32xf32, #tpu.memory_space<vmem>>) offsets(%dma_start3A_49 : memref<256xi32, #tpu.memory_space<vmem>>) semaphore(%arg14 : memref<!tpu.dma_semaphore, #tpu.memory_space<semaphore_mem>>)
      %scan3A_57 = arith.constant 0 : i32
      %scan3A_58 = arith.constant 10 : i32
      %scan3A_59 = arith.addi %scan3A_57, %scan3A_58 : i32
      %scan3A_60 = arith.constant 1 : i32
      scf.for %scan3A_66 = %scan3A_57 to %scan3A_59 step %scan3A_60  : i32 {
        %mul3A_67 = arith.constant 512 : i32
        %mul3A_68 = arith.muli %scan3A_66, %mul3A_67 : i32
        %add3A_69 = arith.constant 0 : i32
        %add3A_70 = arith.addi %add3A_69, %mul3A_68 : i32
        %gt3A = arith.constant 0 : i32
        %gt3A_71 = arith.cmpi sgt, %add3A_70, %gt3A : i32
        %convert_element_type3A = arith.extui %gt3A_71 : i1 to i32
        %cond3A = arith.constant 0 : i32
        %cond3A_72 = arith.cmpi ne, %convert_element_type3A, %cond3A : i32
        scf.if %cond3A_72 {
          %sub3A = arith.constant 256 : i32
          %sub3A_121 = arith.subi %add3A_70, %sub3A : i32
          %dma_wait3A_122 = tpu.memref_slice %arg8[%sub3A_121] : memref<5120xi32, #tpu.memory_space<vmem>> -> memref<256xi32, #tpu.memory_space<vmem>>
          %dma_wait3A_123 = arith.constant 0 : i32
          %dma_wait3A_124 = arith.constant 0 : i32
          %dma_wait3A_125 = tpu.memref_slice %arg13[%dma_wait3A_123, %dma_wait3A_124] : memref<50048x32xf32, #tpu.memory_space<vmem_shared>> -> memref<50048x32xf32, #tpu.memory_space<vmem_shared>>
          tpu.wait_indirect_dma semaphore(%arg19 : memref<!tpu.dma_semaphore, #tpu.memory_space<semaphore_mem>>) src(%arg10 : memref<256x32xf32, #tpu.memory_space<vmem>>) dst(%dma_wait3A_125 : memref<50048x32xf32, #tpu.memory_space<vmem_shared>>)
        } else {
        }
        %add3A_73 = arith.constant 256 : i32
        %add3A_74 = arith.addi %add3A_70, %add3A_73 : i32
        %dma_start3A_75 = tpu.memref_slice %arg7[%add3A_74] : memref<5120xi32, #tpu.memory_space<vmem>> -> memref<256xi32, #tpu.memory_space<vmem>>
        %dma_start3A_76 = arith.constant 0 : i32
        %dma_start3A_77 = arith.constant 0 : i32
        %dma_start3A_78 = tpu.memref_slice %arg2[%add3A_21, %dma_start3A_76, %dma_start3A_77] : memref<4x50000x32xf32, #tpu.memory_space<hbm>> -> memref<1x50000x32xf32, #tpu.memory_space<hbm>>
        %dma_start3A_79 = tpu.memref_squeeze %dma_start3A_78 : memref<1x50000x32xf32, #tpu.memory_space<hbm>> -> memref<50000x32xf32, #tpu.memory_space<hbm>>
        %dma_start3A_80 = arith.constant 0 : i32
        %dma_start3A_81 = arith.constant 0 : i32
        %dma_start3A_82 = tpu.memref_slice %dma_start3A_79[%dma_start3A_80, %dma_start3A_81] : memref<50000x32xf32, #tpu.memory_space<hbm>> -> memref<50000x32xf32, #tpu.memory_space<hbm>>
        tpu.enqueue_indirect_dma source(%dma_start3A_82 : memref<50000x32xf32, #tpu.memory_space<hbm>>) target(%arg10 : memref<256x32xf32, #tpu.memory_space<vmem>>) offsets(%dma_start3A_75 : memref<256xi32, #tpu.memory_space<vmem>>) semaphore(%arg15 : memref<!tpu.dma_semaphore, #tpu.memory_space<semaphore_mem>>)
        %dma_wait3A_83 = tpu.memref_slice %arg7[%add3A_70] : memref<5120xi32, #tpu.memory_space<vmem>> -> memref<256xi32, #tpu.memory_space<vmem>>
        %dma_wait3A_84 = arith.constant 0 : i32
        %dma_wait3A_85 = arith.constant 0 : i32
        %dma_wait3A_86 = tpu.memref_slice %arg2[%add3A_21, %dma_wait3A_84, %dma_wait3A_85] : memref<4x50000x32xf32, #tpu.memory_space<hbm>> -> memref<1x50000x32xf32, #tpu.memory_space<hbm>>
        %dma_wait3A_87 = tpu.memref_squeeze %dma_wait3A_86 : memref<1x50000x32xf32, #tpu.memory_space<hbm>> -> memref<50000x32xf32, #tpu.memory_space<hbm>>
        %dma_wait3A_88 = arith.constant 0 : i32
        %dma_wait3A_89 = arith.constant 0 : i32
        %dma_wait3A_90 = tpu.memref_slice %dma_wait3A_87[%dma_wait3A_88, %dma_wait3A_89] : memref<50000x32xf32, #tpu.memory_space<hbm>> -> memref<50000x32xf32, #tpu.memory_space<hbm>>
        tpu.wait_indirect_dma semaphore(%arg14 : memref<!tpu.dma_semaphore, #tpu.memory_space<semaphore_mem>>) src(%dma_wait3A_90 : memref<50000x32xf32, #tpu.memory_space<hbm>>) dst(%arg9 : memref<256x32xf32, #tpu.memory_space<vmem>>)
        %dma_start3A_91 = tpu.memref_slice %arg8[%add3A_70] : memref<5120xi32, #tpu.memory_space<vmem>> -> memref<256xi32, #tpu.memory_space<vmem>>
        %dma_start3A_92 = arith.constant 0 : i32
        %dma_start3A_93 = arith.constant 0 : i32
        %dma_start3A_94 = tpu.memref_slice %arg13[%dma_start3A_92, %dma_start3A_93] : memref<50048x32xf32, #tpu.memory_space<vmem_shared>> -> memref<50048x32xf32, #tpu.memory_space<vmem_shared>>
        tpu.enqueue_indirect_dma source(%arg9 : memref<256x32xf32, #tpu.memory_space<vmem>>) target(%dma_start3A_94 : memref<50048x32xf32, #tpu.memory_space<vmem_shared>>) offsets(%dma_start3A_91 : memref<256xi32, #tpu.memory_space<vmem>>) semaphore(%arg18 : memref<!tpu.dma_semaphore, #tpu.memory_space<semaphore_mem>>) {add = true}
        %add3A_95 = arith.constant 256 : i32
        %add3A_96 = arith.addi %add3A_70, %add3A_95 : i32
        %dma_wait3A_97 = tpu.memref_slice %arg7[%add3A_96] : memref<5120xi32, #tpu.memory_space<vmem>> -> memref<256xi32, #tpu.memory_space<vmem>>
        %dma_wait3A_98 = arith.constant 0 : i32
        %dma_wait3A_99 = arith.constant 0 : i32
        %dma_wait3A_100 = tpu.memref_slice %arg2[%add3A_21, %dma_wait3A_98, %dma_wait3A_99] : memref<4x50000x32xf32, #tpu.memory_space<hbm>> -> memref<1x50000x32xf32, #tpu.memory_space<hbm>>
        %dma_wait3A_101 = tpu.memref_squeeze %dma_wait3A_100 : memref<1x50000x32xf32, #tpu.memory_space<hbm>> -> memref<50000x32xf32, #tpu.memory_space<hbm>>
        %dma_wait3A_102 = arith.constant 0 : i32
        %dma_wait3A_103 = arith.constant 0 : i32
        %dma_wait3A_104 = tpu.memref_slice %dma_wait3A_101[%dma_wait3A_102, %dma_wait3A_103] : memref<50000x32xf32, #tpu.memory_space<hbm>> -> memref<50000x32xf32, #tpu.memory_space<hbm>>
        tpu.wait_indirect_dma semaphore(%arg15 : memref<!tpu.dma_semaphore, #tpu.memory_space<semaphore_mem>>) src(%dma_wait3A_104 : memref<50000x32xf32, #tpu.memory_space<hbm>>) dst(%arg10 : memref<256x32xf32, #tpu.memory_space<vmem>>)
        %dma_wait3A_105 = tpu.memref_slice %arg8[%add3A_70] : memref<5120xi32, #tpu.memory_space<vmem>> -> memref<256xi32, #tpu.memory_space<vmem>>
        %dma_wait3A_106 = arith.constant 0 : i32
        %dma_wait3A_107 = arith.constant 0 : i32
        %dma_wait3A_108 = tpu.memref_slice %arg13[%dma_wait3A_106, %dma_wait3A_107] : memref<50048x32xf32, #tpu.memory_space<vmem_shared>> -> memref<50048x32xf32, #tpu.memory_space<vmem_shared>>
        tpu.wait_indirect_dma semaphore(%arg18 : memref<!tpu.dma_semaphore, #tpu.memory_space<semaphore_mem>>) src(%arg9 : memref<256x32xf32, #tpu.memory_space<vmem>>) dst(%dma_wait3A_108 : memref<50048x32xf32, #tpu.memory_space<vmem_shared>>)
        %add3A_109 = arith.constant 512 : i32
        %add3A_110 = arith.addi %add3A_70, %add3A_109 : i32
        %lt3A = arith.constant 5120 : i32
        %lt3A_111 = arith.cmpi slt, %add3A_110, %lt3A : i32
        %convert_element_type3A_112 = arith.extui %lt3A_111 : i1 to i32
        %cond3A_113 = arith.constant 0 : i32
        %cond3A_114 = arith.cmpi ne, %convert_element_type3A_112, %cond3A_113 : i32
        scf.if %cond3A_114 {
          %add3A_121 = arith.constant 512 : i32
          %add3A_122 = arith.addi %add3A_70, %add3A_121 : i32
          %dma_start3A_123 = tpu.memref_slice %arg7[%add3A_122] : memref<5120xi32, #tpu.memory_space<vmem>> -> memref<256xi32, #tpu.memory_space<vmem>>
          %dma_start3A_124 = arith.constant 0 : i32
          %dma_start3A_125 = arith.constant 0 : i32
          %dma_start3A_126 = tpu.memref_slice %arg2[%add3A_21, %dma_start3A_124, %dma_start3A_125] : memref<4x50000x32xf32, #tpu.memory_space<hbm>> -> memref<1x50000x32xf32, #tpu.memory_space<hbm>>
          %dma_start3A_127 = tpu.memref_squeeze %dma_start3A_126 : memref<1x50000x32xf32, #tpu.memory_space<hbm>> -> memref<50000x32xf32, #tpu.memory_space<hbm>>
          %dma_start3A_128 = arith.constant 0 : i32
          %dma_start3A_129 = arith.constant 0 : i32
          %dma_start3A_130 = tpu.memref_slice %dma_start3A_127[%dma_start3A_128, %dma_start3A_129] : memref<50000x32xf32, #tpu.memory_space<hbm>> -> memref<50000x32xf32, #tpu.memory_space<hbm>>
          tpu.enqueue_indirect_dma source(%dma_start3A_130 : memref<50000x32xf32, #tpu.memory_space<hbm>>) target(%arg9 : memref<256x32xf32, #tpu.memory_space<vmem>>) offsets(%dma_start3A_123 : memref<256xi32, #tpu.memory_space<vmem>>) semaphore(%arg14 : memref<!tpu.dma_semaphore, #tpu.memory_space<semaphore_mem>>)
        } else {
        }
        %add3A_115 = arith.constant 256 : i32
        %add3A_116 = arith.addi %add3A_70, %add3A_115 : i32
        %dma_start3A_117 = tpu.memref_slice %arg8[%add3A_116] : memref<5120xi32, #tpu.memory_space<vmem>> -> memref<256xi32, #tpu.memory_space<vmem>>
        %dma_start3A_118 = arith.constant 0 : i32
        %dma_start3A_119 = arith.constant 0 : i32
        %dma_start3A_120 = tpu.memref_slice %arg13[%dma_start3A_118, %dma_start3A_119] : memref<50048x32xf32, #tpu.memory_space<vmem_shared>> -> memref<50048x32xf32, #tpu.memory_space<vmem_shared>>
        tpu.enqueue_indirect_dma source(%arg10 : memref<256x32xf32, #tpu.memory_space<vmem>>) target(%dma_start3A_120 : memref<50048x32xf32, #tpu.memory_space<vmem_shared>>) offsets(%dma_start3A_117 : memref<256xi32, #tpu.memory_space<vmem>>) semaphore(%arg19 : memref<!tpu.dma_semaphore, #tpu.memory_space<semaphore_mem>>) {add = true}
      }
      %scan3A_61 = arith.constant 10 : i32
      %dma_wait3A = arith.constant 4864 : i32
      %dma_wait3A_62 = tpu.memref_slice %arg8[%dma_wait3A] : memref<5120xi32, #tpu.memory_space<vmem>> -> memref<256xi32, #tpu.memory_space<vmem>>
      %dma_wait3A_63 = arith.constant 0 : i32
      %dma_wait3A_64 = arith.constant 0 : i32
      %dma_wait3A_65 = tpu.memref_slice %arg13[%dma_wait3A_63, %dma_wait3A_64] : memref<50048x32xf32, #tpu.memory_space<vmem_shared>> -> memref<50048x32xf32, #tpu.memory_space<vmem_shared>>
      tpu.wait_indirect_dma semaphore(%arg19 : memref<!tpu.dma_semaphore, #tpu.memory_space<semaphore_mem>>) src(%arg10 : memref<256x32xf32, #tpu.memory_space<vmem>>) dst(%dma_wait3A_65 : memref<50048x32xf32, #tpu.memory_space<vmem_shared>>)
    }
    %scan3A_31 = arith.constant 10 : i32
    %barrier3A_32 = arith.constant 0 : index
    tpu.barrier barrier_id(%barrier3A_32)
    %mul3A_33 = arith.constant 3128 : i32
    %mul3A_34 = arith.muli %arg1, %mul3A_33 : i32
    %mul3A_35 = arith.constant 3128 : i32
    %mul3A_36 = arith.muli %arg1, %mul3A_35 : i32
    "tpu.region"() ({
      %run_scoped3A = tpu.sem_alloc : memref<!tpu.dma_semaphore, #tpu.memory_space<semaphore_mem>>
      %dma_start3A = arith.constant 0 : i32
      %dma_start3A_38 = arith.constant 0 : i32
      %dma_start3A_39 = tpu.memref_slice %arg6[%add3A_21, %dma_start3A, %dma_start3A_38] : memref<4x50048x32xf32, #tpu.memory_space<hbm>> -> memref<1x50048x32xf32, #tpu.memory_space<hbm>>
      %dma_start3A_40 = tpu.memref_squeeze %dma_start3A_39 : memref<1x50048x32xf32, #tpu.memory_space<hbm>> -> memref<50048x32xf32, #tpu.memory_space<hbm>>
      %dma_start3A_41 = arith.constant 0 : i32
      %dma_start3A_42 = tpu.memref_slice %dma_start3A_40[%mul3A_36, %dma_start3A_41] : memref<50048x32xf32, #tpu.memory_space<hbm>> -> memref<3128x32xf32, #tpu.memory_space<hbm>>
      %dma_start3A_43 = arith.constant 0 : i32
      %dma_start3A_44 = tpu.memref_slice %arg13[%mul3A_34, %dma_start3A_43] : memref<50048x32xf32, #tpu.memory_space<vmem_shared>> -> memref<3128x32xf32, #tpu.memory_space<vmem_shared>>
      tpu.enqueue_dma source(%dma_start3A_44 : memref<3128x32xf32, #tpu.memory_space<vmem_shared>>) target(%dma_start3A_42 : memref<3128x32xf32, #tpu.memory_space<hbm>>) target_semaphore(%run_scoped3A : memref<!tpu.dma_semaphore, #tpu.memory_space<semaphore_mem>>)
      %dma_wait3A = arith.constant 0 : i32
      %dma_wait3A_45 = arith.constant 0 : i32
      %dma_wait3A_46 = tpu.memref_slice %arg6[%add3A_21, %dma_wait3A, %dma_wait3A_45] : memref<4x50048x32xf32, #tpu.memory_space<hbm>> -> memref<1x50048x32xf32, #tpu.memory_space<hbm>>
      %dma_wait3A_47 = tpu.memref_squeeze %dma_wait3A_46 : memref<1x50048x32xf32, #tpu.memory_space<hbm>> -> memref<50048x32xf32, #tpu.memory_space<hbm>>
      %dma_wait3A_48 = arith.constant 0 : i32
      %dma_wait3A_49 = tpu.memref_slice %dma_wait3A_47[%mul3A_36, %dma_wait3A_48] : memref<50048x32xf32, #tpu.memory_space<hbm>> -> memref<3128x32xf32, #tpu.memory_space<hbm>>
      %dma_wait3A_50 = arith.constant 0 : i32
      %dma_wait3A_51 = tpu.memref_slice %arg13[%mul3A_34, %dma_wait3A_50] : memref<50048x32xf32, #tpu.memory_space<vmem_shared>> -> memref<3128x32xf32, #tpu.memory_space<vmem_shared>>
      tpu.wait_dma2 semaphore(%run_scoped3A : memref<!tpu.dma_semaphore, #tpu.memory_space<semaphore_mem>>) src(%dma_wait3A_51 : memref<3128x32xf32, #tpu.memory_space<vmem_shared>>) dst(%dma_wait3A_49 : memref<3128x32xf32, #tpu.memory_space<hbm>>)
      tpu.yield
    }) : () -> ()
    %barrier3A_37 = arith.constant 0 : index
    tpu.barrier barrier_id(%barrier3A_37)
    return
  }
}

module attributes {stable_mosaic.version = 14 : i64} {
  func.func @body(%arg0: i32, %arg1: memref<2000x16xf32, #tpu.memory_space<vmem>>, %arg2: memref<2x2000x16xf32, #tpu.memory_space<vmem>>, %arg3: memref<16x128xf32, #tpu.memory_space<vmem>>, %arg4: memref<1x128xf32, #tpu.memory_space<vmem>>, %arg5: memref<1x128xf32, #tpu.memory_space<vmem>>, %arg6: memref<1x128xf32, #tpu.memory_space<vmem>>, %arg7: memref<128x128xf32, #tpu.memory_space<vmem>>, %arg8: memref<1x128xf32, #tpu.memory_space<vmem>>, %arg9: memref<1x128xf32, #tpu.memory_space<vmem>>, %arg10: memref<1x128xf32, #tpu.memory_space<vmem>>, %arg11: memref<16x128xf32, #tpu.memory_space<vmem>>, %arg12: memref<1x1xf32, #tpu.memory_space<vmem>>, %arg13: memref<2000x128xf32, #tpu.memory_space<vmem>>, %arg14: memref<4x2000x32xf32, #tpu.memory_space<vmem>>) attributes {dimension_semantics = [#tpu.dimension_semantics<arbitrary>], iteration_bounds = array<i64: 25>, scalar_prefetch = 0 : i64, scratch_operands = 0 : i64, tpu.core_type = #tpu.core_type<tc>, window_params = [{transform_indices = @transform_0, window_bounds = array<i64: 2000, 16>}, {transform_indices = @transform_1, window_bounds = array<i64: 2, 2000, 16>}, {pipeline_mode = #tpu.pipeline_mode<synchronous>, transform_indices = @transform_2, window_bounds = array<i64: 16, 128>}, {pipeline_mode = #tpu.pipeline_mode<synchronous>, transform_indices = @transform_3, window_bounds = array<i64: 1, 128>}, {pipeline_mode = #tpu.pipeline_mode<synchronous>, transform_indices = @transform_4, window_bounds = array<i64: 1, 128>}, {pipeline_mode = #tpu.pipeline_mode<synchronous>, transform_indices = @transform_5, window_bounds = array<i64: 1, 128>}, {pipeline_mode = #tpu.pipeline_mode<synchronous>, transform_indices = @transform_6, window_bounds = array<i64: 128, 128>}, {pipeline_mode = #tpu.pipeline_mode<synchronous>, transform_indices = @transform_7, window_bounds = array<i64: 1, 128>}, {pipeline_mode = #tpu.pipeline_mode<synchronous>, transform_indices = @transform_8, window_bounds = array<i64: 1, 128>}, {pipeline_mode = #tpu.pipeline_mode<synchronous>, transform_indices = @transform_9, window_bounds = array<i64: 1, 128>}, {pipeline_mode = #tpu.pipeline_mode<synchronous>, transform_indices = @transform_10, window_bounds = array<i64: 16, 128>}, {pipeline_mode = #tpu.pipeline_mode<synchronous>, transform_indices = @transform_11, window_bounds = array<i64: 1, 1>}, {transform_indices = @transform_12, window_bounds = array<i64: 2000, 128>}, {transform_indices = @transform_13, window_bounds = array<i64: 4, 2000, 32>}]} {
    %get3A = arith.constant 0 : index
    %get3A_0 = arith.constant 0 : index
    %get3A_1 = vector.load %arg1[%get3A, %get3A_0] : memref<2000x16xf32, #tpu.memory_space<vmem>>, vector<2000x16xf32>
    %get3A_2 = arith.constant 0 : index
    %get3A_3 = arith.constant 0 : index
    %get3A_4 = arith.constant 0 : index
    %get3A_5 = vector.load %arg2[%get3A_2, %get3A_3, %get3A_4] : memref<2x2000x16xf32, #tpu.memory_space<vmem>>, vector<1x2000x16xf32>
    %get3A_6 = vector.shape_cast %get3A_5 : vector<1x2000x16xf32> to vector<2000x16xf32>
    %get3A_7 = arith.constant 1 : index
    %get3A_8 = arith.constant 0 : index
    %get3A_9 = arith.constant 0 : index
    %get3A_10 = vector.load %arg2[%get3A_7, %get3A_8, %get3A_9] : memref<2x2000x16xf32, #tpu.memory_space<vmem>>, vector<1x2000x16xf32>
    %get3A_11 = vector.shape_cast %get3A_10 : vector<1x2000x16xf32> to vector<2000x16xf32>
    %add3A = arith.addf %get3A_6, %get3A_11 : vector<2000x16xf32>
    %get3A_12 = arith.constant 0 : index
    %get3A_13 = arith.constant 0 : index
    %get3A_14 = vector.load %arg12[%get3A_12, %get3A_13] : memref<1x1xf32, #tpu.memory_space<vmem>>, vector<1x1xf32>
    %get3A_15 = vector.extract %get3A_14[0, 0] : f32 from vector<1x1xf32>
    %add3A_16 = arith.constant 1.000000e+00 : f32
    %add3A_17 = arith.addf %add3A_16, %get3A_15 : f32
    %mul3A = vector.broadcast %add3A_17 : f32 to vector<2000x16xf32>
    %mul3A_18 = arith.mulf %mul3A, %get3A_1 : vector<2000x16xf32>
    %add3A_19 = arith.addf %mul3A_18, %add3A : vector<2000x16xf32>
    %get3A_20 = arith.constant 0 : index
    %get3A_21 = arith.constant 0 : index
    %get3A_22 = vector.load %arg3[%get3A_20, %get3A_21] : memref<16x128xf32, #tpu.memory_space<vmem>>, vector<16x128xf32>
    %dot_general3A = arith.constant dense<0.000000e+00> : vector<2000x128xf32>
    %dot_general3A_23 = tpu.matmul %add3A_19, %get3A_22, %dot_general3A {dimension_numbers = #tpu.dot_dimension_numbers<[1], [0], [0], [1], [0, 0, 1, 1], [], []>, transpose_lhs_hint = false} : vector<2000x16xf32>, vector<16x128xf32>, vector<2000x128xf32> -> vector<2000x128xf32>
    %get3A_24 = arith.constant 0 : index
    %get3A_25 = arith.constant 0 : index
    %get3A_26 = vector.load %arg4[%get3A_24, %get3A_25] : memref<1x128xf32, #tpu.memory_space<vmem>>, vector<1x128xf32>
    %add3A_27 = vector.broadcast %get3A_26 : vector<1x128xf32> to vector<2000x128xf32>
    %add3A_28 = arith.addf %dot_general3A_23, %add3A_27 : vector<2000x128xf32>
    %get3A_29 = arith.constant 0 : index
    %get3A_30 = arith.constant 0 : index
    %get3A_31 = vector.load %arg5[%get3A_29, %get3A_30] : memref<1x128xf32, #tpu.memory_space<vmem>>, vector<1x128xf32>
    %get3A_32 = arith.constant 0 : index
    %get3A_33 = arith.constant 0 : index
    %get3A_34 = vector.load %arg6[%get3A_32, %get3A_33] : memref<1x128xf32, #tpu.memory_space<vmem>>, vector<1x128xf32>
    %reduce_sum3A = arith.constant dense<0.000000e+00> : vector<2000xf32>
    %reduce_sum3A_35 = vector.multi_reduction <add>, %add3A_28, %reduce_sum3A [1] : vector<2000x128xf32> to vector<2000xf32>
    %broadcast_in_dim3A = vector.shape_cast %reduce_sum3A_35 : vector<2000xf32> to vector<2000x1xf32>
    %div3A = arith.constant 1.280000e+02 : f32
    %div3A_36 = vector.broadcast %div3A : f32 to vector<2000x1xf32>
    %div3A_37 = arith.divf %broadcast_in_dim3A, %div3A_36 : vector<2000x1xf32>
    %sub3A = vector.broadcast %div3A_37 : vector<2000x1xf32> to vector<2000x128xf32>
    %sub3A_38 = arith.subf %add3A_28, %sub3A : vector<2000x128xf32>
    %integer_pow3A = arith.mulf %sub3A_38, %sub3A_38 : vector<2000x128xf32>
    %reduce_sum3A_39 = arith.constant dense<0.000000e+00> : vector<2000xf32>
    %reduce_sum3A_40 = vector.multi_reduction <add>, %integer_pow3A, %reduce_sum3A_39 [1] : vector<2000x128xf32> to vector<2000xf32>
    %broadcast_in_dim3A_41 = vector.shape_cast %reduce_sum3A_40 : vector<2000xf32> to vector<2000x1xf32>
    %div3A_42 = arith.constant 1.280000e+02 : f32
    %div3A_43 = vector.broadcast %div3A_42 : f32 to vector<2000x1xf32>
    %div3A_44 = arith.divf %broadcast_in_dim3A_41, %div3A_43 : vector<2000x1xf32>
    %sub3A_45 = vector.broadcast %div3A_37 : vector<2000x1xf32> to vector<2000x128xf32>
    %sub3A_46 = arith.subf %add3A_28, %sub3A_45 : vector<2000x128xf32>
    %add3A_47 = arith.constant 9.99999974E-6 : f32
    %add3A_48 = vector.broadcast %add3A_47 : f32 to vector<2000x1xf32>
    %add3A_49 = arith.addf %div3A_44, %add3A_48 : vector<2000x1xf32>
    %sqrt3A = math.sqrt %add3A_49 : vector<2000x1xf32>
    %div3A_50 = vector.broadcast %sqrt3A : vector<2000x1xf32> to vector<2000x128xf32>
    %div3A_51 = arith.divf %sub3A_46, %div3A_50 : vector<2000x128xf32>
    %mul3A_52 = vector.broadcast %get3A_31 : vector<1x128xf32> to vector<2000x128xf32>
    %mul3A_53 = arith.mulf %div3A_51, %mul3A_52 : vector<2000x128xf32>
    %add3A_54 = vector.broadcast %get3A_34 : vector<1x128xf32> to vector<2000x128xf32>
    %add3A_55 = arith.addf %mul3A_53, %add3A_54 : vector<2000x128xf32>
    %max3A = arith.constant 0.000000e+00 : f32
    %max3A_56 = vector.broadcast %max3A : f32 to vector<2000x128xf32>
    %max3A_57 = arith.maximumf %add3A_55, %max3A_56 : vector<2000x128xf32>
    %get3A_58 = arith.constant 0 : index
    %get3A_59 = arith.constant 0 : index
    %get3A_60 = vector.load %arg7[%get3A_58, %get3A_59] : memref<128x128xf32, #tpu.memory_space<vmem>>, vector<128x128xf32>
    %dot_general3A_61 = arith.constant dense<0.000000e+00> : vector<2000x128xf32>
    %dot_general3A_62 = tpu.matmul %max3A_57, %get3A_60, %dot_general3A_61 {dimension_numbers = #tpu.dot_dimension_numbers<[1], [0], [0], [1], [0, 0, 1, 1], [], []>, transpose_lhs_hint = false} : vector<2000x128xf32>, vector<128x128xf32>, vector<2000x128xf32> -> vector<2000x128xf32>
    %get3A_63 = arith.constant 0 : index
    %get3A_64 = arith.constant 0 : index
    %get3A_65 = vector.load %arg8[%get3A_63, %get3A_64] : memref<1x128xf32, #tpu.memory_space<vmem>>, vector<1x128xf32>
    %add3A_66 = vector.broadcast %get3A_65 : vector<1x128xf32> to vector<2000x128xf32>
    %add3A_67 = arith.addf %dot_general3A_62, %add3A_66 : vector<2000x128xf32>
    %get3A_68 = arith.constant 0 : index
    %get3A_69 = arith.constant 0 : index
    %get3A_70 = vector.load %arg9[%get3A_68, %get3A_69] : memref<1x128xf32, #tpu.memory_space<vmem>>, vector<1x128xf32>
    %get3A_71 = arith.constant 0 : index
    %get3A_72 = arith.constant 0 : index
    %get3A_73 = vector.load %arg10[%get3A_71, %get3A_72] : memref<1x128xf32, #tpu.memory_space<vmem>>, vector<1x128xf32>
    %reduce_sum3A_74 = arith.constant dense<0.000000e+00> : vector<2000xf32>
    %reduce_sum3A_75 = vector.multi_reduction <add>, %add3A_67, %reduce_sum3A_74 [1] : vector<2000x128xf32> to vector<2000xf32>
    %broadcast_in_dim3A_76 = vector.shape_cast %reduce_sum3A_75 : vector<2000xf32> to vector<2000x1xf32>
    %div3A_77 = arith.constant 1.280000e+02 : f32
    %div3A_78 = vector.broadcast %div3A_77 : f32 to vector<2000x1xf32>
    %div3A_79 = arith.divf %broadcast_in_dim3A_76, %div3A_78 : vector<2000x1xf32>
    %sub3A_80 = vector.broadcast %div3A_79 : vector<2000x1xf32> to vector<2000x128xf32>
    %sub3A_81 = arith.subf %add3A_67, %sub3A_80 : vector<2000x128xf32>
    %integer_pow3A_82 = arith.mulf %sub3A_81, %sub3A_81 : vector<2000x128xf32>
    %reduce_sum3A_83 = arith.constant dense<0.000000e+00> : vector<2000xf32>
    %reduce_sum3A_84 = vector.multi_reduction <add>, %integer_pow3A_82, %reduce_sum3A_83 [1] : vector<2000x128xf32> to vector<2000xf32>
    %broadcast_in_dim3A_85 = vector.shape_cast %reduce_sum3A_84 : vector<2000xf32> to vector<2000x1xf32>
    %div3A_86 = arith.constant 1.280000e+02 : f32
    %div3A_87 = vector.broadcast %div3A_86 : f32 to vector<2000x1xf32>
    %div3A_88 = arith.divf %broadcast_in_dim3A_85, %div3A_87 : vector<2000x1xf32>
    %sub3A_89 = vector.broadcast %div3A_79 : vector<2000x1xf32> to vector<2000x128xf32>
    %sub3A_90 = arith.subf %add3A_67, %sub3A_89 : vector<2000x128xf32>
    %add3A_91 = arith.constant 9.99999974E-6 : f32
    %add3A_92 = vector.broadcast %add3A_91 : f32 to vector<2000x1xf32>
    %add3A_93 = arith.addf %div3A_88, %add3A_92 : vector<2000x1xf32>
    %sqrt3A_94 = math.sqrt %add3A_93 : vector<2000x1xf32>
    %div3A_95 = vector.broadcast %sqrt3A_94 : vector<2000x1xf32> to vector<2000x128xf32>
    %div3A_96 = arith.divf %sub3A_90, %div3A_95 : vector<2000x128xf32>
    %mul3A_97 = vector.broadcast %get3A_70 : vector<1x128xf32> to vector<2000x128xf32>
    %mul3A_98 = arith.mulf %div3A_96, %mul3A_97 : vector<2000x128xf32>
    %add3A_99 = vector.broadcast %get3A_73 : vector<1x128xf32> to vector<2000x128xf32>
    %add3A_100 = arith.addf %mul3A_98, %add3A_99 : vector<2000x128xf32>
    %max3A_101 = arith.constant 0.000000e+00 : f32
    %max3A_102 = vector.broadcast %max3A_101 : f32 to vector<2000x128xf32>
    %max3A_103 = arith.maximumf %add3A_100, %max3A_102 : vector<2000x128xf32>
    %get3A_104 = arith.constant 0 : index
    %get3A_105 = arith.constant 0 : index
    %get3A_106 = vector.load %arg11[%get3A_104, %get3A_105] : memref<16x128xf32, #tpu.memory_space<vmem>>, vector<16x128xf32>
    %dot_general3A_107 = arith.constant dense<0.000000e+00> : vector<2000x128xf32>
    %dot_general3A_108 = tpu.matmul %get3A_1, %get3A_106, %dot_general3A_107 {dimension_numbers = #tpu.dot_dimension_numbers<[1], [0], [0], [1], [0, 0, 1, 1], [], []>, transpose_lhs_hint = false} : vector<2000x16xf32>, vector<16x128xf32>, vector<2000x128xf32> -> vector<2000x128xf32>
    %add3A_109 = arith.addf %max3A_103, %dot_general3A_108 : vector<2000x128xf32>
    %swap3A = arith.constant 0 : index
    %swap3A_110 = arith.constant 0 : index
    %swap3A_111 = vector.load %arg13[%swap3A, %swap3A_110] : memref<2000x128xf32, #tpu.memory_space<vmem>>, vector<2000x128xf32>
    tpu.vector_store %arg13[%swap3A, %swap3A_110], %add3A_109 {strides = array<i32>} : memref<2000x128xf32, #tpu.memory_space<vmem>>, vector<2000x128xf32>,
    %slice3A = vector.extract_strided_slice %add3A_109 {offsets = [0, 0], sizes = [2000, 32], strides = [1, 1]} : vector<2000x128xf32> to vector<2000x32xf32>
    %swap3A_112 = arith.constant 0 : index
    %swap3A_113 = arith.constant 0 : index
    %swap3A_114 = arith.constant 0 : index
    %swap3A_115 = vector.load %arg14[%swap3A_112, %swap3A_113, %swap3A_114] : memref<4x2000x32xf32, #tpu.memory_space<vmem>>, vector<1x2000x32xf32>
    %swap3A_116 = vector.shape_cast %swap3A_115 : vector<1x2000x32xf32> to vector<2000x32xf32>
    %swap3A_117 = vector.shape_cast %slice3A : vector<2000x32xf32> to vector<1x2000x32xf32>
    tpu.vector_store %arg14[%swap3A_112, %swap3A_113, %swap3A_114], %swap3A_117 {strides = array<i32>} : memref<4x2000x32xf32, #tpu.memory_space<vmem>>, vector<1x2000x32xf32>,
    %slice3A_118 = vector.extract_strided_slice %add3A_109 {offsets = [0, 32], sizes = [2000, 32], strides = [1, 1]} : vector<2000x128xf32> to vector<2000x32xf32>
    %swap3A_119 = arith.constant 1 : index
    %swap3A_120 = arith.constant 0 : index
    %swap3A_121 = arith.constant 0 : index
    %swap3A_122 = vector.load %arg14[%swap3A_119, %swap3A_120, %swap3A_121] : memref<4x2000x32xf32, #tpu.memory_space<vmem>>, vector<1x2000x32xf32>
    %swap3A_123 = vector.shape_cast %swap3A_122 : vector<1x2000x32xf32> to vector<2000x32xf32>
    %swap3A_124 = vector.shape_cast %slice3A_118 : vector<2000x32xf32> to vector<1x2000x32xf32>
    tpu.vector_store %arg14[%swap3A_119, %swap3A_120, %swap3A_121], %swap3A_124 {strides = array<i32>} : memref<4x2000x32xf32, #tpu.memory_space<vmem>>, vector<1x2000x32xf32>,
    %slice3A_125 = vector.extract_strided_slice %add3A_109 {offsets = [0, 64], sizes = [2000, 32], strides = [1, 1]} : vector<2000x128xf32> to vector<2000x32xf32>
    %swap3A_126 = arith.constant 2 : index
    %swap3A_127 = arith.constant 0 : index
    %swap3A_128 = arith.constant 0 : index
    %swap3A_129 = vector.load %arg14[%swap3A_126, %swap3A_127, %swap3A_128] : memref<4x2000x32xf32, #tpu.memory_space<vmem>>, vector<1x2000x32xf32>
    %swap3A_130 = vector.shape_cast %swap3A_129 : vector<1x2000x32xf32> to vector<2000x32xf32>
    %swap3A_131 = vector.shape_cast %slice3A_125 : vector<2000x32xf32> to vector<1x2000x32xf32>
    tpu.vector_store %arg14[%swap3A_126, %swap3A_127, %swap3A_128], %swap3A_131 {strides = array<i32>} : memref<4x2000x32xf32, #tpu.memory_space<vmem>>, vector<1x2000x32xf32>,
    %slice3A_132 = vector.extract_strided_slice %add3A_109 {offsets = [0, 96], sizes = [2000, 32], strides = [1, 1]} : vector<2000x128xf32> to vector<2000x32xf32>
    %swap3A_133 = arith.constant 3 : index
    %swap3A_134 = arith.constant 0 : index
    %swap3A_135 = arith.constant 0 : index
    %swap3A_136 = vector.load %arg14[%swap3A_133, %swap3A_134, %swap3A_135] : memref<4x2000x32xf32, #tpu.memory_space<vmem>>, vector<1x2000x32xf32>
    %swap3A_137 = vector.shape_cast %swap3A_136 : vector<1x2000x32xf32> to vector<2000x32xf32>
    %swap3A_138 = vector.shape_cast %slice3A_132 : vector<2000x32xf32> to vector<1x2000x32xf32>
    tpu.vector_store %arg14[%swap3A_133, %swap3A_134, %swap3A_135], %swap3A_138 {strides = array<i32>} : memref<4x2000x32xf32, #tpu.memory_space<vmem>>, vector<1x2000x32xf32>,
    return
  }
  func.func @transform_0(%arg0: i32) -> (i32, i32) {
    %c0_i32 = arith.constant 0 : i32
    %c0_i32_0 = arith.constant 0 : i32
    return %arg0, %c0_i32 : i32, i32
  }
  func.func @transform_1(%arg0: i32) -> (i32, i32, i32) {
    %c0_i32 = arith.constant 0 : i32
    %c0_i32_0 = arith.constant 0 : i32
    %c0_i32_1 = arith.constant 0 : i32
    return %c0_i32, %arg0, %c0_i32_0 : i32, i32, i32
  }
  func.func @transform_2(%arg0: i32) -> (i32, i32) {
    %c0_i32 = arith.constant 0 : i32
    %c0_i32_0 = arith.constant 0 : i32
    %c0_i32_1 = arith.constant 0 : i32
    return %c0_i32, %c0_i32_0 : i32, i32
  }
  func.func @transform_3(%arg0: i32) -> (i32, i32) {
    %c0_i32 = arith.constant 0 : i32
    %c0_i32_0 = arith.constant 0 : i32
    %c0_i32_1 = arith.constant 0 : i32
    return %c0_i32, %c0_i32_0 : i32, i32
  }
  func.func @transform_4(%arg0: i32) -> (i32, i32) {
    %c0_i32 = arith.constant 0 : i32
    %c0_i32_0 = arith.constant 0 : i32
    %c0_i32_1 = arith.constant 0 : i32
    return %c0_i32, %c0_i32_0 : i32, i32
  }
  func.func @transform_5(%arg0: i32) -> (i32, i32) {
    %c0_i32 = arith.constant 0 : i32
    %c0_i32_0 = arith.constant 0 : i32
    %c0_i32_1 = arith.constant 0 : i32
    return %c0_i32, %c0_i32_0 : i32, i32
  }
  func.func @transform_6(%arg0: i32) -> (i32, i32) {
    %c0_i32 = arith.constant 0 : i32
    %c0_i32_0 = arith.constant 0 : i32
    %c0_i32_1 = arith.constant 0 : i32
    return %c0_i32, %c0_i32_0 : i32, i32
  }
  func.func @transform_7(%arg0: i32) -> (i32, i32) {
    %c0_i32 = arith.constant 0 : i32
    %c0_i32_0 = arith.constant 0 : i32
    %c0_i32_1 = arith.constant 0 : i32
    return %c0_i32, %c0_i32_0 : i32, i32
  }
  func.func @transform_8(%arg0: i32) -> (i32, i32) {
    %c0_i32 = arith.constant 0 : i32
    %c0_i32_0 = arith.constant 0 : i32
    %c0_i32_1 = arith.constant 0 : i32
    return %c0_i32, %c0_i32_0 : i32, i32
  }
  func.func @transform_9(%arg0: i32) -> (i32, i32) {
    %c0_i32 = arith.constant 0 : i32
    %c0_i32_0 = arith.constant 0 : i32
    %c0_i32_1 = arith.constant 0 : i32
    return %c0_i32, %c0_i32_0 : i32, i32
  }
  func.func @transform_10(%arg0: i32) -> (i32, i32) {
    %c0_i32 = arith.constant 0 : i32
    %c0_i32_0 = arith.constant 0 : i32
    %c0_i32_1 = arith.constant 0 : i32
    return %c0_i32, %c0_i32_0 : i32, i32
  }
  func.func @transform_11(%arg0: i32) -> (i32, i32) {
    %c0_i32 = arith.constant 0 : i32
    %c0_i32_0 = arith.constant 0 : i32
    %c0_i32_1 = arith.constant 0 : i32
    return %c0_i32, %c0_i32_0 : i32, i32
  }
  func.func @transform_12(%arg0: i32) -> (i32, i32) {
    %c0_i32 = arith.constant 0 : i32
    %c0_i32_0 = arith.constant 0 : i32
    return %arg0, %c0_i32 : i32, i32
  }
  func.func @transform_13(%arg0: i32) -> (i32, i32, i32) {
    %c0_i32 = arith.constant 0 : i32
    %c0_i32_0 = arith.constant 0 : i32
    %c0_i32_1 = arith.constant 0 : i32
    return %c0_i32, %arg0, %c0_i32_0 : i32, i32, i32
  }
}

module attributes {stable_mosaic.version = 14 : i64} {
  func.func @body(%arg0: i32, %arg1: memref<2000x128xf32, #tpu.memory_space<vmem>>, %arg2: memref<4x2000x32xf32, #tpu.memory_space<vmem>>, %arg3: memref<128x128xf32, #tpu.memory_space<vmem>>, %arg4: memref<1x128xf32, #tpu.memory_space<vmem>>, %arg5: memref<1x128xf32, #tpu.memory_space<vmem>>, %arg6: memref<1x128xf32, #tpu.memory_space<vmem>>, %arg7: memref<128x128xf32, #tpu.memory_space<vmem>>, %arg8: memref<1x128xf32, #tpu.memory_space<vmem>>, %arg9: memref<1x128xf32, #tpu.memory_space<vmem>>, %arg10: memref<1x128xf32, #tpu.memory_space<vmem>>, %arg11: memref<1x1xf32, #tpu.memory_space<vmem>>, %arg12: memref<2000x128xf32, #tpu.memory_space<vmem>>, %arg13: memref<4x2000x32xf32, #tpu.memory_space<vmem>>) attributes {dimension_semantics = [#tpu.dimension_semantics<arbitrary>], iteration_bounds = array<i64: 25>, scalar_prefetch = 0 : i64, scratch_operands = 0 : i64, tpu.core_type = #tpu.core_type<tc>, window_params = [{transform_indices = @transform_0, window_bounds = array<i64: 2000, 128>}, {transform_indices = @transform_1, window_bounds = array<i64: 4, 2000, 32>}, {pipeline_mode = #tpu.pipeline_mode<synchronous>, transform_indices = @transform_2, window_bounds = array<i64: 128, 128>}, {pipeline_mode = #tpu.pipeline_mode<synchronous>, transform_indices = @transform_3, window_bounds = array<i64: 1, 128>}, {pipeline_mode = #tpu.pipeline_mode<synchronous>, transform_indices = @transform_4, window_bounds = array<i64: 1, 128>}, {pipeline_mode = #tpu.pipeline_mode<synchronous>, transform_indices = @transform_5, window_bounds = array<i64: 1, 128>}, {pipeline_mode = #tpu.pipeline_mode<synchronous>, transform_indices = @transform_6, window_bounds = array<i64: 128, 128>}, {pipeline_mode = #tpu.pipeline_mode<synchronous>, transform_indices = @transform_7, window_bounds = array<i64: 1, 128>}, {pipeline_mode = #tpu.pipeline_mode<synchronous>, transform_indices = @transform_8, window_bounds = array<i64: 1, 128>}, {pipeline_mode = #tpu.pipeline_mode<synchronous>, transform_indices = @transform_9, window_bounds = array<i64: 1, 128>}, {pipeline_mode = #tpu.pipeline_mode<synchronous>, transform_indices = @transform_10, window_bounds = array<i64: 1, 1>}, {transform_indices = @transform_11, window_bounds = array<i64: 2000, 128>}, {transform_indices = @transform_12, window_bounds = array<i64: 4, 2000, 32>}]} {
    %get3A = arith.constant 0 : index
    %get3A_0 = arith.constant 0 : index
    %get3A_1 = vector.load %arg1[%get3A, %get3A_0] : memref<2000x128xf32, #tpu.memory_space<vmem>>, vector<2000x128xf32>
    %get3A_2 = arith.constant 0 : index
    %get3A_3 = arith.constant 0 : index
    %get3A_4 = arith.constant 0 : index
    %get3A_5 = vector.load %arg2[%get3A_2, %get3A_3, %get3A_4] : memref<4x2000x32xf32, #tpu.memory_space<vmem>>, vector<1x2000x32xf32>
    %get3A_6 = vector.shape_cast %get3A_5 : vector<1x2000x32xf32> to vector<2000x32xf32>
    %get3A_7 = arith.constant 1 : index
    %get3A_8 = arith.constant 0 : index
    %get3A_9 = arith.constant 0 : index
    %get3A_10 = vector.load %arg2[%get3A_7, %get3A_8, %get3A_9] : memref<4x2000x32xf32, #tpu.memory_space<vmem>>, vector<1x2000x32xf32>
    %get3A_11 = vector.shape_cast %get3A_10 : vector<1x2000x32xf32> to vector<2000x32xf32>
    %get3A_12 = arith.constant 2 : index
    %get3A_13 = arith.constant 0 : index
    %get3A_14 = arith.constant 0 : index
    %get3A_15 = vector.load %arg2[%get3A_12, %get3A_13, %get3A_14] : memref<4x2000x32xf32, #tpu.memory_space<vmem>>, vector<1x2000x32xf32>
    %get3A_16 = vector.shape_cast %get3A_15 : vector<1x2000x32xf32> to vector<2000x32xf32>
    %get3A_17 = arith.constant 3 : index
    %get3A_18 = arith.constant 0 : index
    %get3A_19 = arith.constant 0 : index
    %get3A_20 = vector.load %arg2[%get3A_17, %get3A_18, %get3A_19] : memref<4x2000x32xf32, #tpu.memory_space<vmem>>, vector<1x2000x32xf32>
    %get3A_21 = vector.shape_cast %get3A_20 : vector<1x2000x32xf32> to vector<2000x32xf32>
    %concatenate3A = tpu.concatenate %get3A_6, %get3A_11, %get3A_16, %get3A_21 in 1 : vector<2000x32xf32>, vector<2000x32xf32>, vector<2000x32xf32>, vector<2000x32xf32> -> vector<2000x128xf32>
    %get3A_22 = arith.constant 0 : index
    %get3A_23 = arith.constant 0 : index
    %get3A_24 = vector.load %arg11[%get3A_22, %get3A_23] : memref<1x1xf32, #tpu.memory_space<vmem>>, vector<1x1xf32>
    %get3A_25 = vector.extract %get3A_24[0, 0] : f32 from vector<1x1xf32>
    %add3A = arith.constant 1.000000e+00 : f32
    %add3A_26 = arith.addf %add3A, %get3A_25 : f32
    %mul3A = vector.broadcast %add3A_26 : f32 to vector<2000x128xf32>
    %mul3A_27 = arith.mulf %mul3A, %get3A_1 : vector<2000x128xf32>
    %add3A_28 = arith.addf %mul3A_27, %concatenate3A : vector<2000x128xf32>
    %get3A_29 = arith.constant 0 : index
    %get3A_30 = arith.constant 0 : index
    %get3A_31 = vector.load %arg3[%get3A_29, %get3A_30] : memref<128x128xf32, #tpu.memory_space<vmem>>, vector<128x128xf32>
    %dot_general3A = arith.constant dense<0.000000e+00> : vector<2000x128xf32>
    %dot_general3A_32 = tpu.matmul %add3A_28, %get3A_31, %dot_general3A {dimension_numbers = #tpu.dot_dimension_numbers<[1], [0], [0], [1], [0, 0, 1, 1], [], []>, transpose_lhs_hint = false} : vector<2000x128xf32>, vector<128x128xf32>, vector<2000x128xf32> -> vector<2000x128xf32>
    %get3A_33 = arith.constant 0 : index
    %get3A_34 = arith.constant 0 : index
    %get3A_35 = vector.load %arg4[%get3A_33, %get3A_34] : memref<1x128xf32, #tpu.memory_space<vmem>>, vector<1x128xf32>
    %add3A_36 = vector.broadcast %get3A_35 : vector<1x128xf32> to vector<2000x128xf32>
    %add3A_37 = arith.addf %dot_general3A_32, %add3A_36 : vector<2000x128xf32>
    %get3A_38 = arith.constant 0 : index
    %get3A_39 = arith.constant 0 : index
    %get3A_40 = vector.load %arg5[%get3A_38, %get3A_39] : memref<1x128xf32, #tpu.memory_space<vmem>>, vector<1x128xf32>
    %get3A_41 = arith.constant 0 : index
    %get3A_42 = arith.constant 0 : index
    %get3A_43 = vector.load %arg6[%get3A_41, %get3A_42] : memref<1x128xf32, #tpu.memory_space<vmem>>, vector<1x128xf32>
    %reduce_sum3A = arith.constant dense<0.000000e+00> : vector<2000xf32>
    %reduce_sum3A_44 = vector.multi_reduction <add>, %add3A_37, %reduce_sum3A [1] : vector<2000x128xf32> to vector<2000xf32>
    %broadcast_in_dim3A = vector.shape_cast %reduce_sum3A_44 : vector<2000xf32> to vector<2000x1xf32>
    %div3A = arith.constant 1.280000e+02 : f32
    %div3A_45 = vector.broadcast %div3A : f32 to vector<2000x1xf32>
    %div3A_46 = arith.divf %broadcast_in_dim3A, %div3A_45 : vector<2000x1xf32>
    %sub3A = vector.broadcast %div3A_46 : vector<2000x1xf32> to vector<2000x128xf32>
    %sub3A_47 = arith.subf %add3A_37, %sub3A : vector<2000x128xf32>
    %integer_pow3A = arith.mulf %sub3A_47, %sub3A_47 : vector<2000x128xf32>
    %reduce_sum3A_48 = arith.constant dense<0.000000e+00> : vector<2000xf32>
    %reduce_sum3A_49 = vector.multi_reduction <add>, %integer_pow3A, %reduce_sum3A_48 [1] : vector<2000x128xf32> to vector<2000xf32>
    %broadcast_in_dim3A_50 = vector.shape_cast %reduce_sum3A_49 : vector<2000xf32> to vector<2000x1xf32>
    %div3A_51 = arith.constant 1.280000e+02 : f32
    %div3A_52 = vector.broadcast %div3A_51 : f32 to vector<2000x1xf32>
    %div3A_53 = arith.divf %broadcast_in_dim3A_50, %div3A_52 : vector<2000x1xf32>
    %sub3A_54 = vector.broadcast %div3A_46 : vector<2000x1xf32> to vector<2000x128xf32>
    %sub3A_55 = arith.subf %add3A_37, %sub3A_54 : vector<2000x128xf32>
    %add3A_56 = arith.constant 9.99999974E-6 : f32
    %add3A_57 = vector.broadcast %add3A_56 : f32 to vector<2000x1xf32>
    %add3A_58 = arith.addf %div3A_53, %add3A_57 : vector<2000x1xf32>
    %sqrt3A = math.sqrt %add3A_58 : vector<2000x1xf32>
    %div3A_59 = vector.broadcast %sqrt3A : vector<2000x1xf32> to vector<2000x128xf32>
    %div3A_60 = arith.divf %sub3A_55, %div3A_59 : vector<2000x128xf32>
    %mul3A_61 = vector.broadcast %get3A_40 : vector<1x128xf32> to vector<2000x128xf32>
    %mul3A_62 = arith.mulf %div3A_60, %mul3A_61 : vector<2000x128xf32>
    %add3A_63 = vector.broadcast %get3A_43 : vector<1x128xf32> to vector<2000x128xf32>
    %add3A_64 = arith.addf %mul3A_62, %add3A_63 : vector<2000x128xf32>
    %max3A = arith.constant 0.000000e+00 : f32
    %max3A_65 = vector.broadcast %max3A : f32 to vector<2000x128xf32>
    %max3A_66 = arith.maximumf %add3A_64, %max3A_65 : vector<2000x128xf32>
    %get3A_67 = arith.constant 0 : index
    %get3A_68 = arith.constant 0 : index
    %get3A_69 = vector.load %arg7[%get3A_67, %get3A_68] : memref<128x128xf32, #tpu.memory_space<vmem>>, vector<128x128xf32>
    %dot_general3A_70 = arith.constant dense<0.000000e+00> : vector<2000x128xf32>
    %dot_general3A_71 = tpu.matmul %max3A_66, %get3A_69, %dot_general3A_70 {dimension_numbers = #tpu.dot_dimension_numbers<[1], [0], [0], [1], [0, 0, 1, 1], [], []>, transpose_lhs_hint = false} : vector<2000x128xf32>, vector<128x128xf32>, vector<2000x128xf32> -> vector<2000x128xf32>
    %get3A_72 = arith.constant 0 : index
    %get3A_73 = arith.constant 0 : index
    %get3A_74 = vector.load %arg8[%get3A_72, %get3A_73] : memref<1x128xf32, #tpu.memory_space<vmem>>, vector<1x128xf32>
    %add3A_75 = vector.broadcast %get3A_74 : vector<1x128xf32> to vector<2000x128xf32>
    %add3A_76 = arith.addf %dot_general3A_71, %add3A_75 : vector<2000x128xf32>
    %get3A_77 = arith.constant 0 : index
    %get3A_78 = arith.constant 0 : index
    %get3A_79 = vector.load %arg9[%get3A_77, %get3A_78] : memref<1x128xf32, #tpu.memory_space<vmem>>, vector<1x128xf32>
    %get3A_80 = arith.constant 0 : index
    %get3A_81 = arith.constant 0 : index
    %get3A_82 = vector.load %arg10[%get3A_80, %get3A_81] : memref<1x128xf32, #tpu.memory_space<vmem>>, vector<1x128xf32>
    %reduce_sum3A_83 = arith.constant dense<0.000000e+00> : vector<2000xf32>
    %reduce_sum3A_84 = vector.multi_reduction <add>, %add3A_76, %reduce_sum3A_83 [1] : vector<2000x128xf32> to vector<2000xf32>
    %broadcast_in_dim3A_85 = vector.shape_cast %reduce_sum3A_84 : vector<2000xf32> to vector<2000x1xf32>
    %div3A_86 = arith.constant 1.280000e+02 : f32
    %div3A_87 = vector.broadcast %div3A_86 : f32 to vector<2000x1xf32>
    %div3A_88 = arith.divf %broadcast_in_dim3A_85, %div3A_87 : vector<2000x1xf32>
    %sub3A_89 = vector.broadcast %div3A_88 : vector<2000x1xf32> to vector<2000x128xf32>
    %sub3A_90 = arith.subf %add3A_76, %sub3A_89 : vector<2000x128xf32>
    %integer_pow3A_91 = arith.mulf %sub3A_90, %sub3A_90 : vector<2000x128xf32>
    %reduce_sum3A_92 = arith.constant dense<0.000000e+00> : vector<2000xf32>
    %reduce_sum3A_93 = vector.multi_reduction <add>, %integer_pow3A_91, %reduce_sum3A_92 [1] : vector<2000x128xf32> to vector<2000xf32>
    %broadcast_in_dim3A_94 = vector.shape_cast %reduce_sum3A_93 : vector<2000xf32> to vector<2000x1xf32>
    %div3A_95 = arith.constant 1.280000e+02 : f32
    %div3A_96 = vector.broadcast %div3A_95 : f32 to vector<2000x1xf32>
    %div3A_97 = arith.divf %broadcast_in_dim3A_94, %div3A_96 : vector<2000x1xf32>
    %sub3A_98 = vector.broadcast %div3A_88 : vector<2000x1xf32> to vector<2000x128xf32>
    %sub3A_99 = arith.subf %add3A_76, %sub3A_98 : vector<2000x128xf32>
    %add3A_100 = arith.constant 9.99999974E-6 : f32
    %add3A_101 = vector.broadcast %add3A_100 : f32 to vector<2000x1xf32>
    %add3A_102 = arith.addf %div3A_97, %add3A_101 : vector<2000x1xf32>
    %sqrt3A_103 = math.sqrt %add3A_102 : vector<2000x1xf32>
    %div3A_104 = vector.broadcast %sqrt3A_103 : vector<2000x1xf32> to vector<2000x128xf32>
    %div3A_105 = arith.divf %sub3A_99, %div3A_104 : vector<2000x128xf32>
    %mul3A_106 = vector.broadcast %get3A_79 : vector<1x128xf32> to vector<2000x128xf32>
    %mul3A_107 = arith.mulf %div3A_105, %mul3A_106 : vector<2000x128xf32>
    %add3A_108 = vector.broadcast %get3A_82 : vector<1x128xf32> to vector<2000x128xf32>
    %add3A_109 = arith.addf %mul3A_107, %add3A_108 : vector<2000x128xf32>
    %max3A_110 = arith.constant 0.000000e+00 : f32
    %max3A_111 = vector.broadcast %max3A_110 : f32 to vector<2000x128xf32>
    %max3A_112 = arith.maximumf %add3A_109, %max3A_111 : vector<2000x128xf32>
    %add3A_113 = arith.addf %max3A_112, %get3A_1 : vector<2000x128xf32>
    %swap3A = arith.constant 0 : index
    %swap3A_114 = arith.constant 0 : index
    %swap3A_115 = vector.load %arg12[%swap3A, %swap3A_114] : memref<2000x128xf32, #tpu.memory_space<vmem>>, vector<2000x128xf32>
    tpu.vector_store %arg12[%swap3A, %swap3A_114], %add3A_113 {strides = array<i32>} : memref<2000x128xf32, #tpu.memory_space<vmem>>, vector<2000x128xf32>,
    %slice3A = vector.extract_strided_slice %add3A_113 {offsets = [0, 0], sizes = [2000, 32], strides = [1, 1]} : vector<2000x128xf32> to vector<2000x32xf32>
    %swap3A_116 = arith.constant 0 : index
    %swap3A_117 = arith.constant 0 : index
    %swap3A_118 = arith.constant 0 : index
    %swap3A_119 = vector.load %arg13[%swap3A_116, %swap3A_117, %swap3A_118] : memref<4x2000x32xf32, #tpu.memory_space<vmem>>, vector<1x2000x32xf32>
    %swap3A_120 = vector.shape_cast %swap3A_119 : vector<1x2000x32xf32> to vector<2000x32xf32>
    %swap3A_121 = vector.shape_cast %slice3A : vector<2000x32xf32> to vector<1x2000x32xf32>
    tpu.vector_store %arg13[%swap3A_116, %swap3A_117, %swap3A_118], %swap3A_121 {strides = array<i32>} : memref<4x2000x32xf32, #tpu.memory_space<vmem>>, vector<1x2000x32xf32>,
    %slice3A_122 = vector.extract_strided_slice %add3A_113 {offsets = [0, 32], sizes = [2000, 32], strides = [1, 1]} : vector<2000x128xf32> to vector<2000x32xf32>
    %swap3A_123 = arith.constant 1 : index
    %swap3A_124 = arith.constant 0 : index
    %swap3A_125 = arith.constant 0 : index
    %swap3A_126 = vector.load %arg13[%swap3A_123, %swap3A_124, %swap3A_125] : memref<4x2000x32xf32, #tpu.memory_space<vmem>>, vector<1x2000x32xf32>
    %swap3A_127 = vector.shape_cast %swap3A_126 : vector<1x2000x32xf32> to vector<2000x32xf32>
    %swap3A_128 = vector.shape_cast %slice3A_122 : vector<2000x32xf32> to vector<1x2000x32xf32>
    tpu.vector_store %arg13[%swap3A_123, %swap3A_124, %swap3A_125], %swap3A_128 {strides = array<i32>} : memref<4x2000x32xf32, #tpu.memory_space<vmem>>, vector<1x2000x32xf32>,
    %slice3A_129 = vector.extract_strided_slice %add3A_113 {offsets = [0, 64], sizes = [2000, 32], strides = [1, 1]} : vector<2000x128xf32> to vector<2000x32xf32>
    %swap3A_130 = arith.constant 2 : index
    %swap3A_131 = arith.constant 0 : index
    %swap3A_132 = arith.constant 0 : index
    %swap3A_133 = vector.load %arg13[%swap3A_130, %swap3A_131, %swap3A_132] : memref<4x2000x32xf32, #tpu.memory_space<vmem>>, vector<1x2000x32xf32>
    %swap3A_134 = vector.shape_cast %swap3A_133 : vector<1x2000x32xf32> to vector<2000x32xf32>
    %swap3A_135 = vector.shape_cast %slice3A_129 : vector<2000x32xf32> to vector<1x2000x32xf32>
    tpu.vector_store %arg13[%swap3A_130, %swap3A_131, %swap3A_132], %swap3A_135 {strides = array<i32>} : memref<4x2000x32xf32, #tpu.memory_space<vmem>>, vector<1x2000x32xf32>,
    %slice3A_136 = vector.extract_strided_slice %add3A_113 {offsets = [0, 96], sizes = [2000, 32], strides = [1, 1]} : vector<2000x128xf32> to vector<2000x32xf32>
    %swap3A_137 = arith.constant 3 : index
    %swap3A_138 = arith.constant 0 : index
    %swap3A_139 = arith.constant 0 : index
    %swap3A_140 = vector.load %arg13[%swap3A_137, %swap3A_138, %swap3A_139] : memref<4x2000x32xf32, #tpu.memory_space<vmem>>, vector<1x2000x32xf32>
    %swap3A_141 = vector.shape_cast %swap3A_140 : vector<1x2000x32xf32> to vector<2000x32xf32>
    %swap3A_142 = vector.shape_cast %slice3A_136 : vector<2000x32xf32> to vector<1x2000x32xf32>
    tpu.vector_store %arg13[%swap3A_137, %swap3A_138, %swap3A_139], %swap3A_142 {strides = array<i32>} : memref<4x2000x32xf32, #tpu.memory_space<vmem>>, vector<1x2000x32xf32>,
    return
  }
  func.func @transform_0(%arg0: i32) -> (i32, i32) {
    %c0_i32 = arith.constant 0 : i32
    %c0_i32_0 = arith.constant 0 : i32
    return %arg0, %c0_i32 : i32, i32
  }
  func.func @transform_1(%arg0: i32) -> (i32, i32, i32) {
    %c0_i32 = arith.constant 0 : i32
    %c0_i32_0 = arith.constant 0 : i32
    %c0_i32_1 = arith.constant 0 : i32
    return %c0_i32, %arg0, %c0_i32_0 : i32, i32, i32
  }
  func.func @transform_2(%arg0: i32) -> (i32, i32) {
    %c0_i32 = arith.constant 0 : i32
    %c0_i32_0 = arith.constant 0 : i32
    %c0_i32_1 = arith.constant 0 : i32
    return %c0_i32, %c0_i32_0 : i32, i32
  }
  func.func @transform_3(%arg0: i32) -> (i32, i32) {
    %c0_i32 = arith.constant 0 : i32
    %c0_i32_0 = arith.constant 0 : i32
    %c0_i32_1 = arith.constant 0 : i32
    return %c0_i32, %c0_i32_0 : i32, i32
  }
  func.func @transform_4(%arg0: i32) -> (i32, i32) {
    %c0_i32 = arith.constant 0 : i32
    %c0_i32_0 = arith.constant 0 : i32
    %c0_i32_1 = arith.constant 0 : i32
    return %c0_i32, %c0_i32_0 : i32, i32
  }
  func.func @transform_5(%arg0: i32) -> (i32, i32) {
    %c0_i32 = arith.constant 0 : i32
    %c0_i32_0 = arith.constant 0 : i32
    %c0_i32_1 = arith.constant 0 : i32
    return %c0_i32, %c0_i32_0 : i32, i32
  }
  func.func @transform_6(%arg0: i32) -> (i32, i32) {
    %c0_i32 = arith.constant 0 : i32
    %c0_i32_0 = arith.constant 0 : i32
    %c0_i32_1 = arith.constant 0 : i32
    return %c0_i32, %c0_i32_0 : i32, i32
  }
  func.func @transform_7(%arg0: i32) -> (i32, i32) {
    %c0_i32 = arith.constant 0 : i32
    %c0_i32_0 = arith.constant 0 : i32
    %c0_i32_1 = arith.constant 0 : i32
    return %c0_i32, %c0_i32_0 : i32, i32
  }
  func.func @transform_8(%arg0: i32) -> (i32, i32) {
    %c0_i32 = arith.constant 0 : i32
    %c0_i32_0 = arith.constant 0 : i32
    %c0_i32_1 = arith.constant 0 : i32
    return %c0_i32, %c0_i32_0 : i32, i32
  }
  func.func @transform_9(%arg0: i32) -> (i32, i32) {
    %c0_i32 = arith.constant 0 : i32
    %c0_i32_0 = arith.constant 0 : i32
    %c0_i32_1 = arith.constant 0 : i32
    return %c0_i32, %c0_i32_0 : i32, i32
  }
  func.func @transform_10(%arg0: i32) -> (i32, i32) {
    %c0_i32 = arith.constant 0 : i32
    %c0_i32_0 = arith.constant 0 : i32
    %c0_i32_1 = arith.constant 0 : i32
    return %c0_i32, %c0_i32_0 : i32, i32
  }
  func.func @transform_11(%arg0: i32) -> (i32, i32) {
    %c0_i32 = arith.constant 0 : i32
    %c0_i32_0 = arith.constant 0 : i32
    return %arg0, %c0_i32 : i32, i32
  }
  func.func @transform_12(%arg0: i32) -> (i32, i32, i32) {
    %c0_i32 = arith.constant 0 : i32
    %c0_i32_0 = arith.constant 0 : i32
    %c0_i32_1 = arith.constant 0 : i32
    return %c0_i32, %arg0, %c0_i32_0 : i32, i32, i32
  }
}

module attributes {stable_mosaic.version = 14 : i64} {
  func.func @body(%arg0: i32, %arg1: i32, %arg2: memref<2000x128xf32, #tpu.memory_space<vmem>>, %arg3: memref<2000x1xf32, #tpu.memory_space<vmem>>, %arg4: memref<2000x1xi32, #tpu.memory_space<vmem>>, %arg5: memref<1x16xf32, #tpu.memory_space<vmem>>, %arg6: memref<128x128xf32, #tpu.memory_space<vmem>>, %arg7: memref<1x128xf32, #tpu.memory_space<vmem>>, %arg8: memref<128x128xf32, #tpu.memory_space<vmem>>, %arg9: memref<1x128xf32, #tpu.memory_space<vmem>>, %arg10: memref<128x128xf32, #tpu.memory_space<vmem>>, %arg11: memref<1x128xf32, #tpu.memory_space<vmem>>, %arg12: memref<1x128xf32, #tpu.memory_space<vmem>>, %arg13: memref<128x1xf32, #tpu.memory_space<vmem>>, %arg14: memref<1x1xf32, #tpu.memory_space<vmem>>, %arg15: memref<2000x1xf32, #tpu.memory_space<vmem>>, %arg16: memref<16x128xf32, #tpu.memory_space<vmem>>, %arg17: memref<16x1xf32, #tpu.memory_space<vmem>>, %arg18: memref<16x128xf32, #tpu.memory_space<vmem>>) attributes {dimension_semantics = [#tpu.dimension_semantics<arbitrary>, #tpu.dimension_semantics<arbitrary>], iteration_bounds = array<i64: 2, 25>, scalar_prefetch = 0 : i64, scratch_operands = 3 : i64, tpu.core_type = #tpu.core_type<tc>, window_params = [{transform_indices = @transform_0, window_bounds = array<i64: 2000, 128>}, {transform_indices = @transform_1, window_bounds = array<i64: 2000, 1>}, {transform_indices = @transform_2, window_bounds = array<i64: 2000, 1>}, {pipeline_mode = #tpu.pipeline_mode<synchronous>, transform_indices = @transform_3, window_bounds = array<i64: 1, 16>}, {pipeline_mode = #tpu.pipeline_mode<synchronous>, transform_indices = @transform_4, window_bounds = array<i64: 128, 128>}, {pipeline_mode = #tpu.pipeline_mode<synchronous>, transform_indices = @transform_5, window_bounds = array<i64: 1, 128>}, {pipeline_mode = #tpu.pipeline_mode<synchronous>, transform_indices = @transform_6, window_bounds = array<i64: 128, 128>}, {pipeline_mode = #tpu.pipeline_mode<synchronous>, transform_indices = @transform_7, window_bounds = array<i64: 1, 128>}, {pipeline_mode = #tpu.pipeline_mode<synchronous>, transform_indices = @transform_8, window_bounds = array<i64: 128, 128>}, {pipeline_mode = #tpu.pipeline_mode<synchronous>, transform_indices = @transform_9, window_bounds = array<i64: 1, 128>}, {pipeline_mode = #tpu.pipeline_mode<synchronous>, transform_indices = @transform_10, window_bounds = array<i64: 1, 128>}, {pipeline_mode = #tpu.pipeline_mode<synchronous>, transform_indices = @transform_11, window_bounds = array<i64: 128, 1>}, {pipeline_mode = #tpu.pipeline_mode<synchronous>, transform_indices = @transform_12, window_bounds = array<i64: 1, 1>}, {transform_indices = @transform_13, window_bounds = array<i64: 2000, 1>}]} {
    %iota3A = tpu.iota {dimensions = array<i32: 1>} : vector<2000x16xi32>
    %get3A = arith.constant 0 : index
    %get3A_0 = arith.constant 0 : index
    %get3A_1 = vector.load %arg4[%get3A, %get3A_0] : memref<2000x1xi32, #tpu.memory_space<vmem>>, vector<2000x1xi32>
    %eq3A = vector.broadcast %get3A_1 : vector<2000x1xi32> to vector<2000x16xi32>
    %eq3A_2 = arith.cmpi eq, %eq3A, %iota3A : vector<2000x16xi32>
    %convert_element_type3A = arith.extui %eq3A_2 : vector<2000x16xi1> to vector<2000x16xi32>
    %convert_element_type3A_3 = arith.sitofp %convert_element_type3A : vector<2000x16xi32> to vector<2000x16xf32>
    %eq3A_4 = arith.constant 0 : i32
    %eq3A_5 = arith.cmpi eq, %arg0, %eq3A_4 : i32
    %convert_element_type3A_6 = arith.extui %eq3A_5 : i1 to i32
    %cond3A = arith.constant 0 : i32
    %cond3A_7 = arith.cmpi ne, %convert_element_type3A_6, %cond3A : i32
    scf.if %cond3A_7 {
      %eq3A_13 = arith.constant 0 : i32
      %eq3A_14 = arith.cmpi eq, %arg1, %eq3A_13 : i32
      %convert_element_type3A_15 = arith.extui %eq3A_14 : i1 to i32
      %cond3A_16 = arith.constant 0 : i32
      %cond3A_17 = arith.cmpi ne, %convert_element_type3A_15, %cond3A_16 : i32
      scf.if %cond3A_17 {
        %broadcast_in_dim3A_52 = arith.constant 0.000000e+00 : f32
        %broadcast_in_dim3A_53 = vector.broadcast %broadcast_in_dim3A_52 : f32 to vector<16x128xf32>
        %swap3A_54 = arith.constant 0 : index
        %swap3A_55 = arith.constant 0 : index
        %swap3A_56 = vector.load %arg16[%swap3A_54, %swap3A_55] : memref<16x128xf32, #tpu.memory_space<vmem>>, vector<16x128xf32>
        tpu.vector_store %arg16[%swap3A_54, %swap3A_55], %broadcast_in_dim3A_53 {strides = array<i32>} : memref<16x128xf32, #tpu.memory_space<vmem>>, vector<16x128xf32>,
        %broadcast_in_dim3A_57 = arith.constant 0.000000e+00 : f32
        %broadcast_in_dim3A_58 = vector.broadcast %broadcast_in_dim3A_57 : f32 to vector<16x1xf32>
        %swap3A_59 = arith.constant 0 : index
        %swap3A_60 = arith.constant 0 : index
        %swap3A_61 = vector.load %arg17[%swap3A_59, %swap3A_60] : memref<16x1xf32, #tpu.memory_space<vmem>>, vector<16x1xf32>
        tpu.vector_store %arg17[%swap3A_59, %swap3A_60], %broadcast_in_dim3A_58 {strides = array<i32>} : memref<16x1xf32, #tpu.memory_space<vmem>>, vector<16x1xf32>,
      } else {
      }
      %get3A_18 = arith.constant 0 : index
      %get3A_19 = arith.constant 0 : index
      %get3A_20 = vector.load %arg5[%get3A_18, %get3A_19] : memref<1x16xf32, #tpu.memory_space<vmem>>, vector<1x16xf32>
      %jit3A = arith.constant 0.000000e+00 : f32
      %broadcast_in_dim3A = vector.shape_cast %get3A_20 : vector<1x16xf32> to vector<1x16xf32>
      %broadcast_in_dim3A_21 = vector.broadcast %broadcast_in_dim3A : vector<1x16xf32> to vector<2000x16xf32>
      %broadcast_in_dim3A_22 = vector.broadcast %jit3A : f32 to vector<2000x16xf32>
      %select_n3A = arith.select %eq3A_2, %broadcast_in_dim3A_21, %broadcast_in_dim3A_22 : vector<2000x16xi1>, vector<2000x16xf32>
      %reduce_sum3A = arith.constant dense<0.000000e+00> : vector<2000xf32>
      %reduce_sum3A_23 = vector.multi_reduction <add>, %select_n3A, %reduce_sum3A [1] : vector<2000x16xf32> to vector<2000xf32>
      %broadcast_in_dim3A_24 = vector.shape_cast %reduce_sum3A_23 : vector<2000xf32> to vector<2000x1xf32>
      %get3A_25 = arith.constant 0 : index
      %get3A_26 = arith.constant 0 : index
      %get3A_27 = vector.load %arg3[%get3A_25, %get3A_26] : memref<2000x1xf32, #tpu.memory_space<vmem>>, vector<2000x1xf32>
      %sub3A = arith.subf %get3A_27, %broadcast_in_dim3A_24 : vector<2000x1xf32>
      %exp3A = math.exp %sub3A : vector<2000x1xf32>
      %get3A_28 = arith.constant 0 : index
      %get3A_29 = arith.constant 0 : index
      %get3A_30 = vector.load %arg2[%get3A_28, %get3A_29] : memref<2000x128xf32, #tpu.memory_space<vmem>>, vector<2000x128xf32>
      %mul3A = vector.broadcast %exp3A : vector<2000x1xf32> to vector<2000x128xf32>
      %mul3A_31 = arith.mulf %get3A_30, %mul3A : vector<2000x128xf32>
      %get3A_32 = arith.constant 0 : index
      %get3A_33 = arith.constant 0 : index
      %get3A_34 = vector.load %arg16[%get3A_32, %get3A_33] : memref<16x128xf32, #tpu.memory_space<vmem>>, vector<16x128xf32>
      %dot_general3A = arith.constant dense<0.000000e+00> : vector<16x128xf32>
      %dot_general3A_35 = tpu.matmul %convert_element_type3A_3, %mul3A_31, %dot_general3A {dimension_numbers = #tpu.dot_dimension_numbers<[0], [0], [1], [1], [0, 1, 1, 1], [], []>, transpose_lhs_hint = false} : vector<2000x16xf32>, vector<2000x128xf32>, vector<16x128xf32> -> vector<16x128xf32>
      %add3A = arith.addf %get3A_34, %dot_general3A_35 : vector<16x128xf32>
      %swap3A = arith.constant 0 : index
      %swap3A_36 = arith.constant 0 : index
      %swap3A_37 = vector.load %arg16[%swap3A, %swap3A_36] : memref<16x128xf32, #tpu.memory_space<vmem>>, vector<16x128xf32>
      tpu.vector_store %arg16[%swap3A, %swap3A_36], %add3A {strides = array<i32>} : memref<16x128xf32, #tpu.memory_space<vmem>>, vector<16x128xf32>,
      %get3A_38 = arith.constant 0 : index
      %get3A_39 = arith.constant 0 : index
      %get3A_40 = vector.load %arg17[%get3A_38, %get3A_39] : memref<16x1xf32, #tpu.memory_space<vmem>>, vector<16x1xf32>
      %dot_general3A_41 = arith.constant dense<0.000000e+00> : vector<16x1xf32>
      %dot_general3A_42 = tpu.matmul %convert_element_type3A_3, %exp3A, %dot_general3A_41 {dimension_numbers = #tpu.dot_dimension_numbers<[0], [0], [1], [1], [0, 1, 1, 1], [], []>, transpose_lhs_hint = false} : vector<2000x16xf32>, vector<2000x1xf32>, vector<16x1xf32> -> vector<16x1xf32>
      %add3A_43 = arith.addf %get3A_40, %dot_general3A_42 : vector<16x1xf32>
      %swap3A_44 = arith.constant 0 : index
      %swap3A_45 = arith.constant 0 : index
      %swap3A_46 = vector.load %arg17[%swap3A_44, %swap3A_45] : memref<16x1xf32, #tpu.memory_space<vmem>>, vector<16x1xf32>
      tpu.vector_store %arg17[%swap3A_44, %swap3A_45], %add3A_43 {strides = array<i32>} : memref<16x1xf32, #tpu.memory_space<vmem>>, vector<16x1xf32>,
      %eq3A_47 = arith.constant 24 : i32
      %eq3A_48 = arith.cmpi eq, %arg1, %eq3A_47 : i32
      %convert_element_type3A_49 = arith.extui %eq3A_48 : i1 to i32
      %cond3A_50 = arith.constant 0 : i32
      %cond3A_51 = arith.cmpi ne, %convert_element_type3A_49, %cond3A_50 : i32
      scf.if %cond3A_51 {
        %get3A_52 = arith.constant 0 : index
        %get3A_53 = arith.constant 0 : index
        %get3A_54 = vector.load %arg17[%get3A_52, %get3A_53] : memref<16x1xf32, #tpu.memory_space<vmem>>, vector<16x1xf32>
        %get3A_55 = arith.constant 0 : index
        %get3A_56 = arith.constant 0 : index
        %get3A_57 = vector.load %arg16[%get3A_55, %get3A_56] : memref<16x128xf32, #tpu.memory_space<vmem>>, vector<16x128xf32>
        %gt3A = arith.constant 0.000000e+00 : f32
        %gt3A_58 = vector.broadcast %gt3A : f32 to vector<16x1xf32>
        %gt3A_59 = arith.cmpf ogt, %get3A_54, %gt3A_58 : vector<16x1xf32>
        %div3A = arith.constant 1.000000e+00 : f32
        %div3A_60 = vector.broadcast %div3A : f32 to vector<16x1xf32>
        %div3A_61 = arith.divf %div3A_60, %get3A_54 : vector<16x1xf32>
        %jit3A_62 = arith.constant 0.000000e+00 : f32
        %broadcast_in_dim3A_63 = vector.broadcast %jit3A_62 : f32 to vector<16x1xf32>
        %select_n3A_64 = arith.select %gt3A_59, %div3A_61, %broadcast_in_dim3A_63 : vector<16x1xi1>, vector<16x1xf32>
        %mul3A_65 = vector.broadcast %select_n3A_64 : vector<16x1xf32> to vector<16x128xf32>
        %mul3A_66 = arith.mulf %get3A_57, %mul3A_65 : vector<16x128xf32>
        %get3A_67 = arith.constant 0 : index
        %get3A_68 = arith.constant 0 : index
        %get3A_69 = vector.load %arg6[%get3A_67, %get3A_68] : memref<128x128xf32, #tpu.memory_space<vmem>>, vector<128x128xf32>
        %dot_general3A_70 = arith.constant dense<0.000000e+00> : vector<16x128xf32>
        %dot_general3A_71 = tpu.matmul %mul3A_66, %get3A_69, %dot_general3A_70 {dimension_numbers = #tpu.dot_dimension_numbers<[1], [0], [0], [1], [0, 0, 1, 1], [], []>, transpose_lhs_hint = false} : vector<16x128xf32>, vector<128x128xf32>, vector<16x128xf32> -> vector<16x128xf32>
        %get3A_72 = arith.constant 0 : index
        %get3A_73 = arith.constant 0 : index
        %get3A_74 = vector.load %arg7[%get3A_72, %get3A_73] : memref<1x128xf32, #tpu.memory_space<vmem>>, vector<1x128xf32>
        %add3A_75 = vector.broadcast %get3A_74 : vector<1x128xf32> to vector<16x128xf32>
        %add3A_76 = arith.addf %dot_general3A_71, %add3A_75 : vector<16x128xf32>
        %get3A_77 = arith.constant 0 : index
        %get3A_78 = arith.constant 0 : index
        %get3A_79 = vector.load %arg8[%get3A_77, %get3A_78] : memref<128x128xf32, #tpu.memory_space<vmem>>, vector<128x128xf32>
        %dot_general3A_80 = arith.constant dense<0.000000e+00> : vector<16x128xf32>
        %dot_general3A_81 = tpu.matmul %add3A_76, %get3A_79, %dot_general3A_80 {dimension_numbers = #tpu.dot_dimension_numbers<[1], [0], [0], [1], [0, 0, 1, 1], [], []>, transpose_lhs_hint = false} : vector<16x128xf32>, vector<128x128xf32>, vector<16x128xf32> -> vector<16x128xf32>
        %get3A_82 = arith.constant 0 : index
        %get3A_83 = arith.constant 0 : index
        %get3A_84 = vector.load %arg9[%get3A_82, %get3A_83] : memref<1x128xf32, #tpu.memory_space<vmem>>, vector<1x128xf32>
        %add3A_85 = vector.broadcast %get3A_84 : vector<1x128xf32> to vector<16x128xf32>
        %add3A_86 = arith.addf %dot_general3A_81, %add3A_85 : vector<16x128xf32>
        %swap3A_87 = arith.constant 0 : index
        %swap3A_88 = arith.constant 0 : index
        %swap3A_89 = vector.load %arg18[%swap3A_87, %swap3A_88] : memref<16x128xf32, #tpu.memory_space<vmem>>, vector<16x128xf32>
        tpu.vector_store %arg18[%swap3A_87, %swap3A_88], %add3A_86 {strides = array<i32>} : memref<16x128xf32, #tpu.memory_space<vmem>>, vector<16x128xf32>,
      } else {
      }
    } else {
    }
    %eq3A_8 = arith.constant 1 : i32
    %eq3A_9 = arith.cmpi eq, %arg0, %eq3A_8 : i32
    %convert_element_type3A_10 = arith.extui %eq3A_9 : i1 to i32
    %cond3A_11 = arith.constant 0 : i32
    %cond3A_12 = arith.cmpi ne, %convert_element_type3A_10, %cond3A_11 : i32
    scf.if %cond3A_12 {
      %get3A_13 = arith.constant 0 : index
      %get3A_14 = arith.constant 0 : index
      %get3A_15 = vector.load %arg2[%get3A_13, %get3A_14] : memref<2000x128xf32, #tpu.memory_space<vmem>>, vector<2000x128xf32>
      %get3A_16 = arith.constant 0 : index
      %get3A_17 = arith.constant 0 : index
      %get3A_18 = vector.load %arg10[%get3A_16, %get3A_17] : memref<128x128xf32, #tpu.memory_space<vmem>>, vector<128x128xf32>
      %dot_general3A = arith.constant dense<0.000000e+00> : vector<2000x128xf32>
      %dot_general3A_19 = tpu.matmul %get3A_15, %get3A_18, %dot_general3A {dimension_numbers = #tpu.dot_dimension_numbers<[1], [0], [0], [1], [0, 0, 1, 1], [], []>, transpose_lhs_hint = false} : vector<2000x128xf32>, vector<128x128xf32>, vector<2000x128xf32> -> vector<2000x128xf32>
      %get3A_20 = arith.constant 0 : index
      %get3A_21 = arith.constant 0 : index
      %get3A_22 = vector.load %arg18[%get3A_20, %get3A_21] : memref<16x128xf32, #tpu.memory_space<vmem>>, vector<16x128xf32>
      %dot_general3A_23 = arith.constant dense<0.000000e+00> : vector<2000x128xf32>
      %dot_general3A_24 = tpu.matmul %convert_element_type3A_3, %get3A_22, %dot_general3A_23 {dimension_numbers = #tpu.dot_dimension_numbers<[1], [0], [0], [1], [0, 0, 1, 1], [], []>, transpose_lhs_hint = false} : vector<2000x16xf32>, vector<16x128xf32>, vector<2000x128xf32> -> vector<2000x128xf32>
      %add3A = arith.addf %dot_general3A_19, %dot_general3A_24 : vector<2000x128xf32>
      %get3A_25 = arith.constant 0 : index
      %get3A_26 = arith.constant 0 : index
      %get3A_27 = vector.load %arg11[%get3A_25, %get3A_26] : memref<1x128xf32, #tpu.memory_space<vmem>>, vector<1x128xf32>
      %get3A_28 = arith.constant 0 : index
      %get3A_29 = arith.constant 0 : index
      %get3A_30 = vector.load %arg12[%get3A_28, %get3A_29] : memref<1x128xf32, #tpu.memory_space<vmem>>, vector<1x128xf32>
      %reduce_sum3A = arith.constant dense<0.000000e+00> : vector<2000xf32>
      %reduce_sum3A_31 = vector.multi_reduction <add>, %add3A, %reduce_sum3A [1] : vector<2000x128xf32> to vector<2000xf32>
      %broadcast_in_dim3A = vector.shape_cast %reduce_sum3A_31 : vector<2000xf32> to vector<2000x1xf32>
      %div3A = arith.constant 1.280000e+02 : f32
      %div3A_32 = vector.broadcast %div3A : f32 to vector<2000x1xf32>
      %div3A_33 = arith.divf %broadcast_in_dim3A, %div3A_32 : vector<2000x1xf32>
      %sub3A = vector.broadcast %div3A_33 : vector<2000x1xf32> to vector<2000x128xf32>
      %sub3A_34 = arith.subf %add3A, %sub3A : vector<2000x128xf32>
      %integer_pow3A = arith.mulf %sub3A_34, %sub3A_34 : vector<2000x128xf32>
      %reduce_sum3A_35 = arith.constant dense<0.000000e+00> : vector<2000xf32>
      %reduce_sum3A_36 = vector.multi_reduction <add>, %integer_pow3A, %reduce_sum3A_35 [1] : vector<2000x128xf32> to vector<2000xf32>
      %broadcast_in_dim3A_37 = vector.shape_cast %reduce_sum3A_36 : vector<2000xf32> to vector<2000x1xf32>
      %div3A_38 = arith.constant 1.280000e+02 : f32
      %div3A_39 = vector.broadcast %div3A_38 : f32 to vector<2000x1xf32>
      %div3A_40 = arith.divf %broadcast_in_dim3A_37, %div3A_39 : vector<2000x1xf32>
      %sub3A_41 = vector.broadcast %div3A_33 : vector<2000x1xf32> to vector<2000x128xf32>
      %sub3A_42 = arith.subf %add3A, %sub3A_41 : vector<2000x128xf32>
      %add3A_43 = arith.constant 9.99999974E-6 : f32
      %add3A_44 = vector.broadcast %add3A_43 : f32 to vector<2000x1xf32>
      %add3A_45 = arith.addf %div3A_40, %add3A_44 : vector<2000x1xf32>
      %sqrt3A = math.sqrt %add3A_45 : vector<2000x1xf32>
      %div3A_46 = vector.broadcast %sqrt3A : vector<2000x1xf32> to vector<2000x128xf32>
      %div3A_47 = arith.divf %sub3A_42, %div3A_46 : vector<2000x128xf32>
      %mul3A = vector.broadcast %get3A_27 : vector<1x128xf32> to vector<2000x128xf32>
      %mul3A_48 = arith.mulf %div3A_47, %mul3A : vector<2000x128xf32>
      %add3A_49 = vector.broadcast %get3A_30 : vector<1x128xf32> to vector<2000x128xf32>
      %add3A_50 = arith.addf %mul3A_48, %add3A_49 : vector<2000x128xf32>
      %max3A = arith.constant 0.000000e+00 : f32
      %max3A_51 = vector.broadcast %max3A : f32 to vector<2000x128xf32>
      %max3A_52 = arith.maximumf %add3A_50, %max3A_51 : vector<2000x128xf32>
      %get3A_53 = arith.constant 0 : index
      %get3A_54 = arith.constant 0 : index
      %get3A_55 = vector.load %arg13[%get3A_53, %get3A_54] : memref<128x1xf32, #tpu.memory_space<vmem>>, vector<128x1xf32>
      %dot_general3A_56 = arith.constant dense<0.000000e+00> : vector<2000x1xf32>
      %dot_general3A_57 = tpu.matmul %max3A_52, %get3A_55, %dot_general3A_56 {dimension_numbers = #tpu.dot_dimension_numbers<[1], [0], [0], [1], [0, 0, 1, 1], [], []>, transpose_lhs_hint = false} : vector<2000x128xf32>, vector<128x1xf32>, vector<2000x1xf32> -> vector<2000x1xf32>
      %get3A_58 = arith.constant 0 : index
      %get3A_59 = arith.constant 0 : index
      %get3A_60 = vector.load %arg14[%get3A_58, %get3A_59] : memref<1x1xf32, #tpu.memory_space<vmem>>, vector<1x1xf32>
      %add3A_61 = vector.broadcast %get3A_60 : vector<1x1xf32> to vector<2000x1xf32>
      %add3A_62 = arith.addf %dot_general3A_57, %add3A_61 : vector<2000x1xf32>
      %swap3A = arith.constant 0 : index
      %swap3A_63 = arith.constant 0 : index
      %swap3A_64 = vector.load %arg15[%swap3A, %swap3A_63] : memref<2000x1xf32, #tpu.memory_space<vmem>>, vector<2000x1xf32>
      tpu.vector_store %arg15[%swap3A, %swap3A_63], %add3A_62 {strides = array<i32>} : memref<2000x1xf32, #tpu.memory_space<vmem>>, vector<2000x1xf32>,
    } else {
    }
    return
  }
  func.func @transform_0(%arg0: i32, %arg1: i32) -> (i32, i32) {
    %c0_i32 = arith.constant 0 : i32
    %c0_i32_0 = arith.constant 0 : i32
    return %arg1, %c0_i32 : i32, i32
  }
  func.func @transform_1(%arg0: i32, %arg1: i32) -> (i32, i32) {
    %c0_i32 = arith.constant 0 : i32
    %c0_i32_0 = arith.constant 0 : i32
    return %arg1, %c0_i32 : i32, i32
  }
  func.func @transform_2(%arg0: i32, %arg1: i32) -> (i32, i32) {
    %c0_i32 = arith.constant 0 : i32
    %c0_i32_0 = arith.constant 0 : i32
    return %arg1, %c0_i32 : i32, i32
  }
  func.func @transform_3(%arg0: i32, %arg1: i32) -> (i32, i32) {
    %c0_i32 = arith.constant 0 : i32
    %c0_i32_0 = arith.constant 0 : i32
    %c0_i32_1 = arith.constant 0 : i32
    return %c0_i32, %c0_i32_0 : i32, i32
  }
  func.func @transform_4(%arg0: i32, %arg1: i32) -> (i32, i32) {
    %c0_i32 = arith.constant 0 : i32
    %c0_i32_0 = arith.constant 0 : i32
    %c0_i32_1 = arith.constant 0 : i32
    return %c0_i32, %c0_i32_0 : i32, i32
  }
  func.func @transform_5(%arg0: i32, %arg1: i32) -> (i32, i32) {
    %c0_i32 = arith.constant 0 : i32
    %c0_i32_0 = arith.constant 0 : i32
    %c0_i32_1 = arith.constant 0 : i32
    return %c0_i32, %c0_i32_0 : i32, i32
  }
  func.func @transform_6(%arg0: i32, %arg1: i32) -> (i32, i32) {
    %c0_i32 = arith.constant 0 : i32
    %c0_i32_0 = arith.constant 0 : i32
    %c0_i32_1 = arith.constant 0 : i32
    return %c0_i32, %c0_i32_0 : i32, i32
  }
  func.func @transform_7(%arg0: i32, %arg1: i32) -> (i32, i32) {
    %c0_i32 = arith.constant 0 : i32
    %c0_i32_0 = arith.constant 0 : i32
    %c0_i32_1 = arith.constant 0 : i32
    return %c0_i32, %c0_i32_0 : i32, i32
  }
  func.func @transform_8(%arg0: i32, %arg1: i32) -> (i32, i32) {
    %c0_i32 = arith.constant 0 : i32
    %c0_i32_0 = arith.constant 0 : i32
    %c0_i32_1 = arith.constant 0 : i32
    return %c0_i32, %c0_i32_0 : i32, i32
  }
  func.func @transform_9(%arg0: i32, %arg1: i32) -> (i32, i32) {
    %c0_i32 = arith.constant 0 : i32
    %c0_i32_0 = arith.constant 0 : i32
    %c0_i32_1 = arith.constant 0 : i32
    return %c0_i32, %c0_i32_0 : i32, i32
  }
  func.func @transform_10(%arg0: i32, %arg1: i32) -> (i32, i32) {
    %c0_i32 = arith.constant 0 : i32
    %c0_i32_0 = arith.constant 0 : i32
    %c0_i32_1 = arith.constant 0 : i32
    return %c0_i32, %c0_i32_0 : i32, i32
  }
  func.func @transform_11(%arg0: i32, %arg1: i32) -> (i32, i32) {
    %c0_i32 = arith.constant 0 : i32
    %c0_i32_0 = arith.constant 0 : i32
    %c0_i32_1 = arith.constant 0 : i32
    return %c0_i32, %c0_i32_0 : i32, i32
  }
  func.func @transform_12(%arg0: i32, %arg1: i32) -> (i32, i32) {
    %c0_i32 = arith.constant 0 : i32
    %c0_i32_0 = arith.constant 0 : i32
    %c0_i32_1 = arith.constant 0 : i32
    return %c0_i32, %c0_i32_0 : i32, i32
  }
  func.func @transform_13(%arg0: i32, %arg1: i32) -> (i32, i32) {
    %c0_i32 = arith.constant 0 : i32
    %c0_i32_0 = arith.constant 0 : i32
    return %arg1, %c0_i32 : i32, i32
  }
}

module attributes {stable_mosaic.version = 14 : i64} {
  func.func @body(%arg0: i32, %arg1: memref<2000x128xf32, #tpu.memory_space<vmem>>, %arg2: memref<4x2000x32xf32, #tpu.memory_space<vmem>>, %arg3: memref<128x128xf32, #tpu.memory_space<vmem>>, %arg4: memref<1x128xf32, #tpu.memory_space<vmem>>, %arg5: memref<1x128xf32, #tpu.memory_space<vmem>>, %arg6: memref<1x128xf32, #tpu.memory_space<vmem>>, %arg7: memref<128x128xf32, #tpu.memory_space<vmem>>, %arg8: memref<1x128xf32, #tpu.memory_space<vmem>>, %arg9: memref<1x128xf32, #tpu.memory_space<vmem>>, %arg10: memref<1x128xf32, #tpu.memory_space<vmem>>, %arg11: memref<1x1xf32, #tpu.memory_space<vmem>>, %arg12: memref<2000x1xi32, #tpu.memory_space<vmem>>, %arg13: memref<128x64xf32, #tpu.memory_space<vmem>>, %arg14: memref<1x64xf32, #tpu.memory_space<vmem>>, %arg15: memref<64x1xf32, #tpu.memory_space<vmem>>, %arg16: memref<1x1xf32, #tpu.memory_space<vmem>>, %arg17: memref<2000x128xf32, #tpu.memory_space<vmem>>, %arg18: memref<2000x1xf32, #tpu.memory_space<vmem>>, %arg19: memref<1x16xf32, #tpu.memory_space<vmem>>, %arg20: memref<8x16xf32, #tpu.memory_space<vmem>>) attributes {dimension_semantics = [#tpu.dimension_semantics<arbitrary>], iteration_bounds = array<i64: 25>, scalar_prefetch = 0 : i64, scratch_operands = 1 : i64, tpu.core_type = #tpu.core_type<tc>, window_params = [{transform_indices = @transform_0, window_bounds = array<i64: 2000, 128>}, {transform_indices = @transform_1, window_bounds = array<i64: 4, 2000, 32>}, {pipeline_mode = #tpu.pipeline_mode<synchronous>, transform_indices = @transform_2, window_bounds = array<i64: 128, 128>}, {pipeline_mode = #tpu.pipeline_mode<synchronous>, transform_indices = @transform_3, window_bounds = array<i64: 1, 128>}, {pipeline_mode = #tpu.pipeline_mode<synchronous>, transform_indices = @transform_4, window_bounds = array<i64: 1, 128>}, {pipeline_mode = #tpu.pipeline_mode<synchronous>, transform_indices = @transform_5, window_bounds = array<i64: 1, 128>}, {pipeline_mode = #tpu.pipeline_mode<synchronous>, transform_indices = @transform_6, window_bounds = array<i64: 128, 128>}, {pipeline_mode = #tpu.pipeline_mode<synchronous>, transform_indices = @transform_7, window_bounds = array<i64: 1, 128>}, {pipeline_mode = #tpu.pipeline_mode<synchronous>, transform_indices = @transform_8, window_bounds = array<i64: 1, 128>}, {pipeline_mode = #tpu.pipeline_mode<synchronous>, transform_indices = @transform_9, window_bounds = array<i64: 1, 128>}, {pipeline_mode = #tpu.pipeline_mode<synchronous>, transform_indices = @transform_10, window_bounds = array<i64: 1, 1>}, {transform_indices = @transform_11, window_bounds = array<i64: 2000, 1>}, {pipeline_mode = #tpu.pipeline_mode<synchronous>, transform_indices = @transform_12, window_bounds = array<i64: 128, 64>}, {pipeline_mode = #tpu.pipeline_mode<synchronous>, transform_indices = @transform_13, window_bounds = array<i64: 1, 64>}, {pipeline_mode = #tpu.pipeline_mode<synchronous>, transform_indices = @transform_14, window_bounds = array<i64: 64, 1>}, {pipeline_mode = #tpu.pipeline_mode<synchronous>, transform_indices = @transform_15, window_bounds = array<i64: 1, 1>}, {transform_indices = @transform_16, window_bounds = array<i64: 2000, 128>}, {transform_indices = @transform_17, window_bounds = array<i64: 2000, 1>}, {pipeline_mode = #tpu.pipeline_mode<synchronous>, transform_indices = @transform_18, window_bounds = array<i64: 1, 16>}]} {
    %get3A = arith.constant 0 : index
    %get3A_0 = arith.constant 0 : index
    %get3A_1 = vector.load %arg1[%get3A, %get3A_0] : memref<2000x128xf32, #tpu.memory_space<vmem>>, vector<2000x128xf32>
    %get3A_2 = arith.constant 0 : index
    %get3A_3 = arith.constant 0 : index
    %get3A_4 = arith.constant 0 : index
    %get3A_5 = vector.load %arg2[%get3A_2, %get3A_3, %get3A_4] : memref<4x2000x32xf32, #tpu.memory_space<vmem>>, vector<1x2000x32xf32>
    %get3A_6 = vector.shape_cast %get3A_5 : vector<1x2000x32xf32> to vector<2000x32xf32>
    %get3A_7 = arith.constant 1 : index
    %get3A_8 = arith.constant 0 : index
    %get3A_9 = arith.constant 0 : index
    %get3A_10 = vector.load %arg2[%get3A_7, %get3A_8, %get3A_9] : memref<4x2000x32xf32, #tpu.memory_space<vmem>>, vector<1x2000x32xf32>
    %get3A_11 = vector.shape_cast %get3A_10 : vector<1x2000x32xf32> to vector<2000x32xf32>
    %get3A_12 = arith.constant 2 : index
    %get3A_13 = arith.constant 0 : index
    %get3A_14 = arith.constant 0 : index
    %get3A_15 = vector.load %arg2[%get3A_12, %get3A_13, %get3A_14] : memref<4x2000x32xf32, #tpu.memory_space<vmem>>, vector<1x2000x32xf32>
    %get3A_16 = vector.shape_cast %get3A_15 : vector<1x2000x32xf32> to vector<2000x32xf32>
    %get3A_17 = arith.constant 3 : index
    %get3A_18 = arith.constant 0 : index
    %get3A_19 = arith.constant 0 : index
    %get3A_20 = vector.load %arg2[%get3A_17, %get3A_18, %get3A_19] : memref<4x2000x32xf32, #tpu.memory_space<vmem>>, vector<1x2000x32xf32>
    %get3A_21 = vector.shape_cast %get3A_20 : vector<1x2000x32xf32> to vector<2000x32xf32>
    %concatenate3A = tpu.concatenate %get3A_6, %get3A_11, %get3A_16, %get3A_21 in 1 : vector<2000x32xf32>, vector<2000x32xf32>, vector<2000x32xf32>, vector<2000x32xf32> -> vector<2000x128xf32>
    %get3A_22 = arith.constant 0 : index
    %get3A_23 = arith.constant 0 : index
    %get3A_24 = vector.load %arg11[%get3A_22, %get3A_23] : memref<1x1xf32, #tpu.memory_space<vmem>>, vector<1x1xf32>
    %get3A_25 = vector.extract %get3A_24[0, 0] : f32 from vector<1x1xf32>
    %add3A = arith.constant 1.000000e+00 : f32
    %add3A_26 = arith.addf %add3A, %get3A_25 : f32
    %mul3A = vector.broadcast %add3A_26 : f32 to vector<2000x128xf32>
    %mul3A_27 = arith.mulf %mul3A, %get3A_1 : vector<2000x128xf32>
    %add3A_28 = arith.addf %mul3A_27, %concatenate3A : vector<2000x128xf32>
    %get3A_29 = arith.constant 0 : index
    %get3A_30 = arith.constant 0 : index
    %get3A_31 = vector.load %arg3[%get3A_29, %get3A_30] : memref<128x128xf32, #tpu.memory_space<vmem>>, vector<128x128xf32>
    %dot_general3A = arith.constant dense<0.000000e+00> : vector<2000x128xf32>
    %dot_general3A_32 = tpu.matmul %add3A_28, %get3A_31, %dot_general3A {dimension_numbers = #tpu.dot_dimension_numbers<[1], [0], [0], [1], [0, 0, 1, 1], [], []>, transpose_lhs_hint = false} : vector<2000x128xf32>, vector<128x128xf32>, vector<2000x128xf32> -> vector<2000x128xf32>
    %get3A_33 = arith.constant 0 : index
    %get3A_34 = arith.constant 0 : index
    %get3A_35 = vector.load %arg4[%get3A_33, %get3A_34] : memref<1x128xf32, #tpu.memory_space<vmem>>, vector<1x128xf32>
    %add3A_36 = vector.broadcast %get3A_35 : vector<1x128xf32> to vector<2000x128xf32>
    %add3A_37 = arith.addf %dot_general3A_32, %add3A_36 : vector<2000x128xf32>
    %get3A_38 = arith.constant 0 : index
    %get3A_39 = arith.constant 0 : index
    %get3A_40 = vector.load %arg5[%get3A_38, %get3A_39] : memref<1x128xf32, #tpu.memory_space<vmem>>, vector<1x128xf32>
    %get3A_41 = arith.constant 0 : index
    %get3A_42 = arith.constant 0 : index
    %get3A_43 = vector.load %arg6[%get3A_41, %get3A_42] : memref<1x128xf32, #tpu.memory_space<vmem>>, vector<1x128xf32>
    %reduce_sum3A = arith.constant dense<0.000000e+00> : vector<2000xf32>
    %reduce_sum3A_44 = vector.multi_reduction <add>, %add3A_37, %reduce_sum3A [1] : vector<2000x128xf32> to vector<2000xf32>
    %broadcast_in_dim3A = vector.shape_cast %reduce_sum3A_44 : vector<2000xf32> to vector<2000x1xf32>
    %div3A = arith.constant 1.280000e+02 : f32
    %div3A_45 = vector.broadcast %div3A : f32 to vector<2000x1xf32>
    %div3A_46 = arith.divf %broadcast_in_dim3A, %div3A_45 : vector<2000x1xf32>
    %sub3A = vector.broadcast %div3A_46 : vector<2000x1xf32> to vector<2000x128xf32>
    %sub3A_47 = arith.subf %add3A_37, %sub3A : vector<2000x128xf32>
    %integer_pow3A = arith.mulf %sub3A_47, %sub3A_47 : vector<2000x128xf32>
    %reduce_sum3A_48 = arith.constant dense<0.000000e+00> : vector<2000xf32>
    %reduce_sum3A_49 = vector.multi_reduction <add>, %integer_pow3A, %reduce_sum3A_48 [1] : vector<2000x128xf32> to vector<2000xf32>
    %broadcast_in_dim3A_50 = vector.shape_cast %reduce_sum3A_49 : vector<2000xf32> to vector<2000x1xf32>
    %div3A_51 = arith.constant 1.280000e+02 : f32
    %div3A_52 = vector.broadcast %div3A_51 : f32 to vector<2000x1xf32>
    %div3A_53 = arith.divf %broadcast_in_dim3A_50, %div3A_52 : vector<2000x1xf32>
    %sub3A_54 = vector.broadcast %div3A_46 : vector<2000x1xf32> to vector<2000x128xf32>
    %sub3A_55 = arith.subf %add3A_37, %sub3A_54 : vector<2000x128xf32>
    %add3A_56 = arith.constant 9.99999974E-6 : f32
    %add3A_57 = vector.broadcast %add3A_56 : f32 to vector<2000x1xf32>
    %add3A_58 = arith.addf %div3A_53, %add3A_57 : vector<2000x1xf32>
    %sqrt3A = math.sqrt %add3A_58 : vector<2000x1xf32>
    %div3A_59 = vector.broadcast %sqrt3A : vector<2000x1xf32> to vector<2000x128xf32>
    %div3A_60 = arith.divf %sub3A_55, %div3A_59 : vector<2000x128xf32>
    %mul3A_61 = vector.broadcast %get3A_40 : vector<1x128xf32> to vector<2000x128xf32>
    %mul3A_62 = arith.mulf %div3A_60, %mul3A_61 : vector<2000x128xf32>
    %add3A_63 = vector.broadcast %get3A_43 : vector<1x128xf32> to vector<2000x128xf32>
    %add3A_64 = arith.addf %mul3A_62, %add3A_63 : vector<2000x128xf32>
    %max3A = arith.constant 0.000000e+00 : f32
    %max3A_65 = vector.broadcast %max3A : f32 to vector<2000x128xf32>
    %max3A_66 = arith.maximumf %add3A_64, %max3A_65 : vector<2000x128xf32>
    %get3A_67 = arith.constant 0 : index
    %get3A_68 = arith.constant 0 : index
    %get3A_69 = vector.load %arg7[%get3A_67, %get3A_68] : memref<128x128xf32, #tpu.memory_space<vmem>>, vector<128x128xf32>
    %dot_general3A_70 = arith.constant dense<0.000000e+00> : vector<2000x128xf32>
    %dot_general3A_71 = tpu.matmul %max3A_66, %get3A_69, %dot_general3A_70 {dimension_numbers = #tpu.dot_dimension_numbers<[1], [0], [0], [1], [0, 0, 1, 1], [], []>, transpose_lhs_hint = false} : vector<2000x128xf32>, vector<128x128xf32>, vector<2000x128xf32> -> vector<2000x128xf32>
    %get3A_72 = arith.constant 0 : index
    %get3A_73 = arith.constant 0 : index
    %get3A_74 = vector.load %arg8[%get3A_72, %get3A_73] : memref<1x128xf32, #tpu.memory_space<vmem>>, vector<1x128xf32>
    %add3A_75 = vector.broadcast %get3A_74 : vector<1x128xf32> to vector<2000x128xf32>
    %add3A_76 = arith.addf %dot_general3A_71, %add3A_75 : vector<2000x128xf32>
    %get3A_77 = arith.constant 0 : index
    %get3A_78 = arith.constant 0 : index
    %get3A_79 = vector.load %arg9[%get3A_77, %get3A_78] : memref<1x128xf32, #tpu.memory_space<vmem>>, vector<1x128xf32>
    %get3A_80 = arith.constant 0 : index
    %get3A_81 = arith.constant 0 : index
    %get3A_82 = vector.load %arg10[%get3A_80, %get3A_81] : memref<1x128xf32, #tpu.memory_space<vmem>>, vector<1x128xf32>
    %reduce_sum3A_83 = arith.constant dense<0.000000e+00> : vector<2000xf32>
    %reduce_sum3A_84 = vector.multi_reduction <add>, %add3A_76, %reduce_sum3A_83 [1] : vector<2000x128xf32> to vector<2000xf32>
    %broadcast_in_dim3A_85 = vector.shape_cast %reduce_sum3A_84 : vector<2000xf32> to vector<2000x1xf32>
    %div3A_86 = arith.constant 1.280000e+02 : f32
    %div3A_87 = vector.broadcast %div3A_86 : f32 to vector<2000x1xf32>
    %div3A_88 = arith.divf %broadcast_in_dim3A_85, %div3A_87 : vector<2000x1xf32>
    %sub3A_89 = vector.broadcast %div3A_88 : vector<2000x1xf32> to vector<2000x128xf32>
    %sub3A_90 = arith.subf %add3A_76, %sub3A_89 : vector<2000x128xf32>
    %integer_pow3A_91 = arith.mulf %sub3A_90, %sub3A_90 : vector<2000x128xf32>
    %reduce_sum3A_92 = arith.constant dense<0.000000e+00> : vector<2000xf32>
    %reduce_sum3A_93 = vector.multi_reduction <add>, %integer_pow3A_91, %reduce_sum3A_92 [1] : vector<2000x128xf32> to vector<2000xf32>
    %broadcast_in_dim3A_94 = vector.shape_cast %reduce_sum3A_93 : vector<2000xf32> to vector<2000x1xf32>
    %div3A_95 = arith.constant 1.280000e+02 : f32
    %div3A_96 = vector.broadcast %div3A_95 : f32 to vector<2000x1xf32>
    %div3A_97 = arith.divf %broadcast_in_dim3A_94, %div3A_96 : vector<2000x1xf32>
    %sub3A_98 = vector.broadcast %div3A_88 : vector<2000x1xf32> to vector<2000x128xf32>
    %sub3A_99 = arith.subf %add3A_76, %sub3A_98 : vector<2000x128xf32>
    %add3A_100 = arith.constant 9.99999974E-6 : f32
    %add3A_101 = vector.broadcast %add3A_100 : f32 to vector<2000x1xf32>
    %add3A_102 = arith.addf %div3A_97, %add3A_101 : vector<2000x1xf32>
    %sqrt3A_103 = math.sqrt %add3A_102 : vector<2000x1xf32>
    %div3A_104 = vector.broadcast %sqrt3A_103 : vector<2000x1xf32> to vector<2000x128xf32>
    %div3A_105 = arith.divf %sub3A_99, %div3A_104 : vector<2000x128xf32>
    %mul3A_106 = vector.broadcast %get3A_79 : vector<1x128xf32> to vector<2000x128xf32>
    %mul3A_107 = arith.mulf %div3A_105, %mul3A_106 : vector<2000x128xf32>
    %add3A_108 = vector.broadcast %get3A_82 : vector<1x128xf32> to vector<2000x128xf32>
    %add3A_109 = arith.addf %mul3A_107, %add3A_108 : vector<2000x128xf32>
    %max3A_110 = arith.constant 0.000000e+00 : f32
    %max3A_111 = vector.broadcast %max3A_110 : f32 to vector<2000x128xf32>
    %max3A_112 = arith.maximumf %add3A_109, %max3A_111 : vector<2000x128xf32>
    %add3A_113 = arith.addf %max3A_112, %get3A_1 : vector<2000x128xf32>
    %swap3A = arith.constant 0 : index
    %swap3A_114 = arith.constant 0 : index
    %swap3A_115 = vector.load %arg17[%swap3A, %swap3A_114] : memref<2000x128xf32, #tpu.memory_space<vmem>>, vector<2000x128xf32>
    tpu.vector_store %arg17[%swap3A, %swap3A_114], %add3A_113 {strides = array<i32>} : memref<2000x128xf32, #tpu.memory_space<vmem>>, vector<2000x128xf32>,
    %eq3A = arith.constant 0 : i32
    %eq3A_116 = arith.cmpi eq, %arg0, %eq3A : i32
    %convert_element_type3A = arith.extui %eq3A_116 : i1 to i32
    %cond3A = arith.constant 0 : i32
    %cond3A_117 = arith.cmpi ne, %convert_element_type3A, %cond3A : i32
    scf.if %cond3A_117 {
      %broadcast_in_dim3A_164 = arith.constant -3.000000e+38 : f32
      %broadcast_in_dim3A_165 = vector.broadcast %broadcast_in_dim3A_164 : f32 to vector<8x16xf32>
      %swap3A_166 = arith.constant 0 : index
      %swap3A_167 = arith.constant 0 : index
      %swap3A_168 = vector.load %arg20[%swap3A_166, %swap3A_167] : memref<8x16xf32, #tpu.memory_space<vmem>>, vector<8x16xf32>
      tpu.vector_store %arg20[%swap3A_166, %swap3A_167], %broadcast_in_dim3A_165 {strides = array<i32>} : memref<8x16xf32, #tpu.memory_space<vmem>>, vector<8x16xf32>,
    } else {
    }
    %get3A_118 = arith.constant 0 : index
    %get3A_119 = arith.constant 0 : index
    %get3A_120 = vector.load %arg13[%get3A_118, %get3A_119] : memref<128x64xf32, #tpu.memory_space<vmem>>, vector<128x64xf32>
    %dot_general3A_121 = arith.constant dense<0.000000e+00> : vector<2000x64xf32>
    %dot_general3A_122 = tpu.matmul %add3A_113, %get3A_120, %dot_general3A_121 {dimension_numbers = #tpu.dot_dimension_numbers<[1], [0], [0], [1], [0, 0, 1, 1], [], []>, transpose_lhs_hint = false} : vector<2000x128xf32>, vector<128x64xf32>, vector<2000x64xf32> -> vector<2000x64xf32>
    %get3A_123 = arith.constant 0 : index
    %get3A_124 = arith.constant 0 : index
    %get3A_125 = vector.load %arg14[%get3A_123, %get3A_124] : memref<1x64xf32, #tpu.memory_space<vmem>>, vector<1x64xf32>
    %add3A_126 = vector.broadcast %get3A_125 : vector<1x64xf32> to vector<2000x64xf32>
    %add3A_127 = arith.addf %dot_general3A_122, %add3A_126 : vector<2000x64xf32>
    %tanh3A = math.tanh %add3A_127 : vector<2000x64xf32>
    %get3A_128 = arith.constant 0 : index
    %get3A_129 = arith.constant 0 : index
    %get3A_130 = vector.load %arg15[%get3A_128, %get3A_129] : memref<64x1xf32, #tpu.memory_space<vmem>>, vector<64x1xf32>
    %dot_general3A_131 = arith.constant dense<0.000000e+00> : vector<2000x1xf32>
    %dot_general3A_132 = tpu.matmul %tanh3A, %get3A_130, %dot_general3A_131 {dimension_numbers = #tpu.dot_dimension_numbers<[1], [0], [0], [1], [0, 0, 1, 1], [], []>, transpose_lhs_hint = false} : vector<2000x64xf32>, vector<64x1xf32>, vector<2000x1xf32> -> vector<2000x1xf32>
    %get3A_133 = arith.constant 0 : index
    %get3A_134 = arith.constant 0 : index
    %get3A_135 = vector.load %arg16[%get3A_133, %get3A_134] : memref<1x1xf32, #tpu.memory_space<vmem>>, vector<1x1xf32>
    %add3A_136 = vector.broadcast %get3A_135 : vector<1x1xf32> to vector<2000x1xf32>
    %add3A_137 = arith.addf %dot_general3A_132, %add3A_136 : vector<2000x1xf32>
    %swap3A_138 = arith.constant 0 : index
    %swap3A_139 = arith.constant 0 : index
    %swap3A_140 = vector.load %arg18[%swap3A_138, %swap3A_139] : memref<2000x1xf32, #tpu.memory_space<vmem>>, vector<2000x1xf32>
    tpu.vector_store %arg18[%swap3A_138, %swap3A_139], %add3A_137 {strides = array<i32>} : memref<2000x1xf32, #tpu.memory_space<vmem>>, vector<2000x1xf32>,
    %iota3A = tpu.iota {dimensions = array<i32: 1>} : vector<2000x16xi32>
    %get3A_141 = arith.constant 0 : index
    %get3A_142 = arith.constant 0 : index
    %get3A_143 = vector.load %arg12[%get3A_141, %get3A_142] : memref<2000x1xi32, #tpu.memory_space<vmem>>, vector<2000x1xi32>
    %eq3A_144 = vector.broadcast %get3A_143 : vector<2000x1xi32> to vector<2000x16xi32>
    %eq3A_145 = arith.cmpi eq, %eq3A_144, %iota3A : vector<2000x16xi32>
    %jit3A = arith.constant -3.000000e+38 : f32
    %broadcast_in_dim3A_146 = vector.shape_cast %add3A_137 : vector<2000x1xf32> to vector<2000x1xf32>
    %broadcast_in_dim3A_147 = vector.broadcast %broadcast_in_dim3A_146 : vector<2000x1xf32> to vector<2000x16xf32>
    %broadcast_in_dim3A_148 = vector.broadcast %jit3A : f32 to vector<2000x16xf32>
    %select_n3A = arith.select %eq3A_145, %broadcast_in_dim3A_147, %broadcast_in_dim3A_148 : vector<2000x16xi1>, vector<2000x16xf32>
    %reduce_max3A = arith.constant dense<0xFF800000> : vector<16xf32>
    %reduce_max3A_149 = vector.multi_reduction <maximumf>, %select_n3A, %reduce_max3A [0] : vector<2000x16xf32> to vector<16xf32>
    %broadcast_in_dim3A_150 = vector.shape_cast %reduce_max3A_149 : vector<16xf32> to vector<1x16xf32>
    %get3A_151 = arith.constant 0 : index
    %get3A_152 = arith.constant 0 : index
    %get3A_153 = vector.load %arg20[%get3A_151, %get3A_152] : memref<8x16xf32, #tpu.memory_space<vmem>>, vector<8x16xf32>
    %max3A_154 = vector.broadcast %broadcast_in_dim3A_150 : vector<1x16xf32> to vector<8x16xf32>
    %max3A_155 = arith.maximumf %get3A_153, %max3A_154 : vector<8x16xf32>
    %swap3A_156 = arith.constant 0 : index
    %swap3A_157 = arith.constant 0 : index
    %swap3A_158 = vector.load %arg20[%swap3A_156, %swap3A_157] : memref<8x16xf32, #tpu.memory_space<vmem>>, vector<8x16xf32>
    tpu.vector_store %arg20[%swap3A_156, %swap3A_157], %max3A_155 {strides = array<i32>} : memref<8x16xf32, #tpu.memory_space<vmem>>, vector<8x16xf32>,
    %eq3A_159 = arith.constant 24 : i32
    %eq3A_160 = arith.cmpi eq, %arg0, %eq3A_159 : i32
    %convert_element_type3A_161 = arith.extui %eq3A_160 : i1 to i32
    %cond3A_162 = arith.constant 0 : i32
    %cond3A_163 = arith.cmpi ne, %convert_element_type3A_161, %cond3A_162 : i32
    scf.if %cond3A_163 {
      %get3A_164 = arith.constant 0 : index
      %get3A_165 = arith.constant 0 : index
      %get3A_166 = vector.load %arg20[%get3A_164, %get3A_165] : memref<8x16xf32, #tpu.memory_space<vmem>>, vector<1x16xf32>
      %swap3A_167 = arith.constant 0 : index
      %swap3A_168 = arith.constant 0 : index
      %swap3A_169 = vector.load %arg19[%swap3A_167, %swap3A_168] : memref<1x16xf32, #tpu.memory_space<vmem>>, vector<1x16xf32>
      tpu.vector_store %arg19[%swap3A_167, %swap3A_168], %get3A_166 {strides = array<i32>} : memref<1x16xf32, #tpu.memory_space<vmem>>, vector<1x16xf32>,
    } else {
    }
    return
  }
  func.func @transform_0(%arg0: i32) -> (i32, i32) {
    %c0_i32 = arith.constant 0 : i32
    %c0_i32_0 = arith.constant 0 : i32
    return %arg0, %c0_i32 : i32, i32
  }
  func.func @transform_1(%arg0: i32) -> (i32, i32, i32) {
    %c0_i32 = arith.constant 0 : i32
    %c0_i32_0 = arith.constant 0 : i32
    %c0_i32_1 = arith.constant 0 : i32
    return %c0_i32, %arg0, %c0_i32_0 : i32, i32, i32
  }
  func.func @transform_2(%arg0: i32) -> (i32, i32) {
    %c0_i32 = arith.constant 0 : i32
    %c0_i32_0 = arith.constant 0 : i32
    %c0_i32_1 = arith.constant 0 : i32
    return %c0_i32, %c0_i32_0 : i32, i32
  }
  func.func @transform_3(%arg0: i32) -> (i32, i32) {
    %c0_i32 = arith.constant 0 : i32
    %c0_i32_0 = arith.constant 0 : i32
    %c0_i32_1 = arith.constant 0 : i32
    return %c0_i32, %c0_i32_0 : i32, i32
  }
  func.func @transform_4(%arg0: i32) -> (i32, i32) {
    %c0_i32 = arith.constant 0 : i32
    %c0_i32_0 = arith.constant 0 : i32
    %c0_i32_1 = arith.constant 0 : i32
    return %c0_i32, %c0_i32_0 : i32, i32
  }
  func.func @transform_5(%arg0: i32) -> (i32, i32) {
    %c0_i32 = arith.constant 0 : i32
    %c0_i32_0 = arith.constant 0 : i32
    %c0_i32_1 = arith.constant 0 : i32
    return %c0_i32, %c0_i32_0 : i32, i32
  }
  func.func @transform_6(%arg0: i32) -> (i32, i32) {
    %c0_i32 = arith.constant 0 : i32
    %c0_i32_0 = arith.constant 0 : i32
    %c0_i32_1 = arith.constant 0 : i32
    return %c0_i32, %c0_i32_0 : i32, i32
  }
  func.func @transform_7(%arg0: i32) -> (i32, i32) {
    %c0_i32 = arith.constant 0 : i32
    %c0_i32_0 = arith.constant 0 : i32
    %c0_i32_1 = arith.constant 0 : i32
    return %c0_i32, %c0_i32_0 : i32, i32
  }
  func.func @transform_8(%arg0: i32) -> (i32, i32) {
    %c0_i32 = arith.constant 0 : i32
    %c0_i32_0 = arith.constant 0 : i32
    %c0_i32_1 = arith.constant 0 : i32
    return %c0_i32, %c0_i32_0 : i32, i32
  }
  func.func @transform_9(%arg0: i32) -> (i32, i32) {
    %c0_i32 = arith.constant 0 : i32
    %c0_i32_0 = arith.constant 0 : i32
    %c0_i32_1 = arith.constant 0 : i32
    return %c0_i32, %c0_i32_0 : i32, i32
  }
  func.func @transform_10(%arg0: i32) -> (i32, i32) {
    %c0_i32 = arith.constant 0 : i32
    %c0_i32_0 = arith.constant 0 : i32
    %c0_i32_1 = arith.constant 0 : i32
    return %c0_i32, %c0_i32_0 : i32, i32
  }
  func.func @transform_11(%arg0: i32) -> (i32, i32) {
    %c0_i32 = arith.constant 0 : i32
    %c0_i32_0 = arith.constant 0 : i32
    return %arg0, %c0_i32 : i32, i32
  }
  func.func @transform_12(%arg0: i32) -> (i32, i32) {
    %c0_i32 = arith.constant 0 : i32
    %c0_i32_0 = arith.constant 0 : i32
    %c0_i32_1 = arith.constant 0 : i32
    return %c0_i32, %c0_i32_0 : i32, i32
  }
  func.func @transform_13(%arg0: i32) -> (i32, i32) {
    %c0_i32 = arith.constant 0 : i32
    %c0_i32_0 = arith.constant 0 : i32
    %c0_i32_1 = arith.constant 0 : i32
    return %c0_i32, %c0_i32_0 : i32, i32
  }
  func.func @transform_14(%arg0: i32) -> (i32, i32) {
    %c0_i32 = arith.constant 0 : i32
    %c0_i32_0 = arith.constant 0 : i32
    %c0_i32_1 = arith.constant 0 : i32
    return %c0_i32, %c0_i32_0 : i32, i32
  }
  func.func @transform_15(%arg0: i32) -> (i32, i32) {
    %c0_i32 = arith.constant 0 : i32
    %c0_i32_0 = arith.constant 0 : i32
    %c0_i32_1 = arith.constant 0 : i32
    return %c0_i32, %c0_i32_0 : i32, i32
  }
  func.func @transform_16(%arg0: i32) -> (i32, i32) {
    %c0_i32 = arith.constant 0 : i32
    %c0_i32_0 = arith.constant 0 : i32
    return %arg0, %c0_i32 : i32, i32
  }
  func.func @transform_17(%arg0: i32) -> (i32, i32) {
    %c0_i32 = arith.constant 0 : i32
    %c0_i32_0 = arith.constant 0 : i32
    return %arg0, %c0_i32 : i32, i32
  }
  func.func @transform_18(%arg0: i32) -> (i32, i32) {
    %c0_i32 = arith.constant 0 : i32
    %c0_i32_0 = arith.constant 0 : i32
    %c0_i32_1 = arith.constant 0 : i32
    return %c0_i32, %c0_i32_0 : i32, i32
  }
}

</mosaic_0001>

<sc_bundles>
// kernel: kernel.12.cloned.1.call-start
scs
__scs_entry_jumppad:
0x0: {  	(pc) =	sbr.rel $0x88, $3  }
0x1: {  	(tag) =	ssettag $0x0;
	lr =	simm.s32 $0x1  }
0x2: {  	[smem:$0x3F76] =	sst lr;
	_ =	strace $0xD0000000  }
0x3: {  	_ = 	snop  }
0x4: {  	_ = 	snop  }
0x5: {  	_ = 	snop  }
0x6: {  	_ = 	snop  }
0x7: {  	_ = 	snop  }
__scs_overlays_trampoline_lowered:
0x8: {  	[smem:$0x3F85] =	sst s0  }
0x9: {  	[smem:$0x3F86] =	sst s1  }
0xa: {  	[smem:$0x3F87] =	sst s2  }
0xb: {  	[smem:$0x3F88] =	sst s3  }
0xc: {  	[smem:$0x3F89] =	sst s4  }
0xd: {  	[smem:$0x3F8A] =	sst s5  }
0xe: {  	[smem:$0x3F8B] =	sst s6  }
0xf: {  	[smem:$0x3F8C] =	sst s7  }
0x10: {  	[smem:$0x3F8D] =	sst s8  }
0x11: {  	[smem:$0x3F8E] =	sst s9;
	s0 =	simm.s32 @!p0 $0x0  }
0x12: {  	s1 =	sld [smem:$0x3F74];
	s0 =	simm.s32 @p0 $0x1  }
0x13: {  	[smem:$0x3F8F] =	sst s0;
	s0 =	simm.s32 @!p1 $0x0  }
0x14: {  	s2 =	sld [smem:$0x3F73];
	s0 =	simm.s32 @p1 $0x1  }
0x15: {  	[smem:$0x3F90] =	sst s0;
	s0 =	simm.s32 @!p2 $0x0  }
0x16: {  	s3 =	sld [smem:$0x3FDB];
	s0 =	simm.s32 @p2 $0x1  }
0x17: {  	s4 =	simm.s32 $0x1BF5;
	[smem:$0x3F92] =	sst s0  }
0x18: {  	s0 =	sld [smem:$0x3F75];
	_ =	swait.ge [sflag:s4], $0x0  }
0x19: {  	s7 =	sld [smem:$0x3F76]  }
0x1a: {  	s8 =	sadd.s32 $0xFFFFE003, lr  }
0x1b: {  	s9 =	sadd.s32 $0xFFFFFEF7, lr;
	s5 =	simm.s32 $0xFFFFFFFF;
	p2 =	slt.u32 s8, $0xFFFFF086  }
0x1c: {  	p1 =	slt.u32 s9, $0xF7A;
	s5 =	simm.s32 @!p2 $0x0  }
0x1d: {  	s5 =	simm.s32 @p1 $0x1;
	p0 =	seq.s32 s7, s2  }
0x1e: {  	s7 =	smul.u32 @!p0 $0xF7A, s2;
	p2 =	seq.s32 @!p0 s5, $0x0  }
0x1f: {  	s9 =	smul.u32 $0xF7A, s1;
	s8 =	simm.s32 @!p0 $0x1BF5;
	p2 =	por !p2, p0  }
0x20: {  	[sflag:s8] =	ssyncset.s32 @!p0 $0xFFFFF086;
	s6 =	sadd.s32 @!p0 s3, s7;
	s7 =	simm.s32 @!p0 $0x108  }
0x21: {  	s3 =	sadd.s32 s3, s9;
	s6 =	sadd.s32 @!p0 $0x88, s6;
	s7 =	simm.s32 @p2 $0x1082  }
0x22: {  	[simem:s7], [sflag:s8] =	dma.local @!p0 [hbm:s6], $0xF7A  }
0x23: {  	s9 =	sor.u32 $0xD0000000, s2;
	s6 =	simm.s32 $0x108;
	_ =	swait.ge @!p0 [sflag:s8], $0x0  }
0x24: {  	s3 =	sadd.s32 $0x88, s3;
	s6 =	simm.s32 @!p1 $0x1082;
	[sflag:s4] =	ssyncset.s32 $0xFFFFF086  }
0x25: {  	[simem:s6], [sflag:s4] =	dma.local [hbm:s3], $0xF7A  }
0x26: {  	[smem:$0x3F76] =	sst s1;
	(tag) =	ssettag s2;
	_ =	strace s9  }
0x27: {  	s1 =	sld [smem:$0x3F86]  }
0x28: {  	s2 =	sld [smem:$0x3F87]  }
0x29: {  	s4 =	sld [smem:$0x3F89]  }
0x2a: {  	p0 =	seq.s32 s5, $0x0;
	s5 =	sld [smem:$0x3F8A]  }
0x2b: {  	s6 =	sld [smem:$0x3F8B]  }
0x2c: {  	s7 =	sld [smem:$0x3F8C]  }
0x2d: {  	s3 =	simm.s32 $0x108;
	s8 =	sld [smem:$0x3F8D]  }
0x2e: {  	s3 =	simm.s32 @!p0 $0x1082;
	s9 =	sld [smem:$0x3F8E]  }
0x2f: {  	lr =	sadd.s32 s0, s3;
	s0 =	sld [smem:$0x3F85]  }
0x30: {  	s3 =	sld [smem:$0x3F88]  }
0x31: {  	[smem:$0x3F91] =	sst s10  }
0x32: {  	s10 =	sld [smem:$0x3F8F];
	_ =	sdelay $0x3  }
0x33: {  	p0 =	seq.s32 s10, $0x1;
	s10 =	sld [smem:$0x3F91];
	_ =	sdelay $0x3  }
0x34: {  	[smem:$0x3F91] =	sst s10  }
0x35: {  	s10 =	sld [smem:$0x3F90];
	_ =	sdelay $0x3  }
0x36: {  	p1 =	seq.s32 s10, $0x1;
	s10 =	sld [smem:$0x3F91];
	_ =	sdelay $0x3  }
0x37: {  	[smem:$0x3F91] =	sst s10  }
0x38: {  	s10 =	sld [smem:$0x3F92]  }
0x39: {  	_ = 	snop;
	(pc) =	sbr.ind lr, $3  }
0x3a: {  	_ = 	snop  }
0x3b: {  	_ = 	snop  }
0x3c: {  	p2 =	seq.s32 s10, $0x1;
	s10 =	sld [smem:$0x3F91]  }
0x3d: {  	_ =	shalt  }
0x3e: {  	_ =	shalt  }
0x3f: {  	_ =	shalt  }
0x40: {  	_ =	shalt  }
0x41: {  	_ =	shalt  }
0x42: {  	_ =	shalt  }
0x43: {  	_ =	shalt  }
0x44: {  	_ =	shalt  }
0x45: {  	_ =	shalt  }
0x46: {  	_ =	shalt  }
0x47: {  	_ =	shalt  }
0x48: {  	_ =	shalt  }
0x49: {  	_ =	shalt  }
0x4a: {  	_ =	shalt  }
0x4b: {  	_ =	shalt  }
0x4c: {  	_ =	shalt  }
0x4d: {  	_ =	shalt  }
0x4e: {  	_ =	shalt  }
0x4f: {  	_ =	shalt  }
0x50: {  	_ =	shalt  }
0x51: {  	_ =	shalt  }
0x52: {  	_ =	shalt  }
0x53: {  	_ =	shalt  }
0x54: {  	_ =	shalt  }
0x55: {  	_ =	shalt  }
0x56: {  	_ =	shalt  }
0x57: {  	_ =	shalt  }
0x58: {  	_ =	shalt  }
0x59: {  	_ =	shalt  }
0x5a: {  	_ =	shalt  }
0x5b: {  	_ =	shalt  }
0x5c: {  	_ =	shalt  }
0x5d: {  	_ =	shalt  }
0x5e: {  	_ =	shalt  }
0x5f: {  	_ =	shalt  }
0x60: {  	_ =	shalt  }
0x61: {  	_ =	shalt  }
0x62: {  	_ =	shalt  }
0x63: {  	_ =	shalt  }
0x64: {  	_ =	shalt  }
0x65: {  	_ =	shalt  }
0x66: {  	_ =	shalt  }
0x67: {  	_ =	shalt  }
0x68: {  	_ =	shalt  }
0x69: {  	_ =	shalt  }
0x6a: {  	_ =	shalt  }
0x6b: {  	_ =	shalt  }
0x6c: {  	_ =	shalt  }
0x6d: {  	_ =	shalt  }
0x6e: {  	_ =	shalt  }
0x6f: {  	_ =	shalt  }
0x70: {  	_ =	shalt  }
0x71: {  	_ =	shalt  }
0x72: {  	_ =	shalt  }
0x73: {  	_ =	shalt  }
0x74: {  	_ =	shalt  }
0x75: {  	_ =	shalt  }
0x76: {  	_ =	shalt  }
0x77: {  	_ =	shalt  }
0x78: {  	_ =	shalt  }
0x79: {  	_ =	shalt  }
0x7a: {  	_ =	shalt  }
0x7b: {  	_ =	shalt  }
0x7c: {  	_ =	shalt  }
0x7d: {  	_ =	shalt  }
0x7e: {  	_ =	shalt  }
0x7f: {  	_ =	shalt  }
0x80: {  	_ =	shalt  }
0x81: {  	_ =	shalt  }
0x82: {  	_ =	shalt  }
0x83: {  	_ =	shalt  }
0x84: {  	_ =	shalt  }
0x85: {  	_ =	shalt  }
0x86: {  	_ =	shalt  }
0x87: {  	_ =	shalt  }
.Lfunc_end0:
.L_simem_size_0:
called_computation.1_lowered:
.L_overlay_start_0:
0x88: {  	s2 =	sld [smem:$0x3FD9]  }
0x89: {  	s3 =	sld [smem:$0x3FFE];
	_ =	sdelay $0x1  }
0x8a: {  	s1 =	srdreg.scid  }
0x8b: {  	s0 =	sand.u32 $0x1, s1  }
0x8c: {  	s16 =	sshll.u32 s0, $0xA;
	s2 =	sadd.s32 s3, s2  }
0x8d: {  	s2 =	sadd.s32 s2, s16  }
0x8e: {  	[smem:$0x3F9D] =	sst s2  }
0x8f: {  	_ = 	snop  }
0x90: {  	(tm) =	ssettm $0x1  }
0x91: {  	s17 =	sld [smem:$0x3FFB];
	_ =	sdelay $0x3  }
0x92: {  	_ =	strace s17  }
0x93: {  	s2 =	sld [smem:$0x3FFC];
	_ =	sdelay $0x3  }
0x94: {  	_ =	strace s2  }
0x95: {  	s2 =	sld [smem:$0x3FFD];
	_ =	sdelay $0x3  }
0x96: {  	_ =	strace s2  }
0x97: {  	_ =	strace $0x8FFFFFFF  }
0x98: {  	s18 =	sld [smem:$0x3FDB];
	_ =	sdelay $0x1  }
0x99: {  	s19 =	simm.s32 $_scs_section_size  }
0x9a: {  	s4 =	simm.s32 $_size__tile_overlayer_lowered;
	s5 =	simm.s32 $_tile_overlayer_lowered  }
0x9b: {  	s22 =	simm.s32 $0x1BFF;
	s21 =	sshll.u32 s5, $0x1;
	s2 =	sadd.s32 s19, s18  }
0x9c: {  	s6 =	simm.s32 $0x0;
	s20 =	sshll.u32 s4, $0x1;
	s4 =	sadd.s32 s21, s2  }
0x9d: {  	[timem:s6], [sflag:s22] =	dma.local [hbm:s4], s20  }
0x9e: {  	_ =	swait.ge [sflag:s22], s20  }
0x9f: {  	s3 =	ssub.s32 $0x0, s20;
	[sflag:s22] =	ssyncset.done $0x0  }
0xa0: {  	[sflag:s22] =	ssyncadd.s32 s3;
	_ =	sdelay $0x1  }
0xa1: {  	s23 =	simm.s32 $0x1B8B  }
0xa2: {  	_ =	swait.ge [sflag:s23], $0x1  }
0xa3: {  	[sflag:s23] =	ssyncset.done $0x0  }
0xa4: {  	s25 =	simm.s32 $0x1B8E;
	s24 =	sld [smem:$0x3FFE];
	[sflag:s23] =	ssyncadd.s32 $0xFFFFFFFF  }
0xa5: {  	s26 =	simm.s32 $execute0_lowered;
	[smem:$0x3FD2] =	sst s25  }
0xa6: {  	s4 =	sshll.u32 s26, $0x1;
	_ =	strace $0x80000049;
	[dreg:$0x1] =	wrdreg $0xFFFFFFFF  }
0xa7: {  	s28 =	simm.s32 $_size_execute0_lowered;
	s2 =	sadd.s32 s2, s4;
	[dreg:$0x0] =	wrdreg $0x0  }
0xa8: {  	s4 =	sshll.u32 s28, $0x1;
	[dreg:$0x2] =	wrdreg s2  }
0xa9: {  	[dreg:$0x3] =	wrdreg s4  }
0xaa: {  	[dreg:$0x4] =	wrdreg $0xC0  }
0xab: {  	_ =	task [dreg:s6], $0x5FFFF  }
0xac: {  	[dreg:$0x1] =	wrdreg $0xFFFFFFFF  }
0xad: {  	[dreg:$0x0] =	wrdreg $0x60  }
0xae: {  	[dreg:$0x2] =	wrdreg s24  }
0xaf: {  	[dreg:$0x3] =	wrdreg $0x68000  }
0xb0: {  	[dreg:$0x4] =	wrdreg $0x9  }
0xb1: {  	_ =	task.clear_ibuf [dreg:s6], $0x5FFFF;
	_ =	strace $0x90000049  }
0xb2: {  	s29 =	simm.s32 $0x9;
	_ =	strace $0x8000004B  }
0xb3: {  	_ =	swait.ge [sflag:s29], $0x1  }
0xb4: {  	[sflag:s29] =	ssyncadd.s32 $0xFFFFFFFF  }
0xb5: {  	_ =	strace $0x9000004B  }
0xb6: {  	_ =	sfence  }
0xb7: {  	s30 =	sld [smem:$0x0];
	_ =	sdelay $0x2  }
0xb8: {  	s31 =	sshll.u32 s1, $0xD;
	s1 =	sshrl.u32 s1, $0x2  }
0xb9: {  	s3 =	sand.u32 $0x4000, s31;
	s1 =	sadd.s32 s1, s30  }
0xba: {  	s0 =	sor.u32 s3, s0;
	s1 =	sshll.u32 s1, $0x11  }
0xbb: {  	s0 =	sor.u32 s1, s0  }
0xbc: {  	s0 =	sadd.s32 $0x8F2B, s0  }
0xbd: {  	[sflag:s0] =	ssyncadd.remote.s32 $0x1  }
0xbe: {  	_ =	sfence.sel $0xFFFF  }
0xbf: {  	[dreg:$0x0] =	wrdreg $0xFFFFFFFF;
	(pc) =	sbr.abs _section_cstart, $3  }
0xc0: {  	[dreg:$0x1] =	wrdreg $0xFFFFFFFF  }
0xc1: {  	_ =	task.clear_ibuf [dreg:s6], $0x2FFFF;
	_ =	strace $0x9FFFFFFF  }
0xc2: {  	(tm) =	ssettm $0x7FFFFFFF  }
0xc3: {  	_ =	shalt  }
tec
execute0_lowered:
.L_overlay_start_1:
0x0: {  	(tag) =	ssettag $0x1  }
0x1: {  	s0 =	rddreg [dreg:$0x0]  }
0x2: {  	s2 =	rddreg [dreg:$0x1]  }
0x3: {  	s3 =	simm.s32 $0x0;
	s12 =	stileid.u32;
	s5 =	srdreg.scid  }
0x4: {  	s14 =	simm.s32 $0x100;
	s15 =	simm.s32 $0x2800;
	s16 =	simm.s32 $0x4800  }
0x5: {  	s17 =	simm.s32 $0x1;
	s18 =	simm.s32 $0x2;
	s19 =	simm.s32 $0x3  }
0x6: {  	s22 =	simm.s32 $0x4;
	s28 =	simm.s32 $0xE00;
	s8 =	simm.s32 $0x1000  }
0x7: {  	s21 =	simm.s32 $0x2600;
	s30 =	simm.s32 $0x0;
	s1 =	smul.u32 $0x18700, s12  }
0x8: {  	[smem:$0x7FF] =	sst s3;
	s4 =	smul.u32 $0x1900, s12;
	s5 =	sand.u32 $0x1, s5  }
0x9: {  	s7 =	sadd.s32 $0x5000, s0;
	s12 =	sshll.u32 s12, $0x6;
	s11 =	smul.u32 $0x61A80, s5  }
0xa: {  	_ =	strace $0x8000004A;
	s9 =	ssub.s32 $0x2, s5;
	s23 =	smul.u32 $0x61C00, s5  }
0xb: {  	s5 =	sshllo.u32 s5, $0x1;
	s29 =	sor.u32 $0x1C05, s12;
	s12 =	simm.s32 $0x5  }
0xc: {  	s20 =	sshrl.u32 s1, $0x3;
	s4 =	sadd.s32 s4, s0;
	s13 =	smul.u32 $0x30D40, s5  }
0xd: {  	s10 =	sshrl.u32 s9, $0x1;
	s1 =	sadd.s32 s1, s2;
	s5 =	smul.u32 $0x30E00, s5  }
0xe: {  	[dreg:$0x6] =	wrdreg s29;
	s6 =	sadd.s32 s20, s0;
	s0 =	sadd.s32 $0x143C00, s0  }
0xf: {  	s9 =	ssub.s32 s9, s10;
	s26 =	sadd.s32 $0xE0E00, s4;
	s4 =	sadd.s32 $0xF9E00, s4  }
0x10: {  	s1 =	sshrl.u32 s1, $0x3;
	s10 =	simm.s32 $0xF00;
	s6 =	sadd.s32 $0x112E00, s6  }
0x11: {  	s24 =	sadd.s32 s0, s23;
	s0 =	sadd.s32 s0, s5;
	[dreg:$0x3] =	wrdreg s26  }
0x12: {  	s25 =	smax.u32 s9, $0x1;
	[dreg:$0x4] =	wrdreg s4;
	s26 =	simm.s32 $0x2000  }
0x13: {  	s9 =	simm.s32 $0x2100;
	s23 =	simm.s32 $0x2300;
	[dreg:$0x8] =	wrdreg s1  }
0x14: {  	s4 =	simm.s32 $0x2400;
	s5 =	simm.s32 $0x1200;
	[dreg:$0x5] =	wrdreg s6  }
0x15: {  	s6 =	sadd.s32 s7, s11;
	s7 =	sadd.s32 s7, s13;
	[dreg:$0x7] =	wrdreg s25  }
0x16: {  	s31 =	sadd.s32 s20, s24;
	s0 =	sadd.s32 s20, s0;
	s13 =	simm.s32 $0x2200  }
0x17: {  	s24 =	simm.s32 $0x1100;
	s11 =	simm.s32 $0x2500;
	[dreg:$0x9] =	wrdreg s31  }
0x18: {  	s20 =	simm.s32 $0x1300;
	s25 =	simm.s32 $0x2700;
	[dreg:$0xa] =	wrdreg s0  }
.LBB2_1:
0x19: {  	[dreg:$0xb] =	wrdreg s30  }
0x1a: {  	s0 =	rddreg [dreg:$0x5]  }
0x1b: {  	[spmem:s1], [sflag:s29] =	dma.local [hbm:s0], $0x30E0  }
0x1c: {  	_ =	swait.ge [sflag:s12], $0x30E0  }
0x1d: {  	[sflag:s12] =	ssyncset.done $0x0  }
0x1e: {  	[sflag:s12] =	ssyncadd.s32 $0xFFFFCF20  }
0x1f: {  	[bflag:$0x0] =	sbarrier.arrive $0xFFFF  }
0x20: {  	s1 =	rddreg [dreg:$0x4]  }
0x21: {  	s29 =	sadd.s32 $0x0, s1  }
0x22: {  	[tilespmem:s3], [sflag:$0x5] =	stream.linear.gather [hbm4b:s29+s3], $0x1400, $0x38;
	[tilespmem:$0x1EF00] =	vst v63  }
0x23: {  	_ =	swait.ge [sflag:s12], $0x1400  }
0x24: {  	[sflag:s12] =	ssyncset.done $0x0;
	s31 =	rddreg [dreg:$0x3]  }
0x25: {  	s1 =	simm.s32 $0x1400;
	[sflag:s12] =	ssyncadd.s32 $0xFFFFEC00;
	s29 =	sadd.s32 $0x0, s31  }
0x26: {  	[tilespmem:s1], [sflag:$0x5] =	stream.linear.gather [hbm4b:s29+s3], $0x1400, $0x38;
	[tilespmem:$0x1EF00] =	vst v63  }
0x27: {  	_ =	swait.ge [sflag:s12], $0x1400  }
0x28: {  	[sflag:s12] =	ssyncset.done $0x0  }
0x29: {  	[sflag:s12] =	ssyncadd.s32 $0xFFFFEC00  }
0x2a: {  	[tilespmem:s15], [sflag:$0x1] =	stream.indirect.gather [hbm4b:s6+s14], $0x20, s3, s14, $0xb8;
	[tilespmem:$0x1EF00] =	vst v63  }
0x2b: {  	_ = 	snop  }
0x2c: {  	[tilespmem:s16], [sflag:$0x2] =	stream.indirect.gather [hbm4b:s6+s14], $0x20, s14, s14, $0xb8;
	[tilespmem:$0x1EF00] =	vst v63  }
0x2d: {  	_ =	swait.ge [sflag:s17], $0x2000  }
0x2e: {  	[sflag:s17] =	ssyncset.done $0x0  }
0x2f: {  	[sflag:s17] =	ssyncadd.s32 $0xFFFFE000  }
0x30: {  	[spmem:s2] =	stream.indirect.scatter.add.f32 [tilespmem:s15], [sflag:$0x3], $0x20, s1, s14, $0xb8;
	[tilespmem:$0x1EF00] =	vst v63  }
0x31: {  	_ =	swait.ge [sflag:s18], $0x2000  }
0x32: {  	[sflag:s18] =	ssyncset.done $0x0  }
0x33: {  	[sflag:s18] =	ssyncadd.s32 $0xFFFFE000  }
0x34: {  	_ =	swait.ge [sflag:s19], $0x2000  }
0x35: {  	[sflag:s19] =	ssyncset.done $0x0  }
0x36: {  	s31 =	simm.s32 $0x200;
	[sflag:s19] =	ssyncadd.s32 $0xFFFFE000  }
0x37: {  	[tilespmem:s15], [sflag:$0x1] =	stream.indirect.gather [hbm4b:s6+s14], $0x20, s31, s14, $0xb8;
	[tilespmem:$0x1EF00] =	vst v63  }
0x38: {  	s1 =	simm.s32 $0x1500  }
0x39: {  	[spmem:s2] =	stream.indirect.scatter.add.f32 [tilespmem:s16], [sflag:$0x4], $0x20, s1, s14, $0xb8;
	[tilespmem:$0x1EF00] =	vst v63  }
0x3a: {  	_ =	swait.ge [sflag:s22], $0x2000  }
0x3b: {  	[sflag:s22] =	ssyncset.done $0x0  }
0x3c: {  	s31 =	simm.s32 $0x300;
	[sflag:s22] =	ssyncadd.s32 $0xFFFFE000  }
0x3d: {  	[tilespmem:s16], [sflag:$0x2] =	stream.indirect.gather [hbm4b:s6+s14], $0x20, s31, s14, $0xb8;
	[tilespmem:$0x1EF00] =	vst v63  }
0x3e: {  	_ =	swait.ge [sflag:s17], $0x2000  }
0x3f: {  	[sflag:s17] =	ssyncset.done $0x0  }
0x40: {  	s1 =	simm.s32 $0x1600;
	[sflag:s17] =	ssyncadd.s32 $0xFFFFE000  }
0x41: {  	[spmem:s2] =	stream.indirect.scatter.add.f32 [tilespmem:s15], [sflag:$0x3], $0x20, s1, s14, $0xb8;
	[tilespmem:$0x1EF00] =	vst v63  }
0x42: {  	_ =	swait.ge [sflag:s18], $0x2000  }
0x43: {  	[sflag:s18] =	ssyncset.done $0x0  }
0x44: {  	[sflag:s18] =	ssyncadd.s32 $0xFFFFE000  }
0x45: {  	_ =	swait.ge [sflag:s19], $0x2000  }
0x46: {  	[sflag:s19] =	ssyncset.done $0x0  }
0x47: {  	s31 =	simm.s32 $0x400;
	[sflag:s19] =	ssyncadd.s32 $0xFFFFE000  }
0x48: {  	[tilespmem:s15], [sflag:$0x1] =	stream.indirect.gather [hbm4b:s6+s14], $0x20, s31, s14, $0xb8;
	[tilespmem:$0x1EF00] =	vst v63  }
0x49: {  	s1 =	simm.s32 $0x1700  }
0x4a: {  	[spmem:s2] =	stream.indirect.scatter.add.f32 [tilespmem:s16], [sflag:$0x4], $0x20, s1, s14, $0xb8;
	[tilespmem:$0x1EF00] =	vst v63  }
0x4b: {  	_ =	swait.ge [sflag:s22], $0x2000  }
0x4c: {  	[sflag:s22] =	ssyncset.done $0x0  }
0x4d: {  	s31 =	simm.s32 $0x500;
	[sflag:s22] =	ssyncadd.s32 $0xFFFFE000  }
0x4e: {  	[tilespmem:s16], [sflag:$0x2] =	stream.indirect.gather [hbm4b:s6+s14], $0x20, s31, s14, $0xb8;
	[tilespmem:$0x1EF00] =	vst v63  }
0x4f: {  	_ =	swait.ge [sflag:s17], $0x2000  }
0x50: {  	[sflag:s17] =	ssyncset.done $0x0  }
0x51: {  	s1 =	simm.s32 $0x1800;
	[sflag:s17] =	ssyncadd.s32 $0xFFFFE000  }
0x52: {  	[spmem:s2] =	stream.indirect.scatter.add.f32 [tilespmem:s15], [sflag:$0x3], $0x20, s1, s14, $0xb8;
	[tilespmem:$0x1EF00] =	vst v63  }
0x53: {  	_ =	swait.ge [sflag:s18], $0x2000  }
0x54: {  	[sflag:s18] =	ssyncset.done $0x0  }
0x55: {  	[sflag:s18] =	ssyncadd.s32 $0xFFFFE000  }
0x56: {  	_ =	swait.ge [sflag:s19], $0x2000  }
0x57: {  	[sflag:s19] =	ssyncset.done $0x0  }
0x58: {  	s31 =	simm.s32 $0x600;
	[sflag:s19] =	ssyncadd.s32 $0xFFFFE000  }
0x59: {  	[tilespmem:s15], [sflag:$0x1] =	stream.indirect.gather [hbm4b:s6+s14], $0x20, s31, s14, $0xb8;
	[tilespmem:$0x1EF00] =	vst v63  }
0x5a: {  	s1 =	simm.s32 $0x1900  }
0x5b: {  	[spmem:s2] =	stream.indirect.scatter.add.f32 [tilespmem:s16], [sflag:$0x4], $0x20, s1, s14, $0xb8;
	[tilespmem:$0x1EF00] =	vst v63  }
0x5c: {  	_ =	swait.ge [sflag:s22], $0x2000  }
0x5d: {  	[sflag:s22] =	ssyncset.done $0x0  }
0x5e: {  	s31 =	simm.s32 $0x700;
	[sflag:s22] =	ssyncadd.s32 $0xFFFFE000  }
0x5f: {  	[tilespmem:s16], [sflag:$0x2] =	stream.indirect.gather [hbm4b:s6+s14], $0x20, s31, s14, $0xb8;
	[tilespmem:$0x1EF00] =	vst v63  }
0x60: {  	_ =	swait.ge [sflag:s17], $0x2000  }
0x61: {  	[sflag:s17] =	ssyncset.done $0x0  }
0x62: {  	s1 =	simm.s32 $0x1A00;
	[sflag:s17] =	ssyncadd.s32 $0xFFFFE000  }
0x63: {  	[spmem:s2] =	stream.indirect.scatter.add.f32 [tilespmem:s15], [sflag:$0x3], $0x20, s1, s14, $0xb8;
	[tilespmem:$0x1EF00] =	vst v63  }
0x64: {  	_ =	swait.ge [sflag:s18], $0x2000  }
0x65: {  	[sflag:s18] =	ssyncset.done $0x0  }
0x66: {  	[sflag:s18] =	ssyncadd.s32 $0xFFFFE000  }
0x67: {  	_ =	swait.ge [sflag:s19], $0x2000  }
0x68: {  	[sflag:s19] =	ssyncset.done $0x0  }
0x69: {  	s31 =	simm.s32 $0x800;
	[sflag:s19] =	ssyncadd.s32 $0xFFFFE000  }
0x6a: {  	[tilespmem:s15], [sflag:$0x1] =	stream.indirect.gather [hbm4b:s6+s14], $0x20, s31, s14, $0xb8;
	[tilespmem:$0x1EF00] =	vst v63  }
0x6b: {  	s1 =	simm.s32 $0x1B00  }
0x6c: {  	[spmem:s2] =	stream.indirect.scatter.add.f32 [tilespmem:s16], [sflag:$0x4], $0x20, s1, s14, $0xb8;
	[tilespmem:$0x1EF00] =	vst v63  }
0x6d: {  	_ =	swait.ge [sflag:s22], $0x2000  }
0x6e: {  	[sflag:s22] =	ssyncset.done $0x0  }
0x6f: {  	s31 =	simm.s32 $0x900;
	[sflag:s22] =	ssyncadd.s32 $0xFFFFE000  }
0x70: {  	[tilespmem:s16], [sflag:$0x2] =	stream.indirect.gather [hbm4b:s6+s14], $0x20, s31, s14, $0xb8;
	[tilespmem:$0x1EF00] =	vst v63  }
0x71: {  	_ =	swait.ge [sflag:s17], $0x2000  }
0x72: {  	[sflag:s17] =	ssyncset.done $0x0  }
0x73: {  	s1 =	simm.s32 $0x1C00;
	[sflag:s17] =	ssyncadd.s32 $0xFFFFE000  }
0x74: {  	[spmem:s2] =	stream.indirect.scatter.add.f32 [tilespmem:s15], [sflag:$0x3], $0x20, s1, s14, $0xb8;
	[tilespmem:$0x1EF00] =	vst v63  }
0x75: {  	_ =	swait.ge [sflag:s18], $0x2000  }
0x76: {  	[sflag:s18] =	ssyncset.done $0x0  }
0x77: {  	[sflag:s18] =	ssyncadd.s32 $0xFFFFE000  }
0x78: {  	_ =	swait.ge [sflag:s19], $0x2000  }
0x79: {  	[sflag:s19] =	ssyncset.done $0x0  }
0x7a: {  	s31 =	simm.s32 $0xA00;
	[sflag:s19] =	ssyncadd.s32 $0xFFFFE000  }
0x7b: {  	[tilespmem:s15], [sflag:$0x1] =	stream.indirect.gather [hbm4b:s6+s14], $0x20, s31, s14, $0xb8;
	[tilespmem:$0x1EF00] =	vst v63  }
0x7c: {  	s1 =	simm.s32 $0x1D00  }
0x7d: {  	[spmem:s2] =	stream.indirect.scatter.add.f32 [tilespmem:s16], [sflag:$0x4], $0x20, s1, s14, $0xb8;
	[tilespmem:$0x1EF00] =	vst v63  }
0x7e: {  	_ =	swait.ge [sflag:s22], $0x2000  }
0x7f: {  	[sflag:s22] =	ssyncset.done $0x0  }
0x80: {  	s31 =	simm.s32 $0xB00;
	[sflag:s22] =	ssyncadd.s32 $0xFFFFE000  }
0x81: {  	[tilespmem:s16], [sflag:$0x2] =	stream.indirect.gather [hbm4b:s6+s14], $0x20, s31, s14, $0xb8;
	[tilespmem:$0x1EF00] =	vst v63  }
0x82: {  	_ =	swait.ge [sflag:s17], $0x2000  }
0x83: {  	[sflag:s17] =	ssyncset.done $0x0  }
0x84: {  	s1 =	simm.s32 $0x1E00;
	[sflag:s17] =	ssyncadd.s32 $0xFFFFE000  }
0x85: {  	[spmem:s2] =	stream.indirect.scatter.add.f32 [tilespmem:s15], [sflag:$0x3], $0x20, s1, s14, $0xb8;
	[tilespmem:$0x1EF00] =	vst v63  }
0x86: {  	_ =	swait.ge [sflag:s18], $0x2000  }
0x87: {  	[sflag:s18] =	ssyncset.done $0x0  }
0x88: {  	[sflag:s18] =	ssyncadd.s32 $0xFFFFE000  }
0x89: {  	_ =	swait.ge [sflag:s19], $0x2000  }
0x8a: {  	[sflag:s19] =	ssyncset.done $0x0  }
0x8b: {  	s31 =	simm.s32 $0xC00;
	[sflag:s19] =	ssyncadd.s32 $0xFFFFE000  }
0x8c: {  	[tilespmem:s15], [sflag:$0x1] =	stream.indirect.gather [hbm4b:s6+s14], $0x20, s31, s14, $0xb8;
	[tilespmem:$0x1EF00] =	vst v63  }
0x8d: {  	s1 =	simm.s32 $0x1F00  }
0x8e: {  	[spmem:s2] =	stream.indirect.scatter.add.f32 [tilespmem:s16], [sflag:$0x4], $0x20, s1, s14, $0xb8;
	[tilespmem:$0x1EF00] =	vst v63  }
0x8f: {  	_ =	swait.ge [sflag:s22], $0x2000  }
0x90: {  	[sflag:s22] =	ssyncset.done $0x0  }
0x91: {  	s31 =	simm.s32 $0xD00;
	[sflag:s22] =	ssyncadd.s32 $0xFFFFE000  }
0x92: {  	[tilespmem:s16], [sflag:$0x2] =	stream.indirect.gather [hbm4b:s6+s14], $0x20, s31, s14, $0xb8;
	[tilespmem:$0x1EF00] =	vst v63  }
0x93: {  	_ =	swait.ge [sflag:s17], $0x2000  }
0x94: {  	[sflag:s17] =	ssyncset.done $0x0  }
0x95: {  	[sflag:s17] =	ssyncadd.s32 $0xFFFFE000  }
0x96: {  	[spmem:s2] =	stream.indirect.scatter.add.f32 [tilespmem:s15], [sflag:$0x3], $0x20, s26, s14, $0xb8;
	[tilespmem:$0x1EF00] =	vst v63  }
0x97: {  	_ =	swait.ge [sflag:s18], $0x2000  }
0x98: {  	[sflag:s18] =	ssyncset.done $0x0  }
0x99: {  	[sflag:s18] =	ssyncadd.s32 $0xFFFFE000  }
0x9a: {  	_ =	swait.ge [sflag:s19], $0x2000  }
0x9b: {  	[sflag:s19] =	ssyncset.done $0x0  }
0x9c: {  	[sflag:s19] =	ssyncadd.s32 $0xFFFFE000  }
0x9d: {  	[tilespmem:s15], [sflag:$0x1] =	stream.indirect.gather [hbm4b:s6+s14], $0x20, s28, s14, $0xb8;
	[tilespmem:$0x1EF00] =	vst v63  }
0x9e: {  	_ = 	snop  }
0x9f: {  	[spmem:s2] =	stream.indirect.scatter.add.f32 [tilespmem:s16], [sflag:$0x4], $0x20, s9, s14, $0xb8;
	[tilespmem:$0x1EF00] =	vst v63  }
0xa0: {  	_ =	swait.ge [sflag:s22], $0x2000  }
0xa1: {  	[sflag:s22] =	ssyncset.done $0x0  }
0xa2: {  	[sflag:s22] =	ssyncadd.s32 $0xFFFFE000  }
0xa3: {  	[tilespmem:s16], [sflag:$0x2] =	stream.indirect.gather [hbm4b:s6+s14], $0x20, s10, s14, $0xb8;
	[tilespmem:$0x1EF00] =	vst v63  }
0xa4: {  	_ =	swait.ge [sflag:s17], $0x2000  }
0xa5: {  	[sflag:s17] =	ssyncset.done $0x0  }
0xa6: {  	[sflag:s17] =	ssyncadd.s32 $0xFFFFE000  }
0xa7: {  	[spmem:s2] =	stream.indirect.scatter.add.f32 [tilespmem:s15], [sflag:$0x3], $0x20, s13, s14, $0xb8;
	[tilespmem:$0x1EF00] =	vst v63  }
0xa8: {  	_ =	swait.ge [sflag:s18], $0x2000  }
0xa9: {  	[sflag:s18] =	ssyncset.done $0x0  }
0xaa: {  	[sflag:s18] =	ssyncadd.s32 $0xFFFFE000  }
0xab: {  	_ =	swait.ge [sflag:s19], $0x2000  }
0xac: {  	[sflag:s19] =	ssyncset.done $0x0  }
0xad: {  	[sflag:s19] =	ssyncadd.s32 $0xFFFFE000  }
0xae: {  	[tilespmem:s15], [sflag:$0x1] =	stream.indirect.gather [hbm4b:s6+s14], $0x20, s8, s14, $0xb8;
	[tilespmem:$0x1EF00] =	vst v63  }
0xaf: {  	_ = 	snop  }
0xb0: {  	[spmem:s2] =	stream.indirect.scatter.add.f32 [tilespmem:s16], [sflag:$0x4], $0x20, s23, s14, $0xb8;
	[tilespmem:$0x1EF00] =	vst v63  }
0xb1: {  	_ =	swait.ge [sflag:s22], $0x2000  }
0xb2: {  	[sflag:s22] =	ssyncset.done $0x0  }
0xb3: {  	[sflag:s22] =	ssyncadd.s32 $0xFFFFE000  }
0xb4: {  	[tilespmem:s16], [sflag:$0x2] =	stream.indirect.gather [hbm4b:s6+s14], $0x20, s24, s14, $0xb8;
	[tilespmem:$0x1EF00] =	vst v63  }
0xb5: {  	_ =	swait.ge [sflag:s17], $0x2000  }
0xb6: {  	[sflag:s17] =	ssyncset.done $0x0  }
0xb7: {  	[sflag:s17] =	ssyncadd.s32 $0xFFFFE000  }
0xb8: {  	[spmem:s2] =	stream.indirect.scatter.add.f32 [tilespmem:s15], [sflag:$0x3], $0x20, s4, s14, $0xb8;
	[tilespmem:$0x1EF00] =	vst v63  }
0xb9: {  	_ =	swait.ge [sflag:s18], $0x2000  }
0xba: {  	[sflag:s18] =	ssyncset.done $0x0  }
0xbb: {  	[sflag:s18] =	ssyncadd.s32 $0xFFFFE000  }
0xbc: {  	_ =	swait.ge [sflag:s19], $0x2000  }
0xbd: {  	[sflag:s19] =	ssyncset.done $0x0  }
0xbe: {  	[sflag:s19] =	ssyncadd.s32 $0xFFFFE000  }
0xbf: {  	[tilespmem:s15], [sflag:$0x1] =	stream.indirect.gather [hbm4b:s6+s14], $0x20, s5, s14, $0xb8;
	[tilespmem:$0x1EF00] =	vst v63  }
0xc0: {  	_ = 	snop  }
0xc1: {  	[spmem:s2] =	stream.indirect.scatter.add.f32 [tilespmem:s16], [sflag:$0x4], $0x20, s11, s14, $0xb8;
	[tilespmem:$0x1EF00] =	vst v63  }
0xc2: {  	_ =	swait.ge [sflag:s22], $0x2000  }
0xc3: {  	[sflag:s22] =	ssyncset.done $0x0  }
0xc4: {  	[sflag:s22] =	ssyncadd.s32 $0xFFFFE000  }
0xc5: {  	[tilespmem:s16], [sflag:$0x2] =	stream.indirect.gather [hbm4b:s6+s14], $0x20, s20, s14, $0xb8;
	[tilespmem:$0x1EF00] =	vst v63  }
0xc6: {  	_ =	swait.ge [sflag:s17], $0x2000  }
0xc7: {  	[sflag:s17] =	ssyncset.done $0x0  }
0xc8: {  	[sflag:s17] =	ssyncadd.s32 $0xFFFFE000  }
0xc9: {  	[spmem:s2] =	stream.indirect.scatter.add.f32 [tilespmem:s15], [sflag:$0x3], $0x20, s21, s14, $0xb8;
	[tilespmem:$0x1EF00] =	vst v63  }
0xca: {  	_ =	swait.ge [sflag:s18], $0x2000  }
0xcb: {  	[sflag:s18] =	ssyncset.done $0x0  }
0xcc: {  	[sflag:s18] =	ssyncadd.s32 $0xFFFFE000  }
0xcd: {  	_ =	swait.ge [sflag:s19], $0x2000  }
0xce: {  	[sflag:s19] =	ssyncset.done $0x0  }
0xcf: {  	[sflag:s19] =	ssyncadd.s32 $0xFFFFE000  }
0xd0: {  	[spmem:s2] =	stream.indirect.scatter.add.f32 [tilespmem:s16], [sflag:$0x4], $0x20, s25, s14, $0xb8;
	[tilespmem:$0x1EF00] =	vst v63  }
0xd1: {  	_ =	swait.ge [sflag:s22], $0x2000  }
0xd2: {  	s30 =	simm.s32 $0x500;
	s29 =	simm.s32 $0x280;
	[sflag:s22] =	ssyncset.done $0x0  }
.LBB2_2:
0xd3: {  	s0 =	rddreg [dreg:$0x4]  }
0xd4: {  	[sflag:s22] =	ssyncadd.s32 $0xFFFFE000;
	s0 =	sadd.s32 s29, s0  }
0xd5: {  	[tilespmem:s3], [sflag:$0x5] =	stream.linear.gather [hbm4b:s0+s3], $0x1400, $0x38;
	[tilespmem:$0x1EF00] =	vst v63  }
0xd6: {  	_ =	swait.ge [sflag:s12], $0x1400  }
0xd7: {  	[sflag:s12] =	ssyncset.done $0x0  }
0xd8: {  	s1 =	smov.u32 s30;
	s0 =	rddreg [dreg:$0x3];
	[sflag:s12] =	ssyncadd.s32 $0xFFFFEC00  }
0xd9: {  	s0 =	sadd.s32 s29, s0;
	s29 =	smov.u32 s1;
	s1 =	simm.s32 $0x1400  }
0xda: {  	[tilespmem:s1], [sflag:$0x5] =	stream.linear.gather [hbm4b:s0+s3], $0x1400, $0x38;
	[tilespmem:$0x1EF00] =	vst v63  }
0xdb: {  	_ =	swait.ge [sflag:s12], $0x1400  }
0xdc: {  	[sflag:s12] =	ssyncset.done $0x0  }
0xdd: {  	[sflag:s12] =	ssyncadd.s32 $0xFFFFEC00  }
0xde: {  	[tilespmem:s15], [sflag:$0x1] =	stream.indirect.gather [hbm4b:s6+s14], $0x20, s3, s14, $0xb8;
	[tilespmem:$0x1EF00] =	vst v63  }
0xdf: {  	_ = 	snop  }
0xe0: {  	[tilespmem:s16], [sflag:$0x2] =	stream.indirect.gather [hbm4b:s6+s14], $0x20, s14, s14, $0xb8;
	[tilespmem:$0x1EF00] =	vst v63  }
0xe1: {  	_ =	swait.ge [sflag:s17], $0x2000  }
0xe2: {  	[sflag:s17] =	ssyncset.done $0x0  }
0xe3: {  	[sflag:s17] =	ssyncadd.s32 $0xFFFFE000  }
0xe4: {  	[spmem:s2] =	stream.indirect.scatter.add.f32 [tilespmem:s15], [sflag:$0x3], $0x20, s1, s14, $0xb8;
	[tilespmem:$0x1EF00] =	vst v63  }
0xe5: {  	_ =	swait.ge [sflag:s18], $0x2000  }
0xe6: {  	[sflag:s18] =	ssyncset.done $0x0  }
0xe7: {  	[sflag:s18] =	ssyncadd.s32 $0xFFFFE000  }
0xe8: {  	_ =	swait.ge [sflag:s19], $0x2000  }
0xe9: {  	[sflag:s19] =	ssyncset.done $0x0  }
0xea: {  	s1 =	simm.s32 $0x200;
	[sflag:s19] =	ssyncadd.s32 $0xFFFFE000  }
0xeb: {  	[tilespmem:s15], [sflag:$0x1] =	stream.indirect.gather [hbm4b:s6+s14], $0x20, s1, s14, $0xb8;
	[tilespmem:$0x1EF00] =	vst v63  }
0xec: {  	s1 =	simm.s32 $0x1500  }
0xed: {  	[spmem:s2] =	stream.indirect.scatter.add.f32 [tilespmem:s16], [sflag:$0x4], $0x20, s1, s14, $0xb8;
	[tilespmem:$0x1EF00] =	vst v63  }
0xee: {  	_ =	swait.ge [sflag:s22], $0x2000  }
0xef: {  	[sflag:s22] =	ssyncset.done $0x0  }
0xf0: {  	s1 =	simm.s32 $0x300;
	[sflag:s22] =	ssyncadd.s32 $0xFFFFE000  }
0xf1: {  	[tilespmem:s16], [sflag:$0x2] =	stream.indirect.gather [hbm4b:s6+s14], $0x20, s1, s14, $0xb8;
	[tilespmem:$0x1EF00] =	vst v63  }
0xf2: {  	_ =	swait.ge [sflag:s17], $0x2000  }
0xf3: {  	[sflag:s17] =	ssyncset.done $0x0  }
0xf4: {  	s1 =	simm.s32 $0x1600;
	[sflag:s17] =	ssyncadd.s32 $0xFFFFE000  }
0xf5: {  	[spmem:s2] =	stream.indirect.scatter.add.f32 [tilespmem:s15], [sflag:$0x3], $0x20, s1, s14, $0xb8;
	[tilespmem:$0x1EF00] =	vst v63  }
0xf6: {  	_ =	swait.ge [sflag:s18], $0x2000  }
0xf7: {  	[sflag:s18] =	ssyncset.done $0x0  }
0xf8: {  	[sflag:s18] =	ssyncadd.s32 $0xFFFFE000  }
0xf9: {  	_ =	swait.ge [sflag:s19], $0x2000  }
0xfa: {  	[sflag:s19] =	ssyncset.done $0x0  }
0xfb: {  	s1 =	simm.s32 $0x400;
	[sflag:s19] =	ssyncadd.s32 $0xFFFFE000  }
0xfc: {  	[tilespmem:s15], [sflag:$0x1] =	stream.indirect.gather [hbm4b:s6+s14], $0x20, s1, s14, $0xb8;
	[tilespmem:$0x1EF00] =	vst v63  }
0xfd: {  	s1 =	simm.s32 $0x1700  }
0xfe: {  	[spmem:s2] =	stream.indirect.scatter.add.f32 [tilespmem:s16], [sflag:$0x4], $0x20, s1, s14, $0xb8;
	[tilespmem:$0x1EF00] =	vst v63  }
0xff: {  	_ =	swait.ge [sflag:s22], $0x2000  }
0x100: {  	[sflag:s22] =	ssyncset.done $0x0  }
0x101: {  	s1 =	simm.s32 $0x500;
	[sflag:s22] =	ssyncadd.s32 $0xFFFFE000  }
0x102: {  	[tilespmem:s16], [sflag:$0x2] =	stream.indirect.gather [hbm4b:s6+s14], $0x20, s1, s14, $0xb8;
	[tilespmem:$0x1EF00] =	vst v63  }
0x103: {  	_ =	swait.ge [sflag:s17], $0x2000  }
0x104: {  	[sflag:s17] =	ssyncset.done $0x0  }
0x105: {  	s1 =	simm.s32 $0x1800;
	[sflag:s17] =	ssyncadd.s32 $0xFFFFE000  }
0x106: {  	[spmem:s2] =	stream.indirect.scatter.add.f32 [tilespmem:s15], [sflag:$0x3], $0x20, s1, s14, $0xb8;
	[tilespmem:$0x1EF00] =	vst v63  }
0x107: {  	_ =	swait.ge [sflag:s18], $0x2000  }
0x108: {  	[sflag:s18] =	ssyncset.done $0x0  }
0x109: {  	[sflag:s18] =	ssyncadd.s32 $0xFFFFE000  }
0x10a: {  	_ =	swait.ge [sflag:s19], $0x2000  }
0x10b: {  	[sflag:s19] =	ssyncset.done $0x0  }
0x10c: {  	s1 =	simm.s32 $0x600;
	[sflag:s19] =	ssyncadd.s32 $0xFFFFE000  }
0x10d: {  	[tilespmem:s15], [sflag:$0x1] =	stream.indirect.gather [hbm4b:s6+s14], $0x20, s1, s14, $0xb8;
	[tilespmem:$0x1EF00] =	vst v63  }
0x10e: {  	s1 =	simm.s32 $0x1900  }
0x10f: {  	[spmem:s2] =	stream.indirect.scatter.add.f32 [tilespmem:s16], [sflag:$0x4], $0x20, s1, s14, $0xb8;
	[tilespmem:$0x1EF00] =	vst v63  }
0x110: {  	_ =	swait.ge [sflag:s22], $0x2000  }
0x111: {  	[sflag:s22] =	ssyncset.done $0x0  }
0x112: {  	s1 =	simm.s32 $0x700;
	[sflag:s22] =	ssyncadd.s32 $0xFFFFE000  }
0x113: {  	[tilespmem:s16], [sflag:$0x2] =	stream.indirect.gather [hbm4b:s6+s14], $0x20, s1, s14, $0xb8;
	[tilespmem:$0x1EF00] =	vst v63  }
0x114: {  	_ =	swait.ge [sflag:s17], $0x2000  }
0x115: {  	[sflag:s17] =	ssyncset.done $0x0  }
0x116: {  	s1 =	simm.s32 $0x1A00;
	[sflag:s17] =	ssyncadd.s32 $0xFFFFE000  }
0x117: {  	[spmem:s2] =	stream.indirect.scatter.add.f32 [tilespmem:s15], [sflag:$0x3], $0x20, s1, s14, $0xb8;
	[tilespmem:$0x1EF00] =	vst v63  }
0x118: {  	_ =	swait.ge [sflag:s18], $0x2000  }
0x119: {  	[sflag:s18] =	ssyncset.done $0x0  }
0x11a: {  	[sflag:s18] =	ssyncadd.s32 $0xFFFFE000  }
0x11b: {  	_ =	swait.ge [sflag:s19], $0x2000  }
0x11c: {  	[sflag:s19] =	ssyncset.done $0x0  }
0x11d: {  	s1 =	simm.s32 $0x800;
	[sflag:s19] =	ssyncadd.s32 $0xFFFFE000  }
0x11e: {  	[tilespmem:s15], [sflag:$0x1] =	stream.indirect.gather [hbm4b:s6+s14], $0x20, s1, s14, $0xb8;
	[tilespmem:$0x1EF00] =	vst v63  }
0x11f: {  	s1 =	simm.s32 $0x1B00  }
0x120: {  	[spmem:s2] =	stream.indirect.scatter.add.f32 [tilespmem:s16], [sflag:$0x4], $0x20, s1, s14, $0xb8;
	[tilespmem:$0x1EF00] =	vst v63  }
0x121: {  	_ =	swait.ge [sflag:s22], $0x2000  }
0x122: {  	[sflag:s22] =	ssyncset.done $0x0  }
0x123: {  	s1 =	simm.s32 $0x900;
	[sflag:s22] =	ssyncadd.s32 $0xFFFFE000  }
0x124: {  	[tilespmem:s16], [sflag:$0x2] =	stream.indirect.gather [hbm4b:s6+s14], $0x20, s1, s14, $0xb8;
	[tilespmem:$0x1EF00] =	vst v63  }
0x125: {  	_ =	swait.ge [sflag:s17], $0x2000  }
0x126: {  	[sflag:s17] =	ssyncset.done $0x0  }
0x127: {  	s1 =	simm.s32 $0x1C00;
	[sflag:s17] =	ssyncadd.s32 $0xFFFFE000  }
0x128: {  	[spmem:s2] =	stream.indirect.scatter.add.f32 [tilespmem:s15], [sflag:$0x3], $0x20, s1, s14, $0xb8;
	[tilespmem:$0x1EF00] =	vst v63  }
0x129: {  	_ =	swait.ge [sflag:s18], $0x2000  }
0x12a: {  	[sflag:s18] =	ssyncset.done $0x0  }
0x12b: {  	[sflag:s18] =	ssyncadd.s32 $0xFFFFE000  }
0x12c: {  	_ =	swait.ge [sflag:s19], $0x2000  }
0x12d: {  	[sflag:s19] =	ssyncset.done $0x0  }
0x12e: {  	s1 =	simm.s32 $0xA00;
	[sflag:s19] =	ssyncadd.s32 $0xFFFFE000  }
0x12f: {  	[tilespmem:s15], [sflag:$0x1] =	stream.indirect.gather [hbm4b:s6+s14], $0x20, s1, s14, $0xb8;
	[tilespmem:$0x1EF00] =	vst v63  }
0x130: {  	s1 =	simm.s32 $0x1D00  }
0x131: {  	[spmem:s2] =	stream.indirect.scatter.add.f32 [tilespmem:s16], [sflag:$0x4], $0x20, s1, s14, $0xb8;
	[tilespmem:$0x1EF00] =	vst v63  }
0x132: {  	_ =	swait.ge [sflag:s22], $0x2000  }
0x133: {  	[sflag:s22] =	ssyncset.done $0x0  }
0x134: {  	s1 =	simm.s32 $0xB00;
	[sflag:s22] =	ssyncadd.s32 $0xFFFFE000  }
0x135: {  	[tilespmem:s16], [sflag:$0x2] =	stream.indirect.gather [hbm4b:s6+s14], $0x20, s1, s14, $0xb8;
	[tilespmem:$0x1EF00] =	vst v63  }
0x136: {  	_ =	swait.ge [sflag:s17], $0x2000  }
0x137: {  	[sflag:s17] =	ssyncset.done $0x0  }
0x138: {  	s1 =	simm.s32 $0x1E00;
	[sflag:s17] =	ssyncadd.s32 $0xFFFFE000  }
0x139: {  	[spmem:s2] =	stream.indirect.scatter.add.f32 [tilespmem:s15], [sflag:$0x3], $0x20, s1, s14, $0xb8;
	[tilespmem:$0x1EF00] =	vst v63  }
0x13a: {  	_ =	swait.ge [sflag:s18], $0x2000  }
0x13b: {  	[sflag:s18] =	ssyncset.done $0x0  }
0x13c: {  	[sflag:s18] =	ssyncadd.s32 $0xFFFFE000  }
0x13d: {  	_ =	swait.ge [sflag:s19], $0x2000  }
0x13e: {  	[sflag:s19] =	ssyncset.done $0x0  }
0x13f: {  	s1 =	simm.s32 $0xC00;
	[sflag:s19] =	ssyncadd.s32 $0xFFFFE000  }
0x140: {  	[tilespmem:s15], [sflag:$0x1] =	stream.indirect.gather [hbm4b:s6+s14], $0x20, s1, s14, $0xb8;
	[tilespmem:$0x1EF00] =	vst v63  }
0x141: {  	s1 =	simm.s32 $0x1F00  }
0x142: {  	[spmem:s2] =	stream.indirect.scatter.add.f32 [tilespmem:s16], [sflag:$0x4], $0x20, s1, s14, $0xb8;
	[tilespmem:$0x1EF00] =	vst v63  }
0x143: {  	_ =	swait.ge [sflag:s22], $0x2000  }
0x144: {  	[sflag:s22] =	ssyncset.done $0x0  }
0x145: {  	s1 =	simm.s32 $0xD00;
	[sflag:s22] =	ssyncadd.s32 $0xFFFFE000  }
0x146: {  	[tilespmem:s16], [sflag:$0x2] =	stream.indirect.gather [hbm4b:s6+s14], $0x20, s1, s14, $0xb8;
	[tilespmem:$0x1EF00] =	vst v63  }
0x147: {  	_ =	swait.ge [sflag:s17], $0x2000  }
0x148: {  	[sflag:s17] =	ssyncset.done $0x0  }
0x149: {  	[sflag:s17] =	ssyncadd.s32 $0xFFFFE000  }
0x14a: {  	[spmem:s2] =	stream.indirect.scatter.add.f32 [tilespmem:s15], [sflag:$0x3], $0x20, s26, s14, $0xb8;
	[tilespmem:$0x1EF00] =	vst v63  }
0x14b: {  	_ =	swait.ge [sflag:s18], $0x2000  }
0x14c: {  	[sflag:s18] =	ssyncset.done $0x0  }
0x14d: {  	[sflag:s18] =	ssyncadd.s32 $0xFFFFE000  }
0x14e: {  	_ =	swait.ge [sflag:s19], $0x2000  }
0x14f: {  	[sflag:s19] =	ssyncset.done $0x0  }
0x150: {  	[sflag:s19] =	ssyncadd.s32 $0xFFFFE000  }
0x151: {  	[tilespmem:s15], [sflag:$0x1] =	stream.indirect.gather [hbm4b:s6+s14], $0x20, s28, s14, $0xb8;
	[tilespmem:$0x1EF00] =	vst v63  }
0x152: {  	_ = 	snop  }
0x153: {  	[spmem:s2] =	stream.indirect.scatter.add.f32 [tilespmem:s16], [sflag:$0x4], $0x20, s9, s14, $0xb8;
	[tilespmem:$0x1EF00] =	vst v63  }
0x154: {  	_ =	swait.ge [sflag:s22], $0x2000  }
0x155: {  	[sflag:s22] =	ssyncset.done $0x0  }
0x156: {  	[sflag:s22] =	ssyncadd.s32 $0xFFFFE000  }
0x157: {  	[tilespmem:s16], [sflag:$0x2] =	stream.indirect.gather [hbm4b:s6+s14], $0x20, s10, s14, $0xb8;
	[tilespmem:$0x1EF00] =	vst v63  }
0x158: {  	_ =	swait.ge [sflag:s17], $0x2000  }
0x159: {  	[sflag:s17] =	ssyncset.done $0x0  }
0x15a: {  	[sflag:s17] =	ssyncadd.s32 $0xFFFFE000  }
0x15b: {  	[spmem:s2] =	stream.indirect.scatter.add.f32 [tilespmem:s15], [sflag:$0x3], $0x20, s13, s14, $0xb8;
	[tilespmem:$0x1EF00] =	vst v63  }
0x15c: {  	_ =	swait.ge [sflag:s18], $0x2000  }
0x15d: {  	[sflag:s18] =	ssyncset.done $0x0  }
0x15e: {  	[sflag:s18] =	ssyncadd.s32 $0xFFFFE000  }
0x15f: {  	_ =	swait.ge [sflag:s19], $0x2000  }
0x160: {  	[sflag:s19] =	ssyncset.done $0x0  }
0x161: {  	[sflag:s19] =	ssyncadd.s32 $0xFFFFE000  }
0x162: {  	[tilespmem:s15], [sflag:$0x1] =	stream.indirect.gather [hbm4b:s6+s14], $0x20, s8, s14, $0xb8;
	[tilespmem:$0x1EF00] =	vst v63  }
0x163: {  	_ = 	snop  }
0x164: {  	[spmem:s2] =	stream.indirect.scatter.add.f32 [tilespmem:s16], [sflag:$0x4], $0x20, s23, s14, $0xb8;
	[tilespmem:$0x1EF00] =	vst v63  }
0x165: {  	_ =	swait.ge [sflag:s22], $0x2000  }
0x166: {  	[sflag:s22] =	ssyncset.done $0x0  }
0x167: {  	[sflag:s22] =	ssyncadd.s32 $0xFFFFE000  }
0x168: {  	[tilespmem:s16], [sflag:$0x2] =	stream.indirect.gather [hbm4b:s6+s14], $0x20, s24, s14, $0xb8;
	[tilespmem:$0x1EF00] =	vst v63  }
0x169: {  	_ =	swait.ge [sflag:s17], $0x2000  }
0x16a: {  	[sflag:s17] =	ssyncset.done $0x0  }
0x16b: {  	[sflag:s17] =	ssyncadd.s32 $0xFFFFE000  }
0x16c: {  	[spmem:s2] =	stream.indirect.scatter.add.f32 [tilespmem:s15], [sflag:$0x3], $0x20, s4, s14, $0xb8;
	[tilespmem:$0x1EF00] =	vst v63  }
0x16d: {  	_ =	swait.ge [sflag:s18], $0x2000  }
0x16e: {  	[sflag:s18] =	ssyncset.done $0x0  }
0x16f: {  	[sflag:s18] =	ssyncadd.s32 $0xFFFFE000  }
0x170: {  	_ =	swait.ge [sflag:s19], $0x2000  }
0x171: {  	[sflag:s19] =	ssyncset.done $0x0  }
0x172: {  	[sflag:s19] =	ssyncadd.s32 $0xFFFFE000  }
0x173: {  	[tilespmem:s15], [sflag:$0x1] =	stream.indirect.gather [hbm4b:s6+s14], $0x20, s5, s14, $0xb8;
	[tilespmem:$0x1EF00] =	vst v63  }
0x174: {  	_ = 	snop  }
0x175: {  	[spmem:s2] =	stream.indirect.scatter.add.f32 [tilespmem:s16], [sflag:$0x4], $0x20, s11, s14, $0xb8;
	[tilespmem:$0x1EF00] =	vst v63  }
0x176: {  	_ =	swait.ge [sflag:s22], $0x2000  }
0x177: {  	[sflag:s22] =	ssyncset.done $0x0  }
0x178: {  	[sflag:s22] =	ssyncadd.s32 $0xFFFFE000  }
0x179: {  	[tilespmem:s16], [sflag:$0x2] =	stream.indirect.gather [hbm4b:s6+s14], $0x20, s20, s14, $0xb8;
	[tilespmem:$0x1EF00] =	vst v63  }
0x17a: {  	_ =	swait.ge [sflag:s17], $0x2000  }
0x17b: {  	[sflag:s17] =	ssyncset.done $0x0  }
0x17c: {  	[sflag:s17] =	ssyncadd.s32 $0xFFFFE000  }
0x17d: {  	[spmem:s2] =	stream.indirect.scatter.add.f32 [tilespmem:s15], [sflag:$0x3], $0x20, s21, s14, $0xb8;
	[tilespmem:$0x1EF00] =	vst v63  }
0x17e: {  	_ =	swait.ge [sflag:s18], $0x2000  }
0x17f: {  	[sflag:s18] =	ssyncset.done $0x0  }
0x180: {  	[sflag:s18] =	ssyncadd.s32 $0xFFFFE000  }
0x181: {  	p0 =	sne.s32 s30, $0x1680;
	_ =	swait.ge [sflag:s19], $0x2000  }
.Ltmp0:
0x182: {  	[sflag:s19] =	ssyncset.done $0x0;
	(pc) =	sbr.rel @p0 .LBB2_2-.Ltmp0, $4  }
0x183: {  	[sflag:s19] =	ssyncadd.s32 $0xFFFFE000  }
0x184: {  	[spmem:s2] =	stream.indirect.scatter.add.f32 [tilespmem:s16], [sflag:$0x4], $0x20, s25, s14, $0xb8;
	[tilespmem:$0x1EF00] =	vst v63  }
0x185: {  	s31 =	sadd.s32 $0x280, s30;
	_ =	swait.ge [sflag:s22], $0x2000  }
0x186: {  	s30 =	smov.u32 s31;
	[sflag:s22] =	ssyncset.done $0x0  }
0x187: {  	s5 =	rddreg [dreg:$0x4]  }
0x188: {  	[sflag:s22] =	ssyncadd.s32 $0xFFFFE000;
	s0 =	sadd.s32 s29, s5  }
0x189: {  	[tilespmem:s3], [sflag:$0x5] =	stream.linear.gather [hbm4b:s0+s3], $0x1400, $0x38;
	[tilespmem:$0x1EF00] =	vst v63  }
0x18a: {  	_ =	swait.ge [sflag:s12], $0x1400  }
0x18b: {  	[sflag:s12] =	ssyncset.done $0x0;
	s4 =	rddreg [dreg:$0x3]  }
0x18c: {  	s8 =	simm.s32 $0x1400;
	[sflag:s12] =	ssyncadd.s32 $0xFFFFEC00;
	s30 =	sadd.s32 s29, s4  }
0x18d: {  	[tilespmem:s8], [sflag:$0x5] =	stream.linear.gather [hbm4b:s30+s3], $0x1400, $0x38;
	[tilespmem:$0x1EF00] =	vst v63  }
0x18e: {  	_ =	swait.ge [sflag:s12], $0x1400  }
0x18f: {  	[sflag:s12] =	ssyncset.done $0x0  }
0x190: {  	[sflag:s12] =	ssyncadd.s32 $0xFFFFEC00  }
0x191: {  	[tilespmem:s15], [sflag:$0x1] =	stream.indirect.gather [hbm4b:s6+s14], $0x20, s3, s14, $0xb8;
	[tilespmem:$0x1EF00] =	vst v63  }
0x192: {  	_ = 	snop  }
0x193: {  	[tilespmem:s16], [sflag:$0x2] =	stream.indirect.gather [hbm4b:s6+s14], $0x20, s14, s14, $0xb8;
	[tilespmem:$0x1EF00] =	vst v63  }
0x194: {  	_ =	swait.ge [sflag:s17], $0x2000  }
0x195: {  	[sflag:s17] =	ssyncset.done $0x0  }
0x196: {  	[sflag:s17] =	ssyncadd.s32 $0xFFFFE000  }
0x197: {  	[spmem:s2] =	stream.indirect.scatter.add.f32 [tilespmem:s15], [sflag:$0x3], $0x20, s8, s14, $0xb8;
	[tilespmem:$0x1EF00] =	vst v63  }
0x198: {  	_ =	swait.ge [sflag:s18], $0x2000  }
0x199: {  	[sflag:s18] =	ssyncset.done $0x0  }
0x19a: {  	[sflag:s18] =	ssyncadd.s32 $0xFFFFE000  }
0x19b: {  	_ =	swait.ge [sflag:s19], $0x2000  }
0x19c: {  	[sflag:s19] =	ssyncset.done $0x0  }
0x19d: {  	s30 =	simm.s32 $0x200;
	[sflag:s19] =	ssyncadd.s32 $0xFFFFE000  }
0x19e: {  	[tilespmem:s15], [sflag:$0x1] =	stream.indirect.gather [hbm4b:s6+s14], $0x20, s30, s14, $0xb8;
	[tilespmem:$0x1EF00] =	vst v63  }
0x19f: {  	s31 =	simm.s32 $0x1500  }
0x1a0: {  	[spmem:s2] =	stream.indirect.scatter.add.f32 [tilespmem:s16], [sflag:$0x4], $0x20, s31, s14, $0xb8;
	[tilespmem:$0x1EF00] =	vst v63  }
0x1a1: {  	_ =	swait.ge [sflag:s22], $0x2000  }
0x1a2: {  	[sflag:s22] =	ssyncset.done $0x0  }
0x1a3: {  	s9 =	simm.s32 $0x300;
	[sflag:s22] =	ssyncadd.s32 $0xFFFFE000  }
0x1a4: {  	[tilespmem:s16], [sflag:$0x2] =	stream.indirect.gather [hbm4b:s6+s14], $0x20, s9, s14, $0xb8;
	[tilespmem:$0x1EF00] =	vst v63  }
0x1a5: {  	_ =	swait.ge [sflag:s17], $0x2000  }
0x1a6: {  	[sflag:s17] =	ssyncset.done $0x0  }
0x1a7: {  	s10 =	simm.s32 $0x1600;
	[sflag:s17] =	ssyncadd.s32 $0xFFFFE000  }
0x1a8: {  	[spmem:s2] =	stream.indirect.scatter.add.f32 [tilespmem:s15], [sflag:$0x3], $0x20, s10, s14, $0xb8;
	[tilespmem:$0x1EF00] =	vst v63  }
0x1a9: {  	_ =	swait.ge [sflag:s18], $0x2000  }
0x1aa: {  	[sflag:s18] =	ssyncset.done $0x0  }
0x1ab: {  	[sflag:s18] =	ssyncadd.s32 $0xFFFFE000  }
0x1ac: {  	_ =	swait.ge [sflag:s19], $0x2000  }
0x1ad: {  	[sflag:s19] =	ssyncset.done $0x0  }
0x1ae: {  	s11 =	simm.s32 $0x400;
	[sflag:s19] =	ssyncadd.s32 $0xFFFFE000  }
0x1af: {  	[tilespmem:s15], [sflag:$0x1] =	stream.indirect.gather [hbm4b:s6+s14], $0x20, s11, s14, $0xb8;
	[tilespmem:$0x1EF00] =	vst v63  }
0x1b0: {  	s13 =	simm.s32 $0x1700  }
0x1b1: {  	[spmem:s2] =	stream.indirect.scatter.add.f32 [tilespmem:s16], [sflag:$0x4], $0x20, s13, s14, $0xb8;
	[tilespmem:$0x1EF00] =	vst v63  }
0x1b2: {  	_ =	swait.ge [sflag:s22], $0x2000  }
0x1b3: {  	[sflag:s22] =	ssyncset.done $0x0  }
0x1b4: {  	s20 =	simm.s32 $0x500;
	[sflag:s22] =	ssyncadd.s32 $0xFFFFE000  }
0x1b5: {  	[tilespmem:s16], [sflag:$0x2] =	stream.indirect.gather [hbm4b:s6+s14], $0x20, s20, s14, $0xb8;
	[tilespmem:$0x1EF00] =	vst v63  }
0x1b6: {  	_ =	swait.ge [sflag:s17], $0x2000  }
0x1b7: {  	[sflag:s17] =	ssyncset.done $0x0  }
0x1b8: {  	s21 =	simm.s32 $0x1800;
	[sflag:s17] =	ssyncadd.s32 $0xFFFFE000  }
0x1b9: {  	[spmem:s2] =	stream.indirect.scatter.add.f32 [tilespmem:s15], [sflag:$0x3], $0x20, s21, s14, $0xb8;
	[tilespmem:$0x1EF00] =	vst v63  }
0x1ba: {  	_ =	swait.ge [sflag:s18], $0x2000  }
0x1bb: {  	[sflag:s18] =	ssyncset.done $0x0  }
0x1bc: {  	[sflag:s18] =	ssyncadd.s32 $0xFFFFE000  }
0x1bd: {  	_ =	swait.ge [sflag:s19], $0x2000  }
0x1be: {  	[sflag:s19] =	ssyncset.done $0x0  }
0x1bf: {  	s23 =	simm.s32 $0x600;
	[sflag:s19] =	ssyncadd.s32 $0xFFFFE000  }
0x1c0: {  	[tilespmem:s15], [sflag:$0x1] =	stream.indirect.gather [hbm4b:s6+s14], $0x20, s23, s14, $0xb8;
	[tilespmem:$0x1EF00] =	vst v63  }
0x1c1: {  	s24 =	simm.s32 $0x1900  }
0x1c2: {  	[spmem:s2] =	stream.indirect.scatter.add.f32 [tilespmem:s16], [sflag:$0x4], $0x20, s24, s14, $0xb8;
	[tilespmem:$0x1EF00] =	vst v63  }
0x1c3: {  	_ =	swait.ge [sflag:s22], $0x2000  }
0x1c4: {  	[sflag:s22] =	ssyncset.done $0x0  }
0x1c5: {  	s25 =	simm.s32 $0x700;
	[sflag:s22] =	ssyncadd.s32 $0xFFFFE000  }
0x1c6: {  	[tilespmem:s16], [sflag:$0x2] =	stream.indirect.gather [hbm4b:s6+s14], $0x20, s25, s14, $0xb8;
	[tilespmem:$0x1EF00] =	vst v63  }
0x1c7: {  	_ =	swait.ge [sflag:s17], $0x2000  }
0x1c8: {  	[sflag:s17] =	ssyncset.done $0x0  }
0x1c9: {  	s26 =	simm.s32 $0x1A00;
	[sflag:s17] =	ssyncadd.s32 $0xFFFFE000  }
0x1ca: {  	[spmem:s2] =	stream.indirect.scatter.add.f32 [tilespmem:s15], [sflag:$0x3], $0x20, s26, s14, $0xb8;
	[tilespmem:$0x1EF00] =	vst v63  }
0x1cb: {  	_ =	swait.ge [sflag:s18], $0x2000  }
0x1cc: {  	[sflag:s18] =	ssyncset.done $0x0  }
0x1cd: {  	[sflag:s18] =	ssyncadd.s32 $0xFFFFE000  }
0x1ce: {  	_ =	swait.ge [sflag:s19], $0x2000  }
0x1cf: {  	[sflag:s19] =	ssyncset.done $0x0  }
0x1d0: {  	s28 =	simm.s32 $0x800;
	[sflag:s19] =	ssyncadd.s32 $0xFFFFE000  }
0x1d1: {  	[tilespmem:s15], [sflag:$0x1] =	stream.indirect.gather [hbm4b:s6+s14], $0x20, s28, s14, $0xb8;
	[tilespmem:$0x1EF00] =	vst v63  }
0x1d2: {  	s1 =	simm.s32 $0x1B00  }
0x1d3: {  	[spmem:s2] =	stream.indirect.scatter.add.f32 [tilespmem:s16], [sflag:$0x4], $0x20, s1, s14, $0xb8;
	[tilespmem:$0x1EF00] =	vst v63  }
0x1d4: {  	_ =	swait.ge [sflag:s22], $0x2000  }
0x1d5: {  	[sflag:s22] =	ssyncset.done $0x0  }
0x1d6: {  	s1 =	simm.s32 $0x900;
	[sflag:s22] =	ssyncadd.s32 $0xFFFFE000  }
0x1d7: {  	[tilespmem:s16], [sflag:$0x2] =	stream.indirect.gather [hbm4b:s6+s14], $0x20, s1, s14, $0xb8;
	[tilespmem:$0x1EF00] =	vst v63  }
0x1d8: {  	_ =	swait.ge [sflag:s17], $0x2000  }
0x1d9: {  	[sflag:s17] =	ssyncset.done $0x0  }
0x1da: {  	s1 =	simm.s32 $0x1C00;
	[sflag:s17] =	ssyncadd.s32 $0xFFFFE000  }
0x1db: {  	[spmem:s2] =	stream.indirect.scatter.add.f32 [tilespmem:s15], [sflag:$0x3], $0x20, s1, s14, $0xb8;
	[tilespmem:$0x1EF00] =	vst v63  }
0x1dc: {  	_ =	swait.ge [sflag:s18], $0x2000  }
0x1dd: {  	[sflag:s18] =	ssyncset.done $0x0  }
0x1de: {  	[sflag:s18] =	ssyncadd.s32 $0xFFFFE000  }
0x1df: {  	_ =	swait.ge [sflag:s19], $0x2000  }
0x1e0: {  	[sflag:s19] =	ssyncset.done $0x0  }
0x1e1: {  	s1 =	simm.s32 $0xA00;
	[sflag:s19] =	ssyncadd.s32 $0xFFFFE000  }
0x1e2: {  	[tilespmem:s15], [sflag:$0x1] =	stream.indirect.gather [hbm4b:s6+s14], $0x20, s1, s14, $0xb8;
	[tilespmem:$0x1EF00] =	vst v63  }
0x1e3: {  	s1 =	simm.s32 $0x1D00  }
0x1e4: {  	[spmem:s2] =	stream.indirect.scatter.add.f32 [tilespmem:s16], [sflag:$0x4], $0x20, s1, s14, $0xb8;
	[tilespmem:$0x1EF00] =	vst v63  }
0x1e5: {  	_ =	swait.ge [sflag:s22], $0x2000  }
0x1e6: {  	[sflag:s22] =	ssyncset.done $0x0  }
0x1e7: {  	s1 =	simm.s32 $0xB00;
	[sflag:s22] =	ssyncadd.s32 $0xFFFFE000  }
0x1e8: {  	[tilespmem:s16], [sflag:$0x2] =	stream.indirect.gather [hbm4b:s6+s14], $0x20, s1, s14, $0xb8;
	[tilespmem:$0x1EF00] =	vst v63  }
0x1e9: {  	_ =	swait.ge [sflag:s17], $0x2000  }
0x1ea: {  	[sflag:s17] =	ssyncset.done $0x0  }
0x1eb: {  	s1 =	simm.s32 $0x1E00;
	[sflag:s17] =	ssyncadd.s32 $0xFFFFE000  }
0x1ec: {  	[spmem:s2] =	stream.indirect.scatter.add.f32 [tilespmem:s15], [sflag:$0x3], $0x20, s1, s14, $0xb8;
	[tilespmem:$0x1EF00] =	vst v63  }
0x1ed: {  	_ =	swait.ge [sflag:s18], $0x2000  }
0x1ee: {  	[sflag:s18] =	ssyncset.done $0x0  }
0x1ef: {  	[sflag:s18] =	ssyncadd.s32 $0xFFFFE000  }
0x1f0: {  	_ =	swait.ge [sflag:s19], $0x2000  }
0x1f1: {  	[sflag:s19] =	ssyncset.done $0x0  }
0x1f2: {  	s1 =	simm.s32 $0xC00;
	[sflag:s19] =	ssyncadd.s32 $0xFFFFE000  }
0x1f3: {  	[tilespmem:s15], [sflag:$0x1] =	stream.indirect.gather [hbm4b:s6+s14], $0x20, s1, s14, $0xb8;
	[tilespmem:$0x1EF00] =	vst v63  }
0x1f4: {  	s1 =	simm.s32 $0x1F00  }
0x1f5: {  	[spmem:s2] =	stream.indirect.scatter.add.f32 [tilespmem:s16], [sflag:$0x4], $0x20, s1, s14, $0xb8;
	[tilespmem:$0x1EF00] =	vst v63  }
0x1f6: {  	_ =	swait.ge [sflag:s22], $0x2000  }
0x1f7: {  	[sflag:s22] =	ssyncset.done $0x0  }
0x1f8: {  	s1 =	simm.s32 $0xD00;
	[sflag:s22] =	ssyncadd.s32 $0xFFFFE000  }
0x1f9: {  	[tilespmem:s16], [sflag:$0x2] =	stream.indirect.gather [hbm4b:s6+s14], $0x20, s1, s14, $0xb8;
	[tilespmem:$0x1EF00] =	vst v63  }
0x1fa: {  	_ =	swait.ge [sflag:s17], $0x2000  }
0x1fb: {  	[sflag:s17] =	ssyncset.done $0x0  }
0x1fc: {  	s1 =	simm.s32 $0x2000;
	[sflag:s17] =	ssyncadd.s32 $0xFFFFE000  }
0x1fd: {  	[spmem:s2] =	stream.indirect.scatter.add.f32 [tilespmem:s15], [sflag:$0x3], $0x20, s1, s14, $0xb8;
	[tilespmem:$0x1EF00] =	vst v63  }
0x1fe: {  	_ =	swait.ge [sflag:s18], $0x2000  }
0x1ff: {  	[sflag:s18] =	ssyncset.done $0x0  }
0x200: {  	[sflag:s18] =	ssyncadd.s32 $0xFFFFE000  }
0x201: {  	_ =	swait.ge [sflag:s19], $0x2000  }
0x202: {  	[sflag:s19] =	ssyncset.done $0x0  }
0x203: {  	s1 =	simm.s32 $0xE00;
	[sflag:s19] =	ssyncadd.s32 $0xFFFFE000  }
0x204: {  	[tilespmem:s15], [sflag:$0x1] =	stream.indirect.gather [hbm4b:s6+s14], $0x20, s1, s14, $0xb8;
	[tilespmem:$0x1EF00] =	vst v63  }
0x205: {  	s1 =	simm.s32 $0x2100  }
0x206: {  	[spmem:s2] =	stream.indirect.scatter.add.f32 [tilespmem:s16], [sflag:$0x4], $0x20, s1, s14, $0xb8;
	[tilespmem:$0x1EF00] =	vst v63  }
0x207: {  	_ =	swait.ge [sflag:s22], $0x2000  }
0x208: {  	[sflag:s22] =	ssyncset.done $0x0  }
0x209: {  	s1 =	simm.s32 $0xF00;
	[sflag:s22] =	ssyncadd.s32 $0xFFFFE000  }
0x20a: {  	[tilespmem:s16], [sflag:$0x2] =	stream.indirect.gather [hbm4b:s6+s14], $0x20, s1, s14, $0xb8;
	[tilespmem:$0x1EF00] =	vst v63  }
0x20b: {  	_ =	swait.ge [sflag:s17], $0x2000  }
0x20c: {  	[sflag:s17] =	ssyncset.done $0x0  }
0x20d: {  	s1 =	simm.s32 $0x2200;
	[sflag:s17] =	ssyncadd.s32 $0xFFFFE000  }
0x20e: {  	[spmem:s2] =	stream.indirect.scatter.add.f32 [tilespmem:s15], [sflag:$0x3], $0x20, s1, s14, $0xb8;
	[tilespmem:$0x1EF00] =	vst v63  }
0x20f: {  	_ =	swait.ge [sflag:s18], $0x2000  }
0x210: {  	[sflag:s18] =	ssyncset.done $0x0  }
0x211: {  	[sflag:s18] =	ssyncadd.s32 $0xFFFFE000  }
0x212: {  	_ =	swait.ge [sflag:s19], $0x2000  }
0x213: {  	[sflag:s19] =	ssyncset.done $0x0  }
0x214: {  	s1 =	simm.s32 $0x1000;
	[sflag:s19] =	ssyncadd.s32 $0xFFFFE000  }
0x215: {  	[tilespmem:s15], [sflag:$0x1] =	stream.indirect.gather [hbm4b:s6+s14], $0x20, s1, s14, $0xb8;
	[tilespmem:$0x1EF00] =	vst v63  }
0x216: {  	s1 =	simm.s32 $0x2300  }
0x217: {  	[spmem:s2] =	stream.indirect.scatter.add.f32 [tilespmem:s16], [sflag:$0x4], $0x20, s1, s14, $0xb8;
	[tilespmem:$0x1EF00] =	vst v63  }
0x218: {  	_ =	swait.ge [sflag:s22], $0x2000  }
0x219: {  	[sflag:s22] =	ssyncset.done $0x0  }
0x21a: {  	s1 =	simm.s32 $0x1100;
	[sflag:s22] =	ssyncadd.s32 $0xFFFFE000  }
0x21b: {  	[tilespmem:s16], [sflag:$0x2] =	stream.indirect.gather [hbm4b:s6+s14], $0x20, s1, s14, $0xb8;
	[tilespmem:$0x1EF00] =	vst v63  }
0x21c: {  	_ =	swait.ge [sflag:s17], $0x2000  }
0x21d: {  	[sflag:s17] =	ssyncset.done $0x0  }
0x21e: {  	s1 =	simm.s32 $0x2400;
	[sflag:s17] =	ssyncadd.s32 $0xFFFFE000  }
0x21f: {  	[spmem:s2] =	stream.indirect.scatter.add.f32 [tilespmem:s15], [sflag:$0x3], $0x20, s1, s14, $0xb8;
	[tilespmem:$0x1EF00] =	vst v63  }
0x220: {  	_ =	swait.ge [sflag:s18], $0x2000  }
0x221: {  	[sflag:s18] =	ssyncset.done $0x0  }
0x222: {  	[sflag:s18] =	ssyncadd.s32 $0xFFFFE000  }
0x223: {  	_ =	swait.ge [sflag:s19], $0x2000  }
0x224: {  	[sflag:s19] =	ssyncset.done $0x0  }
0x225: {  	s1 =	simm.s32 $0x1200;
	[sflag:s19] =	ssyncadd.s32 $0xFFFFE000  }
0x226: {  	[tilespmem:s15], [sflag:$0x1] =	stream.indirect.gather [hbm4b:s6+s14], $0x20, s1, s14, $0xb8;
	[tilespmem:$0x1EF00] =	vst v63  }
0x227: {  	s1 =	simm.s32 $0x2500  }
0x228: {  	[spmem:s2] =	stream.indirect.scatter.add.f32 [tilespmem:s16], [sflag:$0x4], $0x20, s1, s14, $0xb8;
	[tilespmem:$0x1EF00] =	vst v63  }
0x229: {  	_ =	swait.ge [sflag:s22], $0x2000  }
0x22a: {  	[sflag:s22] =	ssyncset.done $0x0  }
0x22b: {  	s1 =	simm.s32 $0x1300;
	[sflag:s22] =	ssyncadd.s32 $0xFFFFE000  }
0x22c: {  	[tilespmem:s16], [sflag:$0x2] =	stream.indirect.gather [hbm4b:s6+s14], $0x20, s1, s14, $0xb8;
	[tilespmem:$0x1EF00] =	vst v63  }
0x22d: {  	_ =	swait.ge [sflag:s17], $0x2000  }
0x22e: {  	[sflag:s17] =	ssyncset.done $0x0  }
0x22f: {  	s1 =	simm.s32 $0x2600;
	[sflag:s17] =	ssyncadd.s32 $0xFFFFE000  }
0x230: {  	[spmem:s2] =	stream.indirect.scatter.add.f32 [tilespmem:s15], [sflag:$0x3], $0x20, s1, s14, $0xb8;
	[tilespmem:$0x1EF00] =	vst v63  }
0x231: {  	_ =	swait.ge [sflag:s18], $0x2000  }
0x232: {  	[sflag:s18] =	ssyncset.done $0x0  }
0x233: {  	[sflag:s18] =	ssyncadd.s32 $0xFFFFE000  }
0x234: {  	_ =	swait.ge [sflag:s19], $0x2000  }
0x235: {  	[sflag:s19] =	ssyncset.done $0x0  }
0x236: {  	s1 =	simm.s32 $0x2700;
	[sflag:s19] =	ssyncadd.s32 $0xFFFFE000  }
0x237: {  	[spmem:s2] =	stream.indirect.scatter.add.f32 [tilespmem:s16], [sflag:$0x4], $0x20, s1, s14, $0xb8;
	[tilespmem:$0x1EF00] =	vst v63  }
0x238: {  	_ =	swait.ge [sflag:s22], $0x2000  }
0x239: {  	[sflag:s22] =	ssyncset.done $0x0  }
0x23a: {  	[sflag:s22] =	ssyncadd.s32 $0xFFFFE000  }
0x23b: {  	[bflag:$0x0] =	sbarrier.arrive $0xFFFF  }
0x23c: {  	s1 =	rddreg [dreg:$0x6]  }
0x23d: {  	s29 =	rddreg [dreg:$0x8]  }
0x23e: {  	s0 =	rddreg [dreg:$0x9]  }
0x23f: {  	[hbm:s0], [sflag:s1] =	dma.local [spmem:s29], $0x30E0  }
0x240: {  	_ =	swait.ge [sflag:s12], $0x30E0  }
0x241: {  	[sflag:s12] =	ssyncset.done $0x0  }
0x242: {  	[sflag:s12] =	ssyncadd.s32 $0xFFFFCF20  }
0x243: {  	[bflag:$0x0] =	sbarrier.arrive $0xFFFF  }
0x244: {  	s0 =	rddreg [dreg:$0x5]  }
0x245: {  	[spmem:s29], [sflag:s1] =	dma.local [hbm:s0], $0x30E0  }
0x246: {  	_ =	swait.ge [sflag:s12], $0x30E0  }
0x247: {  	[sflag:s12] =	ssyncset.done $0x0  }
0x248: {  	[sflag:s12] =	ssyncadd.s32 $0xFFFFCF20  }
0x249: {  	s1 =	sadd.s32 $0x0, s5;
	[bflag:$0x0] =	sbarrier.arrive $0xFFFF  }
0x24a: {  	[tilespmem:s3], [sflag:$0x5] =	stream.linear.gather [hbm4b:s1+s3], $0x1400, $0x38;
	[tilespmem:$0x1EF00] =	vst v63  }
0x24b: {  	_ =	swait.ge [sflag:s12], $0x1400  }
0x24c: {  	[sflag:s12] =	ssyncset.done $0x0  }
0x24d: {  	s5 =	sadd.s32 $0x0, s4;
	[sflag:s12] =	ssyncadd.s32 $0xFFFFEC00  }
0x24e: {  	[tilespmem:s8], [sflag:$0x5] =	stream.linear.gather [hbm4b:s5+s3], $0x1400, $0x38;
	[tilespmem:$0x1EF00] =	vst v63  }
0x24f: {  	_ =	swait.ge [sflag:s12], $0x1400  }
0x250: {  	[sflag:s12] =	ssyncset.done $0x0  }
0x251: {  	[sflag:s12] =	ssyncadd.s32 $0xFFFFEC00  }
0x252: {  	[tilespmem:s15], [sflag:$0x1] =	stream.indirect.gather [hbm4b:s7+s14], $0x20, s3, s14, $0xb8;
	[tilespmem:$0x1EF00] =	vst v63  }
0x253: {  	_ = 	snop  }
0x254: {  	[tilespmem:s16], [sflag:$0x2] =	stream.indirect.gather [hbm4b:s7+s14], $0x20, s14, s14, $0xb8;
	[tilespmem:$0x1EF00] =	vst v63  }
0x255: {  	_ =	swait.ge [sflag:s17], $0x2000  }
0x256: {  	[sflag:s17] =	ssyncset.done $0x0  }
0x257: {  	[sflag:s17] =	ssyncadd.s32 $0xFFFFE000  }
0x258: {  	[spmem:s2] =	stream.indirect.scatter.add.f32 [tilespmem:s15], [sflag:$0x3], $0x20, s8, s14, $0xb8;
	[tilespmem:$0x1EF00] =	vst v63  }
0x259: {  	_ =	swait.ge [sflag:s18], $0x2000  }
0x25a: {  	[sflag:s18] =	ssyncset.done $0x0  }
0x25b: {  	[sflag:s18] =	ssyncadd.s32 $0xFFFFE000  }
0x25c: {  	_ =	swait.ge [sflag:s19], $0x2000  }
0x25d: {  	[sflag:s19] =	ssyncset.done $0x0  }
0x25e: {  	[sflag:s19] =	ssyncadd.s32 $0xFFFFE000  }
0x25f: {  	[tilespmem:s15], [sflag:$0x1] =	stream.indirect.gather [hbm4b:s7+s14], $0x20, s30, s14, $0xb8;
	[tilespmem:$0x1EF00] =	vst v63  }
0x260: {  	_ = 	snop  }
0x261: {  	[spmem:s2] =	stream.indirect.scatter.add.f32 [tilespmem:s16], [sflag:$0x4], $0x20, s31, s14, $0xb8;
	[tilespmem:$0x1EF00] =	vst v63  }
0x262: {  	_ =	swait.ge [sflag:s22], $0x2000  }
0x263: {  	[sflag:s22] =	ssyncset.done $0x0  }
0x264: {  	[sflag:s22] =	ssyncadd.s32 $0xFFFFE000  }
0x265: {  	[tilespmem:s16], [sflag:$0x2] =	stream.indirect.gather [hbm4b:s7+s14], $0x20, s9, s14, $0xb8;
	[tilespmem:$0x1EF00] =	vst v63  }
0x266: {  	_ =	swait.ge [sflag:s17], $0x2000  }
0x267: {  	[sflag:s17] =	ssyncset.done $0x0  }
0x268: {  	[sflag:s17] =	ssyncadd.s32 $0xFFFFE000  }
0x269: {  	[spmem:s2] =	stream.indirect.scatter.add.f32 [tilespmem:s15], [sflag:$0x3], $0x20, s10, s14, $0xb8;
	[tilespmem:$0x1EF00] =	vst v63  }
0x26a: {  	_ =	swait.ge [sflag:s18], $0x2000  }
0x26b: {  	[sflag:s18] =	ssyncset.done $0x0  }
0x26c: {  	[sflag:s18] =	ssyncadd.s32 $0xFFFFE000  }
0x26d: {  	_ =	swait.ge [sflag:s19], $0x2000  }
0x26e: {  	[sflag:s19] =	ssyncset.done $0x0  }
0x26f: {  	[sflag:s19] =	ssyncadd.s32 $0xFFFFE000  }
0x270: {  	[tilespmem:s15], [sflag:$0x1] =	stream.indirect.gather [hbm4b:s7+s14], $0x20, s11, s14, $0xb8;
	[tilespmem:$0x1EF00] =	vst v63  }
0x271: {  	_ = 	snop  }
0x272: {  	[spmem:s2] =	stream.indirect.scatter.add.f32 [tilespmem:s16], [sflag:$0x4], $0x20, s13, s14, $0xb8;
	[tilespmem:$0x1EF00] =	vst v63  }
0x273: {  	_ =	swait.ge [sflag:s22], $0x2000  }
0x274: {  	[sflag:s22] =	ssyncset.done $0x0  }
0x275: {  	[sflag:s22] =	ssyncadd.s32 $0xFFFFE000  }
0x276: {  	[tilespmem:s16], [sflag:$0x2] =	stream.indirect.gather [hbm4b:s7+s14], $0x20, s20, s14, $0xb8;
	[tilespmem:$0x1EF00] =	vst v63  }
0x277: {  	_ =	swait.ge [sflag:s17], $0x2000  }
0x278: {  	[sflag:s17] =	ssyncset.done $0x0  }
0x279: {  	[sflag:s17] =	ssyncadd.s32 $0xFFFFE000  }
0x27a: {  	[spmem:s2] =	stream.indirect.scatter.add.f32 [tilespmem:s15], [sflag:$0x3], $0x20, s21, s14, $0xb8;
	[tilespmem:$0x1EF00] =	vst v63  }
0x27b: {  	_ =	swait.ge [sflag:s18], $0x2000  }
0x27c: {  	[sflag:s18] =	ssyncset.done $0x0  }
0x27d: {  	[sflag:s18] =	ssyncadd.s32 $0xFFFFE000  }
0x27e: {  	_ =	swait.ge [sflag:s19], $0x2000  }
0x27f: {  	[sflag:s19] =	ssyncset.done $0x0  }
0x280: {  	[sflag:s19] =	ssyncadd.s32 $0xFFFFE000  }
0x281: {  	[tilespmem:s15], [sflag:$0x1] =	stream.indirect.gather [hbm4b:s7+s14], $0x20, s23, s14, $0xb8;
	[tilespmem:$0x1EF00] =	vst v63  }
0x282: {  	_ = 	snop  }
0x283: {  	[spmem:s2] =	stream.indirect.scatter.add.f32 [tilespmem:s16], [sflag:$0x4], $0x20, s24, s14, $0xb8;
	[tilespmem:$0x1EF00] =	vst v63  }
0x284: {  	_ =	swait.ge [sflag:s22], $0x2000  }
0x285: {  	[sflag:s22] =	ssyncset.done $0x0  }
0x286: {  	[sflag:s22] =	ssyncadd.s32 $0xFFFFE000  }
0x287: {  	[tilespmem:s16], [sflag:$0x2] =	stream.indirect.gather [hbm4b:s7+s14], $0x20, s25, s14, $0xb8;
	[tilespmem:$0x1EF00] =	vst v63  }
0x288: {  	_ =	swait.ge [sflag:s17], $0x2000  }
0x289: {  	[sflag:s17] =	ssyncset.done $0x0  }
0x28a: {  	[sflag:s17] =	ssyncadd.s32 $0xFFFFE000  }
0x28b: {  	[spmem:s2] =	stream.indirect.scatter.add.f32 [tilespmem:s15], [sflag:$0x3], $0x20, s26, s14, $0xb8;
	[tilespmem:$0x1EF00] =	vst v63  }
0x28c: {  	_ =	swait.ge [sflag:s18], $0x2000  }
0x28d: {  	[sflag:s18] =	ssyncset.done $0x0  }
0x28e: {  	[sflag:s18] =	ssyncadd.s32 $0xFFFFE000  }
0x28f: {  	_ =	swait.ge [sflag:s19], $0x2000  }
0x290: {  	[sflag:s19] =	ssyncset.done $0x0  }
0x291: {  	[sflag:s19] =	ssyncadd.s32 $0xFFFFE000  }
0x292: {  	[tilespmem:s15], [sflag:$0x1] =	stream.indirect.gather [hbm4b:s7+s14], $0x20, s28, s14, $0xb8;
	[tilespmem:$0x1EF00] =	vst v63  }
0x293: {  	s26 =	simm.s32 $0x1B00  }
0x294: {  	[spmem:s2] =	stream.indirect.scatter.add.f32 [tilespmem:s16], [sflag:$0x4], $0x20, s26, s14, $0xb8;
	[tilespmem:$0x1EF00] =	vst v63  }
0x295: {  	_ =	swait.ge [sflag:s22], $0x2000  }
0x296: {  	[sflag:s22] =	ssyncset.done $0x0  }
0x297: {  	s30 =	simm.s32 $0x900;
	[sflag:s22] =	ssyncadd.s32 $0xFFFFE000  }
0x298: {  	[tilespmem:s16], [sflag:$0x2] =	stream.indirect.gather [hbm4b:s7+s14], $0x20, s30, s14, $0xb8;
	[tilespmem:$0x1EF00] =	vst v63  }
0x299: {  	_ =	swait.ge [sflag:s17], $0x2000  }
0x29a: {  	[sflag:s17] =	ssyncset.done $0x0  }
0x29b: {  	s1 =	simm.s32 $0x1C00;
	[sflag:s17] =	ssyncadd.s32 $0xFFFFE000  }
0x29c: {  	[spmem:s2] =	stream.indirect.scatter.add.f32 [tilespmem:s15], [sflag:$0x3], $0x20, s1, s14, $0xb8;
	[tilespmem:$0x1EF00] =	vst v63  }
0x29d: {  	_ =	swait.ge [sflag:s18], $0x2000  }
0x29e: {  	[sflag:s18] =	ssyncset.done $0x0  }
0x29f: {  	[sflag:s18] =	ssyncadd.s32 $0xFFFFE000  }
0x2a0: {  	_ =	swait.ge [sflag:s19], $0x2000  }
0x2a1: {  	[sflag:s19] =	ssyncset.done $0x0  }
0x2a2: {  	s4 =	simm.s32 $0xA00;
	[sflag:s19] =	ssyncadd.s32 $0xFFFFE000  }
0x2a3: {  	[tilespmem:s15], [sflag:$0x1] =	stream.indirect.gather [hbm4b:s7+s14], $0x20, s4, s14, $0xb8;
	[tilespmem:$0x1EF00] =	vst v63  }
0x2a4: {  	s5 =	simm.s32 $0x1D00  }
0x2a5: {  	[spmem:s2] =	stream.indirect.scatter.add.f32 [tilespmem:s16], [sflag:$0x4], $0x20, s5, s14, $0xb8;
	[tilespmem:$0x1EF00] =	vst v63  }
0x2a6: {  	_ =	swait.ge [sflag:s22], $0x2000  }
0x2a7: {  	[sflag:s22] =	ssyncset.done $0x0  }
0x2a8: {  	s8 =	simm.s32 $0xB00;
	[sflag:s22] =	ssyncadd.s32 $0xFFFFE000  }
0x2a9: {  	[tilespmem:s16], [sflag:$0x2] =	stream.indirect.gather [hbm4b:s7+s14], $0x20, s8, s14, $0xb8;
	[tilespmem:$0x1EF00] =	vst v63  }
0x2aa: {  	_ =	swait.ge [sflag:s17], $0x2000  }
0x2ab: {  	[sflag:s17] =	ssyncset.done $0x0  }
0x2ac: {  	s9 =	simm.s32 $0x1E00;
	[sflag:s17] =	ssyncadd.s32 $0xFFFFE000  }
0x2ad: {  	[spmem:s2] =	stream.indirect.scatter.add.f32 [tilespmem:s15], [sflag:$0x3], $0x20, s9, s14, $0xb8;
	[tilespmem:$0x1EF00] =	vst v63  }
0x2ae: {  	_ =	swait.ge [sflag:s18], $0x2000  }
0x2af: {  	[sflag:s18] =	ssyncset.done $0x0  }
0x2b0: {  	[sflag:s18] =	ssyncadd.s32 $0xFFFFE000  }
0x2b1: {  	_ =	swait.ge [sflag:s19], $0x2000  }
0x2b2: {  	[sflag:s19] =	ssyncset.done $0x0  }
0x2b3: {  	s10 =	simm.s32 $0xC00;
	[sflag:s19] =	ssyncadd.s32 $0xFFFFE000  }
0x2b4: {  	[tilespmem:s15], [sflag:$0x1] =	stream.indirect.gather [hbm4b:s7+s14], $0x20, s10, s14, $0xb8;
	[tilespmem:$0x1EF00] =	vst v63  }
0x2b5: {  	s11 =	simm.s32 $0x1F00  }
0x2b6: {  	[spmem:s2] =	stream.indirect.scatter.add.f32 [tilespmem:s16], [sflag:$0x4], $0x20, s11, s14, $0xb8;
	[tilespmem:$0x1EF00] =	vst v63  }
0x2b7: {  	_ =	swait.ge [sflag:s22], $0x2000  }
0x2b8: {  	[sflag:s22] =	ssyncset.done $0x0  }
0x2b9: {  	s13 =	simm.s32 $0xD00;
	[sflag:s22] =	ssyncadd.s32 $0xFFFFE000  }
0x2ba: {  	[tilespmem:s16], [sflag:$0x2] =	stream.indirect.gather [hbm4b:s7+s14], $0x20, s13, s14, $0xb8;
	[tilespmem:$0x1EF00] =	vst v63  }
0x2bb: {  	_ =	swait.ge [sflag:s17], $0x2000  }
0x2bc: {  	[sflag:s17] =	ssyncset.done $0x0  }
0x2bd: {  	s20 =	simm.s32 $0x2000;
	[sflag:s17] =	ssyncadd.s32 $0xFFFFE000  }
0x2be: {  	[spmem:s2] =	stream.indirect.scatter.add.f32 [tilespmem:s15], [sflag:$0x3], $0x20, s20, s14, $0xb8;
	[tilespmem:$0x1EF00] =	vst v63  }
0x2bf: {  	_ =	swait.ge [sflag:s18], $0x2000  }
0x2c0: {  	[sflag:s18] =	ssyncset.done $0x0  }
0x2c1: {  	[sflag:s18] =	ssyncadd.s32 $0xFFFFE000  }
0x2c2: {  	_ =	swait.ge [sflag:s19], $0x2000  }
0x2c3: {  	[sflag:s19] =	ssyncset.done $0x0  }
0x2c4: {  	s21 =	simm.s32 $0xE00;
	[sflag:s19] =	ssyncadd.s32 $0xFFFFE000  }
0x2c5: {  	[tilespmem:s15], [sflag:$0x1] =	stream.indirect.gather [hbm4b:s7+s14], $0x20, s21, s14, $0xb8;
	[tilespmem:$0x1EF00] =	vst v63  }
0x2c6: {  	s23 =	simm.s32 $0x2100  }
0x2c7: {  	[spmem:s2] =	stream.indirect.scatter.add.f32 [tilespmem:s16], [sflag:$0x4], $0x20, s23, s14, $0xb8;
	[tilespmem:$0x1EF00] =	vst v63  }
0x2c8: {  	_ =	swait.ge [sflag:s22], $0x2000  }
0x2c9: {  	[sflag:s22] =	ssyncset.done $0x0  }
0x2ca: {  	s24 =	simm.s32 $0xF00;
	[sflag:s22] =	ssyncadd.s32 $0xFFFFE000  }
0x2cb: {  	[tilespmem:s16], [sflag:$0x2] =	stream.indirect.gather [hbm4b:s7+s14], $0x20, s24, s14, $0xb8;
	[tilespmem:$0x1EF00] =	vst v63  }
0x2cc: {  	_ =	swait.ge [sflag:s17], $0x2000  }
0x2cd: {  	[sflag:s17] =	ssyncset.done $0x0  }
0x2ce: {  	s25 =	simm.s32 $0x2200;
	[sflag:s17] =	ssyncadd.s32 $0xFFFFE000  }
0x2cf: {  	[spmem:s2] =	stream.indirect.scatter.add.f32 [tilespmem:s15], [sflag:$0x3], $0x20, s25, s14, $0xb8;
	[tilespmem:$0x1EF00] =	vst v63  }
0x2d0: {  	_ =	swait.ge [sflag:s18], $0x2000  }
0x2d1: {  	[sflag:s18] =	ssyncset.done $0x0  }
0x2d2: {  	[sflag:s18] =	ssyncadd.s32 $0xFFFFE000  }
0x2d3: {  	_ =	swait.ge [sflag:s19], $0x2000  }
0x2d4: {  	[sflag:s19] =	ssyncset.done $0x0  }
0x2d5: {  	s30 =	simm.s32 $0x1000;
	[sflag:s19] =	ssyncadd.s32 $0xFFFFE000  }
0x2d6: {  	[tilespmem:s15], [sflag:$0x1] =	stream.indirect.gather [hbm4b:s7+s14], $0x20, s30, s14, $0xb8;
	[tilespmem:$0x1EF00] =	vst v63  }
0x2d7: {  	s1 =	simm.s32 $0x2300  }
0x2d8: {  	[spmem:s2] =	stream.indirect.scatter.add.f32 [tilespmem:s16], [sflag:$0x4], $0x20, s1, s14, $0xb8;
	[tilespmem:$0x1EF00] =	vst v63  }
0x2d9: {  	_ =	swait.ge [sflag:s22], $0x2000  }
0x2da: {  	[sflag:s22] =	ssyncset.done $0x0  }
0x2db: {  	s4 =	simm.s32 $0x1100;
	[sflag:s22] =	ssyncadd.s32 $0xFFFFE000  }
0x2dc: {  	[tilespmem:s16], [sflag:$0x2] =	stream.indirect.gather [hbm4b:s7+s14], $0x20, s4, s14, $0xb8;
	[tilespmem:$0x1EF00] =	vst v63  }
0x2dd: {  	_ =	swait.ge [sflag:s17], $0x2000  }
0x2de: {  	[sflag:s17] =	ssyncset.done $0x0  }
0x2df: {  	s5 =	simm.s32 $0x2400;
	[sflag:s17] =	ssyncadd.s32 $0xFFFFE000  }
0x2e0: {  	[spmem:s2] =	stream.indirect.scatter.add.f32 [tilespmem:s15], [sflag:$0x3], $0x20, s5, s14, $0xb8;
	[tilespmem:$0x1EF00] =	vst v63  }
0x2e1: {  	_ =	swait.ge [sflag:s18], $0x2000  }
0x2e2: {  	[sflag:s18] =	ssyncset.done $0x0  }
0x2e3: {  	[sflag:s18] =	ssyncadd.s32 $0xFFFFE000  }
0x2e4: {  	_ =	swait.ge [sflag:s19], $0x2000  }
0x2e5: {  	[sflag:s19] =	ssyncset.done $0x0  }
0x2e6: {  	s11 =	simm.s32 $0x1200;
	[sflag:s19] =	ssyncadd.s32 $0xFFFFE000  }
0x2e7: {  	[tilespmem:s15], [sflag:$0x1] =	stream.indirect.gather [hbm4b:s7+s14], $0x20, s11, s14, $0xb8;
	[tilespmem:$0x1EF00] =	vst v63  }
0x2e8: {  	s20 =	simm.s32 $0x2500  }
0x2e9: {  	[spmem:s2] =	stream.indirect.scatter.add.f32 [tilespmem:s16], [sflag:$0x4], $0x20, s20, s14, $0xb8;
	[tilespmem:$0x1EF00] =	vst v63  }
0x2ea: {  	_ =	swait.ge [sflag:s22], $0x2000  }
0x2eb: {  	[sflag:s22] =	ssyncset.done $0x0  }
0x2ec: {  	s21 =	simm.s32 $0x1300;
	[sflag:s22] =	ssyncadd.s32 $0xFFFFE000  }
0x2ed: {  	[tilespmem:s16], [sflag:$0x2] =	stream.indirect.gather [hbm4b:s7+s14], $0x20, s21, s14, $0xb8;
	[tilespmem:$0x1EF00] =	vst v63  }
0x2ee: {  	_ =	swait.ge [sflag:s17], $0x2000  }
0x2ef: {  	[sflag:s17] =	ssyncset.done $0x0  }
0x2f0: {  	s29 =	simm.s32 $0x280;
	s25 =	simm.s32 $0x2600;
	[sflag:s17] =	ssyncadd.s32 $0xFFFFE000  }
0x2f1: {  	[spmem:s2] =	stream.indirect.scatter.add.f32 [tilespmem:s15], [sflag:$0x3], $0x20, s25, s14, $0xb8;
	[tilespmem:$0x1EF00] =	vst v63  }
0x2f2: {  	s31 =	simm.s32 $0x500;
	s28 =	simm.s32 $0xE00;
	_ =	swait.ge [sflag:s18], $0x2000  }
0x2f3: {  	s26 =	simm.s32 $0x2000;
	s8 =	simm.s32 $0x1000;
	[sflag:s18] =	ssyncset.done $0x0  }
0x2f4: {  	s9 =	simm.s32 $0x2100;
	s10 =	simm.s32 $0xF00;
	[sflag:s18] =	ssyncadd.s32 $0xFFFFE000  }
0x2f5: {  	s13 =	simm.s32 $0x2200;
	s23 =	simm.s32 $0x2300;
	_ =	swait.ge [sflag:s19], $0x2000  }
0x2f6: {  	s24 =	simm.s32 $0x1100;
	s30 =	simm.s32 $0x2700;
	[sflag:s19] =	ssyncset.done $0x0  }
0x2f7: {  	s4 =	simm.s32 $0x2400;
	s5 =	simm.s32 $0x1200;
	[sflag:s19] =	ssyncadd.s32 $0xFFFFE000  }
0x2f8: {  	[spmem:s2] =	stream.indirect.scatter.add.f32 [tilespmem:s16], [sflag:$0x4], $0x20, s30, s14, $0xb8;
	[tilespmem:$0x1EF00] =	vst v63  }
0x2f9: {  	s11 =	simm.s32 $0x2500;
	s20 =	simm.s32 $0x1300;
	_ =	swait.ge [sflag:s22], $0x2000  }
0x2fa: {  	s21 =	simm.s32 $0x2600;
	s25 =	simm.s32 $0x2700;
	[sflag:s22] =	ssyncset.done $0x0  }
.LBB2_4:
0x2fb: {  	s0 =	rddreg [dreg:$0x4]  }
0x2fc: {  	[sflag:s22] =	ssyncadd.s32 $0xFFFFE000;
	s0 =	sadd.s32 s29, s0  }
0x2fd: {  	[tilespmem:s3], [sflag:$0x5] =	stream.linear.gather [hbm4b:s0+s3], $0x1400, $0x38;
	[tilespmem:$0x1EF00] =	vst v63  }
0x2fe: {  	_ =	swait.ge [sflag:s12], $0x1400  }
0x2ff: {  	[sflag:s12] =	ssyncset.done $0x0  }
0x300: {  	s1 =	smov.u32 s31;
	s0 =	rddreg [dreg:$0x3];
	[sflag:s12] =	ssyncadd.s32 $0xFFFFEC00  }
0x301: {  	s0 =	sadd.s32 s29, s0;
	s29 =	smov.u32 s1;
	s1 =	simm.s32 $0x1400  }
0x302: {  	[tilespmem:s1], [sflag:$0x5] =	stream.linear.gather [hbm4b:s0+s3], $0x1400, $0x38;
	[tilespmem:$0x1EF00] =	vst v63  }
0x303: {  	_ =	swait.ge [sflag:s12], $0x1400  }
0x304: {  	[sflag:s12] =	ssyncset.done $0x0  }
0x305: {  	[sflag:s12] =	ssyncadd.s32 $0xFFFFEC00  }
0x306: {  	[tilespmem:s15], [sflag:$0x1] =	stream.indirect.gather [hbm4b:s7+s14], $0x20, s3, s14, $0xb8;
	[tilespmem:$0x1EF00] =	vst v63  }
0x307: {  	_ = 	snop  }
0x308: {  	[tilespmem:s16], [sflag:$0x2] =	stream.indirect.gather [hbm4b:s7+s14], $0x20, s14, s14, $0xb8;
	[tilespmem:$0x1EF00] =	vst v63  }
0x309: {  	_ =	swait.ge [sflag:s17], $0x2000  }
0x30a: {  	[sflag:s17] =	ssyncset.done $0x0  }
0x30b: {  	[sflag:s17] =	ssyncadd.s32 $0xFFFFE000  }
0x30c: {  	[spmem:s2] =	stream.indirect.scatter.add.f32 [tilespmem:s15], [sflag:$0x3], $0x20, s1, s14, $0xb8;
	[tilespmem:$0x1EF00] =	vst v63  }
0x30d: {  	_ =	swait.ge [sflag:s18], $0x2000  }
0x30e: {  	[sflag:s18] =	ssyncset.done $0x0  }
0x30f: {  	[sflag:s18] =	ssyncadd.s32 $0xFFFFE000  }
0x310: {  	_ =	swait.ge [sflag:s19], $0x2000  }
0x311: {  	[sflag:s19] =	ssyncset.done $0x0  }
0x312: {  	s1 =	simm.s32 $0x200;
	[sflag:s19] =	ssyncadd.s32 $0xFFFFE000  }
0x313: {  	[tilespmem:s15], [sflag:$0x1] =	stream.indirect.gather [hbm4b:s7+s14], $0x20, s1, s14, $0xb8;
	[tilespmem:$0x1EF00] =	vst v63  }
0x314: {  	s1 =	simm.s32 $0x1500  }
0x315: {  	[spmem:s2] =	stream.indirect.scatter.add.f32 [tilespmem:s16], [sflag:$0x4], $0x20, s1, s14, $0xb8;
	[tilespmem:$0x1EF00] =	vst v63  }
0x316: {  	_ =	swait.ge [sflag:s22], $0x2000  }
0x317: {  	[sflag:s22] =	ssyncset.done $0x0  }
0x318: {  	s1 =	simm.s32 $0x300;
	[sflag:s22] =	ssyncadd.s32 $0xFFFFE000  }
0x319: {  	[tilespmem:s16], [sflag:$0x2] =	stream.indirect.gather [hbm4b:s7+s14], $0x20, s1, s14, $0xb8;
	[tilespmem:$0x1EF00] =	vst v63  }
0x31a: {  	_ =	swait.ge [sflag:s17], $0x2000  }
0x31b: {  	[sflag:s17] =	ssyncset.done $0x0  }
0x31c: {  	s1 =	simm.s32 $0x1600;
	[sflag:s17] =	ssyncadd.s32 $0xFFFFE000  }
0x31d: {  	[spmem:s2] =	stream.indirect.scatter.add.f32 [tilespmem:s15], [sflag:$0x3], $0x20, s1, s14, $0xb8;
	[tilespmem:$0x1EF00] =	vst v63  }
0x31e: {  	_ =	swait.ge [sflag:s18], $0x2000  }
0x31f: {  	[sflag:s18] =	ssyncset.done $0x0  }
0x320: {  	[sflag:s18] =	ssyncadd.s32 $0xFFFFE000  }
0x321: {  	_ =	swait.ge [sflag:s19], $0x2000  }
0x322: {  	[sflag:s19] =	ssyncset.done $0x0  }
0x323: {  	s1 =	simm.s32 $0x400;
	[sflag:s19] =	ssyncadd.s32 $0xFFFFE000  }
0x324: {  	[tilespmem:s15], [sflag:$0x1] =	stream.indirect.gather [hbm4b:s7+s14], $0x20, s1, s14, $0xb8;
	[tilespmem:$0x1EF00] =	vst v63  }
0x325: {  	s1 =	simm.s32 $0x1700  }
0x326: {  	[spmem:s2] =	stream.indirect.scatter.add.f32 [tilespmem:s16], [sflag:$0x4], $0x20, s1, s14, $0xb8;
	[tilespmem:$0x1EF00] =	vst v63  }
0x327: {  	_ =	swait.ge [sflag:s22], $0x2000  }
0x328: {  	[sflag:s22] =	ssyncset.done $0x0  }
0x329: {  	s1 =	simm.s32 $0x500;
	[sflag:s22] =	ssyncadd.s32 $0xFFFFE000  }
0x32a: {  	[tilespmem:s16], [sflag:$0x2] =	stream.indirect.gather [hbm4b:s7+s14], $0x20, s1, s14, $0xb8;
	[tilespmem:$0x1EF00] =	vst v63  }
0x32b: {  	_ =	swait.ge [sflag:s17], $0x2000  }
0x32c: {  	[sflag:s17] =	ssyncset.done $0x0  }
0x32d: {  	s1 =	simm.s32 $0x1800;
	[sflag:s17] =	ssyncadd.s32 $0xFFFFE000  }
0x32e: {  	[spmem:s2] =	stream.indirect.scatter.add.f32 [tilespmem:s15], [sflag:$0x3], $0x20, s1, s14, $0xb8;
	[tilespmem:$0x1EF00] =	vst v63  }
0x32f: {  	_ =	swait.ge [sflag:s18], $0x2000  }
0x330: {  	[sflag:s18] =	ssyncset.done $0x0  }
0x331: {  	[sflag:s18] =	ssyncadd.s32 $0xFFFFE000  }
0x332: {  	_ =	swait.ge [sflag:s19], $0x2000  }
0x333: {  	[sflag:s19] =	ssyncset.done $0x0  }
0x334: {  	s1 =	simm.s32 $0x600;
	[sflag:s19] =	ssyncadd.s32 $0xFFFFE000  }
0x335: {  	[tilespmem:s15], [sflag:$0x1] =	stream.indirect.gather [hbm4b:s7+s14], $0x20, s1, s14, $0xb8;
	[tilespmem:$0x1EF00] =	vst v63  }
0x336: {  	s1 =	simm.s32 $0x1900  }
0x337: {  	[spmem:s2] =	stream.indirect.scatter.add.f32 [tilespmem:s16], [sflag:$0x4], $0x20, s1, s14, $0xb8;
	[tilespmem:$0x1EF00] =	vst v63  }
0x338: {  	_ =	swait.ge [sflag:s22], $0x2000  }
0x339: {  	[sflag:s22] =	ssyncset.done $0x0  }
0x33a: {  	s1 =	simm.s32 $0x700;
	[sflag:s22] =	ssyncadd.s32 $0xFFFFE000  }
0x33b: {  	[tilespmem:s16], [sflag:$0x2] =	stream.indirect.gather [hbm4b:s7+s14], $0x20, s1, s14, $0xb8;
	[tilespmem:$0x1EF00] =	vst v63  }
0x33c: {  	_ =	swait.ge [sflag:s17], $0x2000  }
0x33d: {  	[sflag:s17] =	ssyncset.done $0x0  }
0x33e: {  	s1 =	simm.s32 $0x1A00;
	[sflag:s17] =	ssyncadd.s32 $0xFFFFE000  }
0x33f: {  	[spmem:s2] =	stream.indirect.scatter.add.f32 [tilespmem:s15], [sflag:$0x3], $0x20, s1, s14, $0xb8;
	[tilespmem:$0x1EF00] =	vst v63  }
0x340: {  	_ =	swait.ge [sflag:s18], $0x2000  }
0x341: {  	[sflag:s18] =	ssyncset.done $0x0  }
0x342: {  	[sflag:s18] =	ssyncadd.s32 $0xFFFFE000  }
0x343: {  	_ =	swait.ge [sflag:s19], $0x2000  }
0x344: {  	[sflag:s19] =	ssyncset.done $0x0  }
0x345: {  	s1 =	simm.s32 $0x800;
	[sflag:s19] =	ssyncadd.s32 $0xFFFFE000  }
0x346: {  	[tilespmem:s15], [sflag:$0x1] =	stream.indirect.gather [hbm4b:s7+s14], $0x20, s1, s14, $0xb8;
	[tilespmem:$0x1EF00] =	vst v63  }
0x347: {  	s1 =	simm.s32 $0x1B00  }
0x348: {  	[spmem:s2] =	stream.indirect.scatter.add.f32 [tilespmem:s16], [sflag:$0x4], $0x20, s1, s14, $0xb8;
	[tilespmem:$0x1EF00] =	vst v63  }
0x349: {  	_ =	swait.ge [sflag:s22], $0x2000  }
0x34a: {  	[sflag:s22] =	ssyncset.done $0x0  }
0x34b: {  	s1 =	simm.s32 $0x900;
	[sflag:s22] =	ssyncadd.s32 $0xFFFFE000  }
0x34c: {  	[tilespmem:s16], [sflag:$0x2] =	stream.indirect.gather [hbm4b:s7+s14], $0x20, s1, s14, $0xb8;
	[tilespmem:$0x1EF00] =	vst v63  }
0x34d: {  	_ =	swait.ge [sflag:s17], $0x2000  }
0x34e: {  	[sflag:s17] =	ssyncset.done $0x0  }
0x34f: {  	s1 =	simm.s32 $0x1C00;
	[sflag:s17] =	ssyncadd.s32 $0xFFFFE000  }
0x350: {  	[spmem:s2] =	stream.indirect.scatter.add.f32 [tilespmem:s15], [sflag:$0x3], $0x20, s1, s14, $0xb8;
	[tilespmem:$0x1EF00] =	vst v63  }
0x351: {  	_ =	swait.ge [sflag:s18], $0x2000  }
0x352: {  	[sflag:s18] =	ssyncset.done $0x0  }
0x353: {  	[sflag:s18] =	ssyncadd.s32 $0xFFFFE000  }
0x354: {  	_ =	swait.ge [sflag:s19], $0x2000  }
0x355: {  	[sflag:s19] =	ssyncset.done $0x0  }
0x356: {  	s1 =	simm.s32 $0xA00;
	[sflag:s19] =	ssyncadd.s32 $0xFFFFE000  }
0x357: {  	[tilespmem:s15], [sflag:$0x1] =	stream.indirect.gather [hbm4b:s7+s14], $0x20, s1, s14, $0xb8;
	[tilespmem:$0x1EF00] =	vst v63  }
0x358: {  	s1 =	simm.s32 $0x1D00  }
0x359: {  	[spmem:s2] =	stream.indirect.scatter.add.f32 [tilespmem:s16], [sflag:$0x4], $0x20, s1, s14, $0xb8;
	[tilespmem:$0x1EF00] =	vst v63  }
0x35a: {  	_ =	swait.ge [sflag:s22], $0x2000  }
0x35b: {  	[sflag:s22] =	ssyncset.done $0x0  }
0x35c: {  	s1 =	simm.s32 $0xB00;
	[sflag:s22] =	ssyncadd.s32 $0xFFFFE000  }
0x35d: {  	[tilespmem:s16], [sflag:$0x2] =	stream.indirect.gather [hbm4b:s7+s14], $0x20, s1, s14, $0xb8;
	[tilespmem:$0x1EF00] =	vst v63  }
0x35e: {  	_ =	swait.ge [sflag:s17], $0x2000  }
0x35f: {  	[sflag:s17] =	ssyncset.done $0x0  }
0x360: {  	s1 =	simm.s32 $0x1E00;
	[sflag:s17] =	ssyncadd.s32 $0xFFFFE000  }
0x361: {  	[spmem:s2] =	stream.indirect.scatter.add.f32 [tilespmem:s15], [sflag:$0x3], $0x20, s1, s14, $0xb8;
	[tilespmem:$0x1EF00] =	vst v63  }
0x362: {  	_ =	swait.ge [sflag:s18], $0x2000  }
0x363: {  	[sflag:s18] =	ssyncset.done $0x0  }
0x364: {  	[sflag:s18] =	ssyncadd.s32 $0xFFFFE000  }
0x365: {  	_ =	swait.ge [sflag:s19], $0x2000  }
0x366: {  	[sflag:s19] =	ssyncset.done $0x0  }
0x367: {  	s1 =	simm.s32 $0xC00;
	[sflag:s19] =	ssyncadd.s32 $0xFFFFE000  }
0x368: {  	[tilespmem:s15], [sflag:$0x1] =	stream.indirect.gather [hbm4b:s7+s14], $0x20, s1, s14, $0xb8;
	[tilespmem:$0x1EF00] =	vst v63  }
0x369: {  	s1 =	simm.s32 $0x1F00  }
0x36a: {  	[spmem:s2] =	stream.indirect.scatter.add.f32 [tilespmem:s16], [sflag:$0x4], $0x20, s1, s14, $0xb8;
	[tilespmem:$0x1EF00] =	vst v63  }
0x36b: {  	_ =	swait.ge [sflag:s22], $0x2000  }
0x36c: {  	[sflag:s22] =	ssyncset.done $0x0  }
0x36d: {  	s1 =	simm.s32 $0xD00;
	[sflag:s22] =	ssyncadd.s32 $0xFFFFE000  }
0x36e: {  	[tilespmem:s16], [sflag:$0x2] =	stream.indirect.gather [hbm4b:s7+s14], $0x20, s1, s14, $0xb8;
	[tilespmem:$0x1EF00] =	vst v63  }
0x36f: {  	_ =	swait.ge [sflag:s17], $0x2000  }
0x370: {  	[sflag:s17] =	ssyncset.done $0x0  }
0x371: {  	[sflag:s17] =	ssyncadd.s32 $0xFFFFE000  }
0x372: {  	[spmem:s2] =	stream.indirect.scatter.add.f32 [tilespmem:s15], [sflag:$0x3], $0x20, s26, s14, $0xb8;
	[tilespmem:$0x1EF00] =	vst v63  }
0x373: {  	_ =	swait.ge [sflag:s18], $0x2000  }
0x374: {  	[sflag:s18] =	ssyncset.done $0x0  }
0x375: {  	[sflag:s18] =	ssyncadd.s32 $0xFFFFE000  }
0x376: {  	_ =	swait.ge [sflag:s19], $0x2000  }
0x377: {  	[sflag:s19] =	ssyncset.done $0x0  }
0x378: {  	[sflag:s19] =	ssyncadd.s32 $0xFFFFE000  }
0x379: {  	[tilespmem:s15], [sflag:$0x1] =	stream.indirect.gather [hbm4b:s7+s14], $0x20, s28, s14, $0xb8;
	[tilespmem:$0x1EF00] =	vst v63  }
0x37a: {  	_ = 	snop  }
0x37b: {  	[spmem:s2] =	stream.indirect.scatter.add.f32 [tilespmem:s16], [sflag:$0x4], $0x20, s9, s14, $0xb8;
	[tilespmem:$0x1EF00] =	vst v63  }
0x37c: {  	_ =	swait.ge [sflag:s22], $0x2000  }
0x37d: {  	[sflag:s22] =	ssyncset.done $0x0  }
0x37e: {  	[sflag:s22] =	ssyncadd.s32 $0xFFFFE000  }
0x37f: {  	[tilespmem:s16], [sflag:$0x2] =	stream.indirect.gather [hbm4b:s7+s14], $0x20, s10, s14, $0xb8;
	[tilespmem:$0x1EF00] =	vst v63  }
0x380: {  	_ =	swait.ge [sflag:s17], $0x2000  }
0x381: {  	[sflag:s17] =	ssyncset.done $0x0  }
0x382: {  	[sflag:s17] =	ssyncadd.s32 $0xFFFFE000  }
0x383: {  	[spmem:s2] =	stream.indirect.scatter.add.f32 [tilespmem:s15], [sflag:$0x3], $0x20, s13, s14, $0xb8;
	[tilespmem:$0x1EF00] =	vst v63  }
0x384: {  	_ =	swait.ge [sflag:s18], $0x2000  }
0x385: {  	[sflag:s18] =	ssyncset.done $0x0  }
0x386: {  	[sflag:s18] =	ssyncadd.s32 $0xFFFFE000  }
0x387: {  	_ =	swait.ge [sflag:s19], $0x2000  }
0x388: {  	[sflag:s19] =	ssyncset.done $0x0  }
0x389: {  	[sflag:s19] =	ssyncadd.s32 $0xFFFFE000  }
0x38a: {  	[tilespmem:s15], [sflag:$0x1] =	stream.indirect.gather [hbm4b:s7+s14], $0x20, s8, s14, $0xb8;
	[tilespmem:$0x1EF00] =	vst v63  }
0x38b: {  	_ = 	snop  }
0x38c: {  	[spmem:s2] =	stream.indirect.scatter.add.f32 [tilespmem:s16], [sflag:$0x4], $0x20, s23, s14, $0xb8;
	[tilespmem:$0x1EF00] =	vst v63  }
0x38d: {  	_ =	swait.ge [sflag:s22], $0x2000  }
0x38e: {  	[sflag:s22] =	ssyncset.done $0x0  }
0x38f: {  	[sflag:s22] =	ssyncadd.s32 $0xFFFFE000  }
0x390: {  	[tilespmem:s16], [sflag:$0x2] =	stream.indirect.gather [hbm4b:s7+s14], $0x20, s24, s14, $0xb8;
	[tilespmem:$0x1EF00] =	vst v63  }
0x391: {  	_ =	swait.ge [sflag:s17], $0x2000  }
0x392: {  	[sflag:s17] =	ssyncset.done $0x0  }
0x393: {  	[sflag:s17] =	ssyncadd.s32 $0xFFFFE000  }
0x394: {  	[spmem:s2] =	stream.indirect.scatter.add.f32 [tilespmem:s15], [sflag:$0x3], $0x20, s4, s14, $0xb8;
	[tilespmem:$0x1EF00] =	vst v63  }
0x395: {  	_ =	swait.ge [sflag:s18], $0x2000  }
0x396: {  	[sflag:s18] =	ssyncset.done $0x0  }
0x397: {  	[sflag:s18] =	ssyncadd.s32 $0xFFFFE000  }
0x398: {  	_ =	swait.ge [sflag:s19], $0x2000  }
0x399: {  	[sflag:s19] =	ssyncset.done $0x0  }
0x39a: {  	[sflag:s19] =	ssyncadd.s32 $0xFFFFE000  }
0x39b: {  	[tilespmem:s15], [sflag:$0x1] =	stream.indirect.gather [hbm4b:s7+s14], $0x20, s5, s14, $0xb8;
	[tilespmem:$0x1EF00] =	vst v63  }
0x39c: {  	_ = 	snop  }
0x39d: {  	[spmem:s2] =	stream.indirect.scatter.add.f32 [tilespmem:s16], [sflag:$0x4], $0x20, s11, s14, $0xb8;
	[tilespmem:$0x1EF00] =	vst v63  }
0x39e: {  	_ =	swait.ge [sflag:s22], $0x2000  }
0x39f: {  	[sflag:s22] =	ssyncset.done $0x0  }
0x3a0: {  	[sflag:s22] =	ssyncadd.s32 $0xFFFFE000  }
0x3a1: {  	[tilespmem:s16], [sflag:$0x2] =	stream.indirect.gather [hbm4b:s7+s14], $0x20, s20, s14, $0xb8;
	[tilespmem:$0x1EF00] =	vst v63  }
0x3a2: {  	_ =	swait.ge [sflag:s17], $0x2000  }
0x3a3: {  	[sflag:s17] =	ssyncset.done $0x0  }
0x3a4: {  	[sflag:s17] =	ssyncadd.s32 $0xFFFFE000  }
0x3a5: {  	[spmem:s2] =	stream.indirect.scatter.add.f32 [tilespmem:s15], [sflag:$0x3], $0x20, s21, s14, $0xb8;
	[tilespmem:$0x1EF00] =	vst v63  }
0x3a6: {  	_ =	swait.ge [sflag:s18], $0x2000  }
0x3a7: {  	[sflag:s18] =	ssyncset.done $0x0  }
0x3a8: {  	[sflag:s18] =	ssyncadd.s32 $0xFFFFE000  }
0x3a9: {  	p0 =	sne.s32 s31, $0x1680;
	_ =	swait.ge [sflag:s19], $0x2000  }
.Ltmp1:
0x3aa: {  	[sflag:s19] =	ssyncset.done $0x0;
	(pc) =	sbr.rel @p0 .LBB2_4-.Ltmp1, $4  }
0x3ab: {  	[sflag:s19] =	ssyncadd.s32 $0xFFFFE000  }
0x3ac: {  	[spmem:s2] =	stream.indirect.scatter.add.f32 [tilespmem:s16], [sflag:$0x4], $0x20, s25, s14, $0xb8;
	[tilespmem:$0x1EF00] =	vst v63  }
0x3ad: {  	s30 =	sadd.s32 $0x280, s31;
	_ =	swait.ge [sflag:s22], $0x2000  }
0x3ae: {  	s31 =	smov.u32 s30;
	[sflag:s22] =	ssyncset.done $0x0  }
0x3af: {  	s0 =	rddreg [dreg:$0x4]  }
0x3b0: {  	[sflag:s22] =	ssyncadd.s32 $0xFFFFE000;
	s0 =	sadd.s32 s29, s0  }
0x3b1: {  	[tilespmem:s3], [sflag:$0x5] =	stream.linear.gather [hbm4b:s0+s3], $0x1400, $0x38;
	[tilespmem:$0x1EF00] =	vst v63  }
0x3b2: {  	_ =	swait.ge [sflag:s12], $0x1400  }
0x3b3: {  	[sflag:s12] =	ssyncset.done $0x0;
	s31 =	rddreg [dreg:$0x3]  }
0x3b4: {  	s1 =	simm.s32 $0x1400;
	[sflag:s12] =	ssyncadd.s32 $0xFFFFEC00;
	s0 =	sadd.s32 s29, s31  }
0x3b5: {  	[tilespmem:s1], [sflag:$0x5] =	stream.linear.gather [hbm4b:s0+s3], $0x1400, $0x38;
	[tilespmem:$0x1EF00] =	vst v63  }
0x3b6: {  	_ =	swait.ge [sflag:s12], $0x1400  }
0x3b7: {  	[sflag:s12] =	ssyncset.done $0x0  }
0x3b8: {  	[sflag:s12] =	ssyncadd.s32 $0xFFFFEC00  }
0x3b9: {  	[tilespmem:s15], [sflag:$0x1] =	stream.indirect.gather [hbm4b:s7+s14], $0x20, s3, s14, $0xb8;
	[tilespmem:$0x1EF00] =	vst v63  }
0x3ba: {  	_ = 	snop  }
0x3bb: {  	[tilespmem:s16], [sflag:$0x2] =	stream.indirect.gather [hbm4b:s7+s14], $0x20, s14, s14, $0xb8;
	[tilespmem:$0x1EF00] =	vst v63  }
0x3bc: {  	_ =	swait.ge [sflag:s17], $0x2000  }
0x3bd: {  	[sflag:s17] =	ssyncset.done $0x0  }
0x3be: {  	[sflag:s17] =	ssyncadd.s32 $0xFFFFE000  }
0x3bf: {  	[spmem:s2] =	stream.indirect.scatter.add.f32 [tilespmem:s15], [sflag:$0x3], $0x20, s1, s14, $0xb8;
	[tilespmem:$0x1EF00] =	vst v63  }
0x3c0: {  	_ =	swait.ge [sflag:s18], $0x2000  }
0x3c1: {  	[sflag:s18] =	ssyncset.done $0x0  }
0x3c2: {  	[sflag:s18] =	ssyncadd.s32 $0xFFFFE000  }
0x3c3: {  	_ =	swait.ge [sflag:s19], $0x2000  }
0x3c4: {  	[sflag:s19] =	ssyncset.done $0x0  }
0x3c5: {  	s1 =	simm.s32 $0x200;
	[sflag:s19] =	ssyncadd.s32 $0xFFFFE000  }
0x3c6: {  	[tilespmem:s15], [sflag:$0x1] =	stream.indirect.gather [hbm4b:s7+s14], $0x20, s1, s14, $0xb8;
	[tilespmem:$0x1EF00] =	vst v63  }
0x3c7: {  	s31 =	simm.s32 $0x1500  }
0x3c8: {  	[spmem:s2] =	stream.indirect.scatter.add.f32 [tilespmem:s16], [sflag:$0x4], $0x20, s31, s14, $0xb8;
	[tilespmem:$0x1EF00] =	vst v63  }
0x3c9: {  	_ =	swait.ge [sflag:s22], $0x2000  }
0x3ca: {  	[sflag:s22] =	ssyncset.done $0x0  }
0x3cb: {  	s1 =	simm.s32 $0x300;
	[sflag:s22] =	ssyncadd.s32 $0xFFFFE000  }
0x3cc: {  	[tilespmem:s16], [sflag:$0x2] =	stream.indirect.gather [hbm4b:s7+s14], $0x20, s1, s14, $0xb8;
	[tilespmem:$0x1EF00] =	vst v63  }
0x3cd: {  	_ =	swait.ge [sflag:s17], $0x2000  }
0x3ce: {  	[sflag:s17] =	ssyncset.done $0x0  }
0x3cf: {  	s31 =	simm.s32 $0x1600;
	[sflag:s17] =	ssyncadd.s32 $0xFFFFE000  }
0x3d0: {  	[spmem:s2] =	stream.indirect.scatter.add.f32 [tilespmem:s15], [sflag:$0x3], $0x20, s31, s14, $0xb8;
	[tilespmem:$0x1EF00] =	vst v63  }
0x3d1: {  	_ =	swait.ge [sflag:s18], $0x2000  }
0x3d2: {  	[sflag:s18] =	ssyncset.done $0x0  }
0x3d3: {  	[sflag:s18] =	ssyncadd.s32 $0xFFFFE000  }
0x3d4: {  	_ =	swait.ge [sflag:s19], $0x2000  }
0x3d5: {  	[sflag:s19] =	ssyncset.done $0x0  }
0x3d6: {  	s1 =	simm.s32 $0x400;
	[sflag:s19] =	ssyncadd.s32 $0xFFFFE000  }
0x3d7: {  	[tilespmem:s15], [sflag:$0x1] =	stream.indirect.gather [hbm4b:s7+s14], $0x20, s1, s14, $0xb8;
	[tilespmem:$0x1EF00] =	vst v63  }
0x3d8: {  	s31 =	simm.s32 $0x1700  }
0x3d9: {  	[spmem:s2] =	stream.indirect.scatter.add.f32 [tilespmem:s16], [sflag:$0x4], $0x20, s31, s14, $0xb8;
	[tilespmem:$0x1EF00] =	vst v63  }
0x3da: {  	_ =	swait.ge [sflag:s22], $0x2000  }
0x3db: {  	[sflag:s22] =	ssyncset.done $0x0  }
0x3dc: {  	s1 =	simm.s32 $0x500;
	[sflag:s22] =	ssyncadd.s32 $0xFFFFE000  }
0x3dd: {  	[tilespmem:s16], [sflag:$0x2] =	stream.indirect.gather [hbm4b:s7+s14], $0x20, s1, s14, $0xb8;
	[tilespmem:$0x1EF00] =	vst v63  }
0x3de: {  	_ =	swait.ge [sflag:s17], $0x2000  }
0x3df: {  	[sflag:s17] =	ssyncset.done $0x0  }
0x3e0: {  	s31 =	simm.s32 $0x1800;
	[sflag:s17] =	ssyncadd.s32 $0xFFFFE000  }
0x3e1: {  	[spmem:s2] =	stream.indirect.scatter.add.f32 [tilespmem:s15], [sflag:$0x3], $0x20, s31, s14, $0xb8;
	[tilespmem:$0x1EF00] =	vst v63  }
0x3e2: {  	_ =	swait.ge [sflag:s18], $0x2000  }
0x3e3: {  	[sflag:s18] =	ssyncset.done $0x0  }
0x3e4: {  	[sflag:s18] =	ssyncadd.s32 $0xFFFFE000  }
0x3e5: {  	_ =	swait.ge [sflag:s19], $0x2000  }
0x3e6: {  	[sflag:s19] =	ssyncset.done $0x0  }
0x3e7: {  	s1 =	simm.s32 $0x600;
	[sflag:s19] =	ssyncadd.s32 $0xFFFFE000  }
0x3e8: {  	[tilespmem:s15], [sflag:$0x1] =	stream.indirect.gather [hbm4b:s7+s14], $0x20, s1, s14, $0xb8;
	[tilespmem:$0x1EF00] =	vst v63  }
0x3e9: {  	s31 =	simm.s32 $0x1900  }
0x3ea: {  	[spmem:s2] =	stream.indirect.scatter.add.f32 [tilespmem:s16], [sflag:$0x4], $0x20, s31, s14, $0xb8;
	[tilespmem:$0x1EF00] =	vst v63  }
0x3eb: {  	_ =	swait.ge [sflag:s22], $0x2000  }
0x3ec: {  	[sflag:s22] =	ssyncset.done $0x0  }
0x3ed: {  	s1 =	simm.s32 $0x700;
	[sflag:s22] =	ssyncadd.s32 $0xFFFFE000  }
0x3ee: {  	[tilespmem:s16], [sflag:$0x2] =	stream.indirect.gather [hbm4b:s7+s14], $0x20, s1, s14, $0xb8;
	[tilespmem:$0x1EF00] =	vst v63  }
0x3ef: {  	_ =	swait.ge [sflag:s17], $0x2000  }
0x3f0: {  	[sflag:s17] =	ssyncset.done $0x0  }
0x3f1: {  	s31 =	simm.s32 $0x1A00;
	[sflag:s17] =	ssyncadd.s32 $0xFFFFE000  }
0x3f2: {  	[spmem:s2] =	stream.indirect.scatter.add.f32 [tilespmem:s15], [sflag:$0x3], $0x20, s31, s14, $0xb8;
	[tilespmem:$0x1EF00] =	vst v63  }
0x3f3: {  	_ =	swait.ge [sflag:s18], $0x2000  }
0x3f4: {  	[sflag:s18] =	ssyncset.done $0x0  }
0x3f5: {  	[sflag:s18] =	ssyncadd.s32 $0xFFFFE000  }
0x3f6: {  	_ =	swait.ge [sflag:s19], $0x2000  }
0x3f7: {  	[sflag:s19] =	ssyncset.done $0x0  }
0x3f8: {  	s1 =	simm.s32 $0x800;
	[sflag:s19] =	ssyncadd.s32 $0xFFFFE000  }
0x3f9: {  	[tilespmem:s15], [sflag:$0x1] =	stream.indirect.gather [hbm4b:s7+s14], $0x20, s1, s14, $0xb8;
	[tilespmem:$0x1EF00] =	vst v63  }
0x3fa: {  	s31 =	simm.s32 $0x1B00  }
0x3fb: {  	[spmem:s2] =	stream.indirect.scatter.add.f32 [tilespmem:s16], [sflag:$0x4], $0x20, s31, s14, $0xb8;
	[tilespmem:$0x1EF00] =	vst v63  }
0x3fc: {  	_ =	swait.ge [sflag:s22], $0x2000  }
0x3fd: {  	[sflag:s22] =	ssyncset.done $0x0  }
0x3fe: {  	s1 =	simm.s32 $0x900;
	[sflag:s22] =	ssyncadd.s32 $0xFFFFE000  }
0x3ff: {  	[tilespmem:s16], [sflag:$0x2] =	stream.indirect.gather [hbm4b:s7+s14], $0x20, s1, s14, $0xb8;
	[tilespmem:$0x1EF00] =	vst v63  }
0x400: {  	_ =	swait.ge [sflag:s17], $0x2000  }
0x401: {  	[sflag:s17] =	ssyncset.done $0x0  }
0x402: {  	s31 =	simm.s32 $0x1C00;
	[sflag:s17] =	ssyncadd.s32 $0xFFFFE000  }
0x403: {  	[spmem:s2] =	stream.indirect.scatter.add.f32 [tilespmem:s15], [sflag:$0x3], $0x20, s31, s14, $0xb8;
	[tilespmem:$0x1EF00] =	vst v63  }
0x404: {  	_ =	swait.ge [sflag:s18], $0x2000  }
0x405: {  	[sflag:s18] =	ssyncset.done $0x0  }
0x406: {  	[sflag:s18] =	ssyncadd.s32 $0xFFFFE000  }
0x407: {  	_ =	swait.ge [sflag:s19], $0x2000  }
0x408: {  	[sflag:s19] =	ssyncset.done $0x0  }
0x409: {  	s1 =	simm.s32 $0xA00;
	[sflag:s19] =	ssyncadd.s32 $0xFFFFE000  }
0x40a: {  	[tilespmem:s15], [sflag:$0x1] =	stream.indirect.gather [hbm4b:s7+s14], $0x20, s1, s14, $0xb8;
	[tilespmem:$0x1EF00] =	vst v63  }
0x40b: {  	s31 =	simm.s32 $0x1D00  }
0x40c: {  	[spmem:s2] =	stream.indirect.scatter.add.f32 [tilespmem:s16], [sflag:$0x4], $0x20, s31, s14, $0xb8;
	[tilespmem:$0x1EF00] =	vst v63  }
0x40d: {  	_ =	swait.ge [sflag:s22], $0x2000  }
0x40e: {  	[sflag:s22] =	ssyncset.done $0x0  }
0x40f: {  	s1 =	simm.s32 $0xB00;
	[sflag:s22] =	ssyncadd.s32 $0xFFFFE000  }
0x410: {  	[tilespmem:s16], [sflag:$0x2] =	stream.indirect.gather [hbm4b:s7+s14], $0x20, s1, s14, $0xb8;
	[tilespmem:$0x1EF00] =	vst v63  }
0x411: {  	_ =	swait.ge [sflag:s17], $0x2000  }
0x412: {  	[sflag:s17] =	ssyncset.done $0x0  }
0x413: {  	s31 =	simm.s32 $0x1E00;
	[sflag:s17] =	ssyncadd.s32 $0xFFFFE000  }
0x414: {  	[spmem:s2] =	stream.indirect.scatter.add.f32 [tilespmem:s15], [sflag:$0x3], $0x20, s31, s14, $0xb8;
	[tilespmem:$0x1EF00] =	vst v63  }
0x415: {  	_ =	swait.ge [sflag:s18], $0x2000  }
0x416: {  	[sflag:s18] =	ssyncset.done $0x0  }
0x417: {  	[sflag:s18] =	ssyncadd.s32 $0xFFFFE000  }
0x418: {  	_ =	swait.ge [sflag:s19], $0x2000  }
0x419: {  	[sflag:s19] =	ssyncset.done $0x0  }
0x41a: {  	s1 =	simm.s32 $0xC00;
	[sflag:s19] =	ssyncadd.s32 $0xFFFFE000  }
0x41b: {  	[tilespmem:s15], [sflag:$0x1] =	stream.indirect.gather [hbm4b:s7+s14], $0x20, s1, s14, $0xb8;
	[tilespmem:$0x1EF00] =	vst v63  }
0x41c: {  	s31 =	simm.s32 $0x1F00  }
0x41d: {  	[spmem:s2] =	stream.indirect.scatter.add.f32 [tilespmem:s16], [sflag:$0x4], $0x20, s31, s14, $0xb8;
	[tilespmem:$0x1EF00] =	vst v63  }
0x41e: {  	_ =	swait.ge [sflag:s22], $0x2000  }
0x41f: {  	[sflag:s22] =	ssyncset.done $0x0  }
0x420: {  	s1 =	simm.s32 $0xD00;
	[sflag:s22] =	ssyncadd.s32 $0xFFFFE000  }
0x421: {  	[tilespmem:s16], [sflag:$0x2] =	stream.indirect.gather [hbm4b:s7+s14], $0x20, s1, s14, $0xb8;
	[tilespmem:$0x1EF00] =	vst v63  }
0x422: {  	_ =	swait.ge [sflag:s17], $0x2000  }
0x423: {  	[sflag:s17] =	ssyncset.done $0x0  }
0x424: {  	[sflag:s17] =	ssyncadd.s32 $0xFFFFE000  }
0x425: {  	[spmem:s2] =	stream.indirect.scatter.add.f32 [tilespmem:s15], [sflag:$0x3], $0x20, s26, s14, $0xb8;
	[tilespmem:$0x1EF00] =	vst v63  }
0x426: {  	_ =	swait.ge [sflag:s18], $0x2000  }
0x427: {  	[sflag:s18] =	ssyncset.done $0x0  }
0x428: {  	[sflag:s18] =	ssyncadd.s32 $0xFFFFE000  }
0x429: {  	_ =	swait.ge [sflag:s19], $0x2000  }
0x42a: {  	[sflag:s19] =	ssyncset.done $0x0  }
0x42b: {  	[sflag:s19] =	ssyncadd.s32 $0xFFFFE000  }
0x42c: {  	[tilespmem:s15], [sflag:$0x1] =	stream.indirect.gather [hbm4b:s7+s14], $0x20, s28, s14, $0xb8;
	[tilespmem:$0x1EF00] =	vst v63  }
0x42d: {  	_ = 	snop  }
0x42e: {  	[spmem:s2] =	stream.indirect.scatter.add.f32 [tilespmem:s16], [sflag:$0x4], $0x20, s9, s14, $0xb8;
	[tilespmem:$0x1EF00] =	vst v63  }
0x42f: {  	_ =	swait.ge [sflag:s22], $0x2000  }
0x430: {  	[sflag:s22] =	ssyncset.done $0x0  }
0x431: {  	[sflag:s22] =	ssyncadd.s32 $0xFFFFE000  }
0x432: {  	[tilespmem:s16], [sflag:$0x2] =	stream.indirect.gather [hbm4b:s7+s14], $0x20, s10, s14, $0xb8;
	[tilespmem:$0x1EF00] =	vst v63  }
0x433: {  	_ =	swait.ge [sflag:s17], $0x2000  }
0x434: {  	[sflag:s17] =	ssyncset.done $0x0  }
0x435: {  	[sflag:s17] =	ssyncadd.s32 $0xFFFFE000  }
0x436: {  	[spmem:s2] =	stream.indirect.scatter.add.f32 [tilespmem:s15], [sflag:$0x3], $0x20, s13, s14, $0xb8;
	[tilespmem:$0x1EF00] =	vst v63  }
0x437: {  	_ =	swait.ge [sflag:s18], $0x2000  }
0x438: {  	[sflag:s18] =	ssyncset.done $0x0  }
0x439: {  	[sflag:s18] =	ssyncadd.s32 $0xFFFFE000  }
0x43a: {  	_ =	swait.ge [sflag:s19], $0x2000  }
0x43b: {  	[sflag:s19] =	ssyncset.done $0x0  }
0x43c: {  	[sflag:s19] =	ssyncadd.s32 $0xFFFFE000  }
0x43d: {  	[tilespmem:s15], [sflag:$0x1] =	stream.indirect.gather [hbm4b:s7+s14], $0x20, s8, s14, $0xb8;
	[tilespmem:$0x1EF00] =	vst v63  }
0x43e: {  	_ = 	snop  }
0x43f: {  	[spmem:s2] =	stream.indirect.scatter.add.f32 [tilespmem:s16], [sflag:$0x4], $0x20, s23, s14, $0xb8;
	[tilespmem:$0x1EF00] =	vst v63  }
0x440: {  	_ =	swait.ge [sflag:s22], $0x2000  }
0x441: {  	[sflag:s22] =	ssyncset.done $0x0  }
0x442: {  	[sflag:s22] =	ssyncadd.s32 $0xFFFFE000  }
0x443: {  	[tilespmem:s16], [sflag:$0x2] =	stream.indirect.gather [hbm4b:s7+s14], $0x20, s24, s14, $0xb8;
	[tilespmem:$0x1EF00] =	vst v63  }
0x444: {  	_ =	swait.ge [sflag:s17], $0x2000  }
0x445: {  	[sflag:s17] =	ssyncset.done $0x0  }
0x446: {  	[sflag:s17] =	ssyncadd.s32 $0xFFFFE000  }
0x447: {  	[spmem:s2] =	stream.indirect.scatter.add.f32 [tilespmem:s15], [sflag:$0x3], $0x20, s4, s14, $0xb8;
	[tilespmem:$0x1EF00] =	vst v63  }
0x448: {  	_ =	swait.ge [sflag:s18], $0x2000  }
0x449: {  	[sflag:s18] =	ssyncset.done $0x0  }
0x44a: {  	[sflag:s18] =	ssyncadd.s32 $0xFFFFE000  }
0x44b: {  	_ =	swait.ge [sflag:s19], $0x2000  }
0x44c: {  	[sflag:s19] =	ssyncset.done $0x0  }
0x44d: {  	[sflag:s19] =	ssyncadd.s32 $0xFFFFE000  }
0x44e: {  	[tilespmem:s15], [sflag:$0x1] =	stream.indirect.gather [hbm4b:s7+s14], $0x20, s5, s14, $0xb8;
	[tilespmem:$0x1EF00] =	vst v63  }
0x44f: {  	_ = 	snop  }
0x450: {  	[spmem:s2] =	stream.indirect.scatter.add.f32 [tilespmem:s16], [sflag:$0x4], $0x20, s11, s14, $0xb8;
	[tilespmem:$0x1EF00] =	vst v63  }
0x451: {  	_ =	swait.ge [sflag:s22], $0x2000  }
0x452: {  	[sflag:s22] =	ssyncset.done $0x0  }
0x453: {  	[sflag:s22] =	ssyncadd.s32 $0xFFFFE000  }
0x454: {  	[tilespmem:s16], [sflag:$0x2] =	stream.indirect.gather [hbm4b:s7+s14], $0x20, s20, s14, $0xb8;
	[tilespmem:$0x1EF00] =	vst v63  }
0x455: {  	_ =	swait.ge [sflag:s17], $0x2000  }
0x456: {  	[sflag:s17] =	ssyncset.done $0x0  }
0x457: {  	[sflag:s17] =	ssyncadd.s32 $0xFFFFE000  }
0x458: {  	[spmem:s2] =	stream.indirect.scatter.add.f32 [tilespmem:s15], [sflag:$0x3], $0x20, s21, s14, $0xb8;
	[tilespmem:$0x1EF00] =	vst v63  }
0x459: {  	_ =	swait.ge [sflag:s18], $0x2000  }
0x45a: {  	[sflag:s18] =	ssyncset.done $0x0  }
0x45b: {  	[sflag:s18] =	ssyncadd.s32 $0xFFFFE000  }
0x45c: {  	_ =	swait.ge [sflag:s19], $0x2000  }
0x45d: {  	[sflag:s19] =	ssyncset.done $0x0  }
0x45e: {  	[sflag:s19] =	ssyncadd.s32 $0xFFFFE000  }
0x45f: {  	[spmem:s2] =	stream.indirect.scatter.add.f32 [tilespmem:s16], [sflag:$0x4], $0x20, s25, s14, $0xb8;
	[tilespmem:$0x1EF00] =	vst v63  }
0x460: {  	_ =	swait.ge [sflag:s22], $0x2000  }
0x461: {  	[sflag:s22] =	ssyncset.done $0x0  }
0x462: {  	[sflag:s22] =	ssyncadd.s32 $0xFFFFE000  }
0x463: {  	[bflag:$0x0] =	sbarrier.arrive $0xFFFF  }
0x464: {  	s29 =	rddreg [dreg:$0x6]  }
0x465: {  	s1 =	rddreg [dreg:$0x8]  }
0x466: {  	s31 =	rddreg [dreg:$0xa]  }
0x467: {  	[hbm:s31], [sflag:s29] =	dma.local [spmem:s1], $0x30E0  }
0x468: {  	_ =	swait.ge [sflag:s12], $0x30E0  }
0x469: {  	s30 =	rddreg [dreg:$0xb]  }
0x46a: {  	s31 =	rddreg [dreg:$0x7];
	s30 =	sadd.s32 $0x1, s30  }
0x46b: {  	p0 =	sne.s32 s30, s31  }
.Ltmp2:
0x46c: {  	_ = 	snop;
	(pc) =	sbr.rel @p0 .LBB2_1-.Ltmp2, $3  }
0x46d: {  	[sflag:s12] =	ssyncset.done $0x0  }
0x46e: {  	[sflag:s12] =	ssyncadd.s32 $0xFFFFCF20  }
0x46f: {  	[bflag:$0x0] =	sbarrier.arrive $0xFFFF;
	_ =	sdelay $0x1  }
0x470: {  	_ =	sfence.sel $0x180000  }
0x471: {  	[bflag:$0x0] =	sbarrier.arrive $0xFFFF  }
0x472: {  	_ =	strace $0x9000004A  }
0x473: {  	s0 =	stileid.u32;
	[bflag:$0x2] =	sbarrier.arrive $0xFFFF  }
0x474: {  	p0 =	sne.s32 s0, $0x0;
	s0 =	rddreg [dreg:$0x2]  }
0x475: {  	s0 =	sadd.s32 @!p0 $0x100000, s0  }
0x476: {  	[sflag:s0] =	ssyncadd.tile.s32 @!p0 $0x1;
	_ =	shalt  }
.Lfunc_end2:
_tile_overlayer_lowered:
.L_overlay_start_2:
0x477: {  	(tag) =	ssettag $0x2  }
0x478: {  	s0 =	rddreg [dreg:$0x0];
	s2 =	stileid.u32  }
0x479: {  	s1 =	rddreg [dreg:$0x1];
	p0 =	sne.s32 s2, $0x0  }
0x47a: {  	s3 =	rddreg [dreg:$0x2];
	[bflag:$0x3] =	sbarrier.arrive $0xFFFF;
	s2 =	simm.s32 @!p0 $0x1C05  }
0x47b: {  	[timem:s3], [sflag:s2] =	dma.local @!p0 [hbm:s0], s1  }
0x47c: {  	s0 =	simm.s32 @!p0 $0x5  }
0x47d: {  	_ =	swait.ge @!p0 [sflag:s0], s1  }
0x47e: {  	s1 =	ssub.s32 @!p0 $0x0, s1;
	[sflag:s0] =	ssyncset.done @!p0 $0x0  }
0x47f: {  	[sflag:s0] =	ssyncadd.s32 @!p0 s1  }
0x480: {  	[bflag:$0x3] =	sbarrier.arrive $0xFFFF  }
0x481: {  	_ =	shalt  }

// kernel: kernel.15.cloned.1.call-start
scs
__scs_entry_jumppad:
0x0: {  	(pc) =	sbr.rel $0x88, $3  }
0x1: {  	(tag) =	ssettag $0x0;
	lr =	simm.s32 $0x1  }
0x2: {  	[smem:$0x3F76] =	sst lr;
	_ =	strace $0xD0000000  }
0x3: {  	_ = 	snop  }
0x4: {  	_ = 	snop  }
0x5: {  	_ = 	snop  }
0x6: {  	_ = 	snop  }
0x7: {  	_ = 	snop  }
__scs_overlays_trampoline_lowered:
0x8: {  	[smem:$0x3F85] =	sst s0  }
0x9: {  	[smem:$0x3F86] =	sst s1  }
0xa: {  	[smem:$0x3F87] =	sst s2  }
0xb: {  	[smem:$0x3F88] =	sst s3  }
0xc: {  	[smem:$0x3F89] =	sst s4  }
0xd: {  	[smem:$0x3F8A] =	sst s5  }
0xe: {  	[smem:$0x3F8B] =	sst s6  }
0xf: {  	[smem:$0x3F8C] =	sst s7  }
0x10: {  	[smem:$0x3F8D] =	sst s8  }
0x11: {  	[smem:$0x3F8E] =	sst s9;
	s0 =	simm.s32 @!p0 $0x0  }
0x12: {  	s1 =	sld [smem:$0x3F74];
	s0 =	simm.s32 @p0 $0x1  }
0x13: {  	[smem:$0x3F8F] =	sst s0;
	s0 =	simm.s32 @!p1 $0x0  }
0x14: {  	s2 =	sld [smem:$0x3F73];
	s0 =	simm.s32 @p1 $0x1  }
0x15: {  	[smem:$0x3F90] =	sst s0;
	s0 =	simm.s32 @!p2 $0x0  }
0x16: {  	s3 =	sld [smem:$0x3FDB];
	s0 =	simm.s32 @p2 $0x1  }
0x17: {  	s4 =	simm.s32 $0x1BF5;
	[smem:$0x3F92] =	sst s0  }
0x18: {  	s0 =	sld [smem:$0x3F75];
	_ =	swait.ge [sflag:s4], $0x0  }
0x19: {  	s7 =	sld [smem:$0x3F76]  }
0x1a: {  	s8 =	sadd.s32 $0xFFFFE003, lr  }
0x1b: {  	s9 =	sadd.s32 $0xFFFFFEF7, lr;
	s5 =	simm.s32 $0xFFFFFFFF;
	p2 =	slt.u32 s8, $0xFFFFF086  }
0x1c: {  	p1 =	slt.u32 s9, $0xF7A;
	s5 =	simm.s32 @!p2 $0x0  }
0x1d: {  	s5 =	simm.s32 @p1 $0x1;
	p0 =	seq.s32 s7, s2  }
0x1e: {  	s7 =	smul.u32 @!p0 $0xF7A, s2;
	p2 =	seq.s32 @!p0 s5, $0x0  }
0x1f: {  	s9 =	smul.u32 $0xF7A, s1;
	s8 =	simm.s32 @!p0 $0x1BF5;
	p2 =	por !p2, p0  }
0x20: {  	[sflag:s8] =	ssyncset.s32 @!p0 $0xFFFFF086;
	s6 =	sadd.s32 @!p0 s3, s7;
	s7 =	simm.s32 @!p0 $0x108  }
0x21: {  	s3 =	sadd.s32 s3, s9;
	s6 =	sadd.s32 @!p0 $0x88, s6;
	s7 =	simm.s32 @p2 $0x1082  }
0x22: {  	[simem:s7], [sflag:s8] =	dma.local @!p0 [hbm:s6], $0xF7A  }
0x23: {  	s9 =	sor.u32 $0xD0000000, s2;
	s6 =	simm.s32 $0x108;
	_ =	swait.ge @!p0 [sflag:s8], $0x0  }
0x24: {  	s3 =	sadd.s32 $0x88, s3;
	s6 =	simm.s32 @!p1 $0x1082;
	[sflag:s4] =	ssyncset.s32 $0xFFFFF086  }
0x25: {  	[simem:s6], [sflag:s4] =	dma.local [hbm:s3], $0xF7A  }
0x26: {  	[smem:$0x3F76] =	sst s1;
	(tag) =	ssettag s2;
	_ =	strace s9  }
0x27: {  	s1 =	sld [smem:$0x3F86]  }
0x28: {  	s2 =	sld [smem:$0x3F87]  }
0x29: {  	s4 =	sld [smem:$0x3F89]  }
0x2a: {  	p0 =	seq.s32 s5, $0x0;
	s5 =	sld [smem:$0x3F8A]  }
0x2b: {  	s6 =	sld [smem:$0x3F8B]  }
0x2c: {  	s7 =	sld [smem:$0x3F8C]  }
0x2d: {  	s3 =	simm.s32 $0x108;
	s8 =	sld [smem:$0x3F8D]  }
0x2e: {  	s3 =	simm.s32 @!p0 $0x1082;
	s9 =	sld [smem:$0x3F8E]  }
0x2f: {  	lr =	sadd.s32 s0, s3;
	s0 =	sld [smem:$0x3F85]  }
0x30: {  	s3 =	sld [smem:$0x3F88]  }
0x31: {  	[smem:$0x3F91] =	sst s10  }
0x32: {  	s10 =	sld [smem:$0x3F8F];
	_ =	sdelay $0x3  }
0x33: {  	p0 =	seq.s32 s10, $0x1;
	s10 =	sld [smem:$0x3F91];
	_ =	sdelay $0x3  }
0x34: {  	[smem:$0x3F91] =	sst s10  }
0x35: {  	s10 =	sld [smem:$0x3F90];
	_ =	sdelay $0x3  }
0x36: {  	p1 =	seq.s32 s10, $0x1;
	s10 =	sld [smem:$0x3F91];
	_ =	sdelay $0x3  }
0x37: {  	[smem:$0x3F91] =	sst s10  }
0x38: {  	s10 =	sld [smem:$0x3F92]  }
0x39: {  	_ = 	snop;
	(pc) =	sbr.ind lr, $3  }
0x3a: {  	_ = 	snop  }
0x3b: {  	_ = 	snop  }
0x3c: {  	p2 =	seq.s32 s10, $0x1;
	s10 =	sld [smem:$0x3F91]  }
0x3d: {  	_ =	shalt  }
0x3e: {  	_ =	shalt  }
0x3f: {  	_ =	shalt  }
0x40: {  	_ =	shalt  }
0x41: {  	_ =	shalt  }
0x42: {  	_ =	shalt  }
0x43: {  	_ =	shalt  }
0x44: {  	_ =	shalt  }
0x45: {  	_ =	shalt  }
0x46: {  	_ =	shalt  }
0x47: {  	_ =	shalt  }
0x48: {  	_ =	shalt  }
0x49: {  	_ =	shalt  }
0x4a: {  	_ =	shalt  }
0x4b: {  	_ =	shalt  }
0x4c: {  	_ =	shalt  }
0x4d: {  	_ =	shalt  }
0x4e: {  	_ =	shalt  }
0x4f: {  	_ =	shalt  }
0x50: {  	_ =	shalt  }
0x51: {  	_ =	shalt  }
0x52: {  	_ =	shalt  }
0x53: {  	_ =	shalt  }
0x54: {  	_ =	shalt  }
0x55: {  	_ =	shalt  }
0x56: {  	_ =	shalt  }
0x57: {  	_ =	shalt  }
0x58: {  	_ =	shalt  }
0x59: {  	_ =	shalt  }
0x5a: {  	_ =	shalt  }
0x5b: {  	_ =	shalt  }
0x5c: {  	_ =	shalt  }
0x5d: {  	_ =	shalt  }
0x5e: {  	_ =	shalt  }
0x5f: {  	_ =	shalt  }
0x60: {  	_ =	shalt  }
0x61: {  	_ =	shalt  }
0x62: {  	_ =	shalt  }
0x63: {  	_ =	shalt  }
0x64: {  	_ =	shalt  }
0x65: {  	_ =	shalt  }
0x66: {  	_ =	shalt  }
0x67: {  	_ =	shalt  }
0x68: {  	_ =	shalt  }
0x69: {  	_ =	shalt  }
0x6a: {  	_ =	shalt  }
0x6b: {  	_ =	shalt  }
0x6c: {  	_ =	shalt  }
0x6d: {  	_ =	shalt  }
0x6e: {  	_ =	shalt  }
0x6f: {  	_ =	shalt  }
0x70: {  	_ =	shalt  }
0x71: {  	_ =	shalt  }
0x72: {  	_ =	shalt  }
0x73: {  	_ =	shalt  }
0x74: {  	_ =	shalt  }
0x75: {  	_ =	shalt  }
0x76: {  	_ =	shalt  }
0x77: {  	_ =	shalt  }
0x78: {  	_ =	shalt  }
0x79: {  	_ =	shalt  }
0x7a: {  	_ =	shalt  }
0x7b: {  	_ =	shalt  }
0x7c: {  	_ =	shalt  }
0x7d: {  	_ =	shalt  }
0x7e: {  	_ =	shalt  }
0x7f: {  	_ =	shalt  }
0x80: {  	_ =	shalt  }
0x81: {  	_ =	shalt  }
0x82: {  	_ =	shalt  }
0x83: {  	_ =	shalt  }
0x84: {  	_ =	shalt  }
0x85: {  	_ =	shalt  }
0x86: {  	_ =	shalt  }
0x87: {  	_ =	shalt  }
.Lfunc_end0:
.L_simem_size_0:
called_computation.2_lowered:
.L_overlay_start_0:
0x88: {  	s2 =	sld [smem:$0x3FD9]  }
0x89: {  	s3 =	sld [smem:$0x3FFE];
	_ =	sdelay $0x1  }
0x8a: {  	s1 =	srdreg.scid  }
0x8b: {  	s0 =	sand.u32 $0x1, s1  }
0x8c: {  	s16 =	sshll.u32 s0, $0xA;
	s2 =	sadd.s32 s3, s2  }
0x8d: {  	s2 =	sadd.s32 s2, s16  }
0x8e: {  	[smem:$0x3F9D] =	sst s2  }
0x8f: {  	_ = 	snop  }
0x90: {  	(tm) =	ssettm $0x1  }
0x91: {  	s17 =	sld [smem:$0x3FFB];
	_ =	sdelay $0x3  }
0x92: {  	_ =	strace s17  }
0x93: {  	s2 =	sld [smem:$0x3FFC];
	_ =	sdelay $0x3  }
0x94: {  	_ =	strace s2  }
0x95: {  	s2 =	sld [smem:$0x3FFD];
	_ =	sdelay $0x3  }
0x96: {  	_ =	strace s2  }
0x97: {  	_ =	strace $0x8FFFFFFF  }
0x98: {  	s18 =	sld [smem:$0x3FDB];
	_ =	sdelay $0x1  }
0x99: {  	s19 =	simm.s32 $_scs_section_size  }
0x9a: {  	s4 =	simm.s32 $_size__tile_overlayer_lowered;
	s5 =	simm.s32 $_tile_overlayer_lowered  }
0x9b: {  	s22 =	simm.s32 $0x1BFF;
	s21 =	sshll.u32 s5, $0x1;
	s2 =	sadd.s32 s19, s18  }
0x9c: {  	s6 =	simm.s32 $0x0;
	s20 =	sshll.u32 s4, $0x1;
	s4 =	sadd.s32 s21, s2  }
0x9d: {  	[timem:s6], [sflag:s22] =	dma.local [hbm:s4], s20  }
0x9e: {  	_ =	swait.ge [sflag:s22], s20  }
0x9f: {  	s3 =	ssub.s32 $0x0, s20;
	[sflag:s22] =	ssyncset.done $0x0  }
0xa0: {  	[sflag:s22] =	ssyncadd.s32 s3;
	_ =	sdelay $0x1  }
0xa1: {  	s23 =	simm.s32 $0x1B8B  }
0xa2: {  	_ =	swait.ge [sflag:s23], $0x1  }
0xa3: {  	[sflag:s23] =	ssyncset.done $0x0  }
0xa4: {  	s25 =	simm.s32 $0x1B8E;
	s24 =	sld [smem:$0x3FFE];
	[sflag:s23] =	ssyncadd.s32 $0xFFFFFFFF  }
0xa5: {  	s26 =	simm.s32 $execute0_lowered;
	[smem:$0x3FD2] =	sst s25  }
0xa6: {  	s4 =	sshll.u32 s26, $0x1;
	_ =	strace $0x8000004C;
	[dreg:$0x1] =	wrdreg $0xFFFFFFFF  }
0xa7: {  	s28 =	simm.s32 $_size_execute0_lowered;
	s2 =	sadd.s32 s2, s4;
	[dreg:$0x0] =	wrdreg $0x0  }
0xa8: {  	s4 =	sshll.u32 s28, $0x1;
	[dreg:$0x2] =	wrdreg s2  }
0xa9: {  	[dreg:$0x3] =	wrdreg s4  }
0xaa: {  	[dreg:$0x4] =	wrdreg $0xC0  }
0xab: {  	_ =	task [dreg:s6], $0x5FFFF  }
0xac: {  	[dreg:$0x1] =	wrdreg $0xFFFFFFFF  }
0xad: {  	[dreg:$0x0] =	wrdreg $0x60  }
0xae: {  	[dreg:$0x2] =	wrdreg s24  }
0xaf: {  	[dreg:$0x3] =	wrdreg $0x68000  }
0xb0: {  	[dreg:$0x4] =	wrdreg $0x9  }
0xb1: {  	_ =	task.clear_ibuf [dreg:s6], $0x5FFFF;
	_ =	strace $0x9000004C  }
0xb2: {  	s29 =	simm.s32 $0x9;
	_ =	strace $0x8000004E  }
0xb3: {  	_ =	swait.ge [sflag:s29], $0x1  }
0xb4: {  	[sflag:s29] =	ssyncadd.s32 $0xFFFFFFFF  }
0xb5: {  	_ =	strace $0x9000004E  }
0xb6: {  	_ =	sfence  }
0xb7: {  	s30 =	sld [smem:$0x0];
	_ =	sdelay $0x2  }
0xb8: {  	s31 =	sshll.u32 s1, $0xD;
	s1 =	sshrl.u32 s1, $0x2  }
0xb9: {  	s3 =	sand.u32 $0x4000, s31;
	s1 =	sadd.s32 s1, s30  }
0xba: {  	s0 =	sor.u32 s3, s0;
	s1 =	sshll.u32 s1, $0x11  }
0xbb: {  	s0 =	sor.u32 s1, s0  }
0xbc: {  	s0 =	sadd.s32 $0x8F2B, s0  }
0xbd: {  	[sflag:s0] =	ssyncadd.remote.s32 $0x1  }
0xbe: {  	_ =	sfence.sel $0xFFFF  }
0xbf: {  	[dreg:$0x0] =	wrdreg $0xFFFFFFFF;
	(pc) =	sbr.abs _section_cstart, $3  }
0xc0: {  	[dreg:$0x1] =	wrdreg $0xFFFFFFFF  }
0xc1: {  	_ =	task.clear_ibuf [dreg:s6], $0x2FFFF;
	_ =	strace $0x9FFFFFFF  }
0xc2: {  	(tm) =	ssettm $0x7FFFFFFF  }
0xc3: {  	_ =	shalt  }
tec
execute0_lowered:
.L_overlay_start_1:
0x0: {  	(tag) =	ssettag $0x1  }
0x1: {  	s0 =	rddreg [dreg:$0x0]  }
0x2: {  	s2 =	rddreg [dreg:$0x1]  }
0x3: {  	s3 =	simm.s32 $0x0;
	s12 =	stileid.u32;
	s5 =	srdreg.scid  }
0x4: {  	s14 =	simm.s32 $0x100;
	s15 =	simm.s32 $0x2800;
	s16 =	simm.s32 $0x4800  }
0x5: {  	s17 =	simm.s32 $0x1;
	s18 =	simm.s32 $0x2;
	s19 =	simm.s32 $0x3  }
0x6: {  	s22 =	simm.s32 $0x4;
	s28 =	simm.s32 $0xE00;
	s8 =	simm.s32 $0x1000  }
0x7: {  	s21 =	simm.s32 $0x2600;
	s30 =	simm.s32 $0x0;
	s1 =	smul.u32 $0x18700, s12  }
0x8: {  	[smem:$0x7FF] =	sst s3;
	s4 =	smul.u32 $0x1900, s12;
	s5 =	sand.u32 $0x1, s5  }
0x9: {  	s7 =	sadd.s32 $0x5000, s0;
	s12 =	sshll.u32 s12, $0x6;
	s11 =	smul.u32 $0x61A80, s5  }
0xa: {  	_ =	strace $0x8000004D;
	s9 =	ssub.s32 $0x2, s5;
	s23 =	smul.u32 $0x61C00, s5  }
0xb: {  	s5 =	sshllo.u32 s5, $0x1;
	s29 =	sor.u32 $0x1C05, s12;
	s12 =	simm.s32 $0x5  }
0xc: {  	s20 =	sshrl.u32 s1, $0x3;
	s4 =	sadd.s32 s4, s0;
	s13 =	smul.u32 $0x30D40, s5  }
0xd: {  	s10 =	sshrl.u32 s9, $0x1;
	s1 =	sadd.s32 s1, s2;
	s5 =	smul.u32 $0x30E00, s5  }
0xe: {  	[dreg:$0x6] =	wrdreg s29;
	s6 =	sadd.s32 s20, s0;
	s0 =	sadd.s32 $0x207200, s0  }
0xf: {  	s9 =	ssub.s32 s9, s10;
	s26 =	sadd.s32 $0xE0E00, s4;
	s4 =	sadd.s32 $0xF9E00, s4  }
0x10: {  	s1 =	sshrl.u32 s1, $0x3;
	s10 =	simm.s32 $0xF00;
	s6 =	sadd.s32 $0x112E00, s6  }
0x11: {  	s24 =	sadd.s32 s0, s23;
	s0 =	sadd.s32 s0, s5;
	[dreg:$0x3] =	wrdreg s26  }
0x12: {  	s25 =	smax.u32 s9, $0x1;
	[dreg:$0x4] =	wrdreg s4;
	s26 =	simm.s32 $0x2000  }
0x13: {  	s9 =	simm.s32 $0x2100;
	s23 =	simm.s32 $0x2300;
	[dreg:$0x8] =	wrdreg s1  }
0x14: {  	s4 =	simm.s32 $0x2400;
	s5 =	simm.s32 $0x1200;
	[dreg:$0x5] =	wrdreg s6  }
0x15: {  	s6 =	sadd.s32 s7, s11;
	s7 =	sadd.s32 s7, s13;
	[dreg:$0x7] =	wrdreg s25  }
0x16: {  	s31 =	sadd.s32 s20, s24;
	s0 =	sadd.s32 s20, s0;
	s13 =	simm.s32 $0x2200  }
0x17: {  	s24 =	simm.s32 $0x1100;
	s11 =	simm.s32 $0x2500;
	[dreg:$0x9] =	wrdreg s31  }
0x18: {  	s20 =	simm.s32 $0x1300;
	s25 =	simm.s32 $0x2700;
	[dreg:$0xa] =	wrdreg s0  }
.LBB2_1:
0x19: {  	[dreg:$0xb] =	wrdreg s30  }
0x1a: {  	s0 =	rddreg [dreg:$0x5]  }
0x1b: {  	[spmem:s1], [sflag:s29] =	dma.local [hbm:s0], $0x30E0  }
0x1c: {  	_ =	swait.ge [sflag:s12], $0x30E0  }
0x1d: {  	[sflag:s12] =	ssyncset.done $0x0  }
0x1e: {  	[sflag:s12] =	ssyncadd.s32 $0xFFFFCF20  }
0x1f: {  	[bflag:$0x0] =	sbarrier.arrive $0xFFFF  }
0x20: {  	s1 =	rddreg [dreg:$0x4]  }
0x21: {  	s29 =	sadd.s32 $0x0, s1  }
0x22: {  	[tilespmem:s3], [sflag:$0x5] =	stream.linear.gather [hbm4b:s29+s3], $0x1400, $0x38;
	[tilespmem:$0x1EF00] =	vst v63  }
0x23: {  	_ =	swait.ge [sflag:s12], $0x1400  }
0x24: {  	[sflag:s12] =	ssyncset.done $0x0;
	s31 =	rddreg [dreg:$0x3]  }
0x25: {  	s1 =	simm.s32 $0x1400;
	[sflag:s12] =	ssyncadd.s32 $0xFFFFEC00;
	s29 =	sadd.s32 $0x0, s31  }
0x26: {  	[tilespmem:s1], [sflag:$0x5] =	stream.linear.gather [hbm4b:s29+s3], $0x1400, $0x38;
	[tilespmem:$0x1EF00] =	vst v63  }
0x27: {  	_ =	swait.ge [sflag:s12], $0x1400  }
0x28: {  	[sflag:s12] =	ssyncset.done $0x0  }
0x29: {  	[sflag:s12] =	ssyncadd.s32 $0xFFFFEC00  }
0x2a: {  	[tilespmem:s15], [sflag:$0x1] =	stream.indirect.gather [hbm4b:s6+s14], $0x20, s3, s14, $0xb8;
	[tilespmem:$0x1EF00] =	vst v63  }
0x2b: {  	_ = 	snop  }
0x2c: {  	[tilespmem:s16], [sflag:$0x2] =	stream.indirect.gather [hbm4b:s6+s14], $0x20, s14, s14, $0xb8;
	[tilespmem:$0x1EF00] =	vst v63  }
0x2d: {  	_ =	swait.ge [sflag:s17], $0x2000  }
0x2e: {  	[sflag:s17] =	ssyncset.done $0x0  }
0x2f: {  	[sflag:s17] =	ssyncadd.s32 $0xFFFFE000  }
0x30: {  	[spmem:s2] =	stream.indirect.scatter.add.f32 [tilespmem:s15], [sflag:$0x3], $0x20, s1, s14, $0xb8;
	[tilespmem:$0x1EF00] =	vst v63  }
0x31: {  	_ =	swait.ge [sflag:s18], $0x2000  }
0x32: {  	[sflag:s18] =	ssyncset.done $0x0  }
0x33: {  	[sflag:s18] =	ssyncadd.s32 $0xFFFFE000  }
0x34: {  	_ =	swait.ge [sflag:s19], $0x2000  }
0x35: {  	[sflag:s19] =	ssyncset.done $0x0  }
0x36: {  	s31 =	simm.s32 $0x200;
	[sflag:s19] =	ssyncadd.s32 $0xFFFFE000  }
0x37: {  	[tilespmem:s15], [sflag:$0x1] =	stream.indirect.gather [hbm4b:s6+s14], $0x20, s31, s14, $0xb8;
	[tilespmem:$0x1EF00] =	vst v63  }
0x38: {  	s1 =	simm.s32 $0x1500  }
0x39: {  	[spmem:s2] =	stream.indirect.scatter.add.f32 [tilespmem:s16], [sflag:$0x4], $0x20, s1, s14, $0xb8;
	[tilespmem:$0x1EF00] =	vst v63  }
0x3a: {  	_ =	swait.ge [sflag:s22], $0x2000  }
0x3b: {  	[sflag:s22] =	ssyncset.done $0x0  }
0x3c: {  	s31 =	simm.s32 $0x300;
	[sflag:s22] =	ssyncadd.s32 $0xFFFFE000  }
0x3d: {  	[tilespmem:s16], [sflag:$0x2] =	stream.indirect.gather [hbm4b:s6+s14], $0x20, s31, s14, $0xb8;
	[tilespmem:$0x1EF00] =	vst v63  }
0x3e: {  	_ =	swait.ge [sflag:s17], $0x2000  }
0x3f: {  	[sflag:s17] =	ssyncset.done $0x0  }
0x40: {  	s1 =	simm.s32 $0x1600;
	[sflag:s17] =	ssyncadd.s32 $0xFFFFE000  }
0x41: {  	[spmem:s2] =	stream.indirect.scatter.add.f32 [tilespmem:s15], [sflag:$0x3], $0x20, s1, s14, $0xb8;
	[tilespmem:$0x1EF00] =	vst v63  }
0x42: {  	_ =	swait.ge [sflag:s18], $0x2000  }
0x43: {  	[sflag:s18] =	ssyncset.done $0x0  }
0x44: {  	[sflag:s18] =	ssyncadd.s32 $0xFFFFE000  }
0x45: {  	_ =	swait.ge [sflag:s19], $0x2000  }
0x46: {  	[sflag:s19] =	ssyncset.done $0x0  }
0x47: {  	s31 =	simm.s32 $0x400;
	[sflag:s19] =	ssyncadd.s32 $0xFFFFE000  }
0x48: {  	[tilespmem:s15], [sflag:$0x1] =	stream.indirect.gather [hbm4b:s6+s14], $0x20, s31, s14, $0xb8;
	[tilespmem:$0x1EF00] =	vst v63  }
0x49: {  	s1 =	simm.s32 $0x1700  }
0x4a: {  	[spmem:s2] =	stream.indirect.scatter.add.f32 [tilespmem:s16], [sflag:$0x4], $0x20, s1, s14, $0xb8;
	[tilespmem:$0x1EF00] =	vst v63  }
0x4b: {  	_ =	swait.ge [sflag:s22], $0x2000  }
0x4c: {  	[sflag:s22] =	ssyncset.done $0x0  }
0x4d: {  	s31 =	simm.s32 $0x500;
	[sflag:s22] =	ssyncadd.s32 $0xFFFFE000  }
0x4e: {  	[tilespmem:s16], [sflag:$0x2] =	stream.indirect.gather [hbm4b:s6+s14], $0x20, s31, s14, $0xb8;
	[tilespmem:$0x1EF00] =	vst v63  }
0x4f: {  	_ =	swait.ge [sflag:s17], $0x2000  }
0x50: {  	[sflag:s17] =	ssyncset.done $0x0  }
0x51: {  	s1 =	simm.s32 $0x1800;
	[sflag:s17] =	ssyncadd.s32 $0xFFFFE000  }
0x52: {  	[spmem:s2] =	stream.indirect.scatter.add.f32 [tilespmem:s15], [sflag:$0x3], $0x20, s1, s14, $0xb8;
	[tilespmem:$0x1EF00] =	vst v63  }
0x53: {  	_ =	swait.ge [sflag:s18], $0x2000  }
0x54: {  	[sflag:s18] =	ssyncset.done $0x0  }
0x55: {  	[sflag:s18] =	ssyncadd.s32 $0xFFFFE000  }
0x56: {  	_ =	swait.ge [sflag:s19], $0x2000  }
0x57: {  	[sflag:s19] =	ssyncset.done $0x0  }
0x58: {  	s31 =	simm.s32 $0x600;
	[sflag:s19] =	ssyncadd.s32 $0xFFFFE000  }
0x59: {  	[tilespmem:s15], [sflag:$0x1] =	stream.indirect.gather [hbm4b:s6+s14], $0x20, s31, s14, $0xb8;
	[tilespmem:$0x1EF00] =	vst v63  }
0x5a: {  	s1 =	simm.s32 $0x1900  }
0x5b: {  	[spmem:s2] =	stream.indirect.scatter.add.f32 [tilespmem:s16], [sflag:$0x4], $0x20, s1, s14, $0xb8;
	[tilespmem:$0x1EF00] =	vst v63  }
0x5c: {  	_ =	swait.ge [sflag:s22], $0x2000  }
0x5d: {  	[sflag:s22] =	ssyncset.done $0x0  }
0x5e: {  	s31 =	simm.s32 $0x700;
	[sflag:s22] =	ssyncadd.s32 $0xFFFFE000  }
0x5f: {  	[tilespmem:s16], [sflag:$0x2] =	stream.indirect.gather [hbm4b:s6+s14], $0x20, s31, s14, $0xb8;
	[tilespmem:$0x1EF00] =	vst v63  }
0x60: {  	_ =	swait.ge [sflag:s17], $0x2000  }
0x61: {  	[sflag:s17] =	ssyncset.done $0x0  }
0x62: {  	s1 =	simm.s32 $0x1A00;
	[sflag:s17] =	ssyncadd.s32 $0xFFFFE000  }
0x63: {  	[spmem:s2] =	stream.indirect.scatter.add.f32 [tilespmem:s15], [sflag:$0x3], $0x20, s1, s14, $0xb8;
	[tilespmem:$0x1EF00] =	vst v63  }
0x64: {  	_ =	swait.ge [sflag:s18], $0x2000  }
0x65: {  	[sflag:s18] =	ssyncset.done $0x0  }
0x66: {  	[sflag:s18] =	ssyncadd.s32 $0xFFFFE000  }
0x67: {  	_ =	swait.ge [sflag:s19], $0x2000  }
0x68: {  	[sflag:s19] =	ssyncset.done $0x0  }
0x69: {  	s31 =	simm.s32 $0x800;
	[sflag:s19] =	ssyncadd.s32 $0xFFFFE000  }
0x6a: {  	[tilespmem:s15], [sflag:$0x1] =	stream.indirect.gather [hbm4b:s6+s14], $0x20, s31, s14, $0xb8;
	[tilespmem:$0x1EF00] =	vst v63  }
0x6b: {  	s1 =	simm.s32 $0x1B00  }
0x6c: {  	[spmem:s2] =	stream.indirect.scatter.add.f32 [tilespmem:s16], [sflag:$0x4], $0x20, s1, s14, $0xb8;
	[tilespmem:$0x1EF00] =	vst v63  }
0x6d: {  	_ =	swait.ge [sflag:s22], $0x2000  }
0x6e: {  	[sflag:s22] =	ssyncset.done $0x0  }
0x6f: {  	s31 =	simm.s32 $0x900;
	[sflag:s22] =	ssyncadd.s32 $0xFFFFE000  }
0x70: {  	[tilespmem:s16], [sflag:$0x2] =	stream.indirect.gather [hbm4b:s6+s14], $0x20, s31, s14, $0xb8;
	[tilespmem:$0x1EF00] =	vst v63  }
0x71: {  	_ =	swait.ge [sflag:s17], $0x2000  }
0x72: {  	[sflag:s17] =	ssyncset.done $0x0  }
0x73: {  	s1 =	simm.s32 $0x1C00;
	[sflag:s17] =	ssyncadd.s32 $0xFFFFE000  }
0x74: {  	[spmem:s2] =	stream.indirect.scatter.add.f32 [tilespmem:s15], [sflag:$0x3], $0x20, s1, s14, $0xb8;
	[tilespmem:$0x1EF00] =	vst v63  }
0x75: {  	_ =	swait.ge [sflag:s18], $0x2000  }
0x76: {  	[sflag:s18] =	ssyncset.done $0x0  }
0x77: {  	[sflag:s18] =	ssyncadd.s32 $0xFFFFE000  }
0x78: {  	_ =	swait.ge [sflag:s19], $0x2000  }
0x79: {  	[sflag:s19] =	ssyncset.done $0x0  }
0x7a: {  	s31 =	simm.s32 $0xA00;
	[sflag:s19] =	ssyncadd.s32 $0xFFFFE000  }
0x7b: {  	[tilespmem:s15], [sflag:$0x1] =	stream.indirect.gather [hbm4b:s6+s14], $0x20, s31, s14, $0xb8;
	[tilespmem:$0x1EF00] =	vst v63  }
0x7c: {  	s1 =	simm.s32 $0x1D00  }
0x7d: {  	[spmem:s2] =	stream.indirect.scatter.add.f32 [tilespmem:s16], [sflag:$0x4], $0x20, s1, s14, $0xb8;
	[tilespmem:$0x1EF00] =	vst v63  }
0x7e: {  	_ =	swait.ge [sflag:s22], $0x2000  }
0x7f: {  	[sflag:s22] =	ssyncset.done $0x0  }
0x80: {  	s31 =	simm.s32 $0xB00;
	[sflag:s22] =	ssyncadd.s32 $0xFFFFE000  }
0x81: {  	[tilespmem:s16], [sflag:$0x2] =	stream.indirect.gather [hbm4b:s6+s14], $0x20, s31, s14, $0xb8;
	[tilespmem:$0x1EF00] =	vst v63  }
0x82: {  	_ =	swait.ge [sflag:s17], $0x2000  }
0x83: {  	[sflag:s17] =	ssyncset.done $0x0  }
0x84: {  	s1 =	simm.s32 $0x1E00;
	[sflag:s17] =	ssyncadd.s32 $0xFFFFE000  }
0x85: {  	[spmem:s2] =	stream.indirect.scatter.add.f32 [tilespmem:s15], [sflag:$0x3], $0x20, s1, s14, $0xb8;
	[tilespmem:$0x1EF00] =	vst v63  }
0x86: {  	_ =	swait.ge [sflag:s18], $0x2000  }
0x87: {  	[sflag:s18] =	ssyncset.done $0x0  }
0x88: {  	[sflag:s18] =	ssyncadd.s32 $0xFFFFE000  }
0x89: {  	_ =	swait.ge [sflag:s19], $0x2000  }
0x8a: {  	[sflag:s19] =	ssyncset.done $0x0  }
0x8b: {  	s31 =	simm.s32 $0xC00;
	[sflag:s19] =	ssyncadd.s32 $0xFFFFE000  }
0x8c: {  	[tilespmem:s15], [sflag:$0x1] =	stream.indirect.gather [hbm4b:s6+s14], $0x20, s31, s14, $0xb8;
	[tilespmem:$0x1EF00] =	vst v63  }
0x8d: {  	s1 =	simm.s32 $0x1F00  }
0x8e: {  	[spmem:s2] =	stream.indirect.scatter.add.f32 [tilespmem:s16], [sflag:$0x4], $0x20, s1, s14, $0xb8;
	[tilespmem:$0x1EF00] =	vst v63  }
0x8f: {  	_ =	swait.ge [sflag:s22], $0x2000  }
0x90: {  	[sflag:s22] =	ssyncset.done $0x0  }
0x91: {  	s31 =	simm.s32 $0xD00;
	[sflag:s22] =	ssyncadd.s32 $0xFFFFE000  }
0x92: {  	[tilespmem:s16], [sflag:$0x2] =	stream.indirect.gather [hbm4b:s6+s14], $0x20, s31, s14, $0xb8;
	[tilespmem:$0x1EF00] =	vst v63  }
0x93: {  	_ =	swait.ge [sflag:s17], $0x2000  }
0x94: {  	[sflag:s17] =	ssyncset.done $0x0  }
0x95: {  	[sflag:s17] =	ssyncadd.s32 $0xFFFFE000  }
0x96: {  	[spmem:s2] =	stream.indirect.scatter.add.f32 [tilespmem:s15], [sflag:$0x3], $0x20, s26, s14, $0xb8;
	[tilespmem:$0x1EF00] =	vst v63  }
0x97: {  	_ =	swait.ge [sflag:s18], $0x2000  }
0x98: {  	[sflag:s18] =	ssyncset.done $0x0  }
0x99: {  	[sflag:s18] =	ssyncadd.s32 $0xFFFFE000  }
0x9a: {  	_ =	swait.ge [sflag:s19], $0x2000  }
0x9b: {  	[sflag:s19] =	ssyncset.done $0x0  }
0x9c: {  	[sflag:s19] =	ssyncadd.s32 $0xFFFFE000  }
0x9d: {  	[tilespmem:s15], [sflag:$0x1] =	stream.indirect.gather [hbm4b:s6+s14], $0x20, s28, s14, $0xb8;
	[tilespmem:$0x1EF00] =	vst v63  }
0x9e: {  	_ = 	snop  }
0x9f: {  	[spmem:s2] =	stream.indirect.scatter.add.f32 [tilespmem:s16], [sflag:$0x4], $0x20, s9, s14, $0xb8;
	[tilespmem:$0x1EF00] =	vst v63  }
0xa0: {  	_ =	swait.ge [sflag:s22], $0x2000  }
0xa1: {  	[sflag:s22] =	ssyncset.done $0x0  }
0xa2: {  	[sflag:s22] =	ssyncadd.s32 $0xFFFFE000  }
0xa3: {  	[tilespmem:s16], [sflag:$0x2] =	stream.indirect.gather [hbm4b:s6+s14], $0x20, s10, s14, $0xb8;
	[tilespmem:$0x1EF00] =	vst v63  }
0xa4: {  	_ =	swait.ge [sflag:s17], $0x2000  }
0xa5: {  	[sflag:s17] =	ssyncset.done $0x0  }
0xa6: {  	[sflag:s17] =	ssyncadd.s32 $0xFFFFE000  }
0xa7: {  	[spmem:s2] =	stream.indirect.scatter.add.f32 [tilespmem:s15], [sflag:$0x3], $0x20, s13, s14, $0xb8;
	[tilespmem:$0x1EF00] =	vst v63  }
0xa8: {  	_ =	swait.ge [sflag:s18], $0x2000  }
0xa9: {  	[sflag:s18] =	ssyncset.done $0x0  }
0xaa: {  	[sflag:s18] =	ssyncadd.s32 $0xFFFFE000  }
0xab: {  	_ =	swait.ge [sflag:s19], $0x2000  }
0xac: {  	[sflag:s19] =	ssyncset.done $0x0  }
0xad: {  	[sflag:s19] =	ssyncadd.s32 $0xFFFFE000  }
0xae: {  	[tilespmem:s15], [sflag:$0x1] =	stream.indirect.gather [hbm4b:s6+s14], $0x20, s8, s14, $0xb8;
	[tilespmem:$0x1EF00] =	vst v63  }
0xaf: {  	_ = 	snop  }
0xb0: {  	[spmem:s2] =	stream.indirect.scatter.add.f32 [tilespmem:s16], [sflag:$0x4], $0x20, s23, s14, $0xb8;
	[tilespmem:$0x1EF00] =	vst v63  }
0xb1: {  	_ =	swait.ge [sflag:s22], $0x2000  }
0xb2: {  	[sflag:s22] =	ssyncset.done $0x0  }
0xb3: {  	[sflag:s22] =	ssyncadd.s32 $0xFFFFE000  }
0xb4: {  	[tilespmem:s16], [sflag:$0x2] =	stream.indirect.gather [hbm4b:s6+s14], $0x20, s24, s14, $0xb8;
	[tilespmem:$0x1EF00] =	vst v63  }
0xb5: {  	_ =	swait.ge [sflag:s17], $0x2000  }
0xb6: {  	[sflag:s17] =	ssyncset.done $0x0  }
0xb7: {  	[sflag:s17] =	ssyncadd.s32 $0xFFFFE000  }
0xb8: {  	[spmem:s2] =	stream.indirect.scatter.add.f32 [tilespmem:s15], [sflag:$0x3], $0x20, s4, s14, $0xb8;
	[tilespmem:$0x1EF00] =	vst v63  }
0xb9: {  	_ =	swait.ge [sflag:s18], $0x2000  }
0xba: {  	[sflag:s18] =	ssyncset.done $0x0  }
0xbb: {  	[sflag:s18] =	ssyncadd.s32 $0xFFFFE000  }
0xbc: {  	_ =	swait.ge [sflag:s19], $0x2000  }
0xbd: {  	[sflag:s19] =	ssyncset.done $0x0  }
0xbe: {  	[sflag:s19] =	ssyncadd.s32 $0xFFFFE000  }
0xbf: {  	[tilespmem:s15], [sflag:$0x1] =	stream.indirect.gather [hbm4b:s6+s14], $0x20, s5, s14, $0xb8;
	[tilespmem:$0x1EF00] =	vst v63  }
0xc0: {  	_ = 	snop  }
0xc1: {  	[spmem:s2] =	stream.indirect.scatter.add.f32 [tilespmem:s16], [sflag:$0x4], $0x20, s11, s14, $0xb8;
	[tilespmem:$0x1EF00] =	vst v63  }
0xc2: {  	_ =	swait.ge [sflag:s22], $0x2000  }
0xc3: {  	[sflag:s22] =	ssyncset.done $0x0  }
0xc4: {  	[sflag:s22] =	ssyncadd.s32 $0xFFFFE000  }
0xc5: {  	[tilespmem:s16], [sflag:$0x2] =	stream.indirect.gather [hbm4b:s6+s14], $0x20, s20, s14, $0xb8;
	[tilespmem:$0x1EF00] =	vst v63  }
0xc6: {  	_ =	swait.ge [sflag:s17], $0x2000  }
0xc7: {  	[sflag:s17] =	ssyncset.done $0x0  }
0xc8: {  	[sflag:s17] =	ssyncadd.s32 $0xFFFFE000  }
0xc9: {  	[spmem:s2] =	stream.indirect.scatter.add.f32 [tilespmem:s15], [sflag:$0x3], $0x20, s21, s14, $0xb8;
	[tilespmem:$0x1EF00] =	vst v63  }
0xca: {  	_ =	swait.ge [sflag:s18], $0x2000  }
0xcb: {  	[sflag:s18] =	ssyncset.done $0x0  }
0xcc: {  	[sflag:s18] =	ssyncadd.s32 $0xFFFFE000  }
0xcd: {  	_ =	swait.ge [sflag:s19], $0x2000  }
0xce: {  	[sflag:s19] =	ssyncset.done $0x0  }
0xcf: {  	[sflag:s19] =	ssyncadd.s32 $0xFFFFE000  }
0xd0: {  	[spmem:s2] =	stream.indirect.scatter.add.f32 [tilespmem:s16], [sflag:$0x4], $0x20, s25, s14, $0xb8;
	[tilespmem:$0x1EF00] =	vst v63  }
0xd1: {  	_ =	swait.ge [sflag:s22], $0x2000  }
0xd2: {  	s30 =	simm.s32 $0x500;
	s29 =	simm.s32 $0x280;
	[sflag:s22] =	ssyncset.done $0x0  }
.LBB2_2:
0xd3: {  	s0 =	rddreg [dreg:$0x4]  }
0xd4: {  	[sflag:s22] =	ssyncadd.s32 $0xFFFFE000;
	s0 =	sadd.s32 s29, s0  }
0xd5: {  	[tilespmem:s3], [sflag:$0x5] =	stream.linear.gather [hbm4b:s0+s3], $0x1400, $0x38;
	[tilespmem:$0x1EF00] =	vst v63  }
0xd6: {  	_ =	swait.ge [sflag:s12], $0x1400  }
0xd7: {  	[sflag:s12] =	ssyncset.done $0x0  }
0xd8: {  	s1 =	smov.u32 s30;
	s0 =	rddreg [dreg:$0x3];
	[sflag:s12] =	ssyncadd.s32 $0xFFFFEC00  }
0xd9: {  	s0 =	sadd.s32 s29, s0;
	s29 =	smov.u32 s1;
	s1 =	simm.s32 $0x1400  }
0xda: {  	[tilespmem:s1], [sflag:$0x5] =	stream.linear.gather [hbm4b:s0+s3], $0x1400, $0x38;
	[tilespmem:$0x1EF00] =	vst v63  }
0xdb: {  	_ =	swait.ge [sflag:s12], $0x1400  }
0xdc: {  	[sflag:s12] =	ssyncset.done $0x0  }
0xdd: {  	[sflag:s12] =	ssyncadd.s32 $0xFFFFEC00  }
0xde: {  	[tilespmem:s15], [sflag:$0x1] =	stream.indirect.gather [hbm4b:s6+s14], $0x20, s3, s14, $0xb8;
	[tilespmem:$0x1EF00] =	vst v63  }
0xdf: {  	_ = 	snop  }
0xe0: {  	[tilespmem:s16], [sflag:$0x2] =	stream.indirect.gather [hbm4b:s6+s14], $0x20, s14, s14, $0xb8;
	[tilespmem:$0x1EF00] =	vst v63  }
0xe1: {  	_ =	swait.ge [sflag:s17], $0x2000  }
0xe2: {  	[sflag:s17] =	ssyncset.done $0x0  }
0xe3: {  	[sflag:s17] =	ssyncadd.s32 $0xFFFFE000  }
0xe4: {  	[spmem:s2] =	stream.indirect.scatter.add.f32 [tilespmem:s15], [sflag:$0x3], $0x20, s1, s14, $0xb8;
	[tilespmem:$0x1EF00] =	vst v63  }
0xe5: {  	_ =	swait.ge [sflag:s18], $0x2000  }
0xe6: {  	[sflag:s18] =	ssyncset.done $0x0  }
0xe7: {  	[sflag:s18] =	ssyncadd.s32 $0xFFFFE000  }
0xe8: {  	_ =	swait.ge [sflag:s19], $0x2000  }
0xe9: {  	[sflag:s19] =	ssyncset.done $0x0  }
0xea: {  	s1 =	simm.s32 $0x200;
	[sflag:s19] =	ssyncadd.s32 $0xFFFFE000  }
0xeb: {  	[tilespmem:s15], [sflag:$0x1] =	stream.indirect.gather [hbm4b:s6+s14], $0x20, s1, s14, $0xb8;
	[tilespmem:$0x1EF00] =	vst v63  }
0xec: {  	s1 =	simm.s32 $0x1500  }
0xed: {  	[spmem:s2] =	stream.indirect.scatter.add.f32 [tilespmem:s16], [sflag:$0x4], $0x20, s1, s14, $0xb8;
	[tilespmem:$0x1EF00] =	vst v63  }
0xee: {  	_ =	swait.ge [sflag:s22], $0x2000  }
0xef: {  	[sflag:s22] =	ssyncset.done $0x0  }
0xf0: {  	s1 =	simm.s32 $0x300;
	[sflag:s22] =	ssyncadd.s32 $0xFFFFE000  }
0xf1: {  	[tilespmem:s16], [sflag:$0x2] =	stream.indirect.gather [hbm4b:s6+s14], $0x20, s1, s14, $0xb8;
	[tilespmem:$0x1EF00] =	vst v63  }
0xf2: {  	_ =	swait.ge [sflag:s17], $0x2000  }
0xf3: {  	[sflag:s17] =	ssyncset.done $0x0  }
0xf4: {  	s1 =	simm.s32 $0x1600;
	[sflag:s17] =	ssyncadd.s32 $0xFFFFE000  }
0xf5: {  	[spmem:s2] =	stream.indirect.scatter.add.f32 [tilespmem:s15], [sflag:$0x3], $0x20, s1, s14, $0xb8;
	[tilespmem:$0x1EF00] =	vst v63  }
0xf6: {  	_ =	swait.ge [sflag:s18], $0x2000  }
0xf7: {  	[sflag:s18] =	ssyncset.done $0x0  }
0xf8: {  	[sflag:s18] =	ssyncadd.s32 $0xFFFFE000  }
0xf9: {  	_ =	swait.ge [sflag:s19], $0x2000  }
0xfa: {  	[sflag:s19] =	ssyncset.done $0x0  }
0xfb: {  	s1 =	simm.s32 $0x400;
	[sflag:s19] =	ssyncadd.s32 $0xFFFFE000  }
0xfc: {  	[tilespmem:s15], [sflag:$0x1] =	stream.indirect.gather [hbm4b:s6+s14], $0x20, s1, s14, $0xb8;
	[tilespmem:$0x1EF00] =	vst v63  }
0xfd: {  	s1 =	simm.s32 $0x1700  }
0xfe: {  	[spmem:s2] =	stream.indirect.scatter.add.f32 [tilespmem:s16], [sflag:$0x4], $0x20, s1, s14, $0xb8;
	[tilespmem:$0x1EF00] =	vst v63  }
0xff: {  	_ =	swait.ge [sflag:s22], $0x2000  }
0x100: {  	[sflag:s22] =	ssyncset.done $0x0  }
0x101: {  	s1 =	simm.s32 $0x500;
	[sflag:s22] =	ssyncadd.s32 $0xFFFFE000  }
0x102: {  	[tilespmem:s16], [sflag:$0x2] =	stream.indirect.gather [hbm4b:s6+s14], $0x20, s1, s14, $0xb8;
	[tilespmem:$0x1EF00] =	vst v63  }
0x103: {  	_ =	swait.ge [sflag:s17], $0x2000  }
0x104: {  	[sflag:s17] =	ssyncset.done $0x0  }
0x105: {  	s1 =	simm.s32 $0x1800;
	[sflag:s17] =	ssyncadd.s32 $0xFFFFE000  }
0x106: {  	[spmem:s2] =	stream.indirect.scatter.add.f32 [tilespmem:s15], [sflag:$0x3], $0x20, s1, s14, $0xb8;
	[tilespmem:$0x1EF00] =	vst v63  }
0x107: {  	_ =	swait.ge [sflag:s18], $0x2000  }
0x108: {  	[sflag:s18] =	ssyncset.done $0x0  }
0x109: {  	[sflag:s18] =	ssyncadd.s32 $0xFFFFE000  }
0x10a: {  	_ =	swait.ge [sflag:s19], $0x2000  }
0x10b: {  	[sflag:s19] =	ssyncset.done $0x0  }
0x10c: {  	s1 =	simm.s32 $0x600;
	[sflag:s19] =	ssyncadd.s32 $0xFFFFE000  }
0x10d: {  	[tilespmem:s15], [sflag:$0x1] =	stream.indirect.gather [hbm4b:s6+s14], $0x20, s1, s14, $0xb8;
	[tilespmem:$0x1EF00] =	vst v63  }
0x10e: {  	s1 =	simm.s32 $0x1900  }
0x10f: {  	[spmem:s2] =	stream.indirect.scatter.add.f32 [tilespmem:s16], [sflag:$0x4], $0x20, s1, s14, $0xb8;
	[tilespmem:$0x1EF00] =	vst v63  }
0x110: {  	_ =	swait.ge [sflag:s22], $0x2000  }
0x111: {  	[sflag:s22] =	ssyncset.done $0x0  }
0x112: {  	s1 =	simm.s32 $0x700;
	[sflag:s22] =	ssyncadd.s32 $0xFFFFE000  }
0x113: {  	[tilespmem:s16], [sflag:$0x2] =	stream.indirect.gather [hbm4b:s6+s14], $0x20, s1, s14, $0xb8;
	[tilespmem:$0x1EF00] =	vst v63  }
0x114: {  	_ =	swait.ge [sflag:s17], $0x2000  }
0x115: {  	[sflag:s17] =	ssyncset.done $0x0  }
0x116: {  	s1 =	simm.s32 $0x1A00;
	[sflag:s17] =	ssyncadd.s32 $0xFFFFE000  }
0x117: {  	[spmem:s2] =	stream.indirect.scatter.add.f32 [tilespmem:s15], [sflag:$0x3], $0x20, s1, s14, $0xb8;
	[tilespmem:$0x1EF00] =	vst v63  }
0x118: {  	_ =	swait.ge [sflag:s18], $0x2000  }
0x119: {  	[sflag:s18] =	ssyncset.done $0x0  }
0x11a: {  	[sflag:s18] =	ssyncadd.s32 $0xFFFFE000  }
0x11b: {  	_ =	swait.ge [sflag:s19], $0x2000  }
0x11c: {  	[sflag:s19] =	ssyncset.done $0x0  }
0x11d: {  	s1 =	simm.s32 $0x800;
	[sflag:s19] =	ssyncadd.s32 $0xFFFFE000  }
0x11e: {  	[tilespmem:s15], [sflag:$0x1] =	stream.indirect.gather [hbm4b:s6+s14], $0x20, s1, s14, $0xb8;
	[tilespmem:$0x1EF00] =	vst v63  }
0x11f: {  	s1 =	simm.s32 $0x1B00  }
0x120: {  	[spmem:s2] =	stream.indirect.scatter.add.f32 [tilespmem:s16], [sflag:$0x4], $0x20, s1, s14, $0xb8;
	[tilespmem:$0x1EF00] =	vst v63  }
0x121: {  	_ =	swait.ge [sflag:s22], $0x2000  }
0x122: {  	[sflag:s22] =	ssyncset.done $0x0  }
0x123: {  	s1 =	simm.s32 $0x900;
	[sflag:s22] =	ssyncadd.s32 $0xFFFFE000  }
0x124: {  	[tilespmem:s16], [sflag:$0x2] =	stream.indirect.gather [hbm4b:s6+s14], $0x20, s1, s14, $0xb8;
	[tilespmem:$0x1EF00] =	vst v63  }
0x125: {  	_ =	swait.ge [sflag:s17], $0x2000  }
0x126: {  	[sflag:s17] =	ssyncset.done $0x0  }
0x127: {  	s1 =	simm.s32 $0x1C00;
	[sflag:s17] =	ssyncadd.s32 $0xFFFFE000  }
0x128: {  	[spmem:s2] =	stream.indirect.scatter.add.f32 [tilespmem:s15], [sflag:$0x3], $0x20, s1, s14, $0xb8;
	[tilespmem:$0x1EF00] =	vst v63  }
0x129: {  	_ =	swait.ge [sflag:s18], $0x2000  }
0x12a: {  	[sflag:s18] =	ssyncset.done $0x0  }
0x12b: {  	[sflag:s18] =	ssyncadd.s32 $0xFFFFE000  }
0x12c: {  	_ =	swait.ge [sflag:s19], $0x2000  }
0x12d: {  	[sflag:s19] =	ssyncset.done $0x0  }
0x12e: {  	s1 =	simm.s32 $0xA00;
	[sflag:s19] =	ssyncadd.s32 $0xFFFFE000  }
0x12f: {  	[tilespmem:s15], [sflag:$0x1] =	stream.indirect.gather [hbm4b:s6+s14], $0x20, s1, s14, $0xb8;
	[tilespmem:$0x1EF00] =	vst v63  }
0x130: {  	s1 =	simm.s32 $0x1D00  }
0x131: {  	[spmem:s2] =	stream.indirect.scatter.add.f32 [tilespmem:s16], [sflag:$0x4], $0x20, s1, s14, $0xb8;
	[tilespmem:$0x1EF00] =	vst v63  }
0x132: {  	_ =	swait.ge [sflag:s22], $0x2000  }
0x133: {  	[sflag:s22] =	ssyncset.done $0x0  }
0x134: {  	s1 =	simm.s32 $0xB00;
	[sflag:s22] =	ssyncadd.s32 $0xFFFFE000  }
0x135: {  	[tilespmem:s16], [sflag:$0x2] =	stream.indirect.gather [hbm4b:s6+s14], $0x20, s1, s14, $0xb8;
	[tilespmem:$0x1EF00] =	vst v63  }
0x136: {  	_ =	swait.ge [sflag:s17], $0x2000  }
0x137: {  	[sflag:s17] =	ssyncset.done $0x0  }
0x138: {  	s1 =	simm.s32 $0x1E00;
	[sflag:s17] =	ssyncadd.s32 $0xFFFFE000  }
0x139: {  	[spmem:s2] =	stream.indirect.scatter.add.f32 [tilespmem:s15], [sflag:$0x3], $0x20, s1, s14, $0xb8;
	[tilespmem:$0x1EF00] =	vst v63  }
0x13a: {  	_ =	swait.ge [sflag:s18], $0x2000  }
0x13b: {  	[sflag:s18] =	ssyncset.done $0x0  }
0x13c: {  	[sflag:s18] =	ssyncadd.s32 $0xFFFFE000  }
0x13d: {  	_ =	swait.ge [sflag:s19], $0x2000  }
0x13e: {  	[sflag:s19] =	ssyncset.done $0x0  }
0x13f: {  	s1 =	simm.s32 $0xC00;
	[sflag:s19] =	ssyncadd.s32 $0xFFFFE000  }
0x140: {  	[tilespmem:s15], [sflag:$0x1] =	stream.indirect.gather [hbm4b:s6+s14], $0x20, s1, s14, $0xb8;
	[tilespmem:$0x1EF00] =	vst v63  }
0x141: {  	s1 =	simm.s32 $0x1F00  }
0x142: {  	[spmem:s2] =	stream.indirect.scatter.add.f32 [tilespmem:s16], [sflag:$0x4], $0x20, s1, s14, $0xb8;
	[tilespmem:$0x1EF00] =	vst v63  }
0x143: {  	_ =	swait.ge [sflag:s22], $0x2000  }
0x144: {  	[sflag:s22] =	ssyncset.done $0x0  }
0x145: {  	s1 =	simm.s32 $0xD00;
	[sflag:s22] =	ssyncadd.s32 $0xFFFFE000  }
0x146: {  	[tilespmem:s16], [sflag:$0x2] =	stream.indirect.gather [hbm4b:s6+s14], $0x20, s1, s14, $0xb8;
	[tilespmem:$0x1EF00] =	vst v63  }
0x147: {  	_ =	swait.ge [sflag:s17], $0x2000  }
0x148: {  	[sflag:s17] =	ssyncset.done $0x0  }
0x149: {  	[sflag:s17] =	ssyncadd.s32 $0xFFFFE000  }
0x14a: {  	[spmem:s2] =	stream.indirect.scatter.add.f32 [tilespmem:s15], [sflag:$0x3], $0x20, s26, s14, $0xb8;
	[tilespmem:$0x1EF00] =	vst v63  }
0x14b: {  	_ =	swait.ge [sflag:s18], $0x2000  }
0x14c: {  	[sflag:s18] =	ssyncset.done $0x0  }
0x14d: {  	[sflag:s18] =	ssyncadd.s32 $0xFFFFE000  }
0x14e: {  	_ =	swait.ge [sflag:s19], $0x2000  }
0x14f: {  	[sflag:s19] =	ssyncset.done $0x0  }
0x150: {  	[sflag:s19] =	ssyncadd.s32 $0xFFFFE000  }
0x151: {  	[tilespmem:s15], [sflag:$0x1] =	stream.indirect.gather [hbm4b:s6+s14], $0x20, s28, s14, $0xb8;
	[tilespmem:$0x1EF00] =	vst v63  }
0x152: {  	_ = 	snop  }
0x153: {  	[spmem:s2] =	stream.indirect.scatter.add.f32 [tilespmem:s16], [sflag:$0x4], $0x20, s9, s14, $0xb8;
	[tilespmem:$0x1EF00] =	vst v63  }
0x154: {  	_ =	swait.ge [sflag:s22], $0x2000  }
0x155: {  	[sflag:s22] =	ssyncset.done $0x0  }
0x156: {  	[sflag:s22] =	ssyncadd.s32 $0xFFFFE000  }
0x157: {  	[tilespmem:s16], [sflag:$0x2] =	stream.indirect.gather [hbm4b:s6+s14], $0x20, s10, s14, $0xb8;
	[tilespmem:$0x1EF00] =	vst v63  }
0x158: {  	_ =	swait.ge [sflag:s17], $0x2000  }
0x159: {  	[sflag:s17] =	ssyncset.done $0x0  }
0x15a: {  	[sflag:s17] =	ssyncadd.s32 $0xFFFFE000  }
0x15b: {  	[spmem:s2] =	stream.indirect.scatter.add.f32 [tilespmem:s15], [sflag:$0x3], $0x20, s13, s14, $0xb8;
	[tilespmem:$0x1EF00] =	vst v63  }
0x15c: {  	_ =	swait.ge [sflag:s18], $0x2000  }
0x15d: {  	[sflag:s18] =	ssyncset.done $0x0  }
0x15e: {  	[sflag:s18] =	ssyncadd.s32 $0xFFFFE000  }
0x15f: {  	_ =	swait.ge [sflag:s19], $0x2000  }
0x160: {  	[sflag:s19] =	ssyncset.done $0x0  }
0x161: {  	[sflag:s19] =	ssyncadd.s32 $0xFFFFE000  }
0x162: {  	[tilespmem:s15], [sflag:$0x1] =	stream.indirect.gather [hbm4b:s6+s14], $0x20, s8, s14, $0xb8;
	[tilespmem:$0x1EF00] =	vst v63  }
0x163: {  	_ = 	snop  }
0x164: {  	[spmem:s2] =	stream.indirect.scatter.add.f32 [tilespmem:s16], [sflag:$0x4], $0x20, s23, s14, $0xb8;
	[tilespmem:$0x1EF00] =	vst v63  }
0x165: {  	_ =	swait.ge [sflag:s22], $0x2000  }
0x166: {  	[sflag:s22] =	ssyncset.done $0x0  }
0x167: {  	[sflag:s22] =	ssyncadd.s32 $0xFFFFE000  }
0x168: {  	[tilespmem:s16], [sflag:$0x2] =	stream.indirect.gather [hbm4b:s6+s14], $0x20, s24, s14, $0xb8;
	[tilespmem:$0x1EF00] =	vst v63  }
0x169: {  	_ =	swait.ge [sflag:s17], $0x2000  }
0x16a: {  	[sflag:s17] =	ssyncset.done $0x0  }
0x16b: {  	[sflag:s17] =	ssyncadd.s32 $0xFFFFE000  }
0x16c: {  	[spmem:s2] =	stream.indirect.scatter.add.f32 [tilespmem:s15], [sflag:$0x3], $0x20, s4, s14, $0xb8;
	[tilespmem:$0x1EF00] =	vst v63  }
0x16d: {  	_ =	swait.ge [sflag:s18], $0x2000  }
0x16e: {  	[sflag:s18] =	ssyncset.done $0x0  }
0x16f: {  	[sflag:s18] =	ssyncadd.s32 $0xFFFFE000  }
0x170: {  	_ =	swait.ge [sflag:s19], $0x2000  }
0x171: {  	[sflag:s19] =	ssyncset.done $0x0  }
0x172: {  	[sflag:s19] =	ssyncadd.s32 $0xFFFFE000  }
0x173: {  	[tilespmem:s15], [sflag:$0x1] =	stream.indirect.gather [hbm4b:s6+s14], $0x20, s5, s14, $0xb8;
	[tilespmem:$0x1EF00] =	vst v63  }
0x174: {  	_ = 	snop  }
0x175: {  	[spmem:s2] =	stream.indirect.scatter.add.f32 [tilespmem:s16], [sflag:$0x4], $0x20, s11, s14, $0xb8;
	[tilespmem:$0x1EF00] =	vst v63  }
0x176: {  	_ =	swait.ge [sflag:s22], $0x2000  }
0x177: {  	[sflag:s22] =	ssyncset.done $0x0  }
0x178: {  	[sflag:s22] =	ssyncadd.s32 $0xFFFFE000  }
0x179: {  	[tilespmem:s16], [sflag:$0x2] =	stream.indirect.gather [hbm4b:s6+s14], $0x20, s20, s14, $0xb8;
	[tilespmem:$0x1EF00] =	vst v63  }
0x17a: {  	_ =	swait.ge [sflag:s17], $0x2000  }
0x17b: {  	[sflag:s17] =	ssyncset.done $0x0  }
0x17c: {  	[sflag:s17] =	ssyncadd.s32 $0xFFFFE000  }
0x17d: {  	[spmem:s2] =	stream.indirect.scatter.add.f32 [tilespmem:s15], [sflag:$0x3], $0x20, s21, s14, $0xb8;
	[tilespmem:$0x1EF00] =	vst v63  }
0x17e: {  	_ =	swait.ge [sflag:s18], $0x2000  }
0x17f: {  	[sflag:s18] =	ssyncset.done $0x0  }
0x180: {  	[sflag:s18] =	ssyncadd.s32 $0xFFFFE000  }
0x181: {  	p0 =	sne.s32 s30, $0x1680;
	_ =	swait.ge [sflag:s19], $0x2000  }
.Ltmp0:
0x182: {  	[sflag:s19] =	ssyncset.done $0x0;
	(pc) =	sbr.rel @p0 .LBB2_2-.Ltmp0, $4  }
0x183: {  	[sflag:s19] =	ssyncadd.s32 $0xFFFFE000  }
0x184: {  	[spmem:s2] =	stream.indirect.scatter.add.f32 [tilespmem:s16], [sflag:$0x4], $0x20, s25, s14, $0xb8;
	[tilespmem:$0x1EF00] =	vst v63  }
0x185: {  	s31 =	sadd.s32 $0x280, s30;
	_ =	swait.ge [sflag:s22], $0x2000  }
0x186: {  	s30 =	smov.u32 s31;
	[sflag:s22] =	ssyncset.done $0x0  }
0x187: {  	s5 =	rddreg [dreg:$0x4]  }
0x188: {  	[sflag:s22] =	ssyncadd.s32 $0xFFFFE000;
	s0 =	sadd.s32 s29, s5  }
0x189: {  	[tilespmem:s3], [sflag:$0x5] =	stream.linear.gather [hbm4b:s0+s3], $0x1400, $0x38;
	[tilespmem:$0x1EF00] =	vst v63  }
0x18a: {  	_ =	swait.ge [sflag:s12], $0x1400  }
0x18b: {  	[sflag:s12] =	ssyncset.done $0x0;
	s4 =	rddreg [dreg:$0x3]  }
0x18c: {  	s8 =	simm.s32 $0x1400;
	[sflag:s12] =	ssyncadd.s32 $0xFFFFEC00;
	s30 =	sadd.s32 s29, s4  }
0x18d: {  	[tilespmem:s8], [sflag:$0x5] =	stream.linear.gather [hbm4b:s30+s3], $0x1400, $0x38;
	[tilespmem:$0x1EF00] =	vst v63  }
0x18e: {  	_ =	swait.ge [sflag:s12], $0x1400  }
0x18f: {  	[sflag:s12] =	ssyncset.done $0x0  }
0x190: {  	[sflag:s12] =	ssyncadd.s32 $0xFFFFEC00  }
0x191: {  	[tilespmem:s15], [sflag:$0x1] =	stream.indirect.gather [hbm4b:s6+s14], $0x20, s3, s14, $0xb8;
	[tilespmem:$0x1EF00] =	vst v63  }
0x192: {  	_ = 	snop  }
0x193: {  	[tilespmem:s16], [sflag:$0x2] =	stream.indirect.gather [hbm4b:s6+s14], $0x20, s14, s14, $0xb8;
	[tilespmem:$0x1EF00] =	vst v63  }
0x194: {  	_ =	swait.ge [sflag:s17], $0x2000  }
0x195: {  	[sflag:s17] =	ssyncset.done $0x0  }
0x196: {  	[sflag:s17] =	ssyncadd.s32 $0xFFFFE000  }
0x197: {  	[spmem:s2] =	stream.indirect.scatter.add.f32 [tilespmem:s15], [sflag:$0x3], $0x20, s8, s14, $0xb8;
	[tilespmem:$0x1EF00] =	vst v63  }
0x198: {  	_ =	swait.ge [sflag:s18], $0x2000  }
0x199: {  	[sflag:s18] =	ssyncset.done $0x0  }
0x19a: {  	[sflag:s18] =	ssyncadd.s32 $0xFFFFE000  }
0x19b: {  	_ =	swait.ge [sflag:s19], $0x2000  }
0x19c: {  	[sflag:s19] =	ssyncset.done $0x0  }
0x19d: {  	s30 =	simm.s32 $0x200;
	[sflag:s19] =	ssyncadd.s32 $0xFFFFE000  }
0x19e: {  	[tilespmem:s15], [sflag:$0x1] =	stream.indirect.gather [hbm4b:s6+s14], $0x20, s30, s14, $0xb8;
	[tilespmem:$0x1EF00] =	vst v63  }
0x19f: {  	s31 =	simm.s32 $0x1500  }
0x1a0: {  	[spmem:s2] =	stream.indirect.scatter.add.f32 [tilespmem:s16], [sflag:$0x4], $0x20, s31, s14, $0xb8;
	[tilespmem:$0x1EF00] =	vst v63  }
0x1a1: {  	_ =	swait.ge [sflag:s22], $0x2000  }
0x1a2: {  	[sflag:s22] =	ssyncset.done $0x0  }
0x1a3: {  	s9 =	simm.s32 $0x300;
	[sflag:s22] =	ssyncadd.s32 $0xFFFFE000  }
0x1a4: {  	[tilespmem:s16], [sflag:$0x2] =	stream.indirect.gather [hbm4b:s6+s14], $0x20, s9, s14, $0xb8;
	[tilespmem:$0x1EF00] =	vst v63  }
0x1a5: {  	_ =	swait.ge [sflag:s17], $0x2000  }
0x1a6: {  	[sflag:s17] =	ssyncset.done $0x0  }
0x1a7: {  	s10 =	simm.s32 $0x1600;
	[sflag:s17] =	ssyncadd.s32 $0xFFFFE000  }
0x1a8: {  	[spmem:s2] =	stream.indirect.scatter.add.f32 [tilespmem:s15], [sflag:$0x3], $0x20, s10, s14, $0xb8;
	[tilespmem:$0x1EF00] =	vst v63  }
0x1a9: {  	_ =	swait.ge [sflag:s18], $0x2000  }
0x1aa: {  	[sflag:s18] =	ssyncset.done $0x0  }
0x1ab: {  	[sflag:s18] =	ssyncadd.s32 $0xFFFFE000  }
0x1ac: {  	_ =	swait.ge [sflag:s19], $0x2000  }
0x1ad: {  	[sflag:s19] =	ssyncset.done $0x0  }
0x1ae: {  	s11 =	simm.s32 $0x400;
	[sflag:s19] =	ssyncadd.s32 $0xFFFFE000  }
0x1af: {  	[tilespmem:s15], [sflag:$0x1] =	stream.indirect.gather [hbm4b:s6+s14], $0x20, s11, s14, $0xb8;
	[tilespmem:$0x1EF00] =	vst v63  }
0x1b0: {  	s13 =	simm.s32 $0x1700  }
0x1b1: {  	[spmem:s2] =	stream.indirect.scatter.add.f32 [tilespmem:s16], [sflag:$0x4], $0x20, s13, s14, $0xb8;
	[tilespmem:$0x1EF00] =	vst v63  }
0x1b2: {  	_ =	swait.ge [sflag:s22], $0x2000  }
0x1b3: {  	[sflag:s22] =	ssyncset.done $0x0  }
0x1b4: {  	s20 =	simm.s32 $0x500;
	[sflag:s22] =	ssyncadd.s32 $0xFFFFE000  }
0x1b5: {  	[tilespmem:s16], [sflag:$0x2] =	stream.indirect.gather [hbm4b:s6+s14], $0x20, s20, s14, $0xb8;
	[tilespmem:$0x1EF00] =	vst v63  }
0x1b6: {  	_ =	swait.ge [sflag:s17], $0x2000  }
0x1b7: {  	[sflag:s17] =	ssyncset.done $0x0  }
0x1b8: {  	s21 =	simm.s32 $0x1800;
	[sflag:s17] =	ssyncadd.s32 $0xFFFFE000  }
0x1b9: {  	[spmem:s2] =	stream.indirect.scatter.add.f32 [tilespmem:s15], [sflag:$0x3], $0x20, s21, s14, $0xb8;
	[tilespmem:$0x1EF00] =	vst v63  }
0x1ba: {  	_ =	swait.ge [sflag:s18], $0x2000  }
0x1bb: {  	[sflag:s18] =	ssyncset.done $0x0  }
0x1bc: {  	[sflag:s18] =	ssyncadd.s32 $0xFFFFE000  }
0x1bd: {  	_ =	swait.ge [sflag:s19], $0x2000  }
0x1be: {  	[sflag:s19] =	ssyncset.done $0x0  }
0x1bf: {  	s23 =	simm.s32 $0x600;
	[sflag:s19] =	ssyncadd.s32 $0xFFFFE000  }
0x1c0: {  	[tilespmem:s15], [sflag:$0x1] =	stream.indirect.gather [hbm4b:s6+s14], $0x20, s23, s14, $0xb8;
	[tilespmem:$0x1EF00] =	vst v63  }
0x1c1: {  	s24 =	simm.s32 $0x1900  }
0x1c2: {  	[spmem:s2] =	stream.indirect.scatter.add.f32 [tilespmem:s16], [sflag:$0x4], $0x20, s24, s14, $0xb8;
	[tilespmem:$0x1EF00] =	vst v63  }
0x1c3: {  	_ =	swait.ge [sflag:s22], $0x2000  }
0x1c4: {  	[sflag:s22] =	ssyncset.done $0x0  }
0x1c5: {  	s25 =	simm.s32 $0x700;
	[sflag:s22] =	ssyncadd.s32 $0xFFFFE000  }
0x1c6: {  	[tilespmem:s16], [sflag:$0x2] =	stream.indirect.gather [hbm4b:s6+s14], $0x20, s25, s14, $0xb8;
	[tilespmem:$0x1EF00] =	vst v63  }
0x1c7: {  	_ =	swait.ge [sflag:s17], $0x2000  }
0x1c8: {  	[sflag:s17] =	ssyncset.done $0x0  }
0x1c9: {  	s26 =	simm.s32 $0x1A00;
	[sflag:s17] =	ssyncadd.s32 $0xFFFFE000  }
0x1ca: {  	[spmem:s2] =	stream.indirect.scatter.add.f32 [tilespmem:s15], [sflag:$0x3], $0x20, s26, s14, $0xb8;
	[tilespmem:$0x1EF00] =	vst v63  }
0x1cb: {  	_ =	swait.ge [sflag:s18], $0x2000  }
0x1cc: {  	[sflag:s18] =	ssyncset.done $0x0  }
0x1cd: {  	[sflag:s18] =	ssyncadd.s32 $0xFFFFE000  }
0x1ce: {  	_ =	swait.ge [sflag:s19], $0x2000  }
0x1cf: {  	[sflag:s19] =	ssyncset.done $0x0  }
0x1d0: {  	s28 =	simm.s32 $0x800;
	[sflag:s19] =	ssyncadd.s32 $0xFFFFE000  }
0x1d1: {  	[tilespmem:s15], [sflag:$0x1] =	stream.indirect.gather [hbm4b:s6+s14], $0x20, s28, s14, $0xb8;
	[tilespmem:$0x1EF00] =	vst v63  }
0x1d2: {  	s1 =	simm.s32 $0x1B00  }
0x1d3: {  	[spmem:s2] =	stream.indirect.scatter.add.f32 [tilespmem:s16], [sflag:$0x4], $0x20, s1, s14, $0xb8;
	[tilespmem:$0x1EF00] =	vst v63  }
0x1d4: {  	_ =	swait.ge [sflag:s22], $0x2000  }
0x1d5: {  	[sflag:s22] =	ssyncset.done $0x0  }
0x1d6: {  	s1 =	simm.s32 $0x900;
	[sflag:s22] =	ssyncadd.s32 $0xFFFFE000  }
0x1d7: {  	[tilespmem:s16], [sflag:$0x2] =	stream.indirect.gather [hbm4b:s6+s14], $0x20, s1, s14, $0xb8;
	[tilespmem:$0x1EF00] =	vst v63  }
0x1d8: {  	_ =	swait.ge [sflag:s17], $0x2000  }
0x1d9: {  	[sflag:s17] =	ssyncset.done $0x0  }
0x1da: {  	s1 =	simm.s32 $0x1C00;
	[sflag:s17] =	ssyncadd.s32 $0xFFFFE000  }
0x1db: {  	[spmem:s2] =	stream.indirect.scatter.add.f32 [tilespmem:s15], [sflag:$0x3], $0x20, s1, s14, $0xb8;
	[tilespmem:$0x1EF00] =	vst v63  }
0x1dc: {  	_ =	swait.ge [sflag:s18], $0x2000  }
0x1dd: {  	[sflag:s18] =	ssyncset.done $0x0  }
0x1de: {  	[sflag:s18] =	ssyncadd.s32 $0xFFFFE000  }
0x1df: {  	_ =	swait.ge [sflag:s19], $0x2000  }
0x1e0: {  	[sflag:s19] =	ssyncset.done $0x0  }
0x1e1: {  	s1 =	simm.s32 $0xA00;
	[sflag:s19] =	ssyncadd.s32 $0xFFFFE000  }
0x1e2: {  	[tilespmem:s15], [sflag:$0x1] =	stream.indirect.gather [hbm4b:s6+s14], $0x20, s1, s14, $0xb8;
	[tilespmem:$0x1EF00] =	vst v63  }
0x1e3: {  	s1 =	simm.s32 $0x1D00  }
0x1e4: {  	[spmem:s2] =	stream.indirect.scatter.add.f32 [tilespmem:s16], [sflag:$0x4], $0x20, s1, s14, $0xb8;
	[tilespmem:$0x1EF00] =	vst v63  }
0x1e5: {  	_ =	swait.ge [sflag:s22], $0x2000  }
0x1e6: {  	[sflag:s22] =	ssyncset.done $0x0  }
0x1e7: {  	s1 =	simm.s32 $0xB00;
	[sflag:s22] =	ssyncadd.s32 $0xFFFFE000  }
0x1e8: {  	[tilespmem:s16], [sflag:$0x2] =	stream.indirect.gather [hbm4b:s6+s14], $0x20, s1, s14, $0xb8;
	[tilespmem:$0x1EF00] =	vst v63  }
0x1e9: {  	_ =	swait.ge [sflag:s17], $0x2000  }
0x1ea: {  	[sflag:s17] =	ssyncset.done $0x0  }
0x1eb: {  	s1 =	simm.s32 $0x1E00;
	[sflag:s17] =	ssyncadd.s32 $0xFFFFE000  }
0x1ec: {  	[spmem:s2] =	stream.indirect.scatter.add.f32 [tilespmem:s15], [sflag:$0x3], $0x20, s1, s14, $0xb8;
	[tilespmem:$0x1EF00] =	vst v63  }
0x1ed: {  	_ =	swait.ge [sflag:s18], $0x2000  }
0x1ee: {  	[sflag:s18] =	ssyncset.done $0x0  }
0x1ef: {  	[sflag:s18] =	ssyncadd.s32 $0xFFFFE000  }
0x1f0: {  	_ =	swait.ge [sflag:s19], $0x2000  }
0x1f1: {  	[sflag:s19] =	ssyncset.done $0x0  }
0x1f2: {  	s1 =	simm.s32 $0xC00;
	[sflag:s19] =	ssyncadd.s32 $0xFFFFE000  }
0x1f3: {  	[tilespmem:s15], [sflag:$0x1] =	stream.indirect.gather [hbm4b:s6+s14], $0x20, s1, s14, $0xb8;
	[tilespmem:$0x1EF00] =	vst v63  }
0x1f4: {  	s1 =	simm.s32 $0x1F00  }
0x1f5: {  	[spmem:s2] =	stream.indirect.scatter.add.f32 [tilespmem:s16], [sflag:$0x4], $0x20, s1, s14, $0xb8;
	[tilespmem:$0x1EF00] =	vst v63  }
0x1f6: {  	_ =	swait.ge [sflag:s22], $0x2000  }
0x1f7: {  	[sflag:s22] =	ssyncset.done $0x0  }
0x1f8: {  	s1 =	simm.s32 $0xD00;
	[sflag:s22] =	ssyncadd.s32 $0xFFFFE000  }
0x1f9: {  	[tilespmem:s16], [sflag:$0x2] =	stream.indirect.gather [hbm4b:s6+s14], $0x20, s1, s14, $0xb8;
	[tilespmem:$0x1EF00] =	vst v63  }
0x1fa: {  	_ =	swait.ge [sflag:s17], $0x2000  }
0x1fb: {  	[sflag:s17] =	ssyncset.done $0x0  }
0x1fc: {  	s1 =	simm.s32 $0x2000;
	[sflag:s17] =	ssyncadd.s32 $0xFFFFE000  }
0x1fd: {  	[spmem:s2] =	stream.indirect.scatter.add.f32 [tilespmem:s15], [sflag:$0x3], $0x20, s1, s14, $0xb8;
	[tilespmem:$0x1EF00] =	vst v63  }
0x1fe: {  	_ =	swait.ge [sflag:s18], $0x2000  }
0x1ff: {  	[sflag:s18] =	ssyncset.done $0x0  }
0x200: {  	[sflag:s18] =	ssyncadd.s32 $0xFFFFE000  }
0x201: {  	_ =	swait.ge [sflag:s19], $0x2000  }
0x202: {  	[sflag:s19] =	ssyncset.done $0x0  }
0x203: {  	s1 =	simm.s32 $0xE00;
	[sflag:s19] =	ssyncadd.s32 $0xFFFFE000  }
0x204: {  	[tilespmem:s15], [sflag:$0x1] =	stream.indirect.gather [hbm4b:s6+s14], $0x20, s1, s14, $0xb8;
	[tilespmem:$0x1EF00] =	vst v63  }
0x205: {  	s1 =	simm.s32 $0x2100  }
0x206: {  	[spmem:s2] =	stream.indirect.scatter.add.f32 [tilespmem:s16], [sflag:$0x4], $0x20, s1, s14, $0xb8;
	[tilespmem:$0x1EF00] =	vst v63  }
0x207: {  	_ =	swait.ge [sflag:s22], $0x2000  }
0x208: {  	[sflag:s22] =	ssyncset.done $0x0  }
0x209: {  	s1 =	simm.s32 $0xF00;
	[sflag:s22] =	ssyncadd.s32 $0xFFFFE000  }
0x20a: {  	[tilespmem:s16], [sflag:$0x2] =	stream.indirect.gather [hbm4b:s6+s14], $0x20, s1, s14, $0xb8;
	[tilespmem:$0x1EF00] =	vst v63  }
0x20b: {  	_ =	swait.ge [sflag:s17], $0x2000  }
0x20c: {  	[sflag:s17] =	ssyncset.done $0x0  }
0x20d: {  	s1 =	simm.s32 $0x2200;
	[sflag:s17] =	ssyncadd.s32 $0xFFFFE000  }
0x20e: {  	[spmem:s2] =	stream.indirect.scatter.add.f32 [tilespmem:s15], [sflag:$0x3], $0x20, s1, s14, $0xb8;
	[tilespmem:$0x1EF00] =	vst v63  }
0x20f: {  	_ =	swait.ge [sflag:s18], $0x2000  }
0x210: {  	[sflag:s18] =	ssyncset.done $0x0  }
0x211: {  	[sflag:s18] =	ssyncadd.s32 $0xFFFFE000  }
0x212: {  	_ =	swait.ge [sflag:s19], $0x2000  }
0x213: {  	[sflag:s19] =	ssyncset.done $0x0  }
0x214: {  	s1 =	simm.s32 $0x1000;
	[sflag:s19] =	ssyncadd.s32 $0xFFFFE000  }
0x215: {  	[tilespmem:s15], [sflag:$0x1] =	stream.indirect.gather [hbm4b:s6+s14], $0x20, s1, s14, $0xb8;
	[tilespmem:$0x1EF00] =	vst v63  }
0x216: {  	s1 =	simm.s32 $0x2300  }
0x217: {  	[spmem:s2] =	stream.indirect.scatter.add.f32 [tilespmem:s16], [sflag:$0x4], $0x20, s1, s14, $0xb8;
	[tilespmem:$0x1EF00] =	vst v63  }
0x218: {  	_ =	swait.ge [sflag:s22], $0x2000  }
0x219: {  	[sflag:s22] =	ssyncset.done $0x0  }
0x21a: {  	s1 =	simm.s32 $0x1100;
	[sflag:s22] =	ssyncadd.s32 $0xFFFFE000  }
0x21b: {  	[tilespmem:s16], [sflag:$0x2] =	stream.indirect.gather [hbm4b:s6+s14], $0x20, s1, s14, $0xb8;
	[tilespmem:$0x1EF00] =	vst v63  }
0x21c: {  	_ =	swait.ge [sflag:s17], $0x2000  }
0x21d: {  	[sflag:s17] =	ssyncset.done $0x0  }
0x21e: {  	s1 =	simm.s32 $0x2400;
	[sflag:s17] =	ssyncadd.s32 $0xFFFFE000  }
0x21f: {  	[spmem:s2] =	stream.indirect.scatter.add.f32 [tilespmem:s15], [sflag:$0x3], $0x20, s1, s14, $0xb8;
	[tilespmem:$0x1EF00] =	vst v63  }
0x220: {  	_ =	swait.ge [sflag:s18], $0x2000  }
0x221: {  	[sflag:s18] =	ssyncset.done $0x0  }
0x222: {  	[sflag:s18] =	ssyncadd.s32 $0xFFFFE000  }
0x223: {  	_ =	swait.ge [sflag:s19], $0x2000  }
0x224: {  	[sflag:s19] =	ssyncset.done $0x0  }
0x225: {  	s1 =	simm.s32 $0x1200;
	[sflag:s19] =	ssyncadd.s32 $0xFFFFE000  }
0x226: {  	[tilespmem:s15], [sflag:$0x1] =	stream.indirect.gather [hbm4b:s6+s14], $0x20, s1, s14, $0xb8;
	[tilespmem:$0x1EF00] =	vst v63  }
0x227: {  	s1 =	simm.s32 $0x2500  }
0x228: {  	[spmem:s2] =	stream.indirect.scatter.add.f32 [tilespmem:s16], [sflag:$0x4], $0x20, s1, s14, $0xb8;
	[tilespmem:$0x1EF00] =	vst v63  }
0x229: {  	_ =	swait.ge [sflag:s22], $0x2000  }
0x22a: {  	[sflag:s22] =	ssyncset.done $0x0  }
0x22b: {  	s1 =	simm.s32 $0x1300;
	[sflag:s22] =	ssyncadd.s32 $0xFFFFE000  }
0x22c: {  	[tilespmem:s16], [sflag:$0x2] =	stream.indirect.gather [hbm4b:s6+s14], $0x20, s1, s14, $0xb8;
	[tilespmem:$0x1EF00] =	vst v63  }
0x22d: {  	_ =	swait.ge [sflag:s17], $0x2000  }
0x22e: {  	[sflag:s17] =	ssyncset.done $0x0  }
0x22f: {  	s1 =	simm.s32 $0x2600;
	[sflag:s17] =	ssyncadd.s32 $0xFFFFE000  }
0x230: {  	[spmem:s2] =	stream.indirect.scatter.add.f32 [tilespmem:s15], [sflag:$0x3], $0x20, s1, s14, $0xb8;
	[tilespmem:$0x1EF00] =	vst v63  }
0x231: {  	_ =	swait.ge [sflag:s18], $0x2000  }
0x232: {  	[sflag:s18] =	ssyncset.done $0x0  }
0x233: {  	[sflag:s18] =	ssyncadd.s32 $0xFFFFE000  }
0x234: {  	_ =	swait.ge [sflag:s19], $0x2000  }
0x235: {  	[sflag:s19] =	ssyncset.done $0x0  }
0x236: {  	s1 =	simm.s32 $0x2700;
	[sflag:s19] =	ssyncadd.s32 $0xFFFFE000  }
0x237: {  	[spmem:s2] =	stream.indirect.scatter.add.f32 [tilespmem:s16], [sflag:$0x4], $0x20, s1, s14, $0xb8;
	[tilespmem:$0x1EF00] =	vst v63  }
0x238: {  	_ =	swait.ge [sflag:s22], $0x2000  }
0x239: {  	[sflag:s22] =	ssyncset.done $0x0  }
0x23a: {  	[sflag:s22] =	ssyncadd.s32 $0xFFFFE000  }
0x23b: {  	[bflag:$0x0] =	sbarrier.arrive $0xFFFF  }
0x23c: {  	s1 =	rddreg [dreg:$0x6]  }
0x23d: {  	s29 =	rddreg [dreg:$0x8]  }
0x23e: {  	s0 =	rddreg [dreg:$0x9]  }
0x23f: {  	[hbm:s0], [sflag:s1] =	dma.local [spmem:s29], $0x30E0  }
0x240: {  	_ =	swait.ge [sflag:s12], $0x30E0  }
0x241: {  	[sflag:s12] =	ssyncset.done $0x0  }
0x242: {  	[sflag:s12] =	ssyncadd.s32 $0xFFFFCF20  }
0x243: {  	[bflag:$0x0] =	sbarrier.arrive $0xFFFF  }
0x244: {  	s0 =	rddreg [dreg:$0x5]  }
0x245: {  	[spmem:s29], [sflag:s1] =	dma.local [hbm:s0], $0x30E0  }
0x246: {  	_ =	swait.ge [sflag:s12], $0x30E0  }
0x247: {  	[sflag:s12] =	ssyncset.done $0x0  }
0x248: {  	[sflag:s12] =	ssyncadd.s32 $0xFFFFCF20  }
0x249: {  	s1 =	sadd.s32 $0x0, s5;
	[bflag:$0x0] =	sbarrier.arrive $0xFFFF  }
0x24a: {  	[tilespmem:s3], [sflag:$0x5] =	stream.linear.gather [hbm4b:s1+s3], $0x1400, $0x38;
	[tilespmem:$0x1EF00] =	vst v63  }
0x24b: {  	_ =	swait.ge [sflag:s12], $0x1400  }
0x24c: {  	[sflag:s12] =	ssyncset.done $0x0  }
0x24d: {  	s5 =	sadd.s32 $0x0, s4;
	[sflag:s12] =	ssyncadd.s32 $0xFFFFEC00  }
0x24e: {  	[tilespmem:s8], [sflag:$0x5] =	stream.linear.gather [hbm4b:s5+s3], $0x1400, $0x38;
	[tilespmem:$0x1EF00] =	vst v63  }
0x24f: {  	_ =	swait.ge [sflag:s12], $0x1400  }
0x250: {  	[sflag:s12] =	ssyncset.done $0x0  }
0x251: {  	[sflag:s12] =	ssyncadd.s32 $0xFFFFEC00  }
0x252: {  	[tilespmem:s15], [sflag:$0x1] =	stream.indirect.gather [hbm4b:s7+s14], $0x20, s3, s14, $0xb8;
	[tilespmem:$0x1EF00] =	vst v63  }
0x253: {  	_ = 	snop  }
0x254: {  	[tilespmem:s16], [sflag:$0x2] =	stream.indirect.gather [hbm4b:s7+s14], $0x20, s14, s14, $0xb8;
	[tilespmem:$0x1EF00] =	vst v63  }
0x255: {  	_ =	swait.ge [sflag:s17], $0x2000  }
0x256: {  	[sflag:s17] =	ssyncset.done $0x0  }
0x257: {  	[sflag:s17] =	ssyncadd.s32 $0xFFFFE000  }
0x258: {  	[spmem:s2] =	stream.indirect.scatter.add.f32 [tilespmem:s15], [sflag:$0x3], $0x20, s8, s14, $0xb8;
	[tilespmem:$0x1EF00] =	vst v63  }
0x259: {  	_ =	swait.ge [sflag:s18], $0x2000  }
0x25a: {  	[sflag:s18] =	ssyncset.done $0x0  }
0x25b: {  	[sflag:s18] =	ssyncadd.s32 $0xFFFFE000  }
0x25c: {  	_ =	swait.ge [sflag:s19], $0x2000  }
0x25d: {  	[sflag:s19] =	ssyncset.done $0x0  }
0x25e: {  	[sflag:s19] =	ssyncadd.s32 $0xFFFFE000  }
0x25f: {  	[tilespmem:s15], [sflag:$0x1] =	stream.indirect.gather [hbm4b:s7+s14], $0x20, s30, s14, $0xb8;
	[tilespmem:$0x1EF00] =	vst v63  }
0x260: {  	_ = 	snop  }
0x261: {  	[spmem:s2] =	stream.indirect.scatter.add.f32 [tilespmem:s16], [sflag:$0x4], $0x20, s31, s14, $0xb8;
	[tilespmem:$0x1EF00] =	vst v63  }
0x262: {  	_ =	swait.ge [sflag:s22], $0x2000  }
0x263: {  	[sflag:s22] =	ssyncset.done $0x0  }
0x264: {  	[sflag:s22] =	ssyncadd.s32 $0xFFFFE000  }
0x265: {  	[tilespmem:s16], [sflag:$0x2] =	stream.indirect.gather [hbm4b:s7+s14], $0x20, s9, s14, $0xb8;
	[tilespmem:$0x1EF00] =	vst v63  }
0x266: {  	_ =	swait.ge [sflag:s17], $0x2000  }
0x267: {  	[sflag:s17] =	ssyncset.done $0x0  }
0x268: {  	[sflag:s17] =	ssyncadd.s32 $0xFFFFE000  }
0x269: {  	[spmem:s2] =	stream.indirect.scatter.add.f32 [tilespmem:s15], [sflag:$0x3], $0x20, s10, s14, $0xb8;
	[tilespmem:$0x1EF00] =	vst v63  }
0x26a: {  	_ =	swait.ge [sflag:s18], $0x2000  }
0x26b: {  	[sflag:s18] =	ssyncset.done $0x0  }
0x26c: {  	[sflag:s18] =	ssyncadd.s32 $0xFFFFE000  }
0x26d: {  	_ =	swait.ge [sflag:s19], $0x2000  }
0x26e: {  	[sflag:s19] =	ssyncset.done $0x0  }
0x26f: {  	[sflag:s19] =	ssyncadd.s32 $0xFFFFE000  }
0x270: {  	[tilespmem:s15], [sflag:$0x1] =	stream.indirect.gather [hbm4b:s7+s14], $0x20, s11, s14, $0xb8;
	[tilespmem:$0x1EF00] =	vst v63  }
0x271: {  	_ = 	snop  }
0x272: {  	[spmem:s2] =	stream.indirect.scatter.add.f32 [tilespmem:s16], [sflag:$0x4], $0x20, s13, s14, $0xb8;
	[tilespmem:$0x1EF00] =	vst v63  }
0x273: {  	_ =	swait.ge [sflag:s22], $0x2000  }
0x274: {  	[sflag:s22] =	ssyncset.done $0x0  }
0x275: {  	[sflag:s22] =	ssyncadd.s32 $0xFFFFE000  }
0x276: {  	[tilespmem:s16], [sflag:$0x2] =	stream.indirect.gather [hbm4b:s7+s14], $0x20, s20, s14, $0xb8;
	[tilespmem:$0x1EF00] =	vst v63  }
0x277: {  	_ =	swait.ge [sflag:s17], $0x2000  }
0x278: {  	[sflag:s17] =	ssyncset.done $0x0  }
0x279: {  	[sflag:s17] =	ssyncadd.s32 $0xFFFFE000  }
0x27a: {  	[spmem:s2] =	stream.indirect.scatter.add.f32 [tilespmem:s15], [sflag:$0x3], $0x20, s21, s14, $0xb8;
	[tilespmem:$0x1EF00] =	vst v63  }
0x27b: {  	_ =	swait.ge [sflag:s18], $0x2000  }
0x27c: {  	[sflag:s18] =	ssyncset.done $0x0  }
0x27d: {  	[sflag:s18] =	ssyncadd.s32 $0xFFFFE000  }
0x27e: {  	_ =	swait.ge [sflag:s19], $0x2000  }
0x27f: {  	[sflag:s19] =	ssyncset.done $0x0  }
0x280: {  	[sflag:s19] =	ssyncadd.s32 $0xFFFFE000  }
0x281: {  	[tilespmem:s15], [sflag:$0x1] =	stream.indirect.gather [hbm4b:s7+s14], $0x20, s23, s14, $0xb8;
	[tilespmem:$0x1EF00] =	vst v63  }
0x282: {  	_ = 	snop  }
0x283: {  	[spmem:s2] =	stream.indirect.scatter.add.f32 [tilespmem:s16], [sflag:$0x4], $0x20, s24, s14, $0xb8;
	[tilespmem:$0x1EF00] =	vst v63  }
0x284: {  	_ =	swait.ge [sflag:s22], $0x2000  }
0x285: {  	[sflag:s22] =	ssyncset.done $0x0  }
0x286: {  	[sflag:s22] =	ssyncadd.s32 $0xFFFFE000  }
0x287: {  	[tilespmem:s16], [sflag:$0x2] =	stream.indirect.gather [hbm4b:s7+s14], $0x20, s25, s14, $0xb8;
	[tilespmem:$0x1EF00] =	vst v63  }
0x288: {  	_ =	swait.ge [sflag:s17], $0x2000  }
0x289: {  	[sflag:s17] =	ssyncset.done $0x0  }
0x28a: {  	[sflag:s17] =	ssyncadd.s32 $0xFFFFE000  }
0x28b: {  	[spmem:s2] =	stream.indirect.scatter.add.f32 [tilespmem:s15], [sflag:$0x3], $0x20, s26, s14, $0xb8;
	[tilespmem:$0x1EF00] =	vst v63  }
0x28c: {  	_ =	swait.ge [sflag:s18], $0x2000  }
0x28d: {  	[sflag:s18] =	ssyncset.done $0x0  }
0x28e: {  	[sflag:s18] =	ssyncadd.s32 $0xFFFFE000  }
0x28f: {  	_ =	swait.ge [sflag:s19], $0x2000  }
0x290: {  	[sflag:s19] =	ssyncset.done $0x0  }
0x291: {  	[sflag:s19] =	ssyncadd.s32 $0xFFFFE000  }
0x292: {  	[tilespmem:s15], [sflag:$0x1] =	stream.indirect.gather [hbm4b:s7+s14], $0x20, s28, s14, $0xb8;
	[tilespmem:$0x1EF00] =	vst v63  }
0x293: {  	s26 =	simm.s32 $0x1B00  }
0x294: {  	[spmem:s2] =	stream.indirect.scatter.add.f32 [tilespmem:s16], [sflag:$0x4], $0x20, s26, s14, $0xb8;
	[tilespmem:$0x1EF00] =	vst v63  }
0x295: {  	_ =	swait.ge [sflag:s22], $0x2000  }
0x296: {  	[sflag:s22] =	ssyncset.done $0x0  }
0x297: {  	s30 =	simm.s32 $0x900;
	[sflag:s22] =	ssyncadd.s32 $0xFFFFE000  }
0x298: {  	[tilespmem:s16], [sflag:$0x2] =	stream.indirect.gather [hbm4b:s7+s14], $0x20, s30, s14, $0xb8;
	[tilespmem:$0x1EF00] =	vst v63  }
0x299: {  	_ =	swait.ge [sflag:s17], $0x2000  }
0x29a: {  	[sflag:s17] =	ssyncset.done $0x0  }
0x29b: {  	s1 =	simm.s32 $0x1C00;
	[sflag:s17] =	ssyncadd.s32 $0xFFFFE000  }
0x29c: {  	[spmem:s2] =	stream.indirect.scatter.add.f32 [tilespmem:s15], [sflag:$0x3], $0x20, s1, s14, $0xb8;
	[tilespmem:$0x1EF00] =	vst v63  }
0x29d: {  	_ =	swait.ge [sflag:s18], $0x2000  }
0x29e: {  	[sflag:s18] =	ssyncset.done $0x0  }
0x29f: {  	[sflag:s18] =	ssyncadd.s32 $0xFFFFE000  }
0x2a0: {  	_ =	swait.ge [sflag:s19], $0x2000  }
0x2a1: {  	[sflag:s19] =	ssyncset.done $0x0  }
0x2a2: {  	s4 =	simm.s32 $0xA00;
	[sflag:s19] =	ssyncadd.s32 $0xFFFFE000  }
0x2a3: {  	[tilespmem:s15], [sflag:$0x1] =	stream.indirect.gather [hbm4b:s7+s14], $0x20, s4, s14, $0xb8;
	[tilespmem:$0x1EF00] =	vst v63  }
0x2a4: {  	s5 =	simm.s32 $0x1D00  }
0x2a5: {  	[spmem:s2] =	stream.indirect.scatter.add.f32 [tilespmem:s16], [sflag:$0x4], $0x20, s5, s14, $0xb8;
	[tilespmem:$0x1EF00] =	vst v63  }
0x2a6: {  	_ =	swait.ge [sflag:s22], $0x2000  }
0x2a7: {  	[sflag:s22] =	ssyncset.done $0x0  }
0x2a8: {  	s8 =	simm.s32 $0xB00;
	[sflag:s22] =	ssyncadd.s32 $0xFFFFE000  }
0x2a9: {  	[tilespmem:s16], [sflag:$0x2] =	stream.indirect.gather [hbm4b:s7+s14], $0x20, s8, s14, $0xb8;
	[tilespmem:$0x1EF00] =	vst v63  }
0x2aa: {  	_ =	swait.ge [sflag:s17], $0x2000  }
0x2ab: {  	[sflag:s17] =	ssyncset.done $0x0  }
0x2ac: {  	s9 =	simm.s32 $0x1E00;
	[sflag:s17] =	ssyncadd.s32 $0xFFFFE000  }
0x2ad: {  	[spmem:s2] =	stream.indirect.scatter.add.f32 [tilespmem:s15], [sflag:$0x3], $0x20, s9, s14, $0xb8;
	[tilespmem:$0x1EF00] =	vst v63  }
0x2ae: {  	_ =	swait.ge [sflag:s18], $0x2000  }
0x2af: {  	[sflag:s18] =	ssyncset.done $0x0  }
0x2b0: {  	[sflag:s18] =	ssyncadd.s32 $0xFFFFE000  }
0x2b1: {  	_ =	swait.ge [sflag:s19], $0x2000  }
0x2b2: {  	[sflag:s19] =	ssyncset.done $0x0  }
0x2b3: {  	s10 =	simm.s32 $0xC00;
	[sflag:s19] =	ssyncadd.s32 $0xFFFFE000  }
0x2b4: {  	[tilespmem:s15], [sflag:$0x1] =	stream.indirect.gather [hbm4b:s7+s14], $0x20, s10, s14, $0xb8;
	[tilespmem:$0x1EF00] =	vst v63  }
0x2b5: {  	s11 =	simm.s32 $0x1F00  }
0x2b6: {  	[spmem:s2] =	stream.indirect.scatter.add.f32 [tilespmem:s16], [sflag:$0x4], $0x20, s11, s14, $0xb8;
	[tilespmem:$0x1EF00] =	vst v63  }
0x2b7: {  	_ =	swait.ge [sflag:s22], $0x2000  }
0x2b8: {  	[sflag:s22] =	ssyncset.done $0x0  }
0x2b9: {  	s13 =	simm.s32 $0xD00;
	[sflag:s22] =	ssyncadd.s32 $0xFFFFE000  }
0x2ba: {  	[tilespmem:s16], [sflag:$0x2] =	stream.indirect.gather [hbm4b:s7+s14], $0x20, s13, s14, $0xb8;
	[tilespmem:$0x1EF00] =	vst v63  }
0x2bb: {  	_ =	swait.ge [sflag:s17], $0x2000  }
0x2bc: {  	[sflag:s17] =	ssyncset.done $0x0  }
0x2bd: {  	s20 =	simm.s32 $0x2000;
	[sflag:s17] =	ssyncadd.s32 $0xFFFFE000  }
0x2be: {  	[spmem:s2] =	stream.indirect.scatter.add.f32 [tilespmem:s15], [sflag:$0x3], $0x20, s20, s14, $0xb8;
	[tilespmem:$0x1EF00] =	vst v63  }
0x2bf: {  	_ =	swait.ge [sflag:s18], $0x2000  }
0x2c0: {  	[sflag:s18] =	ssyncset.done $0x0  }
0x2c1: {  	[sflag:s18] =	ssyncadd.s32 $0xFFFFE000  }
0x2c2: {  	_ =	swait.ge [sflag:s19], $0x2000  }
0x2c3: {  	[sflag:s19] =	ssyncset.done $0x0  }
0x2c4: {  	s21 =	simm.s32 $0xE00;
	[sflag:s19] =	ssyncadd.s32 $0xFFFFE000  }
0x2c5: {  	[tilespmem:s15], [sflag:$0x1] =	stream.indirect.gather [hbm4b:s7+s14], $0x20, s21, s14, $0xb8;
	[tilespmem:$0x1EF00] =	vst v63  }
0x2c6: {  	s23 =	simm.s32 $0x2100  }
0x2c7: {  	[spmem:s2] =	stream.indirect.scatter.add.f32 [tilespmem:s16], [sflag:$0x4], $0x20, s23, s14, $0xb8;
	[tilespmem:$0x1EF00] =	vst v63  }
0x2c8: {  	_ =	swait.ge [sflag:s22], $0x2000  }
0x2c9: {  	[sflag:s22] =	ssyncset.done $0x0  }
0x2ca: {  	s24 =	simm.s32 $0xF00;
	[sflag:s22] =	ssyncadd.s32 $0xFFFFE000  }
0x2cb: {  	[tilespmem:s16], [sflag:$0x2] =	stream.indirect.gather [hbm4b:s7+s14], $0x20, s24, s14, $0xb8;
	[tilespmem:$0x1EF00] =	vst v63  }
0x2cc: {  	_ =	swait.ge [sflag:s17], $0x2000  }
0x2cd: {  	[sflag:s17] =	ssyncset.done $0x0  }
0x2ce: {  	s25 =	simm.s32 $0x2200;
	[sflag:s17] =	ssyncadd.s32 $0xFFFFE000  }
0x2cf: {  	[spmem:s2] =	stream.indirect.scatter.add.f32 [tilespmem:s15], [sflag:$0x3], $0x20, s25, s14, $0xb8;
	[tilespmem:$0x1EF00] =	vst v63  }
0x2d0: {  	_ =	swait.ge [sflag:s18], $0x2000  }
0x2d1: {  	[sflag:s18] =	ssyncset.done $0x0  }
0x2d2: {  	[sflag:s18] =	ssyncadd.s32 $0xFFFFE000  }
0x2d3: {  	_ =	swait.ge [sflag:s19], $0x2000  }
0x2d4: {  	[sflag:s19] =	ssyncset.done $0x0  }
0x2d5: {  	s30 =	simm.s32 $0x1000;
	[sflag:s19] =	ssyncadd.s32 $0xFFFFE000  }
0x2d6: {  	[tilespmem:s15], [sflag:$0x1] =	stream.indirect.gather [hbm4b:s7+s14], $0x20, s30, s14, $0xb8;
	[tilespmem:$0x1EF00] =	vst v63  }
0x2d7: {  	s1 =	simm.s32 $0x2300  }
0x2d8: {  	[spmem:s2] =	stream.indirect.scatter.add.f32 [tilespmem:s16], [sflag:$0x4], $0x20, s1, s14, $0xb8;
	[tilespmem:$0x1EF00] =	vst v63  }
0x2d9: {  	_ =	swait.ge [sflag:s22], $0x2000  }
0x2da: {  	[sflag:s22] =	ssyncset.done $0x0  }
0x2db: {  	s4 =	simm.s32 $0x1100;
	[sflag:s22] =	ssyncadd.s32 $0xFFFFE000  }
0x2dc: {  	[tilespmem:s16], [sflag:$0x2] =	stream.indirect.gather [hbm4b:s7+s14], $0x20, s4, s14, $0xb8;
	[tilespmem:$0x1EF00] =	vst v63  }
0x2dd: {  	_ =	swait.ge [sflag:s17], $0x2000  }
0x2de: {  	[sflag:s17] =	ssyncset.done $0x0  }
0x2df: {  	s5 =	simm.s32 $0x2400;
	[sflag:s17] =	ssyncadd.s32 $0xFFFFE000  }
0x2e0: {  	[spmem:s2] =	stream.indirect.scatter.add.f32 [tilespmem:s15], [sflag:$0x3], $0x20, s5, s14, $0xb8;
	[tilespmem:$0x1EF00] =	vst v63  }
0x2e1: {  	_ =	swait.ge [sflag:s18], $0x2000  }
0x2e2: {  	[sflag:s18] =	ssyncset.done $0x0  }
0x2e3: {  	[sflag:s18] =	ssyncadd.s32 $0xFFFFE000  }
0x2e4: {  	_ =	swait.ge [sflag:s19], $0x2000  }
0x2e5: {  	[sflag:s19] =	ssyncset.done $0x0  }
0x2e6: {  	s11 =	simm.s32 $0x1200;
	[sflag:s19] =	ssyncadd.s32 $0xFFFFE000  }
0x2e7: {  	[tilespmem:s15], [sflag:$0x1] =	stream.indirect.gather [hbm4b:s7+s14], $0x20, s11, s14, $0xb8;
	[tilespmem:$0x1EF00] =	vst v63  }
0x2e8: {  	s20 =	simm.s32 $0x2500  }
0x2e9: {  	[spmem:s2] =	stream.indirect.scatter.add.f32 [tilespmem:s16], [sflag:$0x4], $0x20, s20, s14, $0xb8;
	[tilespmem:$0x1EF00] =	vst v63  }
0x2ea: {  	_ =	swait.ge [sflag:s22], $0x2000  }
0x2eb: {  	[sflag:s22] =	ssyncset.done $0x0  }
0x2ec: {  	s21 =	simm.s32 $0x1300;
	[sflag:s22] =	ssyncadd.s32 $0xFFFFE000  }
0x2ed: {  	[tilespmem:s16], [sflag:$0x2] =	stream.indirect.gather [hbm4b:s7+s14], $0x20, s21, s14, $0xb8;
	[tilespmem:$0x1EF00] =	vst v63  }
0x2ee: {  	_ =	swait.ge [sflag:s17], $0x2000  }
0x2ef: {  	[sflag:s17] =	ssyncset.done $0x0  }
0x2f0: {  	s29 =	simm.s32 $0x280;
	s25 =	simm.s32 $0x2600;
	[sflag:s17] =	ssyncadd.s32 $0xFFFFE000  }
0x2f1: {  	[spmem:s2] =	stream.indirect.scatter.add.f32 [tilespmem:s15], [sflag:$0x3], $0x20, s25, s14, $0xb8;
	[tilespmem:$0x1EF00] =	vst v63  }
0x2f2: {  	s31 =	simm.s32 $0x500;
	s28 =	simm.s32 $0xE00;
	_ =	swait.ge [sflag:s18], $0x2000  }
0x2f3: {  	s26 =	simm.s32 $0x2000;
	s8 =	simm.s32 $0x1000;
	[sflag:s18] =	ssyncset.done $0x0  }
0x2f4: {  	s9 =	simm.s32 $0x2100;
	s10 =	simm.s32 $0xF00;
	[sflag:s18] =	ssyncadd.s32 $0xFFFFE000  }
0x2f5: {  	s13 =	simm.s32 $0x2200;
	s23 =	simm.s32 $0x2300;
	_ =	swait.ge [sflag:s19], $0x2000  }
0x2f6: {  	s24 =	simm.s32 $0x1100;
	s30 =	simm.s32 $0x2700;
	[sflag:s19] =	ssyncset.done $0x0  }
0x2f7: {  	s4 =	simm.s32 $0x2400;
	s5 =	simm.s32 $0x1200;
	[sflag:s19] =	ssyncadd.s32 $0xFFFFE000  }
0x2f8: {  	[spmem:s2] =	stream.indirect.scatter.add.f32 [tilespmem:s16], [sflag:$0x4], $0x20, s30, s14, $0xb8;
	[tilespmem:$0x1EF00] =	vst v63  }
0x2f9: {  	s11 =	simm.s32 $0x2500;
	s20 =	simm.s32 $0x1300;
	_ =	swait.ge [sflag:s22], $0x2000  }
0x2fa: {  	s21 =	simm.s32 $0x2600;
	s25 =	simm.s32 $0x2700;
	[sflag:s22] =	ssyncset.done $0x0  }
.LBB2_4:
0x2fb: {  	s0 =	rddreg [dreg:$0x4]  }
0x2fc: {  	[sflag:s22] =	ssyncadd.s32 $0xFFFFE000;
	s0 =	sadd.s32 s29, s0  }
0x2fd: {  	[tilespmem:s3], [sflag:$0x5] =	stream.linear.gather [hbm4b:s0+s3], $0x1400, $0x38;
	[tilespmem:$0x1EF00] =	vst v63  }
0x2fe: {  	_ =	swait.ge [sflag:s12], $0x1400  }
0x2ff: {  	[sflag:s12] =	ssyncset.done $0x0  }
0x300: {  	s1 =	smov.u32 s31;
	s0 =	rddreg [dreg:$0x3];
	[sflag:s12] =	ssyncadd.s32 $0xFFFFEC00  }
0x301: {  	s0 =	sadd.s32 s29, s0;
	s29 =	smov.u32 s1;
	s1 =	simm.s32 $0x1400  }
0x302: {  	[tilespmem:s1], [sflag:$0x5] =	stream.linear.gather [hbm4b:s0+s3], $0x1400, $0x38;
	[tilespmem:$0x1EF00] =	vst v63  }
0x303: {  	_ =	swait.ge [sflag:s12], $0x1400  }
0x304: {  	[sflag:s12] =	ssyncset.done $0x0  }
0x305: {  	[sflag:s12] =	ssyncadd.s32 $0xFFFFEC00  }
0x306: {  	[tilespmem:s15], [sflag:$0x1] =	stream.indirect.gather [hbm4b:s7+s14], $0x20, s3, s14, $0xb8;
	[tilespmem:$0x1EF00] =	vst v63  }
0x307: {  	_ = 	snop  }
0x308: {  	[tilespmem:s16], [sflag:$0x2] =	stream.indirect.gather [hbm4b:s7+s14], $0x20, s14, s14, $0xb8;
	[tilespmem:$0x1EF00] =	vst v63  }
0x309: {  	_ =	swait.ge [sflag:s17], $0x2000  }
0x30a: {  	[sflag:s17] =	ssyncset.done $0x0  }
0x30b: {  	[sflag:s17] =	ssyncadd.s32 $0xFFFFE000  }
0x30c: {  	[spmem:s2] =	stream.indirect.scatter.add.f32 [tilespmem:s15], [sflag:$0x3], $0x20, s1, s14, $0xb8;
	[tilespmem:$0x1EF00] =	vst v63  }
0x30d: {  	_ =	swait.ge [sflag:s18], $0x2000  }
0x30e: {  	[sflag:s18] =	ssyncset.done $0x0  }
0x30f: {  	[sflag:s18] =	ssyncadd.s32 $0xFFFFE000  }
0x310: {  	_ =	swait.ge [sflag:s19], $0x2000  }
0x311: {  	[sflag:s19] =	ssyncset.done $0x0  }
0x312: {  	s1 =	simm.s32 $0x200;
	[sflag:s19] =	ssyncadd.s32 $0xFFFFE000  }
0x313: {  	[tilespmem:s15], [sflag:$0x1] =	stream.indirect.gather [hbm4b:s7+s14], $0x20, s1, s14, $0xb8;
	[tilespmem:$0x1EF00] =	vst v63  }
0x314: {  	s1 =	simm.s32 $0x1500  }
0x315: {  	[spmem:s2] =	stream.indirect.scatter.add.f32 [tilespmem:s16], [sflag:$0x4], $0x20, s1, s14, $0xb8;
	[tilespmem:$0x1EF00] =	vst v63  }
0x316: {  	_ =	swait.ge [sflag:s22], $0x2000  }
0x317: {  	[sflag:s22] =	ssyncset.done $0x0  }
0x318: {  	s1 =	simm.s32 $0x300;
	[sflag:s22] =	ssyncadd.s32 $0xFFFFE000  }
0x319: {  	[tilespmem:s16], [sflag:$0x2] =	stream.indirect.gather [hbm4b:s7+s14], $0x20, s1, s14, $0xb8;
	[tilespmem:$0x1EF00] =	vst v63  }
0x31a: {  	_ =	swait.ge [sflag:s17], $0x2000  }
0x31b: {  	[sflag:s17] =	ssyncset.done $0x0  }
0x31c: {  	s1 =	simm.s32 $0x1600;
	[sflag:s17] =	ssyncadd.s32 $0xFFFFE000  }
0x31d: {  	[spmem:s2] =	stream.indirect.scatter.add.f32 [tilespmem:s15], [sflag:$0x3], $0x20, s1, s14, $0xb8;
	[tilespmem:$0x1EF00] =	vst v63  }
0x31e: {  	_ =	swait.ge [sflag:s18], $0x2000  }
0x31f: {  	[sflag:s18] =	ssyncset.done $0x0  }
0x320: {  	[sflag:s18] =	ssyncadd.s32 $0xFFFFE000  }
0x321: {  	_ =	swait.ge [sflag:s19], $0x2000  }
0x322: {  	[sflag:s19] =	ssyncset.done $0x0  }
0x323: {  	s1 =	simm.s32 $0x400;
	[sflag:s19] =	ssyncadd.s32 $0xFFFFE000  }
0x324: {  	[tilespmem:s15], [sflag:$0x1] =	stream.indirect.gather [hbm4b:s7+s14], $0x20, s1, s14, $0xb8;
	[tilespmem:$0x1EF00] =	vst v63  }
0x325: {  	s1 =	simm.s32 $0x1700  }
0x326: {  	[spmem:s2] =	stream.indirect.scatter.add.f32 [tilespmem:s16], [sflag:$0x4], $0x20, s1, s14, $0xb8;
	[tilespmem:$0x1EF00] =	vst v63  }
0x327: {  	_ =	swait.ge [sflag:s22], $0x2000  }
0x328: {  	[sflag:s22] =	ssyncset.done $0x0  }
0x329: {  	s1 =	simm.s32 $0x500;
	[sflag:s22] =	ssyncadd.s32 $0xFFFFE000  }
0x32a: {  	[tilespmem:s16], [sflag:$0x2] =	stream.indirect.gather [hbm4b:s7+s14], $0x20, s1, s14, $0xb8;
	[tilespmem:$0x1EF00] =	vst v63  }
0x32b: {  	_ =	swait.ge [sflag:s17], $0x2000  }
0x32c: {  	[sflag:s17] =	ssyncset.done $0x0  }
0x32d: {  	s1 =	simm.s32 $0x1800;
	[sflag:s17] =	ssyncadd.s32 $0xFFFFE000  }
0x32e: {  	[spmem:s2] =	stream.indirect.scatter.add.f32 [tilespmem:s15], [sflag:$0x3], $0x20, s1, s14, $0xb8;
	[tilespmem:$0x1EF00] =	vst v63  }
0x32f: {  	_ =	swait.ge [sflag:s18], $0x2000  }
0x330: {  	[sflag:s18] =	ssyncset.done $0x0  }
0x331: {  	[sflag:s18] =	ssyncadd.s32 $0xFFFFE000  }
0x332: {  	_ =	swait.ge [sflag:s19], $0x2000  }
0x333: {  	[sflag:s19] =	ssyncset.done $0x0  }
0x334: {  	s1 =	simm.s32 $0x600;
	[sflag:s19] =	ssyncadd.s32 $0xFFFFE000  }
0x335: {  	[tilespmem:s15], [sflag:$0x1] =	stream.indirect.gather [hbm4b:s7+s14], $0x20, s1, s14, $0xb8;
	[tilespmem:$0x1EF00] =	vst v63  }
0x336: {  	s1 =	simm.s32 $0x1900  }
0x337: {  	[spmem:s2] =	stream.indirect.scatter.add.f32 [tilespmem:s16], [sflag:$0x4], $0x20, s1, s14, $0xb8;
	[tilespmem:$0x1EF00] =	vst v63  }
0x338: {  	_ =	swait.ge [sflag:s22], $0x2000  }
0x339: {  	[sflag:s22] =	ssyncset.done $0x0  }
0x33a: {  	s1 =	simm.s32 $0x700;
	[sflag:s22] =	ssyncadd.s32 $0xFFFFE000  }
0x33b: {  	[tilespmem:s16], [sflag:$0x2] =	stream.indirect.gather [hbm4b:s7+s14], $0x20, s1, s14, $0xb8;
	[tilespmem:$0x1EF00] =	vst v63  }
0x33c: {  	_ =	swait.ge [sflag:s17], $0x2000  }
0x33d: {  	[sflag:s17] =	ssyncset.done $0x0  }
0x33e: {  	s1 =	simm.s32 $0x1A00;
	[sflag:s17] =	ssyncadd.s32 $0xFFFFE000  }
0x33f: {  	[spmem:s2] =	stream.indirect.scatter.add.f32 [tilespmem:s15], [sflag:$0x3], $0x20, s1, s14, $0xb8;
	[tilespmem:$0x1EF00] =	vst v63  }
0x340: {  	_ =	swait.ge [sflag:s18], $0x2000  }
0x341: {  	[sflag:s18] =	ssyncset.done $0x0  }
0x342: {  	[sflag:s18] =	ssyncadd.s32 $0xFFFFE000  }
0x343: {  	_ =	swait.ge [sflag:s19], $0x2000  }
0x344: {  	[sflag:s19] =	ssyncset.done $0x0  }
0x345: {  	s1 =	simm.s32 $0x800;
	[sflag:s19] =	ssyncadd.s32 $0xFFFFE000  }
0x346: {  	[tilespmem:s15], [sflag:$0x1] =	stream.indirect.gather [hbm4b:s7+s14], $0x20, s1, s14, $0xb8;
	[tilespmem:$0x1EF00] =	vst v63  }
0x347: {  	s1 =	simm.s32 $0x1B00  }
0x348: {  	[spmem:s2] =	stream.indirect.scatter.add.f32 [tilespmem:s16], [sflag:$0x4], $0x20, s1, s14, $0xb8;
	[tilespmem:$0x1EF00] =	vst v63  }
0x349: {  	_ =	swait.ge [sflag:s22], $0x2000  }
0x34a: {  	[sflag:s22] =	ssyncset.done $0x0  }
0x34b: {  	s1 =	simm.s32 $0x900;
	[sflag:s22] =	ssyncadd.s32 $0xFFFFE000  }
0x34c: {  	[tilespmem:s16], [sflag:$0x2] =	stream.indirect.gather [hbm4b:s7+s14], $0x20, s1, s14, $0xb8;
	[tilespmem:$0x1EF00] =	vst v63  }
0x34d: {  	_ =	swait.ge [sflag:s17], $0x2000  }
0x34e: {  	[sflag:s17] =	ssyncset.done $0x0  }
0x34f: {  	s1 =	simm.s32 $0x1C00;
	[sflag:s17] =	ssyncadd.s32 $0xFFFFE000  }
0x350: {  	[spmem:s2] =	stream.indirect.scatter.add.f32 [tilespmem:s15], [sflag:$0x3], $0x20, s1, s14, $0xb8;
	[tilespmem:$0x1EF00] =	vst v63  }
0x351: {  	_ =	swait.ge [sflag:s18], $0x2000  }
0x352: {  	[sflag:s18] =	ssyncset.done $0x0  }
0x353: {  	[sflag:s18] =	ssyncadd.s32 $0xFFFFE000  }
0x354: {  	_ =	swait.ge [sflag:s19], $0x2000  }
0x355: {  	[sflag:s19] =	ssyncset.done $0x0  }
0x356: {  	s1 =	simm.s32 $0xA00;
	[sflag:s19] =	ssyncadd.s32 $0xFFFFE000  }
0x357: {  	[tilespmem:s15], [sflag:$0x1] =	stream.indirect.gather [hbm4b:s7+s14], $0x20, s1, s14, $0xb8;
	[tilespmem:$0x1EF00] =	vst v63  }
0x358: {  	s1 =	simm.s32 $0x1D00  }
0x359: {  	[spmem:s2] =	stream.indirect.scatter.add.f32 [tilespmem:s16], [sflag:$0x4], $0x20, s1, s14, $0xb8;
	[tilespmem:$0x1EF00] =	vst v63  }
0x35a: {  	_ =	swait.ge [sflag:s22], $0x2000  }
0x35b: {  	[sflag:s22] =	ssyncset.done $0x0  }
0x35c: {  	s1 =	simm.s32 $0xB00;
	[sflag:s22] =	ssyncadd.s32 $0xFFFFE000  }
0x35d: {  	[tilespmem:s16], [sflag:$0x2] =	stream.indirect.gather [hbm4b:s7+s14], $0x20, s1, s14, $0xb8;
	[tilespmem:$0x1EF00] =	vst v63  }
0x35e: {  	_ =	swait.ge [sflag:s17], $0x2000  }
0x35f: {  	[sflag:s17] =	ssyncset.done $0x0  }
0x360: {  	s1 =	simm.s32 $0x1E00;
	[sflag:s17] =	ssyncadd.s32 $0xFFFFE000  }
0x361: {  	[spmem:s2] =	stream.indirect.scatter.add.f32 [tilespmem:s15], [sflag:$0x3], $0x20, s1, s14, $0xb8;
	[tilespmem:$0x1EF00] =	vst v63  }
0x362: {  	_ =	swait.ge [sflag:s18], $0x2000  }
0x363: {  	[sflag:s18] =	ssyncset.done $0x0  }
0x364: {  	[sflag:s18] =	ssyncadd.s32 $0xFFFFE000  }
0x365: {  	_ =	swait.ge [sflag:s19], $0x2000  }
0x366: {  	[sflag:s19] =	ssyncset.done $0x0  }
0x367: {  	s1 =	simm.s32 $0xC00;
	[sflag:s19] =	ssyncadd.s32 $0xFFFFE000  }
0x368: {  	[tilespmem:s15], [sflag:$0x1] =	stream.indirect.gather [hbm4b:s7+s14], $0x20, s1, s14, $0xb8;
	[tilespmem:$0x1EF00] =	vst v63  }
0x369: {  	s1 =	simm.s32 $0x1F00  }
0x36a: {  	[spmem:s2] =	stream.indirect.scatter.add.f32 [tilespmem:s16], [sflag:$0x4], $0x20, s1, s14, $0xb8;
	[tilespmem:$0x1EF00] =	vst v63  }
0x36b: {  	_ =	swait.ge [sflag:s22], $0x2000  }
0x36c: {  	[sflag:s22] =	ssyncset.done $0x0  }
0x36d: {  	s1 =	simm.s32 $0xD00;
	[sflag:s22] =	ssyncadd.s32 $0xFFFFE000  }
0x36e: {  	[tilespmem:s16], [sflag:$0x2] =	stream.indirect.gather [hbm4b:s7+s14], $0x20, s1, s14, $0xb8;
	[tilespmem:$0x1EF00] =	vst v63  }
0x36f: {  	_ =	swait.ge [sflag:s17], $0x2000  }
0x370: {  	[sflag:s17] =	ssyncset.done $0x0  }
0x371: {  	[sflag:s17] =	ssyncadd.s32 $0xFFFFE000  }
0x372: {  	[spmem:s2] =	stream.indirect.scatter.add.f32 [tilespmem:s15], [sflag:$0x3], $0x20, s26, s14, $0xb8;
	[tilespmem:$0x1EF00] =	vst v63  }
0x373: {  	_ =	swait.ge [sflag:s18], $0x2000  }
0x374: {  	[sflag:s18] =	ssyncset.done $0x0  }
0x375: {  	[sflag:s18] =	ssyncadd.s32 $0xFFFFE000  }
0x376: {  	_ =	swait.ge [sflag:s19], $0x2000  }
0x377: {  	[sflag:s19] =	ssyncset.done $0x0  }
0x378: {  	[sflag:s19] =	ssyncadd.s32 $0xFFFFE000  }
0x379: {  	[tilespmem:s15], [sflag:$0x1] =	stream.indirect.gather [hbm4b:s7+s14], $0x20, s28, s14, $0xb8;
	[tilespmem:$0x1EF00] =	vst v63  }
0x37a: {  	_ = 	snop  }
0x37b: {  	[spmem:s2] =	stream.indirect.scatter.add.f32 [tilespmem:s16], [sflag:$0x4], $0x20, s9, s14, $0xb8;
	[tilespmem:$0x1EF00] =	vst v63  }
0x37c: {  	_ =	swait.ge [sflag:s22], $0x2000  }
0x37d: {  	[sflag:s22] =	ssyncset.done $0x0  }
0x37e: {  	[sflag:s22] =	ssyncadd.s32 $0xFFFFE000  }
0x37f: {  	[tilespmem:s16], [sflag:$0x2] =	stream.indirect.gather [hbm4b:s7+s14], $0x20, s10, s14, $0xb8;
	[tilespmem:$0x1EF00] =	vst v63  }
0x380: {  	_ =	swait.ge [sflag:s17], $0x2000  }
0x381: {  	[sflag:s17] =	ssyncset.done $0x0  }
0x382: {  	[sflag:s17] =	ssyncadd.s32 $0xFFFFE000  }
0x383: {  	[spmem:s2] =	stream.indirect.scatter.add.f32 [tilespmem:s15], [sflag:$0x3], $0x20, s13, s14, $0xb8;
	[tilespmem:$0x1EF00] =	vst v63  }
0x384: {  	_ =	swait.ge [sflag:s18], $0x2000  }
0x385: {  	[sflag:s18] =	ssyncset.done $0x0  }
0x386: {  	[sflag:s18] =	ssyncadd.s32 $0xFFFFE000  }
0x387: {  	_ =	swait.ge [sflag:s19], $0x2000  }
0x388: {  	[sflag:s19] =	ssyncset.done $0x0  }
0x389: {  	[sflag:s19] =	ssyncadd.s32 $0xFFFFE000  }
0x38a: {  	[tilespmem:s15], [sflag:$0x1] =	stream.indirect.gather [hbm4b:s7+s14], $0x20, s8, s14, $0xb8;
	[tilespmem:$0x1EF00] =	vst v63  }
0x38b: {  	_ = 	snop  }
0x38c: {  	[spmem:s2] =	stream.indirect.scatter.add.f32 [tilespmem:s16], [sflag:$0x4], $0x20, s23, s14, $0xb8;
	[tilespmem:$0x1EF00] =	vst v63  }
0x38d: {  	_ =	swait.ge [sflag:s22], $0x2000  }
0x38e: {  	[sflag:s22] =	ssyncset.done $0x0  }
0x38f: {  	[sflag:s22] =	ssyncadd.s32 $0xFFFFE000  }
0x390: {  	[tilespmem:s16], [sflag:$0x2] =	stream.indirect.gather [hbm4b:s7+s14], $0x20, s24, s14, $0xb8;
	[tilespmem:$0x1EF00] =	vst v63  }
0x391: {  	_ =	swait.ge [sflag:s17], $0x2000  }
0x392: {  	[sflag:s17] =	ssyncset.done $0x0  }
0x393: {  	[sflag:s17] =	ssyncadd.s32 $0xFFFFE000  }
0x394: {  	[spmem:s2] =	stream.indirect.scatter.add.f32 [tilespmem:s15], [sflag:$0x3], $0x20, s4, s14, $0xb8;
	[tilespmem:$0x1EF00] =	vst v63  }
0x395: {  	_ =	swait.ge [sflag:s18], $0x2000  }
0x396: {  	[sflag:s18] =	ssyncset.done $0x0  }
0x397: {  	[sflag:s18] =	ssyncadd.s32 $0xFFFFE000  }
0x398: {  	_ =	swait.ge [sflag:s19], $0x2000  }
0x399: {  	[sflag:s19] =	ssyncset.done $0x0  }
0x39a: {  	[sflag:s19] =	ssyncadd.s32 $0xFFFFE000  }
0x39b: {  	[tilespmem:s15], [sflag:$0x1] =	stream.indirect.gather [hbm4b:s7+s14], $0x20, s5, s14, $0xb8;
	[tilespmem:$0x1EF00] =	vst v63  }
0x39c: {  	_ = 	snop  }
0x39d: {  	[spmem:s2] =	stream.indirect.scatter.add.f32 [tilespmem:s16], [sflag:$0x4], $0x20, s11, s14, $0xb8;
	[tilespmem:$0x1EF00] =	vst v63  }
0x39e: {  	_ =	swait.ge [sflag:s22], $0x2000  }
0x39f: {  	[sflag:s22] =	ssyncset.done $0x0  }
0x3a0: {  	[sflag:s22] =	ssyncadd.s32 $0xFFFFE000  }
0x3a1: {  	[tilespmem:s16], [sflag:$0x2] =	stream.indirect.gather [hbm4b:s7+s14], $0x20, s20, s14, $0xb8;
	[tilespmem:$0x1EF00] =	vst v63  }
0x3a2: {  	_ =	swait.ge [sflag:s17], $0x2000  }
0x3a3: {  	[sflag:s17] =	ssyncset.done $0x0  }
0x3a4: {  	[sflag:s17] =	ssyncadd.s32 $0xFFFFE000  }
0x3a5: {  	[spmem:s2] =	stream.indirect.scatter.add.f32 [tilespmem:s15], [sflag:$0x3], $0x20, s21, s14, $0xb8;
	[tilespmem:$0x1EF00] =	vst v63  }
0x3a6: {  	_ =	swait.ge [sflag:s18], $0x2000  }
0x3a7: {  	[sflag:s18] =	ssyncset.done $0x0  }
0x3a8: {  	[sflag:s18] =	ssyncadd.s32 $0xFFFFE000  }
0x3a9: {  	p0 =	sne.s32 s31, $0x1680;
	_ =	swait.ge [sflag:s19], $0x2000  }
.Ltmp1:
0x3aa: {  	[sflag:s19] =	ssyncset.done $0x0;
	(pc) =	sbr.rel @p0 .LBB2_4-.Ltmp1, $4  }
0x3ab: {  	[sflag:s19] =	ssyncadd.s32 $0xFFFFE000  }
0x3ac: {  	[spmem:s2] =	stream.indirect.scatter.add.f32 [tilespmem:s16], [sflag:$0x4], $0x20, s25, s14, $0xb8;
	[tilespmem:$0x1EF00] =	vst v63  }
0x3ad: {  	s30 =	sadd.s32 $0x280, s31;
	_ =	swait.ge [sflag:s22], $0x2000  }
0x3ae: {  	s31 =	smov.u32 s30;
	[sflag:s22] =	ssyncset.done $0x0  }
0x3af: {  	s0 =	rddreg [dreg:$0x4]  }
0x3b0: {  	[sflag:s22] =	ssyncadd.s32 $0xFFFFE000;
	s0 =	sadd.s32 s29, s0  }
0x3b1: {  	[tilespmem:s3], [sflag:$0x5] =	stream.linear.gather [hbm4b:s0+s3], $0x1400, $0x38;
	[tilespmem:$0x1EF00] =	vst v63  }
0x3b2: {  	_ =	swait.ge [sflag:s12], $0x1400  }
0x3b3: {  	[sflag:s12] =	ssyncset.done $0x0;
	s31 =	rddreg [dreg:$0x3]  }
0x3b4: {  	s1 =	simm.s32 $0x1400;
	[sflag:s12] =	ssyncadd.s32 $0xFFFFEC00;
	s0 =	sadd.s32 s29, s31  }
0x3b5: {  	[tilespmem:s1], [sflag:$0x5] =	stream.linear.gather [hbm4b:s0+s3], $0x1400, $0x38;
	[tilespmem:$0x1EF00] =	vst v63  }
0x3b6: {  	_ =	swait.ge [sflag:s12], $0x1400  }
0x3b7: {  	[sflag:s12] =	ssyncset.done $0x0  }
0x3b8: {  	[sflag:s12] =	ssyncadd.s32 $0xFFFFEC00  }
0x3b9: {  	[tilespmem:s15], [sflag:$0x1] =	stream.indirect.gather [hbm4b:s7+s14], $0x20, s3, s14, $0xb8;
	[tilespmem:$0x1EF00] =	vst v63  }
0x3ba: {  	_ = 	snop  }
0x3bb: {  	[tilespmem:s16], [sflag:$0x2] =	stream.indirect.gather [hbm4b:s7+s14], $0x20, s14, s14, $0xb8;
	[tilespmem:$0x1EF00] =	vst v63  }
0x3bc: {  	_ =	swait.ge [sflag:s17], $0x2000  }
0x3bd: {  	[sflag:s17] =	ssyncset.done $0x0  }
0x3be: {  	[sflag:s17] =	ssyncadd.s32 $0xFFFFE000  }
0x3bf: {  	[spmem:s2] =	stream.indirect.scatter.add.f32 [tilespmem:s15], [sflag:$0x3], $0x20, s1, s14, $0xb8;
	[tilespmem:$0x1EF00] =	vst v63  }
0x3c0: {  	_ =	swait.ge [sflag:s18], $0x2000  }
0x3c1: {  	[sflag:s18] =	ssyncset.done $0x0  }
0x3c2: {  	[sflag:s18] =	ssyncadd.s32 $0xFFFFE000  }
0x3c3: {  	_ =	swait.ge [sflag:s19], $0x2000  }
0x3c4: {  	[sflag:s19] =	ssyncset.done $0x0  }
0x3c5: {  	s1 =	simm.s32 $0x200;
	[sflag:s19] =	ssyncadd.s32 $0xFFFFE000  }
0x3c6: {  	[tilespmem:s15], [sflag:$0x1] =	stream.indirect.gather [hbm4b:s7+s14], $0x20, s1, s14, $0xb8;
	[tilespmem:$0x1EF00] =	vst v63  }
0x3c7: {  	s31 =	simm.s32 $0x1500  }
0x3c8: {  	[spmem:s2] =	stream.indirect.scatter.add.f32 [tilespmem:s16], [sflag:$0x4], $0x20, s31, s14, $0xb8;
	[tilespmem:$0x1EF00] =	vst v63  }
0x3c9: {  	_ =	swait.ge [sflag:s22], $0x2000  }
0x3ca: {  	[sflag:s22] =	ssyncset.done $0x0  }
0x3cb: {  	s1 =	simm.s32 $0x300;
	[sflag:s22] =	ssyncadd.s32 $0xFFFFE000  }
0x3cc: {  	[tilespmem:s16], [sflag:$0x2] =	stream.indirect.gather [hbm4b:s7+s14], $0x20, s1, s14, $0xb8;
	[tilespmem:$0x1EF00] =	vst v63  }
0x3cd: {  	_ =	swait.ge [sflag:s17], $0x2000  }
0x3ce: {  	[sflag:s17] =	ssyncset.done $0x0  }
0x3cf: {  	s31 =	simm.s32 $0x1600;
	[sflag:s17] =	ssyncadd.s32 $0xFFFFE000  }
0x3d0: {  	[spmem:s2] =	stream.indirect.scatter.add.f32 [tilespmem:s15], [sflag:$0x3], $0x20, s31, s14, $0xb8;
	[tilespmem:$0x1EF00] =	vst v63  }
0x3d1: {  	_ =	swait.ge [sflag:s18], $0x2000  }
0x3d2: {  	[sflag:s18] =	ssyncset.done $0x0  }
0x3d3: {  	[sflag:s18] =	ssyncadd.s32 $0xFFFFE000  }
0x3d4: {  	_ =	swait.ge [sflag:s19], $0x2000  }
0x3d5: {  	[sflag:s19] =	ssyncset.done $0x0  }
0x3d6: {  	s1 =	simm.s32 $0x400;
	[sflag:s19] =	ssyncadd.s32 $0xFFFFE000  }
0x3d7: {  	[tilespmem:s15], [sflag:$0x1] =	stream.indirect.gather [hbm4b:s7+s14], $0x20, s1, s14, $0xb8;
	[tilespmem:$0x1EF00] =	vst v63  }
0x3d8: {  	s31 =	simm.s32 $0x1700  }
0x3d9: {  	[spmem:s2] =	stream.indirect.scatter.add.f32 [tilespmem:s16], [sflag:$0x4], $0x20, s31, s14, $0xb8;
	[tilespmem:$0x1EF00] =	vst v63  }
0x3da: {  	_ =	swait.ge [sflag:s22], $0x2000  }
0x3db: {  	[sflag:s22] =	ssyncset.done $0x0  }
0x3dc: {  	s1 =	simm.s32 $0x500;
	[sflag:s22] =	ssyncadd.s32 $0xFFFFE000  }
0x3dd: {  	[tilespmem:s16], [sflag:$0x2] =	stream.indirect.gather [hbm4b:s7+s14], $0x20, s1, s14, $0xb8;
	[tilespmem:$0x1EF00] =	vst v63  }
0x3de: {  	_ =	swait.ge [sflag:s17], $0x2000  }
0x3df: {  	[sflag:s17] =	ssyncset.done $0x0  }
0x3e0: {  	s31 =	simm.s32 $0x1800;
	[sflag:s17] =	ssyncadd.s32 $0xFFFFE000  }
0x3e1: {  	[spmem:s2] =	stream.indirect.scatter.add.f32 [tilespmem:s15], [sflag:$0x3], $0x20, s31, s14, $0xb8;
	[tilespmem:$0x1EF00] =	vst v63  }
0x3e2: {  	_ =	swait.ge [sflag:s18], $0x2000  }
0x3e3: {  	[sflag:s18] =	ssyncset.done $0x0  }
0x3e4: {  	[sflag:s18] =	ssyncadd.s32 $0xFFFFE000  }
0x3e5: {  	_ =	swait.ge [sflag:s19], $0x2000  }
0x3e6: {  	[sflag:s19] =	ssyncset.done $0x0  }
0x3e7: {  	s1 =	simm.s32 $0x600;
	[sflag:s19] =	ssyncadd.s32 $0xFFFFE000  }
0x3e8: {  	[tilespmem:s15], [sflag:$0x1] =	stream.indirect.gather [hbm4b:s7+s14], $0x20, s1, s14, $0xb8;
	[tilespmem:$0x1EF00] =	vst v63  }
0x3e9: {  	s31 =	simm.s32 $0x1900  }
0x3ea: {  	[spmem:s2] =	stream.indirect.scatter.add.f32 [tilespmem:s16], [sflag:$0x4], $0x20, s31, s14, $0xb8;
	[tilespmem:$0x1EF00] =	vst v63  }
0x3eb: {  	_ =	swait.ge [sflag:s22], $0x2000  }
0x3ec: {  	[sflag:s22] =	ssyncset.done $0x0  }
0x3ed: {  	s1 =	simm.s32 $0x700;
	[sflag:s22] =	ssyncadd.s32 $0xFFFFE000  }
0x3ee: {  	[tilespmem:s16], [sflag:$0x2] =	stream.indirect.gather [hbm4b:s7+s14], $0x20, s1, s14, $0xb8;
	[tilespmem:$0x1EF00] =	vst v63  }
0x3ef: {  	_ =	swait.ge [sflag:s17], $0x2000  }
0x3f0: {  	[sflag:s17] =	ssyncset.done $0x0  }
0x3f1: {  	s31 =	simm.s32 $0x1A00;
	[sflag:s17] =	ssyncadd.s32 $0xFFFFE000  }
0x3f2: {  	[spmem:s2] =	stream.indirect.scatter.add.f32 [tilespmem:s15], [sflag:$0x3], $0x20, s31, s14, $0xb8;
	[tilespmem:$0x1EF00] =	vst v63  }
0x3f3: {  	_ =	swait.ge [sflag:s18], $0x2000  }
0x3f4: {  	[sflag:s18] =	ssyncset.done $0x0  }
0x3f5: {  	[sflag:s18] =	ssyncadd.s32 $0xFFFFE000  }
0x3f6: {  	_ =	swait.ge [sflag:s19], $0x2000  }
0x3f7: {  	[sflag:s19] =	ssyncset.done $0x0  }
0x3f8: {  	s1 =	simm.s32 $0x800;
	[sflag:s19] =	ssyncadd.s32 $0xFFFFE000  }
0x3f9: {  	[tilespmem:s15], [sflag:$0x1] =	stream.indirect.gather [hbm4b:s7+s14], $0x20, s1, s14, $0xb8;
	[tilespmem:$0x1EF00] =	vst v63  }
0x3fa: {  	s31 =	simm.s32 $0x1B00  }
0x3fb: {  	[spmem:s2] =	stream.indirect.scatter.add.f32 [tilespmem:s16], [sflag:$0x4], $0x20, s31, s14, $0xb8;
	[tilespmem:$0x1EF00] =	vst v63  }
0x3fc: {  	_ =	swait.ge [sflag:s22], $0x2000  }
0x3fd: {  	[sflag:s22] =	ssyncset.done $0x0  }
0x3fe: {  	s1 =	simm.s32 $0x900;
	[sflag:s22] =	ssyncadd.s32 $0xFFFFE000  }
0x3ff: {  	[tilespmem:s16], [sflag:$0x2] =	stream.indirect.gather [hbm4b:s7+s14], $0x20, s1, s14, $0xb8;
	[tilespmem:$0x1EF00] =	vst v63  }
0x400: {  	_ =	swait.ge [sflag:s17], $0x2000  }
0x401: {  	[sflag:s17] =	ssyncset.done $0x0  }
0x402: {  	s31 =	simm.s32 $0x1C00;
	[sflag:s17] =	ssyncadd.s32 $0xFFFFE000  }
0x403: {  	[spmem:s2] =	stream.indirect.scatter.add.f32 [tilespmem:s15], [sflag:$0x3], $0x20, s31, s14, $0xb8;
	[tilespmem:$0x1EF00] =	vst v63  }
0x404: {  	_ =	swait.ge [sflag:s18], $0x2000  }
0x405: {  	[sflag:s18] =	ssyncset.done $0x0  }
0x406: {  	[sflag:s18] =	ssyncadd.s32 $0xFFFFE000  }
0x407: {  	_ =	swait.ge [sflag:s19], $0x2000  }
0x408: {  	[sflag:s19] =	ssyncset.done $0x0  }
0x409: {  	s1 =	simm.s32 $0xA00;
	[sflag:s19] =	ssyncadd.s32 $0xFFFFE000  }
0x40a: {  	[tilespmem:s15], [sflag:$0x1] =	stream.indirect.gather [hbm4b:s7+s14], $0x20, s1, s14, $0xb8;
	[tilespmem:$0x1EF00] =	vst v63  }
0x40b: {  	s31 =	simm.s32 $0x1D00  }
0x40c: {  	[spmem:s2] =	stream.indirect.scatter.add.f32 [tilespmem:s16], [sflag:$0x4], $0x20, s31, s14, $0xb8;
	[tilespmem:$0x1EF00] =	vst v63  }
0x40d: {  	_ =	swait.ge [sflag:s22], $0x2000  }
0x40e: {  	[sflag:s22] =	ssyncset.done $0x0  }
0x40f: {  	s1 =	simm.s32 $0xB00;
	[sflag:s22] =	ssyncadd.s32 $0xFFFFE000  }
0x410: {  	[tilespmem:s16], [sflag:$0x2] =	stream.indirect.gather [hbm4b:s7+s14], $0x20, s1, s14, $0xb8;
	[tilespmem:$0x1EF00] =	vst v63  }
0x411: {  	_ =	swait.ge [sflag:s17], $0x2000  }
0x412: {  	[sflag:s17] =	ssyncset.done $0x0  }
0x413: {  	s31 =	simm.s32 $0x1E00;
	[sflag:s17] =	ssyncadd.s32 $0xFFFFE000  }
0x414: {  	[spmem:s2] =	stream.indirect.scatter.add.f32 [tilespmem:s15], [sflag:$0x3], $0x20, s31, s14, $0xb8;
	[tilespmem:$0x1EF00] =	vst v63  }
0x415: {  	_ =	swait.ge [sflag:s18], $0x2000  }
0x416: {  	[sflag:s18] =	ssyncset.done $0x0  }
0x417: {  	[sflag:s18] =	ssyncadd.s32 $0xFFFFE000  }
0x418: {  	_ =	swait.ge [sflag:s19], $0x2000  }
0x419: {  	[sflag:s19] =	ssyncset.done $0x0  }
0x41a: {  	s1 =	simm.s32 $0xC00;
	[sflag:s19] =	ssyncadd.s32 $0xFFFFE000  }
0x41b: {  	[tilespmem:s15], [sflag:$0x1] =	stream.indirect.gather [hbm4b:s7+s14], $0x20, s1, s14, $0xb8;
	[tilespmem:$0x1EF00] =	vst v63  }
0x41c: {  	s31 =	simm.s32 $0x1F00  }
0x41d: {  	[spmem:s2] =	stream.indirect.scatter.add.f32 [tilespmem:s16], [sflag:$0x4], $0x20, s31, s14, $0xb8;
	[tilespmem:$0x1EF00] =	vst v63  }
0x41e: {  	_ =	swait.ge [sflag:s22], $0x2000  }
0x41f: {  	[sflag:s22] =	ssyncset.done $0x0  }
0x420: {  	s1 =	simm.s32 $0xD00;
	[sflag:s22] =	ssyncadd.s32 $0xFFFFE000  }
0x421: {  	[tilespmem:s16], [sflag:$0x2] =	stream.indirect.gather [hbm4b:s7+s14], $0x20, s1, s14, $0xb8;
	[tilespmem:$0x1EF00] =	vst v63  }
0x422: {  	_ =	swait.ge [sflag:s17], $0x2000  }
0x423: {  	[sflag:s17] =	ssyncset.done $0x0  }
0x424: {  	[sflag:s17] =	ssyncadd.s32 $0xFFFFE000  }
0x425: {  	[spmem:s2] =	stream.indirect.scatter.add.f32 [tilespmem:s15], [sflag:$0x3], $0x20, s26, s14, $0xb8;
	[tilespmem:$0x1EF00] =	vst v63  }
0x426: {  	_ =	swait.ge [sflag:s18], $0x2000  }
0x427: {  	[sflag:s18] =	ssyncset.done $0x0  }
0x428: {  	[sflag:s18] =	ssyncadd.s32 $0xFFFFE000  }
0x429: {  	_ =	swait.ge [sflag:s19], $0x2000  }
0x42a: {  	[sflag:s19] =	ssyncset.done $0x0  }
0x42b: {  	[sflag:s19] =	ssyncadd.s32 $0xFFFFE000  }
0x42c: {  	[tilespmem:s15], [sflag:$0x1] =	stream.indirect.gather [hbm4b:s7+s14], $0x20, s28, s14, $0xb8;
	[tilespmem:$0x1EF00] =	vst v63  }
0x42d: {  	_ = 	snop  }
0x42e: {  	[spmem:s2] =	stream.indirect.scatter.add.f32 [tilespmem:s16], [sflag:$0x4], $0x20, s9, s14, $0xb8;
	[tilespmem:$0x1EF00] =	vst v63  }
0x42f: {  	_ =	swait.ge [sflag:s22], $0x2000  }
0x430: {  	[sflag:s22] =	ssyncset.done $0x0  }
0x431: {  	[sflag:s22] =	ssyncadd.s32 $0xFFFFE000  }
0x432: {  	[tilespmem:s16], [sflag:$0x2] =	stream.indirect.gather [hbm4b:s7+s14], $0x20, s10, s14, $0xb8;
	[tilespmem:$0x1EF00] =	vst v63  }
0x433: {  	_ =	swait.ge [sflag:s17], $0x2000  }
0x434: {  	[sflag:s17] =	ssyncset.done $0x0  }
0x435: {  	[sflag:s17] =	ssyncadd.s32 $0xFFFFE000  }
0x436: {  	[spmem:s2] =	stream.indirect.scatter.add.f32 [tilespmem:s15], [sflag:$0x3], $0x20, s13, s14, $0xb8;
	[tilespmem:$0x1EF00] =	vst v63  }
0x437: {  	_ =	swait.ge [sflag:s18], $0x2000  }
0x438: {  	[sflag:s18] =	ssyncset.done $0x0  }
0x439: {  	[sflag:s18] =	ssyncadd.s32 $0xFFFFE000  }
0x43a: {  	_ =	swait.ge [sflag:s19], $0x2000  }
0x43b: {  	[sflag:s19] =	ssyncset.done $0x0  }
0x43c: {  	[sflag:s19] =	ssyncadd.s32 $0xFFFFE000  }
0x43d: {  	[tilespmem:s15], [sflag:$0x1] =	stream.indirect.gather [hbm4b:s7+s14], $0x20, s8, s14, $0xb8;
	[tilespmem:$0x1EF00] =	vst v63  }
0x43e: {  	_ = 	snop  }
0x43f: {  	[spmem:s2] =	stream.indirect.scatter.add.f32 [tilespmem:s16], [sflag:$0x4], $0x20, s23, s14, $0xb8;
	[tilespmem:$0x1EF00] =	vst v63  }
0x440: {  	_ =	swait.ge [sflag:s22], $0x2000  }
0x441: {  	[sflag:s22] =	ssyncset.done $0x0  }
0x442: {  	[sflag:s22] =	ssyncadd.s32 $0xFFFFE000  }
0x443: {  	[tilespmem:s16], [sflag:$0x2] =	stream.indirect.gather [hbm4b:s7+s14], $0x20, s24, s14, $0xb8;
	[tilespmem:$0x1EF00] =	vst v63  }
0x444: {  	_ =	swait.ge [sflag:s17], $0x2000  }
0x445: {  	[sflag:s17] =	ssyncset.done $0x0  }
0x446: {  	[sflag:s17] =	ssyncadd.s32 $0xFFFFE000  }
0x447: {  	[spmem:s2] =	stream.indirect.scatter.add.f32 [tilespmem:s15], [sflag:$0x3], $0x20, s4, s14, $0xb8;
	[tilespmem:$0x1EF00] =	vst v63  }
0x448: {  	_ =	swait.ge [sflag:s18], $0x2000  }
0x449: {  	[sflag:s18] =	ssyncset.done $0x0  }
0x44a: {  	[sflag:s18] =	ssyncadd.s32 $0xFFFFE000  }
0x44b: {  	_ =	swait.ge [sflag:s19], $0x2000  }
0x44c: {  	[sflag:s19] =	ssyncset.done $0x0  }
0x44d: {  	[sflag:s19] =	ssyncadd.s32 $0xFFFFE000  }
0x44e: {  	[tilespmem:s15], [sflag:$0x1] =	stream.indirect.gather [hbm4b:s7+s14], $0x20, s5, s14, $0xb8;
	[tilespmem:$0x1EF00] =	vst v63  }
0x44f: {  	_ = 	snop  }
0x450: {  	[spmem:s2] =	stream.indirect.scatter.add.f32 [tilespmem:s16], [sflag:$0x4], $0x20, s11, s14, $0xb8;
	[tilespmem:$0x1EF00] =	vst v63  }
0x451: {  	_ =	swait.ge [sflag:s22], $0x2000  }
0x452: {  	[sflag:s22] =	ssyncset.done $0x0  }
0x453: {  	[sflag:s22] =	ssyncadd.s32 $0xFFFFE000  }
0x454: {  	[tilespmem:s16], [sflag:$0x2] =	stream.indirect.gather [hbm4b:s7+s14], $0x20, s20, s14, $0xb8;
	[tilespmem:$0x1EF00] =	vst v63  }
0x455: {  	_ =	swait.ge [sflag:s17], $0x2000  }
0x456: {  	[sflag:s17] =	ssyncset.done $0x0  }
0x457: {  	[sflag:s17] =	ssyncadd.s32 $0xFFFFE000  }
0x458: {  	[spmem:s2] =	stream.indirect.scatter.add.f32 [tilespmem:s15], [sflag:$0x3], $0x20, s21, s14, $0xb8;
	[tilespmem:$0x1EF00] =	vst v63  }
0x459: {  	_ =	swait.ge [sflag:s18], $0x2000  }
0x45a: {  	[sflag:s18] =	ssyncset.done $0x0  }
0x45b: {  	[sflag:s18] =	ssyncadd.s32 $0xFFFFE000  }
0x45c: {  	_ =	swait.ge [sflag:s19], $0x2000  }
0x45d: {  	[sflag:s19] =	ssyncset.done $0x0  }
0x45e: {  	[sflag:s19] =	ssyncadd.s32 $0xFFFFE000  }
0x45f: {  	[spmem:s2] =	stream.indirect.scatter.add.f32 [tilespmem:s16], [sflag:$0x4], $0x20, s25, s14, $0xb8;
	[tilespmem:$0x1EF00] =	vst v63  }
0x460: {  	_ =	swait.ge [sflag:s22], $0x2000  }
0x461: {  	[sflag:s22] =	ssyncset.done $0x0  }
0x462: {  	[sflag:s22] =	ssyncadd.s32 $0xFFFFE000  }
0x463: {  	[bflag:$0x0] =	sbarrier.arrive $0xFFFF  }
0x464: {  	s29 =	rddreg [dreg:$0x6]  }
0x465: {  	s1 =	rddreg [dreg:$0x8]  }
0x466: {  	s31 =	rddreg [dreg:$0xa]  }
0x467: {  	[hbm:s31], [sflag:s29] =	dma.local [spmem:s1], $0x30E0  }
0x468: {  	_ =	swait.ge [sflag:s12], $0x30E0  }
0x469: {  	s30 =	rddreg [dreg:$0xb]  }
0x46a: {  	s31 =	rddreg [dreg:$0x7];
	s30 =	sadd.s32 $0x1, s30  }
0x46b: {  	p0 =	sne.s32 s30, s31  }
.Ltmp2:
0x46c: {  	_ = 	snop;
	(pc) =	sbr.rel @p0 .LBB2_1-.Ltmp2, $3  }
0x46d: {  	[sflag:s12] =	ssyncset.done $0x0  }
0x46e: {  	[sflag:s12] =	ssyncadd.s32 $0xFFFFCF20  }
0x46f: {  	[bflag:$0x0] =	sbarrier.arrive $0xFFFF;
	_ =	sdelay $0x1  }
0x470: {  	_ =	sfence.sel $0x180000  }
0x471: {  	[bflag:$0x0] =	sbarrier.arrive $0xFFFF  }
0x472: {  	_ =	strace $0x9000004D  }
0x473: {  	s0 =	stileid.u32;
	[bflag:$0x2] =	sbarrier.arrive $0xFFFF  }
0x474: {  	p0 =	sne.s32 s0, $0x0;
	s0 =	rddreg [dreg:$0x2]  }
0x475: {  	s0 =	sadd.s32 @!p0 $0x100000, s0  }
0x476: {  	[sflag:s0] =	ssyncadd.tile.s32 @!p0 $0x1;
	_ =	shalt  }
.Lfunc_end2:
_tile_overlayer_lowered:
.L_overlay_start_2:
0x477: {  	(tag) =	ssettag $0x2  }
0x478: {  	s0 =	rddreg [dreg:$0x0];
	s2 =	stileid.u32  }
0x479: {  	s1 =	rddreg [dreg:$0x1];
	p0 =	sne.s32 s2, $0x0  }
0x47a: {  	s3 =	rddreg [dreg:$0x2];
	[bflag:$0x3] =	sbarrier.arrive $0xFFFF;
	s2 =	simm.s32 @!p0 $0x1C05  }
0x47b: {  	[timem:s3], [sflag:s2] =	dma.local @!p0 [hbm:s0], s1  }
0x47c: {  	s0 =	simm.s32 @!p0 $0x5  }
0x47d: {  	_ =	swait.ge @!p0 [sflag:s0], s1  }
0x47e: {  	s1 =	ssub.s32 @!p0 $0x0, s1;
	[sflag:s0] =	ssyncset.done @!p0 $0x0  }
0x47f: {  	[sflag:s0] =	ssyncadd.s32 @!p0 s1  }
0x480: {  	[bflag:$0x3] =	sbarrier.arrive $0xFFFF  }
0x481: {  	_ =	shalt  }

// kernel: kernel.9.cloned.1.call-start
scs
__scs_entry_jumppad:
0x0: {  	(pc) =	sbr.rel $0x88, $3  }
0x1: {  	(tag) =	ssettag $0x0;
	lr =	simm.s32 $0x1  }
0x2: {  	[smem:$0x3F76] =	sst lr;
	_ =	strace $0xD0000000  }
0x3: {  	_ = 	snop  }
0x4: {  	_ = 	snop  }
0x5: {  	_ = 	snop  }
0x6: {  	_ = 	snop  }
0x7: {  	_ = 	snop  }
__scs_overlays_trampoline_lowered:
0x8: {  	[smem:$0x3F85] =	sst s0  }
0x9: {  	[smem:$0x3F86] =	sst s1  }
0xa: {  	[smem:$0x3F87] =	sst s2  }
0xb: {  	[smem:$0x3F88] =	sst s3  }
0xc: {  	[smem:$0x3F89] =	sst s4  }
0xd: {  	[smem:$0x3F8A] =	sst s5  }
0xe: {  	[smem:$0x3F8B] =	sst s6  }
0xf: {  	[smem:$0x3F8C] =	sst s7  }
0x10: {  	[smem:$0x3F8D] =	sst s8  }
0x11: {  	[smem:$0x3F8E] =	sst s9;
	s0 =	simm.s32 @!p0 $0x0  }
0x12: {  	s1 =	sld [smem:$0x3F74];
	s0 =	simm.s32 @p0 $0x1  }
0x13: {  	[smem:$0x3F8F] =	sst s0;
	s0 =	simm.s32 @!p1 $0x0  }
0x14: {  	s2 =	sld [smem:$0x3F73];
	s0 =	simm.s32 @p1 $0x1  }
0x15: {  	[smem:$0x3F90] =	sst s0;
	s0 =	simm.s32 @!p2 $0x0  }
0x16: {  	s3 =	sld [smem:$0x3FDB];
	s0 =	simm.s32 @p2 $0x1  }
0x17: {  	s4 =	simm.s32 $0x1BF5;
	[smem:$0x3F92] =	sst s0  }
0x18: {  	s0 =	sld [smem:$0x3F75];
	_ =	swait.ge [sflag:s4], $0x0  }
0x19: {  	s7 =	sld [smem:$0x3F76]  }
0x1a: {  	s8 =	sadd.s32 $0xFFFFE003, lr  }
0x1b: {  	s9 =	sadd.s32 $0xFFFFFEF7, lr;
	s5 =	simm.s32 $0xFFFFFFFF;
	p2 =	slt.u32 s8, $0xFFFFF086  }
0x1c: {  	p1 =	slt.u32 s9, $0xF7A;
	s5 =	simm.s32 @!p2 $0x0  }
0x1d: {  	s5 =	simm.s32 @p1 $0x1;
	p0 =	seq.s32 s7, s2  }
0x1e: {  	s7 =	smul.u32 @!p0 $0xF7A, s2;
	p2 =	seq.s32 @!p0 s5, $0x0  }
0x1f: {  	s9 =	smul.u32 $0xF7A, s1;
	s8 =	simm.s32 @!p0 $0x1BF5;
	p2 =	por !p2, p0  }
0x20: {  	[sflag:s8] =	ssyncset.s32 @!p0 $0xFFFFF086;
	s6 =	sadd.s32 @!p0 s3, s7;
	s7 =	simm.s32 @!p0 $0x108  }
0x21: {  	s3 =	sadd.s32 s3, s9;
	s6 =	sadd.s32 @!p0 $0x88, s6;
	s7 =	simm.s32 @p2 $0x1082  }
0x22: {  	[simem:s7], [sflag:s8] =	dma.local @!p0 [hbm:s6], $0xF7A  }
0x23: {  	s9 =	sor.u32 $0xD0000000, s2;
	s6 =	simm.s32 $0x108;
	_ =	swait.ge @!p0 [sflag:s8], $0x0  }
0x24: {  	s3 =	sadd.s32 $0x88, s3;
	s6 =	simm.s32 @!p1 $0x1082;
	[sflag:s4] =	ssyncset.s32 $0xFFFFF086  }
0x25: {  	[simem:s6], [sflag:s4] =	dma.local [hbm:s3], $0xF7A  }
0x26: {  	[smem:$0x3F76] =	sst s1;
	(tag) =	ssettag s2;
	_ =	strace s9  }
0x27: {  	s1 =	sld [smem:$0x3F86]  }
0x28: {  	s2 =	sld [smem:$0x3F87]  }
0x29: {  	s4 =	sld [smem:$0x3F89]  }
0x2a: {  	p0 =	seq.s32 s5, $0x0;
	s5 =	sld [smem:$0x3F8A]  }
0x2b: {  	s6 =	sld [smem:$0x3F8B]  }
0x2c: {  	s7 =	sld [smem:$0x3F8C]  }
0x2d: {  	s3 =	simm.s32 $0x108;
	s8 =	sld [smem:$0x3F8D]  }
0x2e: {  	s3 =	simm.s32 @!p0 $0x1082;
	s9 =	sld [smem:$0x3F8E]  }
0x2f: {  	lr =	sadd.s32 s0, s3;
	s0 =	sld [smem:$0x3F85]  }
0x30: {  	s3 =	sld [smem:$0x3F88]  }
0x31: {  	[smem:$0x3F91] =	sst s10  }
0x32: {  	s10 =	sld [smem:$0x3F8F];
	_ =	sdelay $0x3  }
0x33: {  	p0 =	seq.s32 s10, $0x1;
	s10 =	sld [smem:$0x3F91];
	_ =	sdelay $0x3  }
0x34: {  	[smem:$0x3F91] =	sst s10  }
0x35: {  	s10 =	sld [smem:$0x3F90];
	_ =	sdelay $0x3  }
0x36: {  	p1 =	seq.s32 s10, $0x1;
	s10 =	sld [smem:$0x3F91];
	_ =	sdelay $0x3  }
0x37: {  	[smem:$0x3F91] =	sst s10  }
0x38: {  	s10 =	sld [smem:$0x3F92]  }
0x39: {  	_ = 	snop;
	(pc) =	sbr.ind lr, $3  }
0x3a: {  	_ = 	snop  }
0x3b: {  	_ = 	snop  }
0x3c: {  	p2 =	seq.s32 s10, $0x1;
	s10 =	sld [smem:$0x3F91]  }
0x3d: {  	_ =	shalt  }
0x3e: {  	_ =	shalt  }
0x3f: {  	_ =	shalt  }
0x40: {  	_ =	shalt  }
0x41: {  	_ =	shalt  }
0x42: {  	_ =	shalt  }
0x43: {  	_ =	shalt  }
0x44: {  	_ =	shalt  }
0x45: {  	_ =	shalt  }
0x46: {  	_ =	shalt  }
0x47: {  	_ =	shalt  }
0x48: {  	_ =	shalt  }
0x49: {  	_ =	shalt  }
0x4a: {  	_ =	shalt  }
0x4b: {  	_ =	shalt  }
0x4c: {  	_ =	shalt  }
0x4d: {  	_ =	shalt  }
0x4e: {  	_ =	shalt  }
0x4f: {  	_ =	shalt  }
0x50: {  	_ =	shalt  }
0x51: {  	_ =	shalt  }
0x52: {  	_ =	shalt  }
0x53: {  	_ =	shalt  }
0x54: {  	_ =	shalt  }
0x55: {  	_ =	shalt  }
0x56: {  	_ =	shalt  }
0x57: {  	_ =	shalt  }
0x58: {  	_ =	shalt  }
0x59: {  	_ =	shalt  }
0x5a: {  	_ =	shalt  }
0x5b: {  	_ =	shalt  }
0x5c: {  	_ =	shalt  }
0x5d: {  	_ =	shalt  }
0x5e: {  	_ =	shalt  }
0x5f: {  	_ =	shalt  }
0x60: {  	_ =	shalt  }
0x61: {  	_ =	shalt  }
0x62: {  	_ =	shalt  }
0x63: {  	_ =	shalt  }
0x64: {  	_ =	shalt  }
0x65: {  	_ =	shalt  }
0x66: {  	_ =	shalt  }
0x67: {  	_ =	shalt  }
0x68: {  	_ =	shalt  }
0x69: {  	_ =	shalt  }
0x6a: {  	_ =	shalt  }
0x6b: {  	_ =	shalt  }
0x6c: {  	_ =	shalt  }
0x6d: {  	_ =	shalt  }
0x6e: {  	_ =	shalt  }
0x6f: {  	_ =	shalt  }
0x70: {  	_ =	shalt  }
0x71: {  	_ =	shalt  }
0x72: {  	_ =	shalt  }
0x73: {  	_ =	shalt  }
0x74: {  	_ =	shalt  }
0x75: {  	_ =	shalt  }
0x76: {  	_ =	shalt  }
0x77: {  	_ =	shalt  }
0x78: {  	_ =	shalt  }
0x79: {  	_ =	shalt  }
0x7a: {  	_ =	shalt  }
0x7b: {  	_ =	shalt  }
0x7c: {  	_ =	shalt  }
0x7d: {  	_ =	shalt  }
0x7e: {  	_ =	shalt  }
0x7f: {  	_ =	shalt  }
0x80: {  	_ =	shalt  }
0x81: {  	_ =	shalt  }
0x82: {  	_ =	shalt  }
0x83: {  	_ =	shalt  }
0x84: {  	_ =	shalt  }
0x85: {  	_ =	shalt  }
0x86: {  	_ =	shalt  }
0x87: {  	_ =	shalt  }
.Lfunc_end0:
.L_simem_size_0:
called_computation_lowered:
.L_overlay_start_0:
0x88: {  	s2 =	sld [smem:$0x3FD9]  }
0x89: {  	s3 =	sld [smem:$0x3FFE];
	_ =	sdelay $0x1  }
0x8a: {  	s1 =	srdreg.scid  }
0x8b: {  	s0 =	sand.u32 $0x1, s1  }
0x8c: {  	s16 =	sshll.u32 s0, $0xA;
	s2 =	sadd.s32 s3, s2  }
0x8d: {  	s2 =	sadd.s32 s2, s16  }
0x8e: {  	[smem:$0x3F9D] =	sst s2  }
0x8f: {  	_ = 	snop  }
0x90: {  	(tm) =	ssettm $0x1  }
0x91: {  	s17 =	sld [smem:$0x3FFB];
	_ =	sdelay $0x3  }
0x92: {  	_ =	strace s17  }
0x93: {  	s2 =	sld [smem:$0x3FFC];
	_ =	sdelay $0x3  }
0x94: {  	_ =	strace s2  }
0x95: {  	s2 =	sld [smem:$0x3FFD];
	_ =	sdelay $0x3  }
0x96: {  	_ =	strace s2  }
0x97: {  	_ =	strace $0x8FFFFFFF  }
0x98: {  	s18 =	sld [smem:$0x3FDB];
	_ =	sdelay $0x1  }
0x99: {  	s19 =	simm.s32 $_scs_section_size  }
0x9a: {  	s4 =	simm.s32 $_size__tile_overlayer_lowered;
	s5 =	simm.s32 $_tile_overlayer_lowered  }
0x9b: {  	s22 =	simm.s32 $0x1BFF;
	s21 =	sshll.u32 s5, $0x1;
	s2 =	sadd.s32 s19, s18  }
0x9c: {  	s6 =	simm.s32 $0x0;
	s20 =	sshll.u32 s4, $0x1;
	s4 =	sadd.s32 s21, s2  }
0x9d: {  	[timem:s6], [sflag:s22] =	dma.local [hbm:s4], s20  }
0x9e: {  	_ =	swait.ge [sflag:s22], s20  }
0x9f: {  	s3 =	ssub.s32 $0x0, s20;
	[sflag:s22] =	ssyncset.done $0x0  }
0xa0: {  	[sflag:s22] =	ssyncadd.s32 s3;
	_ =	sdelay $0x1  }
0xa1: {  	s23 =	simm.s32 $0x1B8B  }
0xa2: {  	_ =	swait.ge [sflag:s23], $0x1  }
0xa3: {  	[sflag:s23] =	ssyncset.done $0x0  }
0xa4: {  	s25 =	simm.s32 $0x1B8E;
	s24 =	sld [smem:$0x3FFE];
	[sflag:s23] =	ssyncadd.s32 $0xFFFFFFFF  }
0xa5: {  	s26 =	simm.s32 $execute0_lowered;
	[smem:$0x3FD2] =	sst s25  }
0xa6: {  	s4 =	sshll.u32 s26, $0x1;
	_ =	strace $0x80000046;
	[dreg:$0x1] =	wrdreg $0xFFFFFFFF  }
0xa7: {  	s28 =	simm.s32 $_size_execute0_lowered;
	s2 =	sadd.s32 s2, s4;
	[dreg:$0x0] =	wrdreg $0x0  }
0xa8: {  	s4 =	sshll.u32 s28, $0x1;
	[dreg:$0x2] =	wrdreg s2  }
0xa9: {  	[dreg:$0x3] =	wrdreg s4  }
0xaa: {  	[dreg:$0x4] =	wrdreg $0xC0  }
0xab: {  	_ =	task [dreg:s6], $0x5FFFF  }
0xac: {  	[dreg:$0x1] =	wrdreg $0xFFFFFFFF  }
0xad: {  	[dreg:$0x0] =	wrdreg $0x60  }
0xae: {  	[dreg:$0x2] =	wrdreg s24  }
0xaf: {  	[dreg:$0x3] =	wrdreg $0xE8000  }
0xb0: {  	[dreg:$0x4] =	wrdreg $0x9  }
0xb1: {  	_ =	task.clear_ibuf [dreg:s6], $0x5FFFF;
	_ =	strace $0x90000046  }
0xb2: {  	s29 =	simm.s32 $0x9;
	_ =	strace $0x80000048  }
0xb3: {  	_ =	swait.ge [sflag:s29], $0x1  }
0xb4: {  	[sflag:s29] =	ssyncadd.s32 $0xFFFFFFFF  }
0xb5: {  	_ =	strace $0x90000048  }
0xb6: {  	_ =	sfence  }
0xb7: {  	s30 =	sld [smem:$0x0];
	_ =	sdelay $0x2  }
0xb8: {  	s31 =	sshll.u32 s1, $0xD;
	s1 =	sshrl.u32 s1, $0x2  }
0xb9: {  	s3 =	sand.u32 $0x4000, s31;
	s1 =	sadd.s32 s1, s30  }
0xba: {  	s0 =	sor.u32 s3, s0;
	s1 =	sshll.u32 s1, $0x11  }
0xbb: {  	s0 =	sor.u32 s1, s0  }
0xbc: {  	s0 =	sadd.s32 $0x8F2B, s0  }
0xbd: {  	[sflag:s0] =	ssyncadd.remote.s32 $0x1  }
0xbe: {  	_ =	sfence.sel $0xFFFF  }
0xbf: {  	[dreg:$0x0] =	wrdreg $0xFFFFFFFF;
	(pc) =	sbr.abs _section_cstart, $3  }
0xc0: {  	[dreg:$0x1] =	wrdreg $0xFFFFFFFF  }
0xc1: {  	_ =	task.clear_ibuf [dreg:s6], $0x2FFFF;
	_ =	strace $0x9FFFFFFF  }
0xc2: {  	(tm) =	ssettm $0x7FFFFFFF  }
0xc3: {  	_ =	shalt  }
tec
execute0_lowered:
.L_overlay_start_1:
0x0: {  	(tag) =	ssettag $0x1  }
0x1: {  	s5 =	rddreg [dreg:$0x0]  }
0x2: {  	s1 =	rddreg [dreg:$0x1];
	s2 =	srdreg.scid  }
0x3: {  	s0 =	rddreg [dreg:$0x2];
	s3 =	simm.s32 $0x0;
	s13 =	simm.s32 $0x100  }
0x4: {  	s14 =	simm.s32 $0xC800;
	s15 =	simm.s32 $0xD800;
	s16 =	simm.s32 $0x1  }
0x5: {  	s17 =	simm.s32 $0x2;
	s18 =	simm.s32 $0x3;
	s19 =	simm.s32 $0x200  }
0x6: {  	s20 =	simm.s32 $0x6500;
	s6 =	sand.u32 $0x1, s2;
	s2 =	stileid.u32  }
0x7: {  	s21 =	simm.s32 $0x4;
	[smem:$0x7FF] =	sst s3;
	s8 =	smul.u32 $0xC380, s2  }
0x8: {  	s4 =	sshll.u32 s6, $0x4;
	_ =	strace $0x80000047;
	s9 =	smul.u32 $0x18700, s6  }
0x9: {  	s6 =	ssub.s32 $0x2, s6;
	s31 =	sshll.u32 s2, $0x6;
	s7 =	sor.u32 s2, s4  }
0xa: {  	s4 =	sadd.s32 $0xC8600, s5;
	s11 =	sshrl.u32 s6, $0x1;
	s7 =	smul.u32 $0xC80, s7  }
0xb: {  	s22 =	sshrl.u32 s8, $0x3;
	s9 =	sadd.s32 s9, s5;
	s11 =	ssub.s32 s6, s11  }
.Ltmp0:
0xc: {  	s12 =	sadd.s32 s8, s1;
	s10 =	sadd.s32 s22, s5;
	(pc) =	sbr.rel .LBB2_1-.Ltmp0, $4  }
0xd: {  	s23 =	sadd.s32 $0x12B600, s9;
	s8 =	smax.u32 s11, $0x1;
	s9 =	simm.s32 $0x5  }
0xe: {  	s11 =	sor.u32 $0x1C05, s31;
	s12 =	sshrl.u32 s12, $0x3;
	s7 =	sadd.s32 s7, s5  }
0xf: {  	s22 =	sadd.s32 s22, s23;
	s23 =	simm.s32 $0x0;
	s5 =	sadd.s32 $0xF9E00, s7  }
0x10: {  	s6 =	sadd.s32 $0xE0E00, s7;
	s7 =	sadd.s32 $0x112E00, s10;
	s10 =	simm.s32 $0x6400  }
.LBB2_4:
0x11: {  	[spmem:s1] =	stream.indirect.scatter.add.f32 [tilespmem:s15], [sflag:$0x4], $0x10, s26, s13, $0xb8;
	[tilespmem:$0x1AB80] =	vst v63  }
0x12: {  	_ =	swait.ge [sflag:s21], $0x1000  }
0x13: {  	s23 =	sadd.s32 $0x1, s23;
	[sflag:s21] =	ssyncset.done $0x0  }
0x14: {  	p0 =	sne.s32 s23, s8;
	[sflag:s21] =	ssyncadd.s32 $0xFFFFF000  }
.Ltmp1:
0x15: {  	[bflag:$0x0] =	sbarrier.arrive $0xFFFF;
	(pc) =	sbr.rel @!p0 .LBB2_5-.Ltmp1, $4  }
0x16: {  	[hbm:s22], [sflag:s11] =	dma.local [spmem:s12], $0x1870  }
0x17: {  	_ =	swait.ge [sflag:s9], $0x1870  }
0x18: {  	[sflag:s9] =	ssyncset.done $0x0  }
0x19: {  	[sflag:s9] =	ssyncadd.s32 $0xFFFFE790  }
.LBB2_1:
0x1a: {  	[tilespmem:s3], [sflag:$0x5] =	stream.linear.gather [hbm4b:s5+s3], $0x6400, $0x38;
	[tilespmem:$0x1AB80] =	vst v63  }
0x1b: {  	_ =	swait.ge [sflag:s9], $0x6400  }
0x1c: {  	[sflag:s9] =	ssyncset.done $0x0  }
0x1d: {  	[sflag:s9] =	ssyncadd.s32 $0xFFFF9C00  }
0x1e: {  	[tilespmem:s10], [sflag:$0x5] =	stream.linear.gather [hbm4b:s6+s3], $0x6400, $0x38;
	[tilespmem:$0x1AB80] =	vst v63  }
0x1f: {  	_ =	swait.ge [sflag:s9], $0x6400  }
0x20: {  	[sflag:s9] =	ssyncset.done $0x0  }
0x21: {  	[sflag:s9] =	ssyncadd.s32 $0xFFFF9C00  }
0x22: {  	[spmem:s12], [sflag:s11] =	dma.local [hbm:s7], $0x1870  }
0x23: {  	_ =	swait.ge [sflag:s9], $0x1870  }
0x24: {  	[sflag:s9] =	ssyncset.done $0x0  }
0x25: {  	[sflag:s9] =	ssyncadd.s32 $0xFFFFE790  }
0x26: {  	[bflag:$0x0] =	sbarrier.arrive $0xFFFF  }
0x27: {  	[tilespmem:s14], [sflag:$0x1] =	stream.indirect.gather [hbm4b:s4+s13], $0x10, s3, s13, $0xb8;
	[tilespmem:$0x1AB80] =	vst v63  }
0x28: {  	_ = 	snop  }
0x29: {  	[tilespmem:s15], [sflag:$0x2] =	stream.indirect.gather [hbm4b:s4+s13], $0x10, s13, s13, $0xb8;
	[tilespmem:$0x1AB80] =	vst v63  }
0x2a: {  	_ =	swait.ge [sflag:s16], $0x1000  }
0x2b: {  	[sflag:s16] =	ssyncset.done $0x0  }
0x2c: {  	[sflag:s16] =	ssyncadd.s32 $0xFFFFF000  }
0x2d: {  	[spmem:s1] =	stream.indirect.scatter.add.f32 [tilespmem:s14], [sflag:$0x3], $0x10, s10, s13, $0xb8;
	[tilespmem:$0x1AB80] =	vst v63  }
0x2e: {  	_ =	swait.ge [sflag:s17], $0x1000  }
0x2f: {  	[sflag:s17] =	ssyncset.done $0x0  }
0x30: {  	[sflag:s17] =	ssyncadd.s32 $0xFFFFF000  }
0x31: {  	_ =	swait.ge [sflag:s18], $0x1000  }
0x32: {  	[sflag:s18] =	ssyncset.done $0x0  }
0x33: {  	[sflag:s18] =	ssyncadd.s32 $0xFFFFF000  }
0x34: {  	[tilespmem:s14], [sflag:$0x1] =	stream.indirect.gather [hbm4b:s4+s13], $0x10, s19, s13, $0xb8;
	[tilespmem:$0x1AB80] =	vst v63  }
0x35: {  	s24 =	simm.s32 $0xFFFE8000  }
0x36: {  	[spmem:s1] =	stream.indirect.scatter.add.f32 [tilespmem:s15], [sflag:$0x4], $0x10, s20, s13, $0xb8;
	[tilespmem:$0x1AB80] =	vst v63  }
.LBB2_2:
0x37: {  	_ =	swait.ge [sflag:s21], $0x1000  }
0x38: {  	s25 =	sshra.s32 s24, $0x2;
	[sflag:s21] =	ssyncset.done $0x0  }
0x39: {  	s26 =	sadd.s32 $0x6300, s25;
	[sflag:s21] =	ssyncadd.s32 $0xFFFFF000  }
0x3a: {  	[tilespmem:s15], [sflag:$0x2] =	stream.indirect.gather [hbm4b:s4+s13], $0x10, s26, s13, $0xb8;
	[tilespmem:$0x1AB80] =	vst v63  }
0x3b: {  	_ =	swait.ge [sflag:s16], $0x1000  }
0x3c: {  	[sflag:s16] =	ssyncset.done $0x0  }
0x3d: {  	s31 =	sadd.s32 $0xC600, s25;
	[sflag:s16] =	ssyncadd.s32 $0xFFFFF000  }
0x3e: {  	[spmem:s1] =	stream.indirect.scatter.add.f32 [tilespmem:s14], [sflag:$0x3], $0x10, s31, s13, $0xb8;
	[tilespmem:$0x1AB80] =	vst v63  }
0x3f: {  	p0 =	seq.s32 s24, $0x0;
	_ =	swait.ge [sflag:s17], $0x1000  }
.Ltmp2:
0x40: {  	[sflag:s17] =	ssyncset.done $0x0;
	(pc) =	sbr.rel @p0 .LBB2_4-.Ltmp2, $4  }
0x41: {  	[sflag:s17] =	ssyncadd.s32 $0xFFFFF000  }
0x42: {  	_ =	swait.ge [sflag:s18], $0x1000  }
0x43: {  	[sflag:s18] =	ssyncset.done $0x0  }
0x44: {  	s26 =	sadd.s32 $0xC700, s25;
	[sflag:s18] =	ssyncadd.s32 $0xFFFFF000  }
.Ltmp3:
0x45: {  	(pc) =	sbr.rel .LBB2_2-.Ltmp3, $4  }
0x46: {  	s25 =	sadd.s32 $0x6400, s25  }
0x47: {  	[tilespmem:s14], [sflag:$0x1] =	stream.indirect.gather [hbm4b:s4+s13], $0x10, s25, s13, $0xb8;
	[tilespmem:$0x1AB80] =	vst v63  }
0x48: {  	s24 =	sadd.s32 $0x800, s24  }
0x49: {  	[spmem:s1] =	stream.indirect.scatter.add.f32 [tilespmem:s15], [sflag:$0x4], $0x10, s26, s13, $0xb8;
	[tilespmem:$0x1AB80] =	vst v63  }
.LBB2_5:
0x4a: {  	_ =	sfence.sel $0x180000  }
0x4b: {  	[bflag:$0x0] =	sbarrier.arrive $0xFFFF  }
0x4c: {  	p0 =	sne.s32 s2, $0x0;
	_ =	strace $0x90000047  }
0x4d: {  	s0 =	sadd.s32 @!p0 $0x100000, s0;
	[bflag:$0x2] =	sbarrier.arrive $0xFFFF  }
0x4e: {  	[sflag:s0] =	ssyncadd.tile.s32 @!p0 $0x1;
	_ =	shalt  }
.Lfunc_end2:
_tile_overlayer_lowered:
.L_overlay_start_2:
0x4f: {  	(tag) =	ssettag $0x2  }
0x50: {  	s0 =	rddreg [dreg:$0x0];
	s2 =	stileid.u32  }
0x51: {  	s1 =	rddreg [dreg:$0x1];
	p0 =	sne.s32 s2, $0x0  }
0x52: {  	s3 =	rddreg [dreg:$0x2];
	[bflag:$0x3] =	sbarrier.arrive $0xFFFF;
	s2 =	simm.s32 @!p0 $0x1C05  }
0x53: {  	[timem:s3], [sflag:s2] =	dma.local @!p0 [hbm:s0], s1  }
0x54: {  	s0 =	simm.s32 @!p0 $0x5  }
0x55: {  	_ =	swait.ge @!p0 [sflag:s0], s1  }
0x56: {  	s1 =	ssub.s32 @!p0 $0x0, s1;
	[sflag:s0] =	ssyncset.done @!p0 $0x0  }
0x57: {  	[sflag:s0] =	ssyncadd.s32 @!p0 s1  }
0x58: {  	[bflag:$0x3] =	sbarrier.arrive $0xFFFF  }
0x59: {  	_ =	shalt  }

</sc_bundles>
